<compile_context>
chip_gen: v7x
topology: tpu7x:2x2x1
jax: 0.10.2.dev20260603
libtpu: 0.0.44.dev20260713+nightly
codegen_flags: <defaults>
</compile_context>

<pallas_src>
import functools

import jax
import jax.numpy as jnp
from jax import lax
from jax.experimental import pallas as pl
from jax.experimental.pallas import tpu as pltpu
from jax.experimental.pallas import tpu_sc as plsc

_K = 16
_NCLS = 10
_CHUNK = 1536
_BT = 1024


def _knn_kernel(n_chunks, chunk,
                x_ref, w1_ref, b1_ref, w2_ref, b2_ref, dbt_ref,
                outv_ref, outi_ref,
                dist_s, vals_s, idx_s):
    bt = x_ref.shape[0]
    f32 = jnp.float32
    i32 = jnp.int32

    h = jnp.dot(x_ref[...], w1_ref[...], preferred_element_type=f32) + b1_ref[...]
    h = jnp.maximum(h, 0.0)
    h = jnp.dot(h, w2_ref[...], preferred_element_type=f32) + b2_ref[...]
    q = jax.nn.sigmoid(h)
    q2 = jnp.sum(q * q, axis=1, keepdims=True)

    vals_s[...] = jnp.full((bt, _K), jnp.inf, f32)
    idx_s[...] = jnp.full((bt, _K), 2 ** 30, i32)

    slot_i = jax.lax.broadcasted_iota(i32, (bt, _K), 1)
    lane_f = jax.lax.broadcasted_iota(i32, (bt, chunk), 1).astype(f32)

    def chunk_body(c, worst):
        db_c = dbt_ref[:, pl.ds(c * chunk, chunk)]
        d2c = 0.25 * jnp.sum(db_c * db_c, axis=0, keepdims=True)
        qd = jax.lax.dot_general(q, db_c, (((1,), (0,)), ((), ())),
                                 preferred_element_type=f32)
        dist = (q2 + d2c) + qd
        dist_s[...] = dist
        m0 = jnp.min(dist, axis=1, keepdims=True)

        def cond(st):
            return st[0]

        def body(st):
            _, m, worst = st
            d = dist_s[...]
            do = m < worst
            tmp = jnp.where(d == m, lane_f, float(chunk))
            amin = jnp.min(tmp, axis=1, keepdims=True)
            amin_g = jnp.where(do, amin, -1.0)
            gidx = c * chunk + amin.astype(i32)
            d = jnp.where(tmp == amin_g, jnp.inf, d)
            dist_s[...] = d
            vals = vals_s[...]
            idxs = idx_s[...]
            c1 = vals == worst
            imax = jnp.max(jnp.where(c1, idxs, -1), axis=1, keepdims=True)
            c2 = c1 & (idxs == imax)
            smax = jnp.max(jnp.where(c2, slot_i, -1), axis=1, keepdims=True)
            pick = (slot_i == smax) & do
            vals = jnp.where(pick, m, vals)
            idxs = jnp.where(pick, gidx, idxs)
            vals_s[...] = vals
            idx_s[...] = idxs
            worst = jnp.max(vals, axis=1, keepdims=True)
            m = jnp.min(d, axis=1, keepdims=True)
            return jnp.any(m < worst), m, worst

        cont0 = jnp.any(m0 < worst)
        _, _, worst = jax.lax.while_loop(cond, body, (cont0, m0, worst))
        return worst

    worst0 = jnp.full((bt, 1), jnp.inf, f32)
    jax.lax.fori_loop(0, n_chunks, chunk_body, worst0)

    vals = vals_s[...]
    idxs = idx_s[...]
    sortedv = jnp.zeros((bt, _K), f32)
    for j in range(_K):
        mv = jnp.min(vals, axis=1, keepdims=True)
        c1 = vals == mv
        mi = jnp.min(jnp.where(c1, idxs, 2 ** 30), axis=1, keepdims=True)
        pick = c1 & (idxs == mi)
        sortedv = jnp.where(slot_i == j, -mv, sortedv)
        vals = jnp.where(pick, jnp.inf, vals)
    outv_ref[...] = sortedv
    outi_ref[...] = idxs


def _vote_kernel(b, n_db, idx3_hbm, dby_hbm, pred_hbm, dby_v, idx_v, pred_v):
    i32 = jnp.int32
    info = plsc.get_sparse_core_info()
    nc, ns = info.num_cores, info.num_subcores
    nw = nc * ns
    rows = b // nw
    wid = lax.axis_index("s") * nc + lax.axis_index("c")
    base = wid * rows
    pltpu.sync_copy(dby_hbm, dby_v)
    pltpu.sync_copy(idx3_hbm.at[wid], idx_v)
    for batch in range(rows // 16):
        cnt = [jnp.zeros((16,), i32) for _ in range(_NCLS)]
        for j in range(_K):
            ii = idx_v[j, pl.ds(batch * 16, 16)]
            labs = plsc.load_gather(dby_v, [ii])
            for cl in range(_NCLS):
                cnt[cl] = cnt[cl] + jnp.where(labs == cl, i32(1), i32(0))
        best_c = cnt[0]
        best_k = jnp.zeros((16,), i32)
        for cl in range(1, _NCLS):
            better = cnt[cl] > best_c
            best_c = jnp.where(better, cnt[cl], best_c)
            best_k = jnp.where(better, jnp.full((16,), cl, i32), best_k)
        pred_v[pl.ds(batch * 16, 16)] = best_k
    pltpu.sync_copy(pred_v, pred_hbm.at[pl.ds(base, rows)])


def kernel(x, conv_w, conv_b, lin_w, lin_b, db_x, db_y):
    b, _ = x.shape
    n_db = db_x.shape[0]
    chunk = _CHUNK
    n_chunks = -(-n_db // chunk)
    n_pad = n_chunks * chunk
    bt = min(_BT, b)

    w1 = conv_w[:, :, 3].T
    b1 = conv_b.reshape(1, -1)
    w2 = lin_w.T
    b2 = lin_b.reshape(1, -1)
    dbt = jnp.pad(-2.0 * db_x, ((0, n_pad - n_db), (0, 0)),
                  constant_values=1e18).T

    f32 = jnp.float32
    i32 = jnp.int32
    grid = (b // bt,)
    outv, outi = pl.pallas_call(
        lambda *a: _knn_kernel(n_chunks, chunk, *a),
        grid=grid,
        in_specs=[
            pl.BlockSpec((bt, x.shape[1]), lambda i: (i, 0)),
            pl.BlockSpec(w1.shape, lambda i: (0, 0)),
            pl.BlockSpec(b1.shape, lambda i: (0, 0)),
            pl.BlockSpec(w2.shape, lambda i: (0, 0)),
            pl.BlockSpec(b2.shape, lambda i: (0, 0)),
            pl.BlockSpec(dbt.shape, lambda i: (0, 0)),
        ],
        out_specs=[
            pl.BlockSpec((bt, _K), lambda i: (i, 0)),
            pl.BlockSpec((bt, _K), lambda i: (i, 0)),
        ],
        out_shape=[
            jax.ShapeDtypeStruct((b, _K), f32),
            jax.ShapeDtypeStruct((b, _K), i32),
        ],
        scratch_shapes=[
            pltpu.VMEM((bt, chunk), f32),
            pltpu.VMEM((bt, _K), f32),
            pltpu.VMEM((bt, _K), i32),
        ],
        compiler_params=pltpu.CompilerParams(
            dimension_semantics=("arbitrary",),
        ),
    )(x, w1, b1, w2, b2, dbt)

    dby = db_y.astype(i32)
    mesh = plsc.VectorSubcoreMesh(core_axis_name="c", subcore_axis_name="s")
    info = plsc.get_sparse_core_info()
    nw = info.num_cores * info.num_subcores
    rows = b // nw
    idx3 = outi.reshape(nw, rows, _K).transpose(0, 2, 1)
    vote = functools.partial(
        pl.kernel,
        mesh=mesh,
        out_type=jax.ShapeDtypeStruct((b,), i32),
        scratch_types=[
            pltpu.VMEM((n_db,), i32),
            pltpu.VMEM((_K, rows), i32),
            pltpu.VMEM((rows,), i32),
        ],
        compiler_params=pltpu.CompilerParams(needs_layout_passes=False),
    )(functools.partial(_vote_kernel, b, n_db))
    pred = vote(idx3, dby)
    return outv, pred

# --- scband reference (transcript-rebuilt; emitter-appended) ---
"""Pipeline reference for scband-model-34119220199995 (READ-ONLY COPY).

The authoritative reference and input builder live on the scoring server;
editing this copy changes nothing except your own understanding.
"""

import jax, jax.numpy as jnp
import numpy as np

B = 1024
D_IN = 25
C1 = 16
K_CONV = 8
D_EMB = 8
N_DB = 100000
N_CLASSES = 10
K_NN = 16


def setup_inputs(seed: int = 0) -> dict:
    key = jax.random.key(seed)
    ks = jax.random.split(key, 6)
    x = jax.random.normal(ks[0], (B, D_IN), dtype=jnp.float32)
    conv_w = jax.random.normal(ks[1], (C1, D_IN, K_CONV), dtype=jnp.float32) * 0.05
    conv_b = jnp.zeros((C1,), dtype=jnp.float32)
    lin_w = jax.random.normal(ks[2], (D_EMB, C1), dtype=jnp.float32) * 0.1
    lin_b = jnp.zeros((D_EMB,), dtype=jnp.float32)
    db_x = jax.random.uniform(ks[3], (N_DB, D_EMB), dtype=jnp.float32)
    db_y = jax.random.randint(ks[4], (N_DB,), 0, N_CLASSES, dtype=jnp.int64 if jax.config.jax_enable_x64 else jnp.int32)
    return {"x": x, "conv_w": conv_w, "conv_b": conv_b, "lin_w": lin_w, "lin_b": lin_b, "db_x": db_x, "db_y": db_y}


def reference(x, conv_w, conv_b, lin_w, lin_b, db_x, db_y):
    # reshape to (B, C_in, L=1)
    h = x.reshape(-1, x.shape[1], 1)
    # Conv1d(25->16, kernel=8, padding='same'): torch pads (3, 4) for even kernel
    h = jax.lax.conv_general_dilated(
        h, conv_w, window_strides=(1,), padding=[(3, 4)],
        dimension_numbers=("NCH", "OIH", "NCH"))
    h = h + conv_b[None, :, None]
    h = jax.nn.relu(h)
    # MaxPool1d(kernel_size=1, stride=1) is identity
    h = h.reshape(-1, h.shape[1] * h.shape[2])  # (B, 16)
    h = h @ lin_w.T + lin_b                     # (B, 8)
    q = jax.nn.sigmoid(h)
    # Dropout(p=0.2) in eval mode is identity (deterministic reference)
    # KNN against database: squared L2 distances
    q2 = jnp.sum(q * q, axis=1, keepdims=True)        # (B, 1)
    d2 = jnp.sum(db_x * db_x, axis=1)                 # (N,)
    dist2 = q2 + d2[None, :] - 2.0 * (q @ db_x.T)     # (B, N)
    neg_topd, idx = jax.lax.top_k(-dist2, K_NN)       # (B, K), (B, K)
    nbr_labels = jnp.take(db_y, idx, axis=0)          # (B, K)
    votes = jnp.sum(jax.nn.one_hot(nbr_labels, N_CLASSES, dtype=jnp.float32), axis=1)
    pred = jnp.argmax(votes, axis=1)                  # (B,) majority-vote label
    return neg_topd, pred

if __name__ == "__main__":
    import jax
    _d = setup_inputs()
    print(jax.jit(kernel)(*tuple(_d.values())))

</pallas_src>

<mosaic_0001>
#map = affine_map<(d0, d1) -> (0, 0, 0)>
#map1 = affine_map<(d0, d1) -> (0)>
module attributes {stable_mosaic.version = 14 : i64} {
  func.func @_vote_kernel(%arg0: i32, %arg1: i32, %arg2: memref<32x16x32xi32, #tpu.memory_space<hbm>>, %arg3: memref<100000xi32, #tpu.memory_space<hbm>>, %arg4: memref<1024xi32, #tpu.memory_space<hbm>>, %arg5: memref<100000xi32, #tpu.memory_space<vmem>>, %arg6: memref<16x32xi32, #tpu.memory_space<vmem>>, %arg7: memref<32xi32, #tpu.memory_space<vmem>>) attributes {dimension_semantics = [#tpu.dimension_semantics<core_parallel>, #tpu.dimension_semantics<subcore_parallel>], iteration_bounds = array<i64: 2, 16>, scalar_prefetch = 0 : i64, scratch_operands = 3 : i64, tpu.core_type = #tpu.core_type<sc_vector_subcore>, window_params = [{transform_indices = #map}, {transform_indices = #map1}, {transform_indices = #map1}]} {
    %mul3A = arith.constant 2 : i32
    %mul3A_0 = arith.muli %arg1, %mul3A : i32
    %add3A = arith.addi %mul3A_0, %arg0 : i32
    %mul3A_1 = arith.constant 32 : i32
    %mul3A_2 = arith.muli %add3A, %mul3A_1 : i32
    "tpu.region"() ({
      %run_scoped3A = tpu.sem_alloc : memref<!tpu.dma_semaphore, #tpu.memory_space<semaphore_mem>>
      tpu.enqueue_dma source(%arg3 : memref<100000xi32, #tpu.memory_space<hbm>>) target(%arg5 : memref<100000xi32, #tpu.memory_space<vmem>>) target_semaphore(%run_scoped3A : memref<!tpu.dma_semaphore, #tpu.memory_space<semaphore_mem>>)
      tpu.wait_dma2 semaphore(%run_scoped3A : memref<!tpu.dma_semaphore, #tpu.memory_space<semaphore_mem>>) src(%arg3 : memref<100000xi32, #tpu.memory_space<hbm>>) dst(%arg5 : memref<100000xi32, #tpu.memory_space<vmem>>)
      tpu.yield
    }) : () -> ()
    "tpu.region"() ({
      %run_scoped3A = tpu.sem_alloc : memref<!tpu.dma_semaphore, #tpu.memory_space<semaphore_mem>>
      %dma_start3A = arith.constant 0 : i32
      %dma_start3A_3173 = arith.constant 0 : i32
      %dma_start3A_3174 = tpu.memref_slice %arg2[%add3A, %dma_start3A, %dma_start3A_3173] : memref<32x16x32xi32, #tpu.memory_space<hbm>> -> memref<1x16x32xi32, #tpu.memory_space<hbm>>
      %dma_start3A_3175 = tpu.memref_squeeze %dma_start3A_3174 : memref<1x16x32xi32, #tpu.memory_space<hbm>> -> memref<16x32xi32, #tpu.memory_space<hbm>>
      %dma_start3A_3176 = arith.constant 0 : i32
      %dma_start3A_3177 = arith.constant 0 : i32
      %dma_start3A_3178 = tpu.memref_slice %arg2[%add3A, %dma_start3A_3176, %dma_start3A_3177] : memref<32x16x32xi32, #tpu.memory_space<hbm>> -> memref<1x16x32xi32, #tpu.memory_space<hbm>>
      %dma_start3A_3179 = tpu.memref_squeeze %dma_start3A_3178 : memref<1x16x32xi32, #tpu.memory_space<hbm>> -> memref<16x32xi32, #tpu.memory_space<hbm>>
      tpu.enqueue_dma source(%dma_start3A_3179 : memref<16x32xi32, #tpu.memory_space<hbm>>) target(%arg6 : memref<16x32xi32, #tpu.memory_space<vmem>>) target_semaphore(%run_scoped3A : memref<!tpu.dma_semaphore, #tpu.memory_space<semaphore_mem>>)
      %dma_wait3A = arith.constant 0 : i32
      %dma_wait3A_3180 = arith.constant 0 : i32
      %dma_wait3A_3181 = tpu.memref_slice %arg2[%add3A, %dma_wait3A, %dma_wait3A_3180] : memref<32x16x32xi32, #tpu.memory_space<hbm>> -> memref<1x16x32xi32, #tpu.memory_space<hbm>>
      %dma_wait3A_3182 = tpu.memref_squeeze %dma_wait3A_3181 : memref<1x16x32xi32, #tpu.memory_space<hbm>> -> memref<16x32xi32, #tpu.memory_space<hbm>>
      %dma_wait3A_3183 = arith.constant 0 : i32
      %dma_wait3A_3184 = arith.constant 0 : i32
      %dma_wait3A_3185 = tpu.memref_slice %arg2[%add3A, %dma_wait3A_3183, %dma_wait3A_3184] : memref<32x16x32xi32, #tpu.memory_space<hbm>> -> memref<1x16x32xi32, #tpu.memory_space<hbm>>
      %dma_wait3A_3186 = tpu.memref_squeeze %dma_wait3A_3185 : memref<1x16x32xi32, #tpu.memory_space<hbm>> -> memref<16x32xi32, #tpu.memory_space<hbm>>
      tpu.wait_dma2 semaphore(%run_scoped3A : memref<!tpu.dma_semaphore, #tpu.memory_space<semaphore_mem>>) src(%dma_wait3A_3186 : memref<16x32xi32, #tpu.memory_space<hbm>>) dst(%arg6 : memref<16x32xi32, #tpu.memory_space<vmem>>)
      tpu.yield
    }) : () -> ()
    %broadcast_in_dim3A = arith.constant 0 : i32
    %broadcast_in_dim3A_3 = vector.broadcast %broadcast_in_dim3A : i32 to vector<16xi32>
    %broadcast_in_dim3A_4 = arith.constant 0 : i32
    %broadcast_in_dim3A_5 = vector.broadcast %broadcast_in_dim3A_4 : i32 to vector<16xi32>
    %broadcast_in_dim3A_6 = arith.constant 0 : i32
    %broadcast_in_dim3A_7 = vector.broadcast %broadcast_in_dim3A_6 : i32 to vector<16xi32>
    %broadcast_in_dim3A_8 = arith.constant 0 : i32
    %broadcast_in_dim3A_9 = vector.broadcast %broadcast_in_dim3A_8 : i32 to vector<16xi32>
    %broadcast_in_dim3A_10 = arith.constant 0 : i32
    %broadcast_in_dim3A_11 = vector.broadcast %broadcast_in_dim3A_10 : i32 to vector<16xi32>
    %broadcast_in_dim3A_12 = arith.constant 0 : i32
    %broadcast_in_dim3A_13 = vector.broadcast %broadcast_in_dim3A_12 : i32 to vector<16xi32>
    %broadcast_in_dim3A_14 = arith.constant 0 : i32
    %broadcast_in_dim3A_15 = vector.broadcast %broadcast_in_dim3A_14 : i32 to vector<16xi32>
    %broadcast_in_dim3A_16 = arith.constant 0 : i32
    %broadcast_in_dim3A_17 = vector.broadcast %broadcast_in_dim3A_16 : i32 to vector<16xi32>
    %broadcast_in_dim3A_18 = arith.constant 0 : i32
    %broadcast_in_dim3A_19 = vector.broadcast %broadcast_in_dim3A_18 : i32 to vector<16xi32>
    %broadcast_in_dim3A_20 = arith.constant 0 : i32
    %broadcast_in_dim3A_21 = vector.broadcast %broadcast_in_dim3A_20 : i32 to vector<16xi32>
    %get3A = arith.constant 0 : i32
    %get3A_22 = arith.index_cast %get3A : i32 to index
    %get3A_23 = arith.constant 0 : index
    %get3A_24 = tpu.vector_load %arg6[%get3A_22, %get3A_23] {strides = array<i32>} : memref<16x32xi32, #tpu.memory_space<vmem>>, vector<16xi32>,
    %gather3A = tpu.vector_load_idx %arg5[%get3A_24] : memref<100000xi32, #tpu.memory_space<vmem>>[vector<16xi32>], vector<16xi32>,
    %eq3A = arith.constant 0 : i32
    %eq3A_25 = vector.broadcast %eq3A : i32 to vector<16xi32>
    %eq3A_26 = arith.cmpi eq, %gather3A, %eq3A_25 : vector<16xi32>
    %jit3A = arith.constant 1 : i32
    %jit3A_27 = arith.constant 0 : i32
    %broadcast_in_dim3A_28 = vector.broadcast %jit3A : i32 to vector<16xi32>
    %broadcast_in_dim3A_29 = vector.broadcast %jit3A_27 : i32 to vector<16xi32>
    %select_n3A = arith.select %eq3A_26, %broadcast_in_dim3A_28, %broadcast_in_dim3A_29 : vector<16xi1>, vector<16xi32>
    %add3A_30 = arith.addi %broadcast_in_dim3A_3, %select_n3A : vector<16xi32>
    %eq3A_31 = arith.constant 1 : i32
    %eq3A_32 = vector.broadcast %eq3A_31 : i32 to vector<16xi32>
    %eq3A_33 = arith.cmpi eq, %gather3A, %eq3A_32 : vector<16xi32>
    %jit3A_34 = arith.constant 1 : i32
    %jit3A_35 = arith.constant 0 : i32
    %broadcast_in_dim3A_36 = vector.broadcast %jit3A_34 : i32 to vector<16xi32>
    %broadcast_in_dim3A_37 = vector.broadcast %jit3A_35 : i32 to vector<16xi32>
    %select_n3A_38 = arith.select %eq3A_33, %broadcast_in_dim3A_36, %broadcast_in_dim3A_37 : vector<16xi1>, vector<16xi32>
    %add3A_39 = arith.addi %broadcast_in_dim3A_5, %select_n3A_38 : vector<16xi32>
    %eq3A_40 = arith.constant 2 : i32
    %eq3A_41 = vector.broadcast %eq3A_40 : i32 to vector<16xi32>
    %eq3A_42 = arith.cmpi eq, %gather3A, %eq3A_41 : vector<16xi32>
    %jit3A_43 = arith.constant 1 : i32
    %jit3A_44 = arith.constant 0 : i32
    %broadcast_in_dim3A_45 = vector.broadcast %jit3A_43 : i32 to vector<16xi32>
    %broadcast_in_dim3A_46 = vector.broadcast %jit3A_44 : i32 to vector<16xi32>
    %select_n3A_47 = arith.select %eq3A_42, %broadcast_in_dim3A_45, %broadcast_in_dim3A_46 : vector<16xi1>, vector<16xi32>
    %add3A_48 = arith.addi %broadcast_in_dim3A_7, %select_n3A_47 : vector<16xi32>
    %eq3A_49 = arith.constant 3 : i32
    %eq3A_50 = vector.broadcast %eq3A_49 : i32 to vector<16xi32>
    %eq3A_51 = arith.cmpi eq, %gather3A, %eq3A_50 : vector<16xi32>
    %jit3A_52 = arith.constant 1 : i32
    %jit3A_53 = arith.constant 0 : i32
    %broadcast_in_dim3A_54 = vector.broadcast %jit3A_52 : i32 to vector<16xi32>
    %broadcast_in_dim3A_55 = vector.broadcast %jit3A_53 : i32 to vector<16xi32>
    %select_n3A_56 = arith.select %eq3A_51, %broadcast_in_dim3A_54, %broadcast_in_dim3A_55 : vector<16xi1>, vector<16xi32>
    %add3A_57 = arith.addi %broadcast_in_dim3A_9, %select_n3A_56 : vector<16xi32>
    %eq3A_58 = arith.constant 4 : i32
    %eq3A_59 = vector.broadcast %eq3A_58 : i32 to vector<16xi32>
    %eq3A_60 = arith.cmpi eq, %gather3A, %eq3A_59 : vector<16xi32>
    %jit3A_61 = arith.constant 1 : i32
    %jit3A_62 = arith.constant 0 : i32
    %broadcast_in_dim3A_63 = vector.broadcast %jit3A_61 : i32 to vector<16xi32>
    %broadcast_in_dim3A_64 = vector.broadcast %jit3A_62 : i32 to vector<16xi32>
    %select_n3A_65 = arith.select %eq3A_60, %broadcast_in_dim3A_63, %broadcast_in_dim3A_64 : vector<16xi1>, vector<16xi32>
    %add3A_66 = arith.addi %broadcast_in_dim3A_11, %select_n3A_65 : vector<16xi32>
    %eq3A_67 = arith.constant 5 : i32
    %eq3A_68 = vector.broadcast %eq3A_67 : i32 to vector<16xi32>
    %eq3A_69 = arith.cmpi eq, %gather3A, %eq3A_68 : vector<16xi32>
    %jit3A_70 = arith.constant 1 : i32
    %jit3A_71 = arith.constant 0 : i32
    %broadcast_in_dim3A_72 = vector.broadcast %jit3A_70 : i32 to vector<16xi32>
    %broadcast_in_dim3A_73 = vector.broadcast %jit3A_71 : i32 to vector<16xi32>
    %select_n3A_74 = arith.select %eq3A_69, %broadcast_in_dim3A_72, %broadcast_in_dim3A_73 : vector<16xi1>, vector<16xi32>
    %add3A_75 = arith.addi %broadcast_in_dim3A_13, %select_n3A_74 : vector<16xi32>
    %eq3A_76 = arith.constant 6 : i32
    %eq3A_77 = vector.broadcast %eq3A_76 : i32 to vector<16xi32>
    %eq3A_78 = arith.cmpi eq, %gather3A, %eq3A_77 : vector<16xi32>
    %jit3A_79 = arith.constant 1 : i32
    %jit3A_80 = arith.constant 0 : i32
    %broadcast_in_dim3A_81 = vector.broadcast %jit3A_79 : i32 to vector<16xi32>
    %broadcast_in_dim3A_82 = vector.broadcast %jit3A_80 : i32 to vector<16xi32>
    %select_n3A_83 = arith.select %eq3A_78, %broadcast_in_dim3A_81, %broadcast_in_dim3A_82 : vector<16xi1>, vector<16xi32>
    %add3A_84 = arith.addi %broadcast_in_dim3A_15, %select_n3A_83 : vector<16xi32>
    %eq3A_85 = arith.constant 7 : i32
    %eq3A_86 = vector.broadcast %eq3A_85 : i32 to vector<16xi32>
    %eq3A_87 = arith.cmpi eq, %gather3A, %eq3A_86 : vector<16xi32>
    %jit3A_88 = arith.constant 1 : i32
    %jit3A_89 = arith.constant 0 : i32
    %broadcast_in_dim3A_90 = vector.broadcast %jit3A_88 : i32 to vector<16xi32>
    %broadcast_in_dim3A_91 = vector.broadcast %jit3A_89 : i32 to vector<16xi32>
    %select_n3A_92 = arith.select %eq3A_87, %broadcast_in_dim3A_90, %broadcast_in_dim3A_91 : vector<16xi1>, vector<16xi32>
    %add3A_93 = arith.addi %broadcast_in_dim3A_17, %select_n3A_92 : vector<16xi32>
    %eq3A_94 = arith.constant 8 : i32
    %eq3A_95 = vector.broadcast %eq3A_94 : i32 to vector<16xi32>
    %eq3A_96 = arith.cmpi eq, %gather3A, %eq3A_95 : vector<16xi32>
    %jit3A_97 = arith.constant 1 : i32
    %jit3A_98 = arith.constant 0 : i32
    %broadcast_in_dim3A_99 = vector.broadcast %jit3A_97 : i32 to vector<16xi32>
    %broadcast_in_dim3A_100 = vector.broadcast %jit3A_98 : i32 to vector<16xi32>
    %select_n3A_101 = arith.select %eq3A_96, %broadcast_in_dim3A_99, %broadcast_in_dim3A_100 : vector<16xi1>, vector<16xi32>
    %add3A_102 = arith.addi %broadcast_in_dim3A_19, %select_n3A_101 : vector<16xi32>
    %eq3A_103 = arith.constant 9 : i32
    %eq3A_104 = vector.broadcast %eq3A_103 : i32 to vector<16xi32>
    %eq3A_105 = arith.cmpi eq, %gather3A, %eq3A_104 : vector<16xi32>
    %jit3A_106 = arith.constant 1 : i32
    %jit3A_107 = arith.constant 0 : i32
    %broadcast_in_dim3A_108 = vector.broadcast %jit3A_106 : i32 to vector<16xi32>
    %broadcast_in_dim3A_109 = vector.broadcast %jit3A_107 : i32 to vector<16xi32>
    %select_n3A_110 = arith.select %eq3A_105, %broadcast_in_dim3A_108, %broadcast_in_dim3A_109 : vector<16xi1>, vector<16xi32>
    %add3A_111 = arith.addi %broadcast_in_dim3A_21, %select_n3A_110 : vector<16xi32>
    %get3A_112 = arith.constant 1 : i32
    %get3A_113 = arith.index_cast %get3A_112 : i32 to index
    %get3A_114 = arith.constant 0 : index
    %get3A_115 = tpu.vector_load %arg6[%get3A_113, %get3A_114] {strides = array<i32>} : memref<16x32xi32, #tpu.memory_space<vmem>>, vector<16xi32>,
    %gather3A_116 = tpu.vector_load_idx %arg5[%get3A_115] : memref<100000xi32, #tpu.memory_space<vmem>>[vector<16xi32>], vector<16xi32>,
    %eq3A_117 = arith.constant 0 : i32
    %eq3A_118 = vector.broadcast %eq3A_117 : i32 to vector<16xi32>
    %eq3A_119 = arith.cmpi eq, %gather3A_116, %eq3A_118 : vector<16xi32>
    %jit3A_120 = arith.constant 1 : i32
    %jit3A_121 = arith.constant 0 : i32
    %broadcast_in_dim3A_122 = vector.broadcast %jit3A_120 : i32 to vector<16xi32>
    %broadcast_in_dim3A_123 = vector.broadcast %jit3A_121 : i32 to vector<16xi32>
    %select_n3A_124 = arith.select %eq3A_119, %broadcast_in_dim3A_122, %broadcast_in_dim3A_123 : vector<16xi1>, vector<16xi32>
    %add3A_125 = arith.addi %add3A_30, %select_n3A_124 : vector<16xi32>
    %eq3A_126 = arith.constant 1 : i32
    %eq3A_127 = vector.broadcast %eq3A_126 : i32 to vector<16xi32>
    %eq3A_128 = arith.cmpi eq, %gather3A_116, %eq3A_127 : vector<16xi32>
    %jit3A_129 = arith.constant 1 : i32
    %jit3A_130 = arith.constant 0 : i32
    %broadcast_in_dim3A_131 = vector.broadcast %jit3A_129 : i32 to vector<16xi32>
    %broadcast_in_dim3A_132 = vector.broadcast %jit3A_130 : i32 to vector<16xi32>
    %select_n3A_133 = arith.select %eq3A_128, %broadcast_in_dim3A_131, %broadcast_in_dim3A_132 : vector<16xi1>, vector<16xi32>
    %add3A_134 = arith.addi %add3A_39, %select_n3A_133 : vector<16xi32>
    %eq3A_135 = arith.constant 2 : i32
    %eq3A_136 = vector.broadcast %eq3A_135 : i32 to vector<16xi32>
    %eq3A_137 = arith.cmpi eq, %gather3A_116, %eq3A_136 : vector<16xi32>
    %jit3A_138 = arith.constant 1 : i32
    %jit3A_139 = arith.constant 0 : i32
    %broadcast_in_dim3A_140 = vector.broadcast %jit3A_138 : i32 to vector<16xi32>
    %broadcast_in_dim3A_141 = vector.broadcast %jit3A_139 : i32 to vector<16xi32>
    %select_n3A_142 = arith.select %eq3A_137, %broadcast_in_dim3A_140, %broadcast_in_dim3A_141 : vector<16xi1>, vector<16xi32>
    %add3A_143 = arith.addi %add3A_48, %select_n3A_142 : vector<16xi32>
    %eq3A_144 = arith.constant 3 : i32
    %eq3A_145 = vector.broadcast %eq3A_144 : i32 to vector<16xi32>
    %eq3A_146 = arith.cmpi eq, %gather3A_116, %eq3A_145 : vector<16xi32>
    %jit3A_147 = arith.constant 1 : i32
    %jit3A_148 = arith.constant 0 : i32
    %broadcast_in_dim3A_149 = vector.broadcast %jit3A_147 : i32 to vector<16xi32>
    %broadcast_in_dim3A_150 = vector.broadcast %jit3A_148 : i32 to vector<16xi32>
    %select_n3A_151 = arith.select %eq3A_146, %broadcast_in_dim3A_149, %broadcast_in_dim3A_150 : vector<16xi1>, vector<16xi32>
    %add3A_152 = arith.addi %add3A_57, %select_n3A_151 : vector<16xi32>
    %eq3A_153 = arith.constant 4 : i32
    %eq3A_154 = vector.broadcast %eq3A_153 : i32 to vector<16xi32>
    %eq3A_155 = arith.cmpi eq, %gather3A_116, %eq3A_154 : vector<16xi32>
    %jit3A_156 = arith.constant 1 : i32
    %jit3A_157 = arith.constant 0 : i32
    %broadcast_in_dim3A_158 = vector.broadcast %jit3A_156 : i32 to vector<16xi32>
    %broadcast_in_dim3A_159 = vector.broadcast %jit3A_157 : i32 to vector<16xi32>
    %select_n3A_160 = arith.select %eq3A_155, %broadcast_in_dim3A_158, %broadcast_in_dim3A_159 : vector<16xi1>, vector<16xi32>
    %add3A_161 = arith.addi %add3A_66, %select_n3A_160 : vector<16xi32>
    %eq3A_162 = arith.constant 5 : i32
    %eq3A_163 = vector.broadcast %eq3A_162 : i32 to vector<16xi32>
    %eq3A_164 = arith.cmpi eq, %gather3A_116, %eq3A_163 : vector<16xi32>
    %jit3A_165 = arith.constant 1 : i32
    %jit3A_166 = arith.constant 0 : i32
    %broadcast_in_dim3A_167 = vector.broadcast %jit3A_165 : i32 to vector<16xi32>
    %broadcast_in_dim3A_168 = vector.broadcast %jit3A_166 : i32 to vector<16xi32>
    %select_n3A_169 = arith.select %eq3A_164, %broadcast_in_dim3A_167, %broadcast_in_dim3A_168 : vector<16xi1>, vector<16xi32>
    %add3A_170 = arith.addi %add3A_75, %select_n3A_169 : vector<16xi32>
    %eq3A_171 = arith.constant 6 : i32
    %eq3A_172 = vector.broadcast %eq3A_171 : i32 to vector<16xi32>
    %eq3A_173 = arith.cmpi eq, %gather3A_116, %eq3A_172 : vector<16xi32>
    %jit3A_174 = arith.constant 1 : i32
    %jit3A_175 = arith.constant 0 : i32
    %broadcast_in_dim3A_176 = vector.broadcast %jit3A_174 : i32 to vector<16xi32>
    %broadcast_in_dim3A_177 = vector.broadcast %jit3A_175 : i32 to vector<16xi32>
    %select_n3A_178 = arith.select %eq3A_173, %broadcast_in_dim3A_176, %broadcast_in_dim3A_177 : vector<16xi1>, vector<16xi32>
    %add3A_179 = arith.addi %add3A_84, %select_n3A_178 : vector<16xi32>
    %eq3A_180 = arith.constant 7 : i32
    %eq3A_181 = vector.broadcast %eq3A_180 : i32 to vector<16xi32>
    %eq3A_182 = arith.cmpi eq, %gather3A_116, %eq3A_181 : vector<16xi32>
    %jit3A_183 = arith.constant 1 : i32
    %jit3A_184 = arith.constant 0 : i32
    %broadcast_in_dim3A_185 = vector.broadcast %jit3A_183 : i32 to vector<16xi32>
    %broadcast_in_dim3A_186 = vector.broadcast %jit3A_184 : i32 to vector<16xi32>
    %select_n3A_187 = arith.select %eq3A_182, %broadcast_in_dim3A_185, %broadcast_in_dim3A_186 : vector<16xi1>, vector<16xi32>
    %add3A_188 = arith.addi %add3A_93, %select_n3A_187 : vector<16xi32>
    %eq3A_189 = arith.constant 8 : i32
    %eq3A_190 = vector.broadcast %eq3A_189 : i32 to vector<16xi32>
    %eq3A_191 = arith.cmpi eq, %gather3A_116, %eq3A_190 : vector<16xi32>
    %jit3A_192 = arith.constant 1 : i32
    %jit3A_193 = arith.constant 0 : i32
    %broadcast_in_dim3A_194 = vector.broadcast %jit3A_192 : i32 to vector<16xi32>
    %broadcast_in_dim3A_195 = vector.broadcast %jit3A_193 : i32 to vector<16xi32>
    %select_n3A_196 = arith.select %eq3A_191, %broadcast_in_dim3A_194, %broadcast_in_dim3A_195 : vector<16xi1>, vector<16xi32>
    %add3A_197 = arith.addi %add3A_102, %select_n3A_196 : vector<16xi32>
    %eq3A_198 = arith.constant 9 : i32
    %eq3A_199 = vector.broadcast %eq3A_198 : i32 to vector<16xi32>
    %eq3A_200 = arith.cmpi eq, %gather3A_116, %eq3A_199 : vector<16xi32>
    %jit3A_201 = arith.constant 1 : i32
    %jit3A_202 = arith.constant 0 : i32
    %broadcast_in_dim3A_203 = vector.broadcast %jit3A_201 : i32 to vector<16xi32>
    %broadcast_in_dim3A_204 = vector.broadcast %jit3A_202 : i32 to vector<16xi32>
    %select_n3A_205 = arith.select %eq3A_200, %broadcast_in_dim3A_203, %broadcast_in_dim3A_204 : vector<16xi1>, vector<16xi32>
    %add3A_206 = arith.addi %add3A_111, %select_n3A_205 : vector<16xi32>
    %get3A_207 = arith.constant 2 : i32
    %get3A_208 = arith.index_cast %get3A_207 : i32 to index
    %get3A_209 = arith.constant 0 : index
    %get3A_210 = tpu.vector_load %arg6[%get3A_208, %get3A_209] {strides = array<i32>} : memref<16x32xi32, #tpu.memory_space<vmem>>, vector<16xi32>,
    %gather3A_211 = tpu.vector_load_idx %arg5[%get3A_210] : memref<100000xi32, #tpu.memory_space<vmem>>[vector<16xi32>], vector<16xi32>,
    %eq3A_212 = arith.constant 0 : i32
    %eq3A_213 = vector.broadcast %eq3A_212 : i32 to vector<16xi32>
    %eq3A_214 = arith.cmpi eq, %gather3A_211, %eq3A_213 : vector<16xi32>
    %jit3A_215 = arith.constant 1 : i32
    %jit3A_216 = arith.constant 0 : i32
    %broadcast_in_dim3A_217 = vector.broadcast %jit3A_215 : i32 to vector<16xi32>
    %broadcast_in_dim3A_218 = vector.broadcast %jit3A_216 : i32 to vector<16xi32>
    %select_n3A_219 = arith.select %eq3A_214, %broadcast_in_dim3A_217, %broadcast_in_dim3A_218 : vector<16xi1>, vector<16xi32>
    %add3A_220 = arith.addi %add3A_125, %select_n3A_219 : vector<16xi32>
    %eq3A_221 = arith.constant 1 : i32
    %eq3A_222 = vector.broadcast %eq3A_221 : i32 to vector<16xi32>
    %eq3A_223 = arith.cmpi eq, %gather3A_211, %eq3A_222 : vector<16xi32>
    %jit3A_224 = arith.constant 1 : i32
    %jit3A_225 = arith.constant 0 : i32
    %broadcast_in_dim3A_226 = vector.broadcast %jit3A_224 : i32 to vector<16xi32>
    %broadcast_in_dim3A_227 = vector.broadcast %jit3A_225 : i32 to vector<16xi32>
    %select_n3A_228 = arith.select %eq3A_223, %broadcast_in_dim3A_226, %broadcast_in_dim3A_227 : vector<16xi1>, vector<16xi32>
    %add3A_229 = arith.addi %add3A_134, %select_n3A_228 : vector<16xi32>
    %eq3A_230 = arith.constant 2 : i32
    %eq3A_231 = vector.broadcast %eq3A_230 : i32 to vector<16xi32>
    %eq3A_232 = arith.cmpi eq, %gather3A_211, %eq3A_231 : vector<16xi32>
    %jit3A_233 = arith.constant 1 : i32
    %jit3A_234 = arith.constant 0 : i32
    %broadcast_in_dim3A_235 = vector.broadcast %jit3A_233 : i32 to vector<16xi32>
    %broadcast_in_dim3A_236 = vector.broadcast %jit3A_234 : i32 to vector<16xi32>
    %select_n3A_237 = arith.select %eq3A_232, %broadcast_in_dim3A_235, %broadcast_in_dim3A_236 : vector<16xi1>, vector<16xi32>
    %add3A_238 = arith.addi %add3A_143, %select_n3A_237 : vector<16xi32>
    %eq3A_239 = arith.constant 3 : i32
    %eq3A_240 = vector.broadcast %eq3A_239 : i32 to vector<16xi32>
    %eq3A_241 = arith.cmpi eq, %gather3A_211, %eq3A_240 : vector<16xi32>
    %jit3A_242 = arith.constant 1 : i32
    %jit3A_243 = arith.constant 0 : i32
    %broadcast_in_dim3A_244 = vector.broadcast %jit3A_242 : i32 to vector<16xi32>
    %broadcast_in_dim3A_245 = vector.broadcast %jit3A_243 : i32 to vector<16xi32>
    %select_n3A_246 = arith.select %eq3A_241, %broadcast_in_dim3A_244, %broadcast_in_dim3A_245 : vector<16xi1>, vector<16xi32>
    %add3A_247 = arith.addi %add3A_152, %select_n3A_246 : vector<16xi32>
    %eq3A_248 = arith.constant 4 : i32
    %eq3A_249 = vector.broadcast %eq3A_248 : i32 to vector<16xi32>
    %eq3A_250 = arith.cmpi eq, %gather3A_211, %eq3A_249 : vector<16xi32>
    %jit3A_251 = arith.constant 1 : i32
    %jit3A_252 = arith.constant 0 : i32
    %broadcast_in_dim3A_253 = vector.broadcast %jit3A_251 : i32 to vector<16xi32>
    %broadcast_in_dim3A_254 = vector.broadcast %jit3A_252 : i32 to vector<16xi32>
    %select_n3A_255 = arith.select %eq3A_250, %broadcast_in_dim3A_253, %broadcast_in_dim3A_254 : vector<16xi1>, vector<16xi32>
    %add3A_256 = arith.addi %add3A_161, %select_n3A_255 : vector<16xi32>
    %eq3A_257 = arith.constant 5 : i32
    %eq3A_258 = vector.broadcast %eq3A_257 : i32 to vector<16xi32>
    %eq3A_259 = arith.cmpi eq, %gather3A_211, %eq3A_258 : vector<16xi32>
    %jit3A_260 = arith.constant 1 : i32
    %jit3A_261 = arith.constant 0 : i32
    %broadcast_in_dim3A_262 = vector.broadcast %jit3A_260 : i32 to vector<16xi32>
    %broadcast_in_dim3A_263 = vector.broadcast %jit3A_261 : i32 to vector<16xi32>
    %select_n3A_264 = arith.select %eq3A_259, %broadcast_in_dim3A_262, %broadcast_in_dim3A_263 : vector<16xi1>, vector<16xi32>
    %add3A_265 = arith.addi %add3A_170, %select_n3A_264 : vector<16xi32>
    %eq3A_266 = arith.constant 6 : i32
    %eq3A_267 = vector.broadcast %eq3A_266 : i32 to vector<16xi32>
    %eq3A_268 = arith.cmpi eq, %gather3A_211, %eq3A_267 : vector<16xi32>
    %jit3A_269 = arith.constant 1 : i32
    %jit3A_270 = arith.constant 0 : i32
    %broadcast_in_dim3A_271 = vector.broadcast %jit3A_269 : i32 to vector<16xi32>
    %broadcast_in_dim3A_272 = vector.broadcast %jit3A_270 : i32 to vector<16xi32>
    %select_n3A_273 = arith.select %eq3A_268, %broadcast_in_dim3A_271, %broadcast_in_dim3A_272 : vector<16xi1>, vector<16xi32>
    %add3A_274 = arith.addi %add3A_179, %select_n3A_273 : vector<16xi32>
    %eq3A_275 = arith.constant 7 : i32
    %eq3A_276 = vector.broadcast %eq3A_275 : i32 to vector<16xi32>
    %eq3A_277 = arith.cmpi eq, %gather3A_211, %eq3A_276 : vector<16xi32>
    %jit3A_278 = arith.constant 1 : i32
    %jit3A_279 = arith.constant 0 : i32
    %broadcast_in_dim3A_280 = vector.broadcast %jit3A_278 : i32 to vector<16xi32>
    %broadcast_in_dim3A_281 = vector.broadcast %jit3A_279 : i32 to vector<16xi32>
    %select_n3A_282 = arith.select %eq3A_277, %broadcast_in_dim3A_280, %broadcast_in_dim3A_281 : vector<16xi1>, vector<16xi32>
    %add3A_283 = arith.addi %add3A_188, %select_n3A_282 : vector<16xi32>
    %eq3A_284 = arith.constant 8 : i32
    %eq3A_285 = vector.broadcast %eq3A_284 : i32 to vector<16xi32>
    %eq3A_286 = arith.cmpi eq, %gather3A_211, %eq3A_285 : vector<16xi32>
    %jit3A_287 = arith.constant 1 : i32
    %jit3A_288 = arith.constant 0 : i32
    %broadcast_in_dim3A_289 = vector.broadcast %jit3A_287 : i32 to vector<16xi32>
    %broadcast_in_dim3A_290 = vector.broadcast %jit3A_288 : i32 to vector<16xi32>
    %select_n3A_291 = arith.select %eq3A_286, %broadcast_in_dim3A_289, %broadcast_in_dim3A_290 : vector<16xi1>, vector<16xi32>
    %add3A_292 = arith.addi %add3A_197, %select_n3A_291 : vector<16xi32>
    %eq3A_293 = arith.constant 9 : i32
    %eq3A_294 = vector.broadcast %eq3A_293 : i32 to vector<16xi32>
    %eq3A_295 = arith.cmpi eq, %gather3A_211, %eq3A_294 : vector<16xi32>
    %jit3A_296 = arith.constant 1 : i32
    %jit3A_297 = arith.constant 0 : i32
    %broadcast_in_dim3A_298 = vector.broadcast %jit3A_296 : i32 to vector<16xi32>
    %broadcast_in_dim3A_299 = vector.broadcast %jit3A_297 : i32 to vector<16xi32>
    %select_n3A_300 = arith.select %eq3A_295, %broadcast_in_dim3A_298, %broadcast_in_dim3A_299 : vector<16xi1>, vector<16xi32>
    %add3A_301 = arith.addi %add3A_206, %select_n3A_300 : vector<16xi32>
    %get3A_302 = arith.constant 3 : i32
    %get3A_303 = arith.index_cast %get3A_302 : i32 to index
    %get3A_304 = arith.constant 0 : index
    %get3A_305 = tpu.vector_load %arg6[%get3A_303, %get3A_304] {strides = array<i32>} : memref<16x32xi32, #tpu.memory_space<vmem>>, vector<16xi32>,
    %gather3A_306 = tpu.vector_load_idx %arg5[%get3A_305] : memref<100000xi32, #tpu.memory_space<vmem>>[vector<16xi32>], vector<16xi32>,
    %eq3A_307 = arith.constant 0 : i32
    %eq3A_308 = vector.broadcast %eq3A_307 : i32 to vector<16xi32>
    %eq3A_309 = arith.cmpi eq, %gather3A_306, %eq3A_308 : vector<16xi32>
    %jit3A_310 = arith.constant 1 : i32
    %jit3A_311 = arith.constant 0 : i32
    %broadcast_in_dim3A_312 = vector.broadcast %jit3A_310 : i32 to vector<16xi32>
    %broadcast_in_dim3A_313 = vector.broadcast %jit3A_311 : i32 to vector<16xi32>
    %select_n3A_314 = arith.select %eq3A_309, %broadcast_in_dim3A_312, %broadcast_in_dim3A_313 : vector<16xi1>, vector<16xi32>
    %add3A_315 = arith.addi %add3A_220, %select_n3A_314 : vector<16xi32>
    %eq3A_316 = arith.constant 1 : i32
    %eq3A_317 = vector.broadcast %eq3A_316 : i32 to vector<16xi32>
    %eq3A_318 = arith.cmpi eq, %gather3A_306, %eq3A_317 : vector<16xi32>
    %jit3A_319 = arith.constant 1 : i32
    %jit3A_320 = arith.constant 0 : i32
    %broadcast_in_dim3A_321 = vector.broadcast %jit3A_319 : i32 to vector<16xi32>
    %broadcast_in_dim3A_322 = vector.broadcast %jit3A_320 : i32 to vector<16xi32>
    %select_n3A_323 = arith.select %eq3A_318, %broadcast_in_dim3A_321, %broadcast_in_dim3A_322 : vector<16xi1>, vector<16xi32>
    %add3A_324 = arith.addi %add3A_229, %select_n3A_323 : vector<16xi32>
    %eq3A_325 = arith.constant 2 : i32
    %eq3A_326 = vector.broadcast %eq3A_325 : i32 to vector<16xi32>
    %eq3A_327 = arith.cmpi eq, %gather3A_306, %eq3A_326 : vector<16xi32>
    %jit3A_328 = arith.constant 1 : i32
    %jit3A_329 = arith.constant 0 : i32
    %broadcast_in_dim3A_330 = vector.broadcast %jit3A_328 : i32 to vector<16xi32>
    %broadcast_in_dim3A_331 = vector.broadcast %jit3A_329 : i32 to vector<16xi32>
    %select_n3A_332 = arith.select %eq3A_327, %broadcast_in_dim3A_330, %broadcast_in_dim3A_331 : vector<16xi1>, vector<16xi32>
    %add3A_333 = arith.addi %add3A_238, %select_n3A_332 : vector<16xi32>
    %eq3A_334 = arith.constant 3 : i32
    %eq3A_335 = vector.broadcast %eq3A_334 : i32 to vector<16xi32>
    %eq3A_336 = arith.cmpi eq, %gather3A_306, %eq3A_335 : vector<16xi32>
    %jit3A_337 = arith.constant 1 : i32
    %jit3A_338 = arith.constant 0 : i32
    %broadcast_in_dim3A_339 = vector.broadcast %jit3A_337 : i32 to vector<16xi32>
    %broadcast_in_dim3A_340 = vector.broadcast %jit3A_338 : i32 to vector<16xi32>
    %select_n3A_341 = arith.select %eq3A_336, %broadcast_in_dim3A_339, %broadcast_in_dim3A_340 : vector<16xi1>, vector<16xi32>
    %add3A_342 = arith.addi %add3A_247, %select_n3A_341 : vector<16xi32>
    %eq3A_343 = arith.constant 4 : i32
    %eq3A_344 = vector.broadcast %eq3A_343 : i32 to vector<16xi32>
    %eq3A_345 = arith.cmpi eq, %gather3A_306, %eq3A_344 : vector<16xi32>
    %jit3A_346 = arith.constant 1 : i32
    %jit3A_347 = arith.constant 0 : i32
    %broadcast_in_dim3A_348 = vector.broadcast %jit3A_346 : i32 to vector<16xi32>
    %broadcast_in_dim3A_349 = vector.broadcast %jit3A_347 : i32 to vector<16xi32>
    %select_n3A_350 = arith.select %eq3A_345, %broadcast_in_dim3A_348, %broadcast_in_dim3A_349 : vector<16xi1>, vector<16xi32>
    %add3A_351 = arith.addi %add3A_256, %select_n3A_350 : vector<16xi32>
    %eq3A_352 = arith.constant 5 : i32
    %eq3A_353 = vector.broadcast %eq3A_352 : i32 to vector<16xi32>
    %eq3A_354 = arith.cmpi eq, %gather3A_306, %eq3A_353 : vector<16xi32>
    %jit3A_355 = arith.constant 1 : i32
    %jit3A_356 = arith.constant 0 : i32
    %broadcast_in_dim3A_357 = vector.broadcast %jit3A_355 : i32 to vector<16xi32>
    %broadcast_in_dim3A_358 = vector.broadcast %jit3A_356 : i32 to vector<16xi32>
    %select_n3A_359 = arith.select %eq3A_354, %broadcast_in_dim3A_357, %broadcast_in_dim3A_358 : vector<16xi1>, vector<16xi32>
    %add3A_360 = arith.addi %add3A_265, %select_n3A_359 : vector<16xi32>
    %eq3A_361 = arith.constant 6 : i32
    %eq3A_362 = vector.broadcast %eq3A_361 : i32 to vector<16xi32>
    %eq3A_363 = arith.cmpi eq, %gather3A_306, %eq3A_362 : vector<16xi32>
    %jit3A_364 = arith.constant 1 : i32
    %jit3A_365 = arith.constant 0 : i32
    %broadcast_in_dim3A_366 = vector.broadcast %jit3A_364 : i32 to vector<16xi32>
    %broadcast_in_dim3A_367 = vector.broadcast %jit3A_365 : i32 to vector<16xi32>
    %select_n3A_368 = arith.select %eq3A_363, %broadcast_in_dim3A_366, %broadcast_in_dim3A_367 : vector<16xi1>, vector<16xi32>
    %add3A_369 = arith.addi %add3A_274, %select_n3A_368 : vector<16xi32>
    %eq3A_370 = arith.constant 7 : i32
    %eq3A_371 = vector.broadcast %eq3A_370 : i32 to vector<16xi32>
    %eq3A_372 = arith.cmpi eq, %gather3A_306, %eq3A_371 : vector<16xi32>
    %jit3A_373 = arith.constant 1 : i32
    %jit3A_374 = arith.constant 0 : i32
    %broadcast_in_dim3A_375 = vector.broadcast %jit3A_373 : i32 to vector<16xi32>
    %broadcast_in_dim3A_376 = vector.broadcast %jit3A_374 : i32 to vector<16xi32>
    %select_n3A_377 = arith.select %eq3A_372, %broadcast_in_dim3A_375, %broadcast_in_dim3A_376 : vector<16xi1>, vector<16xi32>
    %add3A_378 = arith.addi %add3A_283, %select_n3A_377 : vector<16xi32>
    %eq3A_379 = arith.constant 8 : i32
    %eq3A_380 = vector.broadcast %eq3A_379 : i32 to vector<16xi32>
    %eq3A_381 = arith.cmpi eq, %gather3A_306, %eq3A_380 : vector<16xi32>
    %jit3A_382 = arith.constant 1 : i32
    %jit3A_383 = arith.constant 0 : i32
    %broadcast_in_dim3A_384 = vector.broadcast %jit3A_382 : i32 to vector<16xi32>
    %broadcast_in_dim3A_385 = vector.broadcast %jit3A_383 : i32 to vector<16xi32>
    %select_n3A_386 = arith.select %eq3A_381, %broadcast_in_dim3A_384, %broadcast_in_dim3A_385 : vector<16xi1>, vector<16xi32>
    %add3A_387 = arith.addi %add3A_292, %select_n3A_386 : vector<16xi32>
    %eq3A_388 = arith.constant 9 : i32
    %eq3A_389 = vector.broadcast %eq3A_388 : i32 to vector<16xi32>
    %eq3A_390 = arith.cmpi eq, %gather3A_306, %eq3A_389 : vector<16xi32>
    %jit3A_391 = arith.constant 1 : i32
    %jit3A_392 = arith.constant 0 : i32
    %broadcast_in_dim3A_393 = vector.broadcast %jit3A_391 : i32 to vector<16xi32>
    %broadcast_in_dim3A_394 = vector.broadcast %jit3A_392 : i32 to vector<16xi32>
    %select_n3A_395 = arith.select %eq3A_390, %broadcast_in_dim3A_393, %broadcast_in_dim3A_394 : vector<16xi1>, vector<16xi32>
    %add3A_396 = arith.addi %add3A_301, %select_n3A_395 : vector<16xi32>
    %get3A_397 = arith.constant 4 : i32
    %get3A_398 = arith.index_cast %get3A_397 : i32 to index
    %get3A_399 = arith.constant 0 : index
    %get3A_400 = tpu.vector_load %arg6[%get3A_398, %get3A_399] {strides = array<i32>} : memref<16x32xi32, #tpu.memory_space<vmem>>, vector<16xi32>,
    %gather3A_401 = tpu.vector_load_idx %arg5[%get3A_400] : memref<100000xi32, #tpu.memory_space<vmem>>[vector<16xi32>], vector<16xi32>,
    %eq3A_402 = arith.constant 0 : i32
    %eq3A_403 = vector.broadcast %eq3A_402 : i32 to vector<16xi32>
    %eq3A_404 = arith.cmpi eq, %gather3A_401, %eq3A_403 : vector<16xi32>
    %jit3A_405 = arith.constant 1 : i32
    %jit3A_406 = arith.constant 0 : i32
    %broadcast_in_dim3A_407 = vector.broadcast %jit3A_405 : i32 to vector<16xi32>
    %broadcast_in_dim3A_408 = vector.broadcast %jit3A_406 : i32 to vector<16xi32>
    %select_n3A_409 = arith.select %eq3A_404, %broadcast_in_dim3A_407, %broadcast_in_dim3A_408 : vector<16xi1>, vector<16xi32>
    %add3A_410 = arith.addi %add3A_315, %select_n3A_409 : vector<16xi32>
    %eq3A_411 = arith.constant 1 : i32
    %eq3A_412 = vector.broadcast %eq3A_411 : i32 to vector<16xi32>
    %eq3A_413 = arith.cmpi eq, %gather3A_401, %eq3A_412 : vector<16xi32>
    %jit3A_414 = arith.constant 1 : i32
    %jit3A_415 = arith.constant 0 : i32
    %broadcast_in_dim3A_416 = vector.broadcast %jit3A_414 : i32 to vector<16xi32>
    %broadcast_in_dim3A_417 = vector.broadcast %jit3A_415 : i32 to vector<16xi32>
    %select_n3A_418 = arith.select %eq3A_413, %broadcast_in_dim3A_416, %broadcast_in_dim3A_417 : vector<16xi1>, vector<16xi32>
    %add3A_419 = arith.addi %add3A_324, %select_n3A_418 : vector<16xi32>
    %eq3A_420 = arith.constant 2 : i32
    %eq3A_421 = vector.broadcast %eq3A_420 : i32 to vector<16xi32>
    %eq3A_422 = arith.cmpi eq, %gather3A_401, %eq3A_421 : vector<16xi32>
    %jit3A_423 = arith.constant 1 : i32
    %jit3A_424 = arith.constant 0 : i32
    %broadcast_in_dim3A_425 = vector.broadcast %jit3A_423 : i32 to vector<16xi32>
    %broadcast_in_dim3A_426 = vector.broadcast %jit3A_424 : i32 to vector<16xi32>
    %select_n3A_427 = arith.select %eq3A_422, %broadcast_in_dim3A_425, %broadcast_in_dim3A_426 : vector<16xi1>, vector<16xi32>
    %add3A_428 = arith.addi %add3A_333, %select_n3A_427 : vector<16xi32>
    %eq3A_429 = arith.constant 3 : i32
    %eq3A_430 = vector.broadcast %eq3A_429 : i32 to vector<16xi32>
    %eq3A_431 = arith.cmpi eq, %gather3A_401, %eq3A_430 : vector<16xi32>
    %jit3A_432 = arith.constant 1 : i32
    %jit3A_433 = arith.constant 0 : i32
    %broadcast_in_dim3A_434 = vector.broadcast %jit3A_432 : i32 to vector<16xi32>
    %broadcast_in_dim3A_435 = vector.broadcast %jit3A_433 : i32 to vector<16xi32>
    %select_n3A_436 = arith.select %eq3A_431, %broadcast_in_dim3A_434, %broadcast_in_dim3A_435 : vector<16xi1>, vector<16xi32>
    %add3A_437 = arith.addi %add3A_342, %select_n3A_436 : vector<16xi32>
    %eq3A_438 = arith.constant 4 : i32
    %eq3A_439 = vector.broadcast %eq3A_438 : i32 to vector<16xi32>
    %eq3A_440 = arith.cmpi eq, %gather3A_401, %eq3A_439 : vector<16xi32>
    %jit3A_441 = arith.constant 1 : i32
    %jit3A_442 = arith.constant 0 : i32
    %broadcast_in_dim3A_443 = vector.broadcast %jit3A_441 : i32 to vector<16xi32>
    %broadcast_in_dim3A_444 = vector.broadcast %jit3A_442 : i32 to vector<16xi32>
    %select_n3A_445 = arith.select %eq3A_440, %broadcast_in_dim3A_443, %broadcast_in_dim3A_444 : vector<16xi1>, vector<16xi32>
    %add3A_446 = arith.addi %add3A_351, %select_n3A_445 : vector<16xi32>
    %eq3A_447 = arith.constant 5 : i32
    %eq3A_448 = vector.broadcast %eq3A_447 : i32 to vector<16xi32>
    %eq3A_449 = arith.cmpi eq, %gather3A_401, %eq3A_448 : vector<16xi32>
    %jit3A_450 = arith.constant 1 : i32
    %jit3A_451 = arith.constant 0 : i32
    %broadcast_in_dim3A_452 = vector.broadcast %jit3A_450 : i32 to vector<16xi32>
    %broadcast_in_dim3A_453 = vector.broadcast %jit3A_451 : i32 to vector<16xi32>
    %select_n3A_454 = arith.select %eq3A_449, %broadcast_in_dim3A_452, %broadcast_in_dim3A_453 : vector<16xi1>, vector<16xi32>
    %add3A_455 = arith.addi %add3A_360, %select_n3A_454 : vector<16xi32>
    %eq3A_456 = arith.constant 6 : i32
    %eq3A_457 = vector.broadcast %eq3A_456 : i32 to vector<16xi32>
    %eq3A_458 = arith.cmpi eq, %gather3A_401, %eq3A_457 : vector<16xi32>
    %jit3A_459 = arith.constant 1 : i32
    %jit3A_460 = arith.constant 0 : i32
    %broadcast_in_dim3A_461 = vector.broadcast %jit3A_459 : i32 to vector<16xi32>
    %broadcast_in_dim3A_462 = vector.broadcast %jit3A_460 : i32 to vector<16xi32>
    %select_n3A_463 = arith.select %eq3A_458, %broadcast_in_dim3A_461, %broadcast_in_dim3A_462 : vector<16xi1>, vector<16xi32>
    %add3A_464 = arith.addi %add3A_369, %select_n3A_463 : vector<16xi32>
    %eq3A_465 = arith.constant 7 : i32
    %eq3A_466 = vector.broadcast %eq3A_465 : i32 to vector<16xi32>
    %eq3A_467 = arith.cmpi eq, %gather3A_401, %eq3A_466 : vector<16xi32>
    %jit3A_468 = arith.constant 1 : i32
    %jit3A_469 = arith.constant 0 : i32
    %broadcast_in_dim3A_470 = vector.broadcast %jit3A_468 : i32 to vector<16xi32>
    %broadcast_in_dim3A_471 = vector.broadcast %jit3A_469 : i32 to vector<16xi32>
    %select_n3A_472 = arith.select %eq3A_467, %broadcast_in_dim3A_470, %broadcast_in_dim3A_471 : vector<16xi1>, vector<16xi32>
    %add3A_473 = arith.addi %add3A_378, %select_n3A_472 : vector<16xi32>
    %eq3A_474 = arith.constant 8 : i32
    %eq3A_475 = vector.broadcast %eq3A_474 : i32 to vector<16xi32>
    %eq3A_476 = arith.cmpi eq, %gather3A_401, %eq3A_475 : vector<16xi32>
    %jit3A_477 = arith.constant 1 : i32
    %jit3A_478 = arith.constant 0 : i32
    %broadcast_in_dim3A_479 = vector.broadcast %jit3A_477 : i32 to vector<16xi32>
    %broadcast_in_dim3A_480 = vector.broadcast %jit3A_478 : i32 to vector<16xi32>
    %select_n3A_481 = arith.select %eq3A_476, %broadcast_in_dim3A_479, %broadcast_in_dim3A_480 : vector<16xi1>, vector<16xi32>
    %add3A_482 = arith.addi %add3A_387, %select_n3A_481 : vector<16xi32>
    %eq3A_483 = arith.constant 9 : i32
    %eq3A_484 = vector.broadcast %eq3A_483 : i32 to vector<16xi32>
    %eq3A_485 = arith.cmpi eq, %gather3A_401, %eq3A_484 : vector<16xi32>
    %jit3A_486 = arith.constant 1 : i32
    %jit3A_487 = arith.constant 0 : i32
    %broadcast_in_dim3A_488 = vector.broadcast %jit3A_486 : i32 to vector<16xi32>
    %broadcast_in_dim3A_489 = vector.broadcast %jit3A_487 : i32 to vector<16xi32>
    %select_n3A_490 = arith.select %eq3A_485, %broadcast_in_dim3A_488, %broadcast_in_dim3A_489 : vector<16xi1>, vector<16xi32>
    %add3A_491 = arith.addi %add3A_396, %select_n3A_490 : vector<16xi32>
    %get3A_492 = arith.constant 5 : i32
    %get3A_493 = arith.index_cast %get3A_492 : i32 to index
    %get3A_494 = arith.constant 0 : index
    %get3A_495 = tpu.vector_load %arg6[%get3A_493, %get3A_494] {strides = array<i32>} : memref<16x32xi32, #tpu.memory_space<vmem>>, vector<16xi32>,
    %gather3A_496 = tpu.vector_load_idx %arg5[%get3A_495] : memref<100000xi32, #tpu.memory_space<vmem>>[vector<16xi32>], vector<16xi32>,
    %eq3A_497 = arith.constant 0 : i32
    %eq3A_498 = vector.broadcast %eq3A_497 : i32 to vector<16xi32>
    %eq3A_499 = arith.cmpi eq, %gather3A_496, %eq3A_498 : vector<16xi32>
    %jit3A_500 = arith.constant 1 : i32
    %jit3A_501 = arith.constant 0 : i32
    %broadcast_in_dim3A_502 = vector.broadcast %jit3A_500 : i32 to vector<16xi32>
    %broadcast_in_dim3A_503 = vector.broadcast %jit3A_501 : i32 to vector<16xi32>
    %select_n3A_504 = arith.select %eq3A_499, %broadcast_in_dim3A_502, %broadcast_in_dim3A_503 : vector<16xi1>, vector<16xi32>
    %add3A_505 = arith.addi %add3A_410, %select_n3A_504 : vector<16xi32>
    %eq3A_506 = arith.constant 1 : i32
    %eq3A_507 = vector.broadcast %eq3A_506 : i32 to vector<16xi32>
    %eq3A_508 = arith.cmpi eq, %gather3A_496, %eq3A_507 : vector<16xi32>
    %jit3A_509 = arith.constant 1 : i32
    %jit3A_510 = arith.constant 0 : i32
    %broadcast_in_dim3A_511 = vector.broadcast %jit3A_509 : i32 to vector<16xi32>
    %broadcast_in_dim3A_512 = vector.broadcast %jit3A_510 : i32 to vector<16xi32>
    %select_n3A_513 = arith.select %eq3A_508, %broadcast_in_dim3A_511, %broadcast_in_dim3A_512 : vector<16xi1>, vector<16xi32>
    %add3A_514 = arith.addi %add3A_419, %select_n3A_513 : vector<16xi32>
    %eq3A_515 = arith.constant 2 : i32
    %eq3A_516 = vector.broadcast %eq3A_515 : i32 to vector<16xi32>
    %eq3A_517 = arith.cmpi eq, %gather3A_496, %eq3A_516 : vector<16xi32>
    %jit3A_518 = arith.constant 1 : i32
    %jit3A_519 = arith.constant 0 : i32
    %broadcast_in_dim3A_520 = vector.broadcast %jit3A_518 : i32 to vector<16xi32>
    %broadcast_in_dim3A_521 = vector.broadcast %jit3A_519 : i32 to vector<16xi32>
    %select_n3A_522 = arith.select %eq3A_517, %broadcast_in_dim3A_520, %broadcast_in_dim3A_521 : vector<16xi1>, vector<16xi32>
    %add3A_523 = arith.addi %add3A_428, %select_n3A_522 : vector<16xi32>
    %eq3A_524 = arith.constant 3 : i32
    %eq3A_525 = vector.broadcast %eq3A_524 : i32 to vector<16xi32>
    %eq3A_526 = arith.cmpi eq, %gather3A_496, %eq3A_525 : vector<16xi32>
    %jit3A_527 = arith.constant 1 : i32
    %jit3A_528 = arith.constant 0 : i32
    %broadcast_in_dim3A_529 = vector.broadcast %jit3A_527 : i32 to vector<16xi32>
    %broadcast_in_dim3A_530 = vector.broadcast %jit3A_528 : i32 to vector<16xi32>
    %select_n3A_531 = arith.select %eq3A_526, %broadcast_in_dim3A_529, %broadcast_in_dim3A_530 : vector<16xi1>, vector<16xi32>
    %add3A_532 = arith.addi %add3A_437, %select_n3A_531 : vector<16xi32>
    %eq3A_533 = arith.constant 4 : i32
    %eq3A_534 = vector.broadcast %eq3A_533 : i32 to vector<16xi32>
    %eq3A_535 = arith.cmpi eq, %gather3A_496, %eq3A_534 : vector<16xi32>
    %jit3A_536 = arith.constant 1 : i32
    %jit3A_537 = arith.constant 0 : i32
    %broadcast_in_dim3A_538 = vector.broadcast %jit3A_536 : i32 to vector<16xi32>
    %broadcast_in_dim3A_539 = vector.broadcast %jit3A_537 : i32 to vector<16xi32>
    %select_n3A_540 = arith.select %eq3A_535, %broadcast_in_dim3A_538, %broadcast_in_dim3A_539 : vector<16xi1>, vector<16xi32>
    %add3A_541 = arith.addi %add3A_446, %select_n3A_540 : vector<16xi32>
    %eq3A_542 = arith.constant 5 : i32
    %eq3A_543 = vector.broadcast %eq3A_542 : i32 to vector<16xi32>
    %eq3A_544 = arith.cmpi eq, %gather3A_496, %eq3A_543 : vector<16xi32>
    %jit3A_545 = arith.constant 1 : i32
    %jit3A_546 = arith.constant 0 : i32
    %broadcast_in_dim3A_547 = vector.broadcast %jit3A_545 : i32 to vector<16xi32>
    %broadcast_in_dim3A_548 = vector.broadcast %jit3A_546 : i32 to vector<16xi32>
    %select_n3A_549 = arith.select %eq3A_544, %broadcast_in_dim3A_547, %broadcast_in_dim3A_548 : vector<16xi1>, vector<16xi32>
    %add3A_550 = arith.addi %add3A_455, %select_n3A_549 : vector<16xi32>
    %eq3A_551 = arith.constant 6 : i32
    %eq3A_552 = vector.broadcast %eq3A_551 : i32 to vector<16xi32>
    %eq3A_553 = arith.cmpi eq, %gather3A_496, %eq3A_552 : vector<16xi32>
    %jit3A_554 = arith.constant 1 : i32
    %jit3A_555 = arith.constant 0 : i32
    %broadcast_in_dim3A_556 = vector.broadcast %jit3A_554 : i32 to vector<16xi32>
    %broadcast_in_dim3A_557 = vector.broadcast %jit3A_555 : i32 to vector<16xi32>
    %select_n3A_558 = arith.select %eq3A_553, %broadcast_in_dim3A_556, %broadcast_in_dim3A_557 : vector<16xi1>, vector<16xi32>
    %add3A_559 = arith.addi %add3A_464, %select_n3A_558 : vector<16xi32>
    %eq3A_560 = arith.constant 7 : i32
    %eq3A_561 = vector.broadcast %eq3A_560 : i32 to vector<16xi32>
    %eq3A_562 = arith.cmpi eq, %gather3A_496, %eq3A_561 : vector<16xi32>
    %jit3A_563 = arith.constant 1 : i32
    %jit3A_564 = arith.constant 0 : i32
    %broadcast_in_dim3A_565 = vector.broadcast %jit3A_563 : i32 to vector<16xi32>
    %broadcast_in_dim3A_566 = vector.broadcast %jit3A_564 : i32 to vector<16xi32>
    %select_n3A_567 = arith.select %eq3A_562, %broadcast_in_dim3A_565, %broadcast_in_dim3A_566 : vector<16xi1>, vector<16xi32>
    %add3A_568 = arith.addi %add3A_473, %select_n3A_567 : vector<16xi32>
    %eq3A_569 = arith.constant 8 : i32
    %eq3A_570 = vector.broadcast %eq3A_569 : i32 to vector<16xi32>
    %eq3A_571 = arith.cmpi eq, %gather3A_496, %eq3A_570 : vector<16xi32>
    %jit3A_572 = arith.constant 1 : i32
    %jit3A_573 = arith.constant 0 : i32
    %broadcast_in_dim3A_574 = vector.broadcast %jit3A_572 : i32 to vector<16xi32>
    %broadcast_in_dim3A_575 = vector.broadcast %jit3A_573 : i32 to vector<16xi32>
    %select_n3A_576 = arith.select %eq3A_571, %broadcast_in_dim3A_574, %broadcast_in_dim3A_575 : vector<16xi1>, vector<16xi32>
    %add3A_577 = arith.addi %add3A_482, %select_n3A_576 : vector<16xi32>
    %eq3A_578 = arith.constant 9 : i32
    %eq3A_579 = vector.broadcast %eq3A_578 : i32 to vector<16xi32>
    %eq3A_580 = arith.cmpi eq, %gather3A_496, %eq3A_579 : vector<16xi32>
    %jit3A_581 = arith.constant 1 : i32
    %jit3A_582 = arith.constant 0 : i32
    %broadcast_in_dim3A_583 = vector.broadcast %jit3A_581 : i32 to vector<16xi32>
    %broadcast_in_dim3A_584 = vector.broadcast %jit3A_582 : i32 to vector<16xi32>
    %select_n3A_585 = arith.select %eq3A_580, %broadcast_in_dim3A_583, %broadcast_in_dim3A_584 : vector<16xi1>, vector<16xi32>
    %add3A_586 = arith.addi %add3A_491, %select_n3A_585 : vector<16xi32>
    %get3A_587 = arith.constant 6 : i32
    %get3A_588 = arith.index_cast %get3A_587 : i32 to index
    %get3A_589 = arith.constant 0 : index
    %get3A_590 = tpu.vector_load %arg6[%get3A_588, %get3A_589] {strides = array<i32>} : memref<16x32xi32, #tpu.memory_space<vmem>>, vector<16xi32>,
    %gather3A_591 = tpu.vector_load_idx %arg5[%get3A_590] : memref<100000xi32, #tpu.memory_space<vmem>>[vector<16xi32>], vector<16xi32>,
    %eq3A_592 = arith.constant 0 : i32
    %eq3A_593 = vector.broadcast %eq3A_592 : i32 to vector<16xi32>
    %eq3A_594 = arith.cmpi eq, %gather3A_591, %eq3A_593 : vector<16xi32>
    %jit3A_595 = arith.constant 1 : i32
    %jit3A_596 = arith.constant 0 : i32
    %broadcast_in_dim3A_597 = vector.broadcast %jit3A_595 : i32 to vector<16xi32>
    %broadcast_in_dim3A_598 = vector.broadcast %jit3A_596 : i32 to vector<16xi32>
    %select_n3A_599 = arith.select %eq3A_594, %broadcast_in_dim3A_597, %broadcast_in_dim3A_598 : vector<16xi1>, vector<16xi32>
    %add3A_600 = arith.addi %add3A_505, %select_n3A_599 : vector<16xi32>
    %eq3A_601 = arith.constant 1 : i32
    %eq3A_602 = vector.broadcast %eq3A_601 : i32 to vector<16xi32>
    %eq3A_603 = arith.cmpi eq, %gather3A_591, %eq3A_602 : vector<16xi32>
    %jit3A_604 = arith.constant 1 : i32
    %jit3A_605 = arith.constant 0 : i32
    %broadcast_in_dim3A_606 = vector.broadcast %jit3A_604 : i32 to vector<16xi32>
    %broadcast_in_dim3A_607 = vector.broadcast %jit3A_605 : i32 to vector<16xi32>
    %select_n3A_608 = arith.select %eq3A_603, %broadcast_in_dim3A_606, %broadcast_in_dim3A_607 : vector<16xi1>, vector<16xi32>
    %add3A_609 = arith.addi %add3A_514, %select_n3A_608 : vector<16xi32>
    %eq3A_610 = arith.constant 2 : i32
    %eq3A_611 = vector.broadcast %eq3A_610 : i32 to vector<16xi32>
    %eq3A_612 = arith.cmpi eq, %gather3A_591, %eq3A_611 : vector<16xi32>
    %jit3A_613 = arith.constant 1 : i32
    %jit3A_614 = arith.constant 0 : i32
    %broadcast_in_dim3A_615 = vector.broadcast %jit3A_613 : i32 to vector<16xi32>
    %broadcast_in_dim3A_616 = vector.broadcast %jit3A_614 : i32 to vector<16xi32>
    %select_n3A_617 = arith.select %eq3A_612, %broadcast_in_dim3A_615, %broadcast_in_dim3A_616 : vector<16xi1>, vector<16xi32>
    %add3A_618 = arith.addi %add3A_523, %select_n3A_617 : vector<16xi32>
    %eq3A_619 = arith.constant 3 : i32
    %eq3A_620 = vector.broadcast %eq3A_619 : i32 to vector<16xi32>
    %eq3A_621 = arith.cmpi eq, %gather3A_591, %eq3A_620 : vector<16xi32>
    %jit3A_622 = arith.constant 1 : i32
    %jit3A_623 = arith.constant 0 : i32
    %broadcast_in_dim3A_624 = vector.broadcast %jit3A_622 : i32 to vector<16xi32>
    %broadcast_in_dim3A_625 = vector.broadcast %jit3A_623 : i32 to vector<16xi32>
    %select_n3A_626 = arith.select %eq3A_621, %broadcast_in_dim3A_624, %broadcast_in_dim3A_625 : vector<16xi1>, vector<16xi32>
    %add3A_627 = arith.addi %add3A_532, %select_n3A_626 : vector<16xi32>
    %eq3A_628 = arith.constant 4 : i32
    %eq3A_629 = vector.broadcast %eq3A_628 : i32 to vector<16xi32>
    %eq3A_630 = arith.cmpi eq, %gather3A_591, %eq3A_629 : vector<16xi32>
    %jit3A_631 = arith.constant 1 : i32
    %jit3A_632 = arith.constant 0 : i32
    %broadcast_in_dim3A_633 = vector.broadcast %jit3A_631 : i32 to vector<16xi32>
    %broadcast_in_dim3A_634 = vector.broadcast %jit3A_632 : i32 to vector<16xi32>
    %select_n3A_635 = arith.select %eq3A_630, %broadcast_in_dim3A_633, %broadcast_in_dim3A_634 : vector<16xi1>, vector<16xi32>
    %add3A_636 = arith.addi %add3A_541, %select_n3A_635 : vector<16xi32>
    %eq3A_637 = arith.constant 5 : i32
    %eq3A_638 = vector.broadcast %eq3A_637 : i32 to vector<16xi32>
    %eq3A_639 = arith.cmpi eq, %gather3A_591, %eq3A_638 : vector<16xi32>
    %jit3A_640 = arith.constant 1 : i32
    %jit3A_641 = arith.constant 0 : i32
    %broadcast_in_dim3A_642 = vector.broadcast %jit3A_640 : i32 to vector<16xi32>
    %broadcast_in_dim3A_643 = vector.broadcast %jit3A_641 : i32 to vector<16xi32>
    %select_n3A_644 = arith.select %eq3A_639, %broadcast_in_dim3A_642, %broadcast_in_dim3A_643 : vector<16xi1>, vector<16xi32>
    %add3A_645 = arith.addi %add3A_550, %select_n3A_644 : vector<16xi32>
    %eq3A_646 = arith.constant 6 : i32
    %eq3A_647 = vector.broadcast %eq3A_646 : i32 to vector<16xi32>
    %eq3A_648 = arith.cmpi eq, %gather3A_591, %eq3A_647 : vector<16xi32>
    %jit3A_649 = arith.constant 1 : i32
    %jit3A_650 = arith.constant 0 : i32
    %broadcast_in_dim3A_651 = vector.broadcast %jit3A_649 : i32 to vector<16xi32>
    %broadcast_in_dim3A_652 = vector.broadcast %jit3A_650 : i32 to vector<16xi32>
    %select_n3A_653 = arith.select %eq3A_648, %broadcast_in_dim3A_651, %broadcast_in_dim3A_652 : vector<16xi1>, vector<16xi32>
    %add3A_654 = arith.addi %add3A_559, %select_n3A_653 : vector<16xi32>
    %eq3A_655 = arith.constant 7 : i32
    %eq3A_656 = vector.broadcast %eq3A_655 : i32 to vector<16xi32>
    %eq3A_657 = arith.cmpi eq, %gather3A_591, %eq3A_656 : vector<16xi32>
    %jit3A_658 = arith.constant 1 : i32
    %jit3A_659 = arith.constant 0 : i32
    %broadcast_in_dim3A_660 = vector.broadcast %jit3A_658 : i32 to vector<16xi32>
    %broadcast_in_dim3A_661 = vector.broadcast %jit3A_659 : i32 to vector<16xi32>
    %select_n3A_662 = arith.select %eq3A_657, %broadcast_in_dim3A_660, %broadcast_in_dim3A_661 : vector<16xi1>, vector<16xi32>
    %add3A_663 = arith.addi %add3A_568, %select_n3A_662 : vector<16xi32>
    %eq3A_664 = arith.constant 8 : i32
    %eq3A_665 = vector.broadcast %eq3A_664 : i32 to vector<16xi32>
    %eq3A_666 = arith.cmpi eq, %gather3A_591, %eq3A_665 : vector<16xi32>
    %jit3A_667 = arith.constant 1 : i32
    %jit3A_668 = arith.constant 0 : i32
    %broadcast_in_dim3A_669 = vector.broadcast %jit3A_667 : i32 to vector<16xi32>
    %broadcast_in_dim3A_670 = vector.broadcast %jit3A_668 : i32 to vector<16xi32>
    %select_n3A_671 = arith.select %eq3A_666, %broadcast_in_dim3A_669, %broadcast_in_dim3A_670 : vector<16xi1>, vector<16xi32>
    %add3A_672 = arith.addi %add3A_577, %select_n3A_671 : vector<16xi32>
    %eq3A_673 = arith.constant 9 : i32
    %eq3A_674 = vector.broadcast %eq3A_673 : i32 to vector<16xi32>
    %eq3A_675 = arith.cmpi eq, %gather3A_591, %eq3A_674 : vector<16xi32>
    %jit3A_676 = arith.constant 1 : i32
    %jit3A_677 = arith.constant 0 : i32
    %broadcast_in_dim3A_678 = vector.broadcast %jit3A_676 : i32 to vector<16xi32>
    %broadcast_in_dim3A_679 = vector.broadcast %jit3A_677 : i32 to vector<16xi32>
    %select_n3A_680 = arith.select %eq3A_675, %broadcast_in_dim3A_678, %broadcast_in_dim3A_679 : vector<16xi1>, vector<16xi32>
    %add3A_681 = arith.addi %add3A_586, %select_n3A_680 : vector<16xi32>
    %get3A_682 = arith.constant 7 : i32
    %get3A_683 = arith.index_cast %get3A_682 : i32 to index
    %get3A_684 = arith.constant 0 : index
    %get3A_685 = tpu.vector_load %arg6[%get3A_683, %get3A_684] {strides = array<i32>} : memref<16x32xi32, #tpu.memory_space<vmem>>, vector<16xi32>,
    %gather3A_686 = tpu.vector_load_idx %arg5[%get3A_685] : memref<100000xi32, #tpu.memory_space<vmem>>[vector<16xi32>], vector<16xi32>,
    %eq3A_687 = arith.constant 0 : i32
    %eq3A_688 = vector.broadcast %eq3A_687 : i32 to vector<16xi32>
    %eq3A_689 = arith.cmpi eq, %gather3A_686, %eq3A_688 : vector<16xi32>
    %jit3A_690 = arith.constant 1 : i32
    %jit3A_691 = arith.constant 0 : i32
    %broadcast_in_dim3A_692 = vector.broadcast %jit3A_690 : i32 to vector<16xi32>
    %broadcast_in_dim3A_693 = vector.broadcast %jit3A_691 : i32 to vector<16xi32>
    %select_n3A_694 = arith.select %eq3A_689, %broadcast_in_dim3A_692, %broadcast_in_dim3A_693 : vector<16xi1>, vector<16xi32>
    %add3A_695 = arith.addi %add3A_600, %select_n3A_694 : vector<16xi32>
    %eq3A_696 = arith.constant 1 : i32
    %eq3A_697 = vector.broadcast %eq3A_696 : i32 to vector<16xi32>
    %eq3A_698 = arith.cmpi eq, %gather3A_686, %eq3A_697 : vector<16xi32>
    %jit3A_699 = arith.constant 1 : i32
    %jit3A_700 = arith.constant 0 : i32
    %broadcast_in_dim3A_701 = vector.broadcast %jit3A_699 : i32 to vector<16xi32>
    %broadcast_in_dim3A_702 = vector.broadcast %jit3A_700 : i32 to vector<16xi32>
    %select_n3A_703 = arith.select %eq3A_698, %broadcast_in_dim3A_701, %broadcast_in_dim3A_702 : vector<16xi1>, vector<16xi32>
    %add3A_704 = arith.addi %add3A_609, %select_n3A_703 : vector<16xi32>
    %eq3A_705 = arith.constant 2 : i32
    %eq3A_706 = vector.broadcast %eq3A_705 : i32 to vector<16xi32>
    %eq3A_707 = arith.cmpi eq, %gather3A_686, %eq3A_706 : vector<16xi32>
    %jit3A_708 = arith.constant 1 : i32
    %jit3A_709 = arith.constant 0 : i32
    %broadcast_in_dim3A_710 = vector.broadcast %jit3A_708 : i32 to vector<16xi32>
    %broadcast_in_dim3A_711 = vector.broadcast %jit3A_709 : i32 to vector<16xi32>
    %select_n3A_712 = arith.select %eq3A_707, %broadcast_in_dim3A_710, %broadcast_in_dim3A_711 : vector<16xi1>, vector<16xi32>
    %add3A_713 = arith.addi %add3A_618, %select_n3A_712 : vector<16xi32>
    %eq3A_714 = arith.constant 3 : i32
    %eq3A_715 = vector.broadcast %eq3A_714 : i32 to vector<16xi32>
    %eq3A_716 = arith.cmpi eq, %gather3A_686, %eq3A_715 : vector<16xi32>
    %jit3A_717 = arith.constant 1 : i32
    %jit3A_718 = arith.constant 0 : i32
    %broadcast_in_dim3A_719 = vector.broadcast %jit3A_717 : i32 to vector<16xi32>
    %broadcast_in_dim3A_720 = vector.broadcast %jit3A_718 : i32 to vector<16xi32>
    %select_n3A_721 = arith.select %eq3A_716, %broadcast_in_dim3A_719, %broadcast_in_dim3A_720 : vector<16xi1>, vector<16xi32>
    %add3A_722 = arith.addi %add3A_627, %select_n3A_721 : vector<16xi32>
    %eq3A_723 = arith.constant 4 : i32
    %eq3A_724 = vector.broadcast %eq3A_723 : i32 to vector<16xi32>
    %eq3A_725 = arith.cmpi eq, %gather3A_686, %eq3A_724 : vector<16xi32>
    %jit3A_726 = arith.constant 1 : i32
    %jit3A_727 = arith.constant 0 : i32
    %broadcast_in_dim3A_728 = vector.broadcast %jit3A_726 : i32 to vector<16xi32>
    %broadcast_in_dim3A_729 = vector.broadcast %jit3A_727 : i32 to vector<16xi32>
    %select_n3A_730 = arith.select %eq3A_725, %broadcast_in_dim3A_728, %broadcast_in_dim3A_729 : vector<16xi1>, vector<16xi32>
    %add3A_731 = arith.addi %add3A_636, %select_n3A_730 : vector<16xi32>
    %eq3A_732 = arith.constant 5 : i32
    %eq3A_733 = vector.broadcast %eq3A_732 : i32 to vector<16xi32>
    %eq3A_734 = arith.cmpi eq, %gather3A_686, %eq3A_733 : vector<16xi32>
    %jit3A_735 = arith.constant 1 : i32
    %jit3A_736 = arith.constant 0 : i32
    %broadcast_in_dim3A_737 = vector.broadcast %jit3A_735 : i32 to vector<16xi32>
    %broadcast_in_dim3A_738 = vector.broadcast %jit3A_736 : i32 to vector<16xi32>
    %select_n3A_739 = arith.select %eq3A_734, %broadcast_in_dim3A_737, %broadcast_in_dim3A_738 : vector<16xi1>, vector<16xi32>
    %add3A_740 = arith.addi %add3A_645, %select_n3A_739 : vector<16xi32>
    %eq3A_741 = arith.constant 6 : i32
    %eq3A_742 = vector.broadcast %eq3A_741 : i32 to vector<16xi32>
    %eq3A_743 = arith.cmpi eq, %gather3A_686, %eq3A_742 : vector<16xi32>
    %jit3A_744 = arith.constant 1 : i32
    %jit3A_745 = arith.constant 0 : i32
    %broadcast_in_dim3A_746 = vector.broadcast %jit3A_744 : i32 to vector<16xi32>
    %broadcast_in_dim3A_747 = vector.broadcast %jit3A_745 : i32 to vector<16xi32>
    %select_n3A_748 = arith.select %eq3A_743, %broadcast_in_dim3A_746, %broadcast_in_dim3A_747 : vector<16xi1>, vector<16xi32>
    %add3A_749 = arith.addi %add3A_654, %select_n3A_748 : vector<16xi32>
    %eq3A_750 = arith.constant 7 : i32
    %eq3A_751 = vector.broadcast %eq3A_750 : i32 to vector<16xi32>
    %eq3A_752 = arith.cmpi eq, %gather3A_686, %eq3A_751 : vector<16xi32>
    %jit3A_753 = arith.constant 1 : i32
    %jit3A_754 = arith.constant 0 : i32
    %broadcast_in_dim3A_755 = vector.broadcast %jit3A_753 : i32 to vector<16xi32>
    %broadcast_in_dim3A_756 = vector.broadcast %jit3A_754 : i32 to vector<16xi32>
    %select_n3A_757 = arith.select %eq3A_752, %broadcast_in_dim3A_755, %broadcast_in_dim3A_756 : vector<16xi1>, vector<16xi32>
    %add3A_758 = arith.addi %add3A_663, %select_n3A_757 : vector<16xi32>
    %eq3A_759 = arith.constant 8 : i32
    %eq3A_760 = vector.broadcast %eq3A_759 : i32 to vector<16xi32>
    %eq3A_761 = arith.cmpi eq, %gather3A_686, %eq3A_760 : vector<16xi32>
    %jit3A_762 = arith.constant 1 : i32
    %jit3A_763 = arith.constant 0 : i32
    %broadcast_in_dim3A_764 = vector.broadcast %jit3A_762 : i32 to vector<16xi32>
    %broadcast_in_dim3A_765 = vector.broadcast %jit3A_763 : i32 to vector<16xi32>
    %select_n3A_766 = arith.select %eq3A_761, %broadcast_in_dim3A_764, %broadcast_in_dim3A_765 : vector<16xi1>, vector<16xi32>
    %add3A_767 = arith.addi %add3A_672, %select_n3A_766 : vector<16xi32>
    %eq3A_768 = arith.constant 9 : i32
    %eq3A_769 = vector.broadcast %eq3A_768 : i32 to vector<16xi32>
    %eq3A_770 = arith.cmpi eq, %gather3A_686, %eq3A_769 : vector<16xi32>
    %jit3A_771 = arith.constant 1 : i32
    %jit3A_772 = arith.constant 0 : i32
    %broadcast_in_dim3A_773 = vector.broadcast %jit3A_771 : i32 to vector<16xi32>
    %broadcast_in_dim3A_774 = vector.broadcast %jit3A_772 : i32 to vector<16xi32>
    %select_n3A_775 = arith.select %eq3A_770, %broadcast_in_dim3A_773, %broadcast_in_dim3A_774 : vector<16xi1>, vector<16xi32>
    %add3A_776 = arith.addi %add3A_681, %select_n3A_775 : vector<16xi32>
    %get3A_777 = arith.constant 8 : i32
    %get3A_778 = arith.index_cast %get3A_777 : i32 to index
    %get3A_779 = arith.constant 0 : index
    %get3A_780 = tpu.vector_load %arg6[%get3A_778, %get3A_779] {strides = array<i32>} : memref<16x32xi32, #tpu.memory_space<vmem>>, vector<16xi32>,
    %gather3A_781 = tpu.vector_load_idx %arg5[%get3A_780] : memref<100000xi32, #tpu.memory_space<vmem>>[vector<16xi32>], vector<16xi32>,
    %eq3A_782 = arith.constant 0 : i32
    %eq3A_783 = vector.broadcast %eq3A_782 : i32 to vector<16xi32>
    %eq3A_784 = arith.cmpi eq, %gather3A_781, %eq3A_783 : vector<16xi32>
    %jit3A_785 = arith.constant 1 : i32
    %jit3A_786 = arith.constant 0 : i32
    %broadcast_in_dim3A_787 = vector.broadcast %jit3A_785 : i32 to vector<16xi32>
    %broadcast_in_dim3A_788 = vector.broadcast %jit3A_786 : i32 to vector<16xi32>
    %select_n3A_789 = arith.select %eq3A_784, %broadcast_in_dim3A_787, %broadcast_in_dim3A_788 : vector<16xi1>, vector<16xi32>
    %add3A_790 = arith.addi %add3A_695, %select_n3A_789 : vector<16xi32>
    %eq3A_791 = arith.constant 1 : i32
    %eq3A_792 = vector.broadcast %eq3A_791 : i32 to vector<16xi32>
    %eq3A_793 = arith.cmpi eq, %gather3A_781, %eq3A_792 : vector<16xi32>
    %jit3A_794 = arith.constant 1 : i32
    %jit3A_795 = arith.constant 0 : i32
    %broadcast_in_dim3A_796 = vector.broadcast %jit3A_794 : i32 to vector<16xi32>
    %broadcast_in_dim3A_797 = vector.broadcast %jit3A_795 : i32 to vector<16xi32>
    %select_n3A_798 = arith.select %eq3A_793, %broadcast_in_dim3A_796, %broadcast_in_dim3A_797 : vector<16xi1>, vector<16xi32>
    %add3A_799 = arith.addi %add3A_704, %select_n3A_798 : vector<16xi32>
    %eq3A_800 = arith.constant 2 : i32
    %eq3A_801 = vector.broadcast %eq3A_800 : i32 to vector<16xi32>
    %eq3A_802 = arith.cmpi eq, %gather3A_781, %eq3A_801 : vector<16xi32>
    %jit3A_803 = arith.constant 1 : i32
    %jit3A_804 = arith.constant 0 : i32
    %broadcast_in_dim3A_805 = vector.broadcast %jit3A_803 : i32 to vector<16xi32>
    %broadcast_in_dim3A_806 = vector.broadcast %jit3A_804 : i32 to vector<16xi32>
    %select_n3A_807 = arith.select %eq3A_802, %broadcast_in_dim3A_805, %broadcast_in_dim3A_806 : vector<16xi1>, vector<16xi32>
    %add3A_808 = arith.addi %add3A_713, %select_n3A_807 : vector<16xi32>
    %eq3A_809 = arith.constant 3 : i32
    %eq3A_810 = vector.broadcast %eq3A_809 : i32 to vector<16xi32>
    %eq3A_811 = arith.cmpi eq, %gather3A_781, %eq3A_810 : vector<16xi32>
    %jit3A_812 = arith.constant 1 : i32
    %jit3A_813 = arith.constant 0 : i32
    %broadcast_in_dim3A_814 = vector.broadcast %jit3A_812 : i32 to vector<16xi32>
    %broadcast_in_dim3A_815 = vector.broadcast %jit3A_813 : i32 to vector<16xi32>
    %select_n3A_816 = arith.select %eq3A_811, %broadcast_in_dim3A_814, %broadcast_in_dim3A_815 : vector<16xi1>, vector<16xi32>
    %add3A_817 = arith.addi %add3A_722, %select_n3A_816 : vector<16xi32>
    %eq3A_818 = arith.constant 4 : i32
    %eq3A_819 = vector.broadcast %eq3A_818 : i32 to vector<16xi32>
    %eq3A_820 = arith.cmpi eq, %gather3A_781, %eq3A_819 : vector<16xi32>
    %jit3A_821 = arith.constant 1 : i32
    %jit3A_822 = arith.constant 0 : i32
    %broadcast_in_dim3A_823 = vector.broadcast %jit3A_821 : i32 to vector<16xi32>
    %broadcast_in_dim3A_824 = vector.broadcast %jit3A_822 : i32 to vector<16xi32>
    %select_n3A_825 = arith.select %eq3A_820, %broadcast_in_dim3A_823, %broadcast_in_dim3A_824 : vector<16xi1>, vector<16xi32>
    %add3A_826 = arith.addi %add3A_731, %select_n3A_825 : vector<16xi32>
    %eq3A_827 = arith.constant 5 : i32
    %eq3A_828 = vector.broadcast %eq3A_827 : i32 to vector<16xi32>
    %eq3A_829 = arith.cmpi eq, %gather3A_781, %eq3A_828 : vector<16xi32>
    %jit3A_830 = arith.constant 1 : i32
    %jit3A_831 = arith.constant 0 : i32
    %broadcast_in_dim3A_832 = vector.broadcast %jit3A_830 : i32 to vector<16xi32>
    %broadcast_in_dim3A_833 = vector.broadcast %jit3A_831 : i32 to vector<16xi32>
    %select_n3A_834 = arith.select %eq3A_829, %broadcast_in_dim3A_832, %broadcast_in_dim3A_833 : vector<16xi1>, vector<16xi32>
    %add3A_835 = arith.addi %add3A_740, %select_n3A_834 : vector<16xi32>
    %eq3A_836 = arith.constant 6 : i32
    %eq3A_837 = vector.broadcast %eq3A_836 : i32 to vector<16xi32>
    %eq3A_838 = arith.cmpi eq, %gather3A_781, %eq3A_837 : vector<16xi32>
    %jit3A_839 = arith.constant 1 : i32
    %jit3A_840 = arith.constant 0 : i32
    %broadcast_in_dim3A_841 = vector.broadcast %jit3A_839 : i32 to vector<16xi32>
    %broadcast_in_dim3A_842 = vector.broadcast %jit3A_840 : i32 to vector<16xi32>
    %select_n3A_843 = arith.select %eq3A_838, %broadcast_in_dim3A_841, %broadcast_in_dim3A_842 : vector<16xi1>, vector<16xi32>
    %add3A_844 = arith.addi %add3A_749, %select_n3A_843 : vector<16xi32>
    %eq3A_845 = arith.constant 7 : i32
    %eq3A_846 = vector.broadcast %eq3A_845 : i32 to vector<16xi32>
    %eq3A_847 = arith.cmpi eq, %gather3A_781, %eq3A_846 : vector<16xi32>
    %jit3A_848 = arith.constant 1 : i32
    %jit3A_849 = arith.constant 0 : i32
    %broadcast_in_dim3A_850 = vector.broadcast %jit3A_848 : i32 to vector<16xi32>
    %broadcast_in_dim3A_851 = vector.broadcast %jit3A_849 : i32 to vector<16xi32>
    %select_n3A_852 = arith.select %eq3A_847, %broadcast_in_dim3A_850, %broadcast_in_dim3A_851 : vector<16xi1>, vector<16xi32>
    %add3A_853 = arith.addi %add3A_758, %select_n3A_852 : vector<16xi32>
    %eq3A_854 = arith.constant 8 : i32
    %eq3A_855 = vector.broadcast %eq3A_854 : i32 to vector<16xi32>
    %eq3A_856 = arith.cmpi eq, %gather3A_781, %eq3A_855 : vector<16xi32>
    %jit3A_857 = arith.constant 1 : i32
    %jit3A_858 = arith.constant 0 : i32
    %broadcast_in_dim3A_859 = vector.broadcast %jit3A_857 : i32 to vector<16xi32>
    %broadcast_in_dim3A_860 = vector.broadcast %jit3A_858 : i32 to vector<16xi32>
    %select_n3A_861 = arith.select %eq3A_856, %broadcast_in_dim3A_859, %broadcast_in_dim3A_860 : vector<16xi1>, vector<16xi32>
    %add3A_862 = arith.addi %add3A_767, %select_n3A_861 : vector<16xi32>
    %eq3A_863 = arith.constant 9 : i32
    %eq3A_864 = vector.broadcast %eq3A_863 : i32 to vector<16xi32>
    %eq3A_865 = arith.cmpi eq, %gather3A_781, %eq3A_864 : vector<16xi32>
    %jit3A_866 = arith.constant 1 : i32
    %jit3A_867 = arith.constant 0 : i32
    %broadcast_in_dim3A_868 = vector.broadcast %jit3A_866 : i32 to vector<16xi32>
    %broadcast_in_dim3A_869 = vector.broadcast %jit3A_867 : i32 to vector<16xi32>
    %select_n3A_870 = arith.select %eq3A_865, %broadcast_in_dim3A_868, %broadcast_in_dim3A_869 : vector<16xi1>, vector<16xi32>
    %add3A_871 = arith.addi %add3A_776, %select_n3A_870 : vector<16xi32>
    %get3A_872 = arith.constant 9 : i32
    %get3A_873 = arith.index_cast %get3A_872 : i32 to index
    %get3A_874 = arith.constant 0 : index
    %get3A_875 = tpu.vector_load %arg6[%get3A_873, %get3A_874] {strides = array<i32>} : memref<16x32xi32, #tpu.memory_space<vmem>>, vector<16xi32>,
    %gather3A_876 = tpu.vector_load_idx %arg5[%get3A_875] : memref<100000xi32, #tpu.memory_space<vmem>>[vector<16xi32>], vector<16xi32>,
    %eq3A_877 = arith.constant 0 : i32
    %eq3A_878 = vector.broadcast %eq3A_877 : i32 to vector<16xi32>
    %eq3A_879 = arith.cmpi eq, %gather3A_876, %eq3A_878 : vector<16xi32>
    %jit3A_880 = arith.constant 1 : i32
    %jit3A_881 = arith.constant 0 : i32
    %broadcast_in_dim3A_882 = vector.broadcast %jit3A_880 : i32 to vector<16xi32>
    %broadcast_in_dim3A_883 = vector.broadcast %jit3A_881 : i32 to vector<16xi32>
    %select_n3A_884 = arith.select %eq3A_879, %broadcast_in_dim3A_882, %broadcast_in_dim3A_883 : vector<16xi1>, vector<16xi32>
    %add3A_885 = arith.addi %add3A_790, %select_n3A_884 : vector<16xi32>
    %eq3A_886 = arith.constant 1 : i32
    %eq3A_887 = vector.broadcast %eq3A_886 : i32 to vector<16xi32>
    %eq3A_888 = arith.cmpi eq, %gather3A_876, %eq3A_887 : vector<16xi32>
    %jit3A_889 = arith.constant 1 : i32
    %jit3A_890 = arith.constant 0 : i32
    %broadcast_in_dim3A_891 = vector.broadcast %jit3A_889 : i32 to vector<16xi32>
    %broadcast_in_dim3A_892 = vector.broadcast %jit3A_890 : i32 to vector<16xi32>
    %select_n3A_893 = arith.select %eq3A_888, %broadcast_in_dim3A_891, %broadcast_in_dim3A_892 : vector<16xi1>, vector<16xi32>
    %add3A_894 = arith.addi %add3A_799, %select_n3A_893 : vector<16xi32>
    %eq3A_895 = arith.constant 2 : i32
    %eq3A_896 = vector.broadcast %eq3A_895 : i32 to vector<16xi32>
    %eq3A_897 = arith.cmpi eq, %gather3A_876, %eq3A_896 : vector<16xi32>
    %jit3A_898 = arith.constant 1 : i32
    %jit3A_899 = arith.constant 0 : i32
    %broadcast_in_dim3A_900 = vector.broadcast %jit3A_898 : i32 to vector<16xi32>
    %broadcast_in_dim3A_901 = vector.broadcast %jit3A_899 : i32 to vector<16xi32>
    %select_n3A_902 = arith.select %eq3A_897, %broadcast_in_dim3A_900, %broadcast_in_dim3A_901 : vector<16xi1>, vector<16xi32>
    %add3A_903 = arith.addi %add3A_808, %select_n3A_902 : vector<16xi32>
    %eq3A_904 = arith.constant 3 : i32
    %eq3A_905 = vector.broadcast %eq3A_904 : i32 to vector<16xi32>
    %eq3A_906 = arith.cmpi eq, %gather3A_876, %eq3A_905 : vector<16xi32>
    %jit3A_907 = arith.constant 1 : i32
    %jit3A_908 = arith.constant 0 : i32
    %broadcast_in_dim3A_909 = vector.broadcast %jit3A_907 : i32 to vector<16xi32>
    %broadcast_in_dim3A_910 = vector.broadcast %jit3A_908 : i32 to vector<16xi32>
    %select_n3A_911 = arith.select %eq3A_906, %broadcast_in_dim3A_909, %broadcast_in_dim3A_910 : vector<16xi1>, vector<16xi32>
    %add3A_912 = arith.addi %add3A_817, %select_n3A_911 : vector<16xi32>
    %eq3A_913 = arith.constant 4 : i32
    %eq3A_914 = vector.broadcast %eq3A_913 : i32 to vector<16xi32>
    %eq3A_915 = arith.cmpi eq, %gather3A_876, %eq3A_914 : vector<16xi32>
    %jit3A_916 = arith.constant 1 : i32
    %jit3A_917 = arith.constant 0 : i32
    %broadcast_in_dim3A_918 = vector.broadcast %jit3A_916 : i32 to vector<16xi32>
    %broadcast_in_dim3A_919 = vector.broadcast %jit3A_917 : i32 to vector<16xi32>
    %select_n3A_920 = arith.select %eq3A_915, %broadcast_in_dim3A_918, %broadcast_in_dim3A_919 : vector<16xi1>, vector<16xi32>
    %add3A_921 = arith.addi %add3A_826, %select_n3A_920 : vector<16xi32>
    %eq3A_922 = arith.constant 5 : i32
    %eq3A_923 = vector.broadcast %eq3A_922 : i32 to vector<16xi32>
    %eq3A_924 = arith.cmpi eq, %gather3A_876, %eq3A_923 : vector<16xi32>
    %jit3A_925 = arith.constant 1 : i32
    %jit3A_926 = arith.constant 0 : i32
    %broadcast_in_dim3A_927 = vector.broadcast %jit3A_925 : i32 to vector<16xi32>
    %broadcast_in_dim3A_928 = vector.broadcast %jit3A_926 : i32 to vector<16xi32>
    %select_n3A_929 = arith.select %eq3A_924, %broadcast_in_dim3A_927, %broadcast_in_dim3A_928 : vector<16xi1>, vector<16xi32>
    %add3A_930 = arith.addi %add3A_835, %select_n3A_929 : vector<16xi32>
    %eq3A_931 = arith.constant 6 : i32
    %eq3A_932 = vector.broadcast %eq3A_931 : i32 to vector<16xi32>
    %eq3A_933 = arith.cmpi eq, %gather3A_876, %eq3A_932 : vector<16xi32>
    %jit3A_934 = arith.constant 1 : i32
    %jit3A_935 = arith.constant 0 : i32
    %broadcast_in_dim3A_936 = vector.broadcast %jit3A_934 : i32 to vector<16xi32>
    %broadcast_in_dim3A_937 = vector.broadcast %jit3A_935 : i32 to vector<16xi32>
    %select_n3A_938 = arith.select %eq3A_933, %broadcast_in_dim3A_936, %broadcast_in_dim3A_937 : vector<16xi1>, vector<16xi32>
    %add3A_939 = arith.addi %add3A_844, %select_n3A_938 : vector<16xi32>
    %eq3A_940 = arith.constant 7 : i32
    %eq3A_941 = vector.broadcast %eq3A_940 : i32 to vector<16xi32>
    %eq3A_942 = arith.cmpi eq, %gather3A_876, %eq3A_941 : vector<16xi32>
    %jit3A_943 = arith.constant 1 : i32
    %jit3A_944 = arith.constant 0 : i32
    %broadcast_in_dim3A_945 = vector.broadcast %jit3A_943 : i32 to vector<16xi32>
    %broadcast_in_dim3A_946 = vector.broadcast %jit3A_944 : i32 to vector<16xi32>
    %select_n3A_947 = arith.select %eq3A_942, %broadcast_in_dim3A_945, %broadcast_in_dim3A_946 : vector<16xi1>, vector<16xi32>
    %add3A_948 = arith.addi %add3A_853, %select_n3A_947 : vector<16xi32>
    %eq3A_949 = arith.constant 8 : i32
    %eq3A_950 = vector.broadcast %eq3A_949 : i32 to vector<16xi32>
    %eq3A_951 = arith.cmpi eq, %gather3A_876, %eq3A_950 : vector<16xi32>
    %jit3A_952 = arith.constant 1 : i32
    %jit3A_953 = arith.constant 0 : i32
    %broadcast_in_dim3A_954 = vector.broadcast %jit3A_952 : i32 to vector<16xi32>
    %broadcast_in_dim3A_955 = vector.broadcast %jit3A_953 : i32 to vector<16xi32>
    %select_n3A_956 = arith.select %eq3A_951, %broadcast_in_dim3A_954, %broadcast_in_dim3A_955 : vector<16xi1>, vector<16xi32>
    %add3A_957 = arith.addi %add3A_862, %select_n3A_956 : vector<16xi32>
    %eq3A_958 = arith.constant 9 : i32
    %eq3A_959 = vector.broadcast %eq3A_958 : i32 to vector<16xi32>
    %eq3A_960 = arith.cmpi eq, %gather3A_876, %eq3A_959 : vector<16xi32>
    %jit3A_961 = arith.constant 1 : i32
    %jit3A_962 = arith.constant 0 : i32
    %broadcast_in_dim3A_963 = vector.broadcast %jit3A_961 : i32 to vector<16xi32>
    %broadcast_in_dim3A_964 = vector.broadcast %jit3A_962 : i32 to vector<16xi32>
    %select_n3A_965 = arith.select %eq3A_960, %broadcast_in_dim3A_963, %broadcast_in_dim3A_964 : vector<16xi1>, vector<16xi32>
    %add3A_966 = arith.addi %add3A_871, %select_n3A_965 : vector<16xi32>
    %get3A_967 = arith.constant 10 : i32
    %get3A_968 = arith.index_cast %get3A_967 : i32 to index
    %get3A_969 = arith.constant 0 : index
    %get3A_970 = tpu.vector_load %arg6[%get3A_968, %get3A_969] {strides = array<i32>} : memref<16x32xi32, #tpu.memory_space<vmem>>, vector<16xi32>,
    %gather3A_971 = tpu.vector_load_idx %arg5[%get3A_970] : memref<100000xi32, #tpu.memory_space<vmem>>[vector<16xi32>], vector<16xi32>,
    %eq3A_972 = arith.constant 0 : i32
    %eq3A_973 = vector.broadcast %eq3A_972 : i32 to vector<16xi32>
    %eq3A_974 = arith.cmpi eq, %gather3A_971, %eq3A_973 : vector<16xi32>
    %jit3A_975 = arith.constant 1 : i32
    %jit3A_976 = arith.constant 0 : i32
    %broadcast_in_dim3A_977 = vector.broadcast %jit3A_975 : i32 to vector<16xi32>
    %broadcast_in_dim3A_978 = vector.broadcast %jit3A_976 : i32 to vector<16xi32>
    %select_n3A_979 = arith.select %eq3A_974, %broadcast_in_dim3A_977, %broadcast_in_dim3A_978 : vector<16xi1>, vector<16xi32>
    %add3A_980 = arith.addi %add3A_885, %select_n3A_979 : vector<16xi32>
    %eq3A_981 = arith.constant 1 : i32
    %eq3A_982 = vector.broadcast %eq3A_981 : i32 to vector<16xi32>
    %eq3A_983 = arith.cmpi eq, %gather3A_971, %eq3A_982 : vector<16xi32>
    %jit3A_984 = arith.constant 1 : i32
    %jit3A_985 = arith.constant 0 : i32
    %broadcast_in_dim3A_986 = vector.broadcast %jit3A_984 : i32 to vector<16xi32>
    %broadcast_in_dim3A_987 = vector.broadcast %jit3A_985 : i32 to vector<16xi32>
    %select_n3A_988 = arith.select %eq3A_983, %broadcast_in_dim3A_986, %broadcast_in_dim3A_987 : vector<16xi1>, vector<16xi32>
    %add3A_989 = arith.addi %add3A_894, %select_n3A_988 : vector<16xi32>
    %eq3A_990 = arith.constant 2 : i32
    %eq3A_991 = vector.broadcast %eq3A_990 : i32 to vector<16xi32>
    %eq3A_992 = arith.cmpi eq, %gather3A_971, %eq3A_991 : vector<16xi32>
    %jit3A_993 = arith.constant 1 : i32
    %jit3A_994 = arith.constant 0 : i32
    %broadcast_in_dim3A_995 = vector.broadcast %jit3A_993 : i32 to vector<16xi32>
    %broadcast_in_dim3A_996 = vector.broadcast %jit3A_994 : i32 to vector<16xi32>
    %select_n3A_997 = arith.select %eq3A_992, %broadcast_in_dim3A_995, %broadcast_in_dim3A_996 : vector<16xi1>, vector<16xi32>
    %add3A_998 = arith.addi %add3A_903, %select_n3A_997 : vector<16xi32>
    %eq3A_999 = arith.constant 3 : i32
    %eq3A_1000 = vector.broadcast %eq3A_999 : i32 to vector<16xi32>
    %eq3A_1001 = arith.cmpi eq, %gather3A_971, %eq3A_1000 : vector<16xi32>
    %jit3A_1002 = arith.constant 1 : i32
    %jit3A_1003 = arith.constant 0 : i32
    %broadcast_in_dim3A_1004 = vector.broadcast %jit3A_1002 : i32 to vector<16xi32>
    %broadcast_in_dim3A_1005 = vector.broadcast %jit3A_1003 : i32 to vector<16xi32>
    %select_n3A_1006 = arith.select %eq3A_1001, %broadcast_in_dim3A_1004, %broadcast_in_dim3A_1005 : vector<16xi1>, vector<16xi32>
    %add3A_1007 = arith.addi %add3A_912, %select_n3A_1006 : vector<16xi32>
    %eq3A_1008 = arith.constant 4 : i32
    %eq3A_1009 = vector.broadcast %eq3A_1008 : i32 to vector<16xi32>
    %eq3A_1010 = arith.cmpi eq, %gather3A_971, %eq3A_1009 : vector<16xi32>
    %jit3A_1011 = arith.constant 1 : i32
    %jit3A_1012 = arith.constant 0 : i32
    %broadcast_in_dim3A_1013 = vector.broadcast %jit3A_1011 : i32 to vector<16xi32>
    %broadcast_in_dim3A_1014 = vector.broadcast %jit3A_1012 : i32 to vector<16xi32>
    %select_n3A_1015 = arith.select %eq3A_1010, %broadcast_in_dim3A_1013, %broadcast_in_dim3A_1014 : vector<16xi1>, vector<16xi32>
    %add3A_1016 = arith.addi %add3A_921, %select_n3A_1015 : vector<16xi32>
    %eq3A_1017 = arith.constant 5 : i32
    %eq3A_1018 = vector.broadcast %eq3A_1017 : i32 to vector<16xi32>
    %eq3A_1019 = arith.cmpi eq, %gather3A_971, %eq3A_1018 : vector<16xi32>
    %jit3A_1020 = arith.constant 1 : i32
    %jit3A_1021 = arith.constant 0 : i32
    %broadcast_in_dim3A_1022 = vector.broadcast %jit3A_1020 : i32 to vector<16xi32>
    %broadcast_in_dim3A_1023 = vector.broadcast %jit3A_1021 : i32 to vector<16xi32>
    %select_n3A_1024 = arith.select %eq3A_1019, %broadcast_in_dim3A_1022, %broadcast_in_dim3A_1023 : vector<16xi1>, vector<16xi32>
    %add3A_1025 = arith.addi %add3A_930, %select_n3A_1024 : vector<16xi32>
    %eq3A_1026 = arith.constant 6 : i32
    %eq3A_1027 = vector.broadcast %eq3A_1026 : i32 to vector<16xi32>
    %eq3A_1028 = arith.cmpi eq, %gather3A_971, %eq3A_1027 : vector<16xi32>
    %jit3A_1029 = arith.constant 1 : i32
    %jit3A_1030 = arith.constant 0 : i32
    %broadcast_in_dim3A_1031 = vector.broadcast %jit3A_1029 : i32 to vector<16xi32>
    %broadcast_in_dim3A_1032 = vector.broadcast %jit3A_1030 : i32 to vector<16xi32>
    %select_n3A_1033 = arith.select %eq3A_1028, %broadcast_in_dim3A_1031, %broadcast_in_dim3A_1032 : vector<16xi1>, vector<16xi32>
    %add3A_1034 = arith.addi %add3A_939, %select_n3A_1033 : vector<16xi32>
    %eq3A_1035 = arith.constant 7 : i32
    %eq3A_1036 = vector.broadcast %eq3A_1035 : i32 to vector<16xi32>
    %eq3A_1037 = arith.cmpi eq, %gather3A_971, %eq3A_1036 : vector<16xi32>
    %jit3A_1038 = arith.constant 1 : i32
    %jit3A_1039 = arith.constant 0 : i32
    %broadcast_in_dim3A_1040 = vector.broadcast %jit3A_1038 : i32 to vector<16xi32>
    %broadcast_in_dim3A_1041 = vector.broadcast %jit3A_1039 : i32 to vector<16xi32>
    %select_n3A_1042 = arith.select %eq3A_1037, %broadcast_in_dim3A_1040, %broadcast_in_dim3A_1041 : vector<16xi1>, vector<16xi32>
    %add3A_1043 = arith.addi %add3A_948, %select_n3A_1042 : vector<16xi32>
    %eq3A_1044 = arith.constant 8 : i32
    %eq3A_1045 = vector.broadcast %eq3A_1044 : i32 to vector<16xi32>
    %eq3A_1046 = arith.cmpi eq, %gather3A_971, %eq3A_1045 : vector<16xi32>
    %jit3A_1047 = arith.constant 1 : i32
    %jit3A_1048 = arith.constant 0 : i32
    %broadcast_in_dim3A_1049 = vector.broadcast %jit3A_1047 : i32 to vector<16xi32>
    %broadcast_in_dim3A_1050 = vector.broadcast %jit3A_1048 : i32 to vector<16xi32>
    %select_n3A_1051 = arith.select %eq3A_1046, %broadcast_in_dim3A_1049, %broadcast_in_dim3A_1050 : vector<16xi1>, vector<16xi32>
    %add3A_1052 = arith.addi %add3A_957, %select_n3A_1051 : vector<16xi32>
    %eq3A_1053 = arith.constant 9 : i32
    %eq3A_1054 = vector.broadcast %eq3A_1053 : i32 to vector<16xi32>
    %eq3A_1055 = arith.cmpi eq, %gather3A_971, %eq3A_1054 : vector<16xi32>
    %jit3A_1056 = arith.constant 1 : i32
    %jit3A_1057 = arith.constant 0 : i32
    %broadcast_in_dim3A_1058 = vector.broadcast %jit3A_1056 : i32 to vector<16xi32>
    %broadcast_in_dim3A_1059 = vector.broadcast %jit3A_1057 : i32 to vector<16xi32>
    %select_n3A_1060 = arith.select %eq3A_1055, %broadcast_in_dim3A_1058, %broadcast_in_dim3A_1059 : vector<16xi1>, vector<16xi32>
    %add3A_1061 = arith.addi %add3A_966, %select_n3A_1060 : vector<16xi32>
    %get3A_1062 = arith.constant 11 : i32
    %get3A_1063 = arith.index_cast %get3A_1062 : i32 to index
    %get3A_1064 = arith.constant 0 : index
    %get3A_1065 = tpu.vector_load %arg6[%get3A_1063, %get3A_1064] {strides = array<i32>} : memref<16x32xi32, #tpu.memory_space<vmem>>, vector<16xi32>,
    %gather3A_1066 = tpu.vector_load_idx %arg5[%get3A_1065] : memref<100000xi32, #tpu.memory_space<vmem>>[vector<16xi32>], vector<16xi32>,
    %eq3A_1067 = arith.constant 0 : i32
    %eq3A_1068 = vector.broadcast %eq3A_1067 : i32 to vector<16xi32>
    %eq3A_1069 = arith.cmpi eq, %gather3A_1066, %eq3A_1068 : vector<16xi32>
    %jit3A_1070 = arith.constant 1 : i32
    %jit3A_1071 = arith.constant 0 : i32
    %broadcast_in_dim3A_1072 = vector.broadcast %jit3A_1070 : i32 to vector<16xi32>
    %broadcast_in_dim3A_1073 = vector.broadcast %jit3A_1071 : i32 to vector<16xi32>
    %select_n3A_1074 = arith.select %eq3A_1069, %broadcast_in_dim3A_1072, %broadcast_in_dim3A_1073 : vector<16xi1>, vector<16xi32>
    %add3A_1075 = arith.addi %add3A_980, %select_n3A_1074 : vector<16xi32>
    %eq3A_1076 = arith.constant 1 : i32
    %eq3A_1077 = vector.broadcast %eq3A_1076 : i32 to vector<16xi32>
    %eq3A_1078 = arith.cmpi eq, %gather3A_1066, %eq3A_1077 : vector<16xi32>
    %jit3A_1079 = arith.constant 1 : i32
    %jit3A_1080 = arith.constant 0 : i32
    %broadcast_in_dim3A_1081 = vector.broadcast %jit3A_1079 : i32 to vector<16xi32>
    %broadcast_in_dim3A_1082 = vector.broadcast %jit3A_1080 : i32 to vector<16xi32>
    %select_n3A_1083 = arith.select %eq3A_1078, %broadcast_in_dim3A_1081, %broadcast_in_dim3A_1082 : vector<16xi1>, vector<16xi32>
    %add3A_1084 = arith.addi %add3A_989, %select_n3A_1083 : vector<16xi32>
    %eq3A_1085 = arith.constant 2 : i32
    %eq3A_1086 = vector.broadcast %eq3A_1085 : i32 to vector<16xi32>
    %eq3A_1087 = arith.cmpi eq, %gather3A_1066, %eq3A_1086 : vector<16xi32>
    %jit3A_1088 = arith.constant 1 : i32
    %jit3A_1089 = arith.constant 0 : i32
    %broadcast_in_dim3A_1090 = vector.broadcast %jit3A_1088 : i32 to vector<16xi32>
    %broadcast_in_dim3A_1091 = vector.broadcast %jit3A_1089 : i32 to vector<16xi32>
    %select_n3A_1092 = arith.select %eq3A_1087, %broadcast_in_dim3A_1090, %broadcast_in_dim3A_1091 : vector<16xi1>, vector<16xi32>
    %add3A_1093 = arith.addi %add3A_998, %select_n3A_1092 : vector<16xi32>
    %eq3A_1094 = arith.constant 3 : i32
    %eq3A_1095 = vector.broadcast %eq3A_1094 : i32 to vector<16xi32>
    %eq3A_1096 = arith.cmpi eq, %gather3A_1066, %eq3A_1095 : vector<16xi32>
    %jit3A_1097 = arith.constant 1 : i32
    %jit3A_1098 = arith.constant 0 : i32
    %broadcast_in_dim3A_1099 = vector.broadcast %jit3A_1097 : i32 to vector<16xi32>
    %broadcast_in_dim3A_1100 = vector.broadcast %jit3A_1098 : i32 to vector<16xi32>
    %select_n3A_1101 = arith.select %eq3A_1096, %broadcast_in_dim3A_1099, %broadcast_in_dim3A_1100 : vector<16xi1>, vector<16xi32>
    %add3A_1102 = arith.addi %add3A_1007, %select_n3A_1101 : vector<16xi32>
    %eq3A_1103 = arith.constant 4 : i32
    %eq3A_1104 = vector.broadcast %eq3A_1103 : i32 to vector<16xi32>
    %eq3A_1105 = arith.cmpi eq, %gather3A_1066, %eq3A_1104 : vector<16xi32>
    %jit3A_1106 = arith.constant 1 : i32
    %jit3A_1107 = arith.constant 0 : i32
    %broadcast_in_dim3A_1108 = vector.broadcast %jit3A_1106 : i32 to vector<16xi32>
    %broadcast_in_dim3A_1109 = vector.broadcast %jit3A_1107 : i32 to vector<16xi32>
    %select_n3A_1110 = arith.select %eq3A_1105, %broadcast_in_dim3A_1108, %broadcast_in_dim3A_1109 : vector<16xi1>, vector<16xi32>
    %add3A_1111 = arith.addi %add3A_1016, %select_n3A_1110 : vector<16xi32>
    %eq3A_1112 = arith.constant 5 : i32
    %eq3A_1113 = vector.broadcast %eq3A_1112 : i32 to vector<16xi32>
    %eq3A_1114 = arith.cmpi eq, %gather3A_1066, %eq3A_1113 : vector<16xi32>
    %jit3A_1115 = arith.constant 1 : i32
    %jit3A_1116 = arith.constant 0 : i32
    %broadcast_in_dim3A_1117 = vector.broadcast %jit3A_1115 : i32 to vector<16xi32>
    %broadcast_in_dim3A_1118 = vector.broadcast %jit3A_1116 : i32 to vector<16xi32>
    %select_n3A_1119 = arith.select %eq3A_1114, %broadcast_in_dim3A_1117, %broadcast_in_dim3A_1118 : vector<16xi1>, vector<16xi32>
    %add3A_1120 = arith.addi %add3A_1025, %select_n3A_1119 : vector<16xi32>
    %eq3A_1121 = arith.constant 6 : i32
    %eq3A_1122 = vector.broadcast %eq3A_1121 : i32 to vector<16xi32>
    %eq3A_1123 = arith.cmpi eq, %gather3A_1066, %eq3A_1122 : vector<16xi32>
    %jit3A_1124 = arith.constant 1 : i32
    %jit3A_1125 = arith.constant 0 : i32
    %broadcast_in_dim3A_1126 = vector.broadcast %jit3A_1124 : i32 to vector<16xi32>
    %broadcast_in_dim3A_1127 = vector.broadcast %jit3A_1125 : i32 to vector<16xi32>
    %select_n3A_1128 = arith.select %eq3A_1123, %broadcast_in_dim3A_1126, %broadcast_in_dim3A_1127 : vector<16xi1>, vector<16xi32>
    %add3A_1129 = arith.addi %add3A_1034, %select_n3A_1128 : vector<16xi32>
    %eq3A_1130 = arith.constant 7 : i32
    %eq3A_1131 = vector.broadcast %eq3A_1130 : i32 to vector<16xi32>
    %eq3A_1132 = arith.cmpi eq, %gather3A_1066, %eq3A_1131 : vector<16xi32>
    %jit3A_1133 = arith.constant 1 : i32
    %jit3A_1134 = arith.constant 0 : i32
    %broadcast_in_dim3A_1135 = vector.broadcast %jit3A_1133 : i32 to vector<16xi32>
    %broadcast_in_dim3A_1136 = vector.broadcast %jit3A_1134 : i32 to vector<16xi32>
    %select_n3A_1137 = arith.select %eq3A_1132, %broadcast_in_dim3A_1135, %broadcast_in_dim3A_1136 : vector<16xi1>, vector<16xi32>
    %add3A_1138 = arith.addi %add3A_1043, %select_n3A_1137 : vector<16xi32>
    %eq3A_1139 = arith.constant 8 : i32
    %eq3A_1140 = vector.broadcast %eq3A_1139 : i32 to vector<16xi32>
    %eq3A_1141 = arith.cmpi eq, %gather3A_1066, %eq3A_1140 : vector<16xi32>
    %jit3A_1142 = arith.constant 1 : i32
    %jit3A_1143 = arith.constant 0 : i32
    %broadcast_in_dim3A_1144 = vector.broadcast %jit3A_1142 : i32 to vector<16xi32>
    %broadcast_in_dim3A_1145 = vector.broadcast %jit3A_1143 : i32 to vector<16xi32>
    %select_n3A_1146 = arith.select %eq3A_1141, %broadcast_in_dim3A_1144, %broadcast_in_dim3A_1145 : vector<16xi1>, vector<16xi32>
    %add3A_1147 = arith.addi %add3A_1052, %select_n3A_1146 : vector<16xi32>
    %eq3A_1148 = arith.constant 9 : i32
    %eq3A_1149 = vector.broadcast %eq3A_1148 : i32 to vector<16xi32>
    %eq3A_1150 = arith.cmpi eq, %gather3A_1066, %eq3A_1149 : vector<16xi32>
    %jit3A_1151 = arith.constant 1 : i32
    %jit3A_1152 = arith.constant 0 : i32
    %broadcast_in_dim3A_1153 = vector.broadcast %jit3A_1151 : i32 to vector<16xi32>
    %broadcast_in_dim3A_1154 = vector.broadcast %jit3A_1152 : i32 to vector<16xi32>
    %select_n3A_1155 = arith.select %eq3A_1150, %broadcast_in_dim3A_1153, %broadcast_in_dim3A_1154 : vector<16xi1>, vector<16xi32>
    %add3A_1156 = arith.addi %add3A_1061, %select_n3A_1155 : vector<16xi32>
    %get3A_1157 = arith.constant 12 : i32
    %get3A_1158 = arith.index_cast %get3A_1157 : i32 to index
    %get3A_1159 = arith.constant 0 : index
    %get3A_1160 = tpu.vector_load %arg6[%get3A_1158, %get3A_1159] {strides = array<i32>} : memref<16x32xi32, #tpu.memory_space<vmem>>, vector<16xi32>,
    %gather3A_1161 = tpu.vector_load_idx %arg5[%get3A_1160] : memref<100000xi32, #tpu.memory_space<vmem>>[vector<16xi32>], vector<16xi32>,
    %eq3A_1162 = arith.constant 0 : i32
    %eq3A_1163 = vector.broadcast %eq3A_1162 : i32 to vector<16xi32>
    %eq3A_1164 = arith.cmpi eq, %gather3A_1161, %eq3A_1163 : vector<16xi32>
    %jit3A_1165 = arith.constant 1 : i32
    %jit3A_1166 = arith.constant 0 : i32
    %broadcast_in_dim3A_1167 = vector.broadcast %jit3A_1165 : i32 to vector<16xi32>
    %broadcast_in_dim3A_1168 = vector.broadcast %jit3A_1166 : i32 to vector<16xi32>
    %select_n3A_1169 = arith.select %eq3A_1164, %broadcast_in_dim3A_1167, %broadcast_in_dim3A_1168 : vector<16xi1>, vector<16xi32>
    %add3A_1170 = arith.addi %add3A_1075, %select_n3A_1169 : vector<16xi32>
    %eq3A_1171 = arith.constant 1 : i32
    %eq3A_1172 = vector.broadcast %eq3A_1171 : i32 to vector<16xi32>
    %eq3A_1173 = arith.cmpi eq, %gather3A_1161, %eq3A_1172 : vector<16xi32>
    %jit3A_1174 = arith.constant 1 : i32
    %jit3A_1175 = arith.constant 0 : i32
    %broadcast_in_dim3A_1176 = vector.broadcast %jit3A_1174 : i32 to vector<16xi32>
    %broadcast_in_dim3A_1177 = vector.broadcast %jit3A_1175 : i32 to vector<16xi32>
    %select_n3A_1178 = arith.select %eq3A_1173, %broadcast_in_dim3A_1176, %broadcast_in_dim3A_1177 : vector<16xi1>, vector<16xi32>
    %add3A_1179 = arith.addi %add3A_1084, %select_n3A_1178 : vector<16xi32>
    %eq3A_1180 = arith.constant 2 : i32
    %eq3A_1181 = vector.broadcast %eq3A_1180 : i32 to vector<16xi32>
    %eq3A_1182 = arith.cmpi eq, %gather3A_1161, %eq3A_1181 : vector<16xi32>
    %jit3A_1183 = arith.constant 1 : i32
    %jit3A_1184 = arith.constant 0 : i32
    %broadcast_in_dim3A_1185 = vector.broadcast %jit3A_1183 : i32 to vector<16xi32>
    %broadcast_in_dim3A_1186 = vector.broadcast %jit3A_1184 : i32 to vector<16xi32>
    %select_n3A_1187 = arith.select %eq3A_1182, %broadcast_in_dim3A_1185, %broadcast_in_dim3A_1186 : vector<16xi1>, vector<16xi32>
    %add3A_1188 = arith.addi %add3A_1093, %select_n3A_1187 : vector<16xi32>
    %eq3A_1189 = arith.constant 3 : i32
    %eq3A_1190 = vector.broadcast %eq3A_1189 : i32 to vector<16xi32>
    %eq3A_1191 = arith.cmpi eq, %gather3A_1161, %eq3A_1190 : vector<16xi32>
    %jit3A_1192 = arith.constant 1 : i32
    %jit3A_1193 = arith.constant 0 : i32
    %broadcast_in_dim3A_1194 = vector.broadcast %jit3A_1192 : i32 to vector<16xi32>
    %broadcast_in_dim3A_1195 = vector.broadcast %jit3A_1193 : i32 to vector<16xi32>
    %select_n3A_1196 = arith.select %eq3A_1191, %broadcast_in_dim3A_1194, %broadcast_in_dim3A_1195 : vector<16xi1>, vector<16xi32>
    %add3A_1197 = arith.addi %add3A_1102, %select_n3A_1196 : vector<16xi32>
    %eq3A_1198 = arith.constant 4 : i32
    %eq3A_1199 = vector.broadcast %eq3A_1198 : i32 to vector<16xi32>
    %eq3A_1200 = arith.cmpi eq, %gather3A_1161, %eq3A_1199 : vector<16xi32>
    %jit3A_1201 = arith.constant 1 : i32
    %jit3A_1202 = arith.constant 0 : i32
    %broadcast_in_dim3A_1203 = vector.broadcast %jit3A_1201 : i32 to vector<16xi32>
    %broadcast_in_dim3A_1204 = vector.broadcast %jit3A_1202 : i32 to vector<16xi32>
    %select_n3A_1205 = arith.select %eq3A_1200, %broadcast_in_dim3A_1203, %broadcast_in_dim3A_1204 : vector<16xi1>, vector<16xi32>
    %add3A_1206 = arith.addi %add3A_1111, %select_n3A_1205 : vector<16xi32>
    %eq3A_1207 = arith.constant 5 : i32
    %eq3A_1208 = vector.broadcast %eq3A_1207 : i32 to vector<16xi32>
    %eq3A_1209 = arith.cmpi eq, %gather3A_1161, %eq3A_1208 : vector<16xi32>
    %jit3A_1210 = arith.constant 1 : i32
    %jit3A_1211 = arith.constant 0 : i32
    %broadcast_in_dim3A_1212 = vector.broadcast %jit3A_1210 : i32 to vector<16xi32>
    %broadcast_in_dim3A_1213 = vector.broadcast %jit3A_1211 : i32 to vector<16xi32>
    %select_n3A_1214 = arith.select %eq3A_1209, %broadcast_in_dim3A_1212, %broadcast_in_dim3A_1213 : vector<16xi1>, vector<16xi32>
    %add3A_1215 = arith.addi %add3A_1120, %select_n3A_1214 : vector<16xi32>
    %eq3A_1216 = arith.constant 6 : i32
    %eq3A_1217 = vector.broadcast %eq3A_1216 : i32 to vector<16xi32>
    %eq3A_1218 = arith.cmpi eq, %gather3A_1161, %eq3A_1217 : vector<16xi32>
    %jit3A_1219 = arith.constant 1 : i32
    %jit3A_1220 = arith.constant 0 : i32
    %broadcast_in_dim3A_1221 = vector.broadcast %jit3A_1219 : i32 to vector<16xi32>
    %broadcast_in_dim3A_1222 = vector.broadcast %jit3A_1220 : i32 to vector<16xi32>
    %select_n3A_1223 = arith.select %eq3A_1218, %broadcast_in_dim3A_1221, %broadcast_in_dim3A_1222 : vector<16xi1>, vector<16xi32>
    %add3A_1224 = arith.addi %add3A_1129, %select_n3A_1223 : vector<16xi32>
    %eq3A_1225 = arith.constant 7 : i32
    %eq3A_1226 = vector.broadcast %eq3A_1225 : i32 to vector<16xi32>
    %eq3A_1227 = arith.cmpi eq, %gather3A_1161, %eq3A_1226 : vector<16xi32>
    %jit3A_1228 = arith.constant 1 : i32
    %jit3A_1229 = arith.constant 0 : i32
    %broadcast_in_dim3A_1230 = vector.broadcast %jit3A_1228 : i32 to vector<16xi32>
    %broadcast_in_dim3A_1231 = vector.broadcast %jit3A_1229 : i32 to vector<16xi32>
    %select_n3A_1232 = arith.select %eq3A_1227, %broadcast_in_dim3A_1230, %broadcast_in_dim3A_1231 : vector<16xi1>, vector<16xi32>
    %add3A_1233 = arith.addi %add3A_1138, %select_n3A_1232 : vector<16xi32>
    %eq3A_1234 = arith.constant 8 : i32
    %eq3A_1235 = vector.broadcast %eq3A_1234 : i32 to vector<16xi32>
    %eq3A_1236 = arith.cmpi eq, %gather3A_1161, %eq3A_1235 : vector<16xi32>
    %jit3A_1237 = arith.constant 1 : i32
    %jit3A_1238 = arith.constant 0 : i32
    %broadcast_in_dim3A_1239 = vector.broadcast %jit3A_1237 : i32 to vector<16xi32>
    %broadcast_in_dim3A_1240 = vector.broadcast %jit3A_1238 : i32 to vector<16xi32>
    %select_n3A_1241 = arith.select %eq3A_1236, %broadcast_in_dim3A_1239, %broadcast_in_dim3A_1240 : vector<16xi1>, vector<16xi32>
    %add3A_1242 = arith.addi %add3A_1147, %select_n3A_1241 : vector<16xi32>
    %eq3A_1243 = arith.constant 9 : i32
    %eq3A_1244 = vector.broadcast %eq3A_1243 : i32 to vector<16xi32>
    %eq3A_1245 = arith.cmpi eq, %gather3A_1161, %eq3A_1244 : vector<16xi32>
    %jit3A_1246 = arith.constant 1 : i32
    %jit3A_1247 = arith.constant 0 : i32
    %broadcast_in_dim3A_1248 = vector.broadcast %jit3A_1246 : i32 to vector<16xi32>
    %broadcast_in_dim3A_1249 = vector.broadcast %jit3A_1247 : i32 to vector<16xi32>
    %select_n3A_1250 = arith.select %eq3A_1245, %broadcast_in_dim3A_1248, %broadcast_in_dim3A_1249 : vector<16xi1>, vector<16xi32>
    %add3A_1251 = arith.addi %add3A_1156, %select_n3A_1250 : vector<16xi32>
    %get3A_1252 = arith.constant 13 : i32
    %get3A_1253 = arith.index_cast %get3A_1252 : i32 to index
    %get3A_1254 = arith.constant 0 : index
    %get3A_1255 = tpu.vector_load %arg6[%get3A_1253, %get3A_1254] {strides = array<i32>} : memref<16x32xi32, #tpu.memory_space<vmem>>, vector<16xi32>,
    %gather3A_1256 = tpu.vector_load_idx %arg5[%get3A_1255] : memref<100000xi32, #tpu.memory_space<vmem>>[vector<16xi32>], vector<16xi32>,
    %eq3A_1257 = arith.constant 0 : i32
    %eq3A_1258 = vector.broadcast %eq3A_1257 : i32 to vector<16xi32>
    %eq3A_1259 = arith.cmpi eq, %gather3A_1256, %eq3A_1258 : vector<16xi32>
    %jit3A_1260 = arith.constant 1 : i32
    %jit3A_1261 = arith.constant 0 : i32
    %broadcast_in_dim3A_1262 = vector.broadcast %jit3A_1260 : i32 to vector<16xi32>
    %broadcast_in_dim3A_1263 = vector.broadcast %jit3A_1261 : i32 to vector<16xi32>
    %select_n3A_1264 = arith.select %eq3A_1259, %broadcast_in_dim3A_1262, %broadcast_in_dim3A_1263 : vector<16xi1>, vector<16xi32>
    %add3A_1265 = arith.addi %add3A_1170, %select_n3A_1264 : vector<16xi32>
    %eq3A_1266 = arith.constant 1 : i32
    %eq3A_1267 = vector.broadcast %eq3A_1266 : i32 to vector<16xi32>
    %eq3A_1268 = arith.cmpi eq, %gather3A_1256, %eq3A_1267 : vector<16xi32>
    %jit3A_1269 = arith.constant 1 : i32
    %jit3A_1270 = arith.constant 0 : i32
    %broadcast_in_dim3A_1271 = vector.broadcast %jit3A_1269 : i32 to vector<16xi32>
    %broadcast_in_dim3A_1272 = vector.broadcast %jit3A_1270 : i32 to vector<16xi32>
    %select_n3A_1273 = arith.select %eq3A_1268, %broadcast_in_dim3A_1271, %broadcast_in_dim3A_1272 : vector<16xi1>, vector<16xi32>
    %add3A_1274 = arith.addi %add3A_1179, %select_n3A_1273 : vector<16xi32>
    %eq3A_1275 = arith.constant 2 : i32
    %eq3A_1276 = vector.broadcast %eq3A_1275 : i32 to vector<16xi32>
    %eq3A_1277 = arith.cmpi eq, %gather3A_1256, %eq3A_1276 : vector<16xi32>
    %jit3A_1278 = arith.constant 1 : i32
    %jit3A_1279 = arith.constant 0 : i32
    %broadcast_in_dim3A_1280 = vector.broadcast %jit3A_1278 : i32 to vector<16xi32>
    %broadcast_in_dim3A_1281 = vector.broadcast %jit3A_1279 : i32 to vector<16xi32>
    %select_n3A_1282 = arith.select %eq3A_1277, %broadcast_in_dim3A_1280, %broadcast_in_dim3A_1281 : vector<16xi1>, vector<16xi32>
    %add3A_1283 = arith.addi %add3A_1188, %select_n3A_1282 : vector<16xi32>
    %eq3A_1284 = arith.constant 3 : i32
    %eq3A_1285 = vector.broadcast %eq3A_1284 : i32 to vector<16xi32>
    %eq3A_1286 = arith.cmpi eq, %gather3A_1256, %eq3A_1285 : vector<16xi32>
    %jit3A_1287 = arith.constant 1 : i32
    %jit3A_1288 = arith.constant 0 : i32
    %broadcast_in_dim3A_1289 = vector.broadcast %jit3A_1287 : i32 to vector<16xi32>
    %broadcast_in_dim3A_1290 = vector.broadcast %jit3A_1288 : i32 to vector<16xi32>
    %select_n3A_1291 = arith.select %eq3A_1286, %broadcast_in_dim3A_1289, %broadcast_in_dim3A_1290 : vector<16xi1>, vector<16xi32>
    %add3A_1292 = arith.addi %add3A_1197, %select_n3A_1291 : vector<16xi32>
    %eq3A_1293 = arith.constant 4 : i32
    %eq3A_1294 = vector.broadcast %eq3A_1293 : i32 to vector<16xi32>
    %eq3A_1295 = arith.cmpi eq, %gather3A_1256, %eq3A_1294 : vector<16xi32>
    %jit3A_1296 = arith.constant 1 : i32
    %jit3A_1297 = arith.constant 0 : i32
    %broadcast_in_dim3A_1298 = vector.broadcast %jit3A_1296 : i32 to vector<16xi32>
    %broadcast_in_dim3A_1299 = vector.broadcast %jit3A_1297 : i32 to vector<16xi32>
    %select_n3A_1300 = arith.select %eq3A_1295, %broadcast_in_dim3A_1298, %broadcast_in_dim3A_1299 : vector<16xi1>, vector<16xi32>
    %add3A_1301 = arith.addi %add3A_1206, %select_n3A_1300 : vector<16xi32>
    %eq3A_1302 = arith.constant 5 : i32
    %eq3A_1303 = vector.broadcast %eq3A_1302 : i32 to vector<16xi32>
    %eq3A_1304 = arith.cmpi eq, %gather3A_1256, %eq3A_1303 : vector<16xi32>
    %jit3A_1305 = arith.constant 1 : i32
    %jit3A_1306 = arith.constant 0 : i32
    %broadcast_in_dim3A_1307 = vector.broadcast %jit3A_1305 : i32 to vector<16xi32>
    %broadcast_in_dim3A_1308 = vector.broadcast %jit3A_1306 : i32 to vector<16xi32>
    %select_n3A_1309 = arith.select %eq3A_1304, %broadcast_in_dim3A_1307, %broadcast_in_dim3A_1308 : vector<16xi1>, vector<16xi32>
    %add3A_1310 = arith.addi %add3A_1215, %select_n3A_1309 : vector<16xi32>
    %eq3A_1311 = arith.constant 6 : i32
    %eq3A_1312 = vector.broadcast %eq3A_1311 : i32 to vector<16xi32>
    %eq3A_1313 = arith.cmpi eq, %gather3A_1256, %eq3A_1312 : vector<16xi32>
    %jit3A_1314 = arith.constant 1 : i32
    %jit3A_1315 = arith.constant 0 : i32
    %broadcast_in_dim3A_1316 = vector.broadcast %jit3A_1314 : i32 to vector<16xi32>
    %broadcast_in_dim3A_1317 = vector.broadcast %jit3A_1315 : i32 to vector<16xi32>
    %select_n3A_1318 = arith.select %eq3A_1313, %broadcast_in_dim3A_1316, %broadcast_in_dim3A_1317 : vector<16xi1>, vector<16xi32>
    %add3A_1319 = arith.addi %add3A_1224, %select_n3A_1318 : vector<16xi32>
    %eq3A_1320 = arith.constant 7 : i32
    %eq3A_1321 = vector.broadcast %eq3A_1320 : i32 to vector<16xi32>
    %eq3A_1322 = arith.cmpi eq, %gather3A_1256, %eq3A_1321 : vector<16xi32>
    %jit3A_1323 = arith.constant 1 : i32
    %jit3A_1324 = arith.constant 0 : i32
    %broadcast_in_dim3A_1325 = vector.broadcast %jit3A_1323 : i32 to vector<16xi32>
    %broadcast_in_dim3A_1326 = vector.broadcast %jit3A_1324 : i32 to vector<16xi32>
    %select_n3A_1327 = arith.select %eq3A_1322, %broadcast_in_dim3A_1325, %broadcast_in_dim3A_1326 : vector<16xi1>, vector<16xi32>
    %add3A_1328 = arith.addi %add3A_1233, %select_n3A_1327 : vector<16xi32>
    %eq3A_1329 = arith.constant 8 : i32
    %eq3A_1330 = vector.broadcast %eq3A_1329 : i32 to vector<16xi32>
    %eq3A_1331 = arith.cmpi eq, %gather3A_1256, %eq3A_1330 : vector<16xi32>
    %jit3A_1332 = arith.constant 1 : i32
    %jit3A_1333 = arith.constant 0 : i32
    %broadcast_in_dim3A_1334 = vector.broadcast %jit3A_1332 : i32 to vector<16xi32>
    %broadcast_in_dim3A_1335 = vector.broadcast %jit3A_1333 : i32 to vector<16xi32>
    %select_n3A_1336 = arith.select %eq3A_1331, %broadcast_in_dim3A_1334, %broadcast_in_dim3A_1335 : vector<16xi1>, vector<16xi32>
    %add3A_1337 = arith.addi %add3A_1242, %select_n3A_1336 : vector<16xi32>
    %eq3A_1338 = arith.constant 9 : i32
    %eq3A_1339 = vector.broadcast %eq3A_1338 : i32 to vector<16xi32>
    %eq3A_1340 = arith.cmpi eq, %gather3A_1256, %eq3A_1339 : vector<16xi32>
    %jit3A_1341 = arith.constant 1 : i32
    %jit3A_1342 = arith.constant 0 : i32
    %broadcast_in_dim3A_1343 = vector.broadcast %jit3A_1341 : i32 to vector<16xi32>
    %broadcast_in_dim3A_1344 = vector.broadcast %jit3A_1342 : i32 to vector<16xi32>
    %select_n3A_1345 = arith.select %eq3A_1340, %broadcast_in_dim3A_1343, %broadcast_in_dim3A_1344 : vector<16xi1>, vector<16xi32>
    %add3A_1346 = arith.addi %add3A_1251, %select_n3A_1345 : vector<16xi32>
    %get3A_1347 = arith.constant 14 : i32
    %get3A_1348 = arith.index_cast %get3A_1347 : i32 to index
    %get3A_1349 = arith.constant 0 : index
    %get3A_1350 = tpu.vector_load %arg6[%get3A_1348, %get3A_1349] {strides = array<i32>} : memref<16x32xi32, #tpu.memory_space<vmem>>, vector<16xi32>,
    %gather3A_1351 = tpu.vector_load_idx %arg5[%get3A_1350] : memref<100000xi32, #tpu.memory_space<vmem>>[vector<16xi32>], vector<16xi32>,
    %eq3A_1352 = arith.constant 0 : i32
    %eq3A_1353 = vector.broadcast %eq3A_1352 : i32 to vector<16xi32>
    %eq3A_1354 = arith.cmpi eq, %gather3A_1351, %eq3A_1353 : vector<16xi32>
    %jit3A_1355 = arith.constant 1 : i32
    %jit3A_1356 = arith.constant 0 : i32
    %broadcast_in_dim3A_1357 = vector.broadcast %jit3A_1355 : i32 to vector<16xi32>
    %broadcast_in_dim3A_1358 = vector.broadcast %jit3A_1356 : i32 to vector<16xi32>
    %select_n3A_1359 = arith.select %eq3A_1354, %broadcast_in_dim3A_1357, %broadcast_in_dim3A_1358 : vector<16xi1>, vector<16xi32>
    %add3A_1360 = arith.addi %add3A_1265, %select_n3A_1359 : vector<16xi32>
    %eq3A_1361 = arith.constant 1 : i32
    %eq3A_1362 = vector.broadcast %eq3A_1361 : i32 to vector<16xi32>
    %eq3A_1363 = arith.cmpi eq, %gather3A_1351, %eq3A_1362 : vector<16xi32>
    %jit3A_1364 = arith.constant 1 : i32
    %jit3A_1365 = arith.constant 0 : i32
    %broadcast_in_dim3A_1366 = vector.broadcast %jit3A_1364 : i32 to vector<16xi32>
    %broadcast_in_dim3A_1367 = vector.broadcast %jit3A_1365 : i32 to vector<16xi32>
    %select_n3A_1368 = arith.select %eq3A_1363, %broadcast_in_dim3A_1366, %broadcast_in_dim3A_1367 : vector<16xi1>, vector<16xi32>
    %add3A_1369 = arith.addi %add3A_1274, %select_n3A_1368 : vector<16xi32>
    %eq3A_1370 = arith.constant 2 : i32
    %eq3A_1371 = vector.broadcast %eq3A_1370 : i32 to vector<16xi32>
    %eq3A_1372 = arith.cmpi eq, %gather3A_1351, %eq3A_1371 : vector<16xi32>
    %jit3A_1373 = arith.constant 1 : i32
    %jit3A_1374 = arith.constant 0 : i32
    %broadcast_in_dim3A_1375 = vector.broadcast %jit3A_1373 : i32 to vector<16xi32>
    %broadcast_in_dim3A_1376 = vector.broadcast %jit3A_1374 : i32 to vector<16xi32>
    %select_n3A_1377 = arith.select %eq3A_1372, %broadcast_in_dim3A_1375, %broadcast_in_dim3A_1376 : vector<16xi1>, vector<16xi32>
    %add3A_1378 = arith.addi %add3A_1283, %select_n3A_1377 : vector<16xi32>
    %eq3A_1379 = arith.constant 3 : i32
    %eq3A_1380 = vector.broadcast %eq3A_1379 : i32 to vector<16xi32>
    %eq3A_1381 = arith.cmpi eq, %gather3A_1351, %eq3A_1380 : vector<16xi32>
    %jit3A_1382 = arith.constant 1 : i32
    %jit3A_1383 = arith.constant 0 : i32
    %broadcast_in_dim3A_1384 = vector.broadcast %jit3A_1382 : i32 to vector<16xi32>
    %broadcast_in_dim3A_1385 = vector.broadcast %jit3A_1383 : i32 to vector<16xi32>
    %select_n3A_1386 = arith.select %eq3A_1381, %broadcast_in_dim3A_1384, %broadcast_in_dim3A_1385 : vector<16xi1>, vector<16xi32>
    %add3A_1387 = arith.addi %add3A_1292, %select_n3A_1386 : vector<16xi32>
    %eq3A_1388 = arith.constant 4 : i32
    %eq3A_1389 = vector.broadcast %eq3A_1388 : i32 to vector<16xi32>
    %eq3A_1390 = arith.cmpi eq, %gather3A_1351, %eq3A_1389 : vector<16xi32>
    %jit3A_1391 = arith.constant 1 : i32
    %jit3A_1392 = arith.constant 0 : i32
    %broadcast_in_dim3A_1393 = vector.broadcast %jit3A_1391 : i32 to vector<16xi32>
    %broadcast_in_dim3A_1394 = vector.broadcast %jit3A_1392 : i32 to vector<16xi32>
    %select_n3A_1395 = arith.select %eq3A_1390, %broadcast_in_dim3A_1393, %broadcast_in_dim3A_1394 : vector<16xi1>, vector<16xi32>
    %add3A_1396 = arith.addi %add3A_1301, %select_n3A_1395 : vector<16xi32>
    %eq3A_1397 = arith.constant 5 : i32
    %eq3A_1398 = vector.broadcast %eq3A_1397 : i32 to vector<16xi32>
    %eq3A_1399 = arith.cmpi eq, %gather3A_1351, %eq3A_1398 : vector<16xi32>
    %jit3A_1400 = arith.constant 1 : i32
    %jit3A_1401 = arith.constant 0 : i32
    %broadcast_in_dim3A_1402 = vector.broadcast %jit3A_1400 : i32 to vector<16xi32>
    %broadcast_in_dim3A_1403 = vector.broadcast %jit3A_1401 : i32 to vector<16xi32>
    %select_n3A_1404 = arith.select %eq3A_1399, %broadcast_in_dim3A_1402, %broadcast_in_dim3A_1403 : vector<16xi1>, vector<16xi32>
    %add3A_1405 = arith.addi %add3A_1310, %select_n3A_1404 : vector<16xi32>
    %eq3A_1406 = arith.constant 6 : i32
    %eq3A_1407 = vector.broadcast %eq3A_1406 : i32 to vector<16xi32>
    %eq3A_1408 = arith.cmpi eq, %gather3A_1351, %eq3A_1407 : vector<16xi32>
    %jit3A_1409 = arith.constant 1 : i32
    %jit3A_1410 = arith.constant 0 : i32
    %broadcast_in_dim3A_1411 = vector.broadcast %jit3A_1409 : i32 to vector<16xi32>
    %broadcast_in_dim3A_1412 = vector.broadcast %jit3A_1410 : i32 to vector<16xi32>
    %select_n3A_1413 = arith.select %eq3A_1408, %broadcast_in_dim3A_1411, %broadcast_in_dim3A_1412 : vector<16xi1>, vector<16xi32>
    %add3A_1414 = arith.addi %add3A_1319, %select_n3A_1413 : vector<16xi32>
    %eq3A_1415 = arith.constant 7 : i32
    %eq3A_1416 = vector.broadcast %eq3A_1415 : i32 to vector<16xi32>
    %eq3A_1417 = arith.cmpi eq, %gather3A_1351, %eq3A_1416 : vector<16xi32>
    %jit3A_1418 = arith.constant 1 : i32
    %jit3A_1419 = arith.constant 0 : i32
    %broadcast_in_dim3A_1420 = vector.broadcast %jit3A_1418 : i32 to vector<16xi32>
    %broadcast_in_dim3A_1421 = vector.broadcast %jit3A_1419 : i32 to vector<16xi32>
    %select_n3A_1422 = arith.select %eq3A_1417, %broadcast_in_dim3A_1420, %broadcast_in_dim3A_1421 : vector<16xi1>, vector<16xi32>
    %add3A_1423 = arith.addi %add3A_1328, %select_n3A_1422 : vector<16xi32>
    %eq3A_1424 = arith.constant 8 : i32
    %eq3A_1425 = vector.broadcast %eq3A_1424 : i32 to vector<16xi32>
    %eq3A_1426 = arith.cmpi eq, %gather3A_1351, %eq3A_1425 : vector<16xi32>
    %jit3A_1427 = arith.constant 1 : i32
    %jit3A_1428 = arith.constant 0 : i32
    %broadcast_in_dim3A_1429 = vector.broadcast %jit3A_1427 : i32 to vector<16xi32>
    %broadcast_in_dim3A_1430 = vector.broadcast %jit3A_1428 : i32 to vector<16xi32>
    %select_n3A_1431 = arith.select %eq3A_1426, %broadcast_in_dim3A_1429, %broadcast_in_dim3A_1430 : vector<16xi1>, vector<16xi32>
    %add3A_1432 = arith.addi %add3A_1337, %select_n3A_1431 : vector<16xi32>
    %eq3A_1433 = arith.constant 9 : i32
    %eq3A_1434 = vector.broadcast %eq3A_1433 : i32 to vector<16xi32>
    %eq3A_1435 = arith.cmpi eq, %gather3A_1351, %eq3A_1434 : vector<16xi32>
    %jit3A_1436 = arith.constant 1 : i32
    %jit3A_1437 = arith.constant 0 : i32
    %broadcast_in_dim3A_1438 = vector.broadcast %jit3A_1436 : i32 to vector<16xi32>
    %broadcast_in_dim3A_1439 = vector.broadcast %jit3A_1437 : i32 to vector<16xi32>
    %select_n3A_1440 = arith.select %eq3A_1435, %broadcast_in_dim3A_1438, %broadcast_in_dim3A_1439 : vector<16xi1>, vector<16xi32>
    %add3A_1441 = arith.addi %add3A_1346, %select_n3A_1440 : vector<16xi32>
    %get3A_1442 = arith.constant 15 : i32
    %get3A_1443 = arith.index_cast %get3A_1442 : i32 to index
    %get3A_1444 = arith.constant 0 : index
    %get3A_1445 = tpu.vector_load %arg6[%get3A_1443, %get3A_1444] {strides = array<i32>} : memref<16x32xi32, #tpu.memory_space<vmem>>, vector<16xi32>,
    %gather3A_1446 = tpu.vector_load_idx %arg5[%get3A_1445] : memref<100000xi32, #tpu.memory_space<vmem>>[vector<16xi32>], vector<16xi32>,
    %eq3A_1447 = arith.constant 0 : i32
    %eq3A_1448 = vector.broadcast %eq3A_1447 : i32 to vector<16xi32>
    %eq3A_1449 = arith.cmpi eq, %gather3A_1446, %eq3A_1448 : vector<16xi32>
    %jit3A_1450 = arith.constant 1 : i32
    %jit3A_1451 = arith.constant 0 : i32
    %broadcast_in_dim3A_1452 = vector.broadcast %jit3A_1450 : i32 to vector<16xi32>
    %broadcast_in_dim3A_1453 = vector.broadcast %jit3A_1451 : i32 to vector<16xi32>
    %select_n3A_1454 = arith.select %eq3A_1449, %broadcast_in_dim3A_1452, %broadcast_in_dim3A_1453 : vector<16xi1>, vector<16xi32>
    %add3A_1455 = arith.addi %add3A_1360, %select_n3A_1454 : vector<16xi32>
    %eq3A_1456 = arith.constant 1 : i32
    %eq3A_1457 = vector.broadcast %eq3A_1456 : i32 to vector<16xi32>
    %eq3A_1458 = arith.cmpi eq, %gather3A_1446, %eq3A_1457 : vector<16xi32>
    %jit3A_1459 = arith.constant 1 : i32
    %jit3A_1460 = arith.constant 0 : i32
    %broadcast_in_dim3A_1461 = vector.broadcast %jit3A_1459 : i32 to vector<16xi32>
    %broadcast_in_dim3A_1462 = vector.broadcast %jit3A_1460 : i32 to vector<16xi32>
    %select_n3A_1463 = arith.select %eq3A_1458, %broadcast_in_dim3A_1461, %broadcast_in_dim3A_1462 : vector<16xi1>, vector<16xi32>
    %add3A_1464 = arith.addi %add3A_1369, %select_n3A_1463 : vector<16xi32>
    %eq3A_1465 = arith.constant 2 : i32
    %eq3A_1466 = vector.broadcast %eq3A_1465 : i32 to vector<16xi32>
    %eq3A_1467 = arith.cmpi eq, %gather3A_1446, %eq3A_1466 : vector<16xi32>
    %jit3A_1468 = arith.constant 1 : i32
    %jit3A_1469 = arith.constant 0 : i32
    %broadcast_in_dim3A_1470 = vector.broadcast %jit3A_1468 : i32 to vector<16xi32>
    %broadcast_in_dim3A_1471 = vector.broadcast %jit3A_1469 : i32 to vector<16xi32>
    %select_n3A_1472 = arith.select %eq3A_1467, %broadcast_in_dim3A_1470, %broadcast_in_dim3A_1471 : vector<16xi1>, vector<16xi32>
    %add3A_1473 = arith.addi %add3A_1378, %select_n3A_1472 : vector<16xi32>
    %eq3A_1474 = arith.constant 3 : i32
    %eq3A_1475 = vector.broadcast %eq3A_1474 : i32 to vector<16xi32>
    %eq3A_1476 = arith.cmpi eq, %gather3A_1446, %eq3A_1475 : vector<16xi32>
    %jit3A_1477 = arith.constant 1 : i32
    %jit3A_1478 = arith.constant 0 : i32
    %broadcast_in_dim3A_1479 = vector.broadcast %jit3A_1477 : i32 to vector<16xi32>
    %broadcast_in_dim3A_1480 = vector.broadcast %jit3A_1478 : i32 to vector<16xi32>
    %select_n3A_1481 = arith.select %eq3A_1476, %broadcast_in_dim3A_1479, %broadcast_in_dim3A_1480 : vector<16xi1>, vector<16xi32>
    %add3A_1482 = arith.addi %add3A_1387, %select_n3A_1481 : vector<16xi32>
    %eq3A_1483 = arith.constant 4 : i32
    %eq3A_1484 = vector.broadcast %eq3A_1483 : i32 to vector<16xi32>
    %eq3A_1485 = arith.cmpi eq, %gather3A_1446, %eq3A_1484 : vector<16xi32>
    %jit3A_1486 = arith.constant 1 : i32
    %jit3A_1487 = arith.constant 0 : i32
    %broadcast_in_dim3A_1488 = vector.broadcast %jit3A_1486 : i32 to vector<16xi32>
    %broadcast_in_dim3A_1489 = vector.broadcast %jit3A_1487 : i32 to vector<16xi32>
    %select_n3A_1490 = arith.select %eq3A_1485, %broadcast_in_dim3A_1488, %broadcast_in_dim3A_1489 : vector<16xi1>, vector<16xi32>
    %add3A_1491 = arith.addi %add3A_1396, %select_n3A_1490 : vector<16xi32>
    %eq3A_1492 = arith.constant 5 : i32
    %eq3A_1493 = vector.broadcast %eq3A_1492 : i32 to vector<16xi32>
    %eq3A_1494 = arith.cmpi eq, %gather3A_1446, %eq3A_1493 : vector<16xi32>
    %jit3A_1495 = arith.constant 1 : i32
    %jit3A_1496 = arith.constant 0 : i32
    %broadcast_in_dim3A_1497 = vector.broadcast %jit3A_1495 : i32 to vector<16xi32>
    %broadcast_in_dim3A_1498 = vector.broadcast %jit3A_1496 : i32 to vector<16xi32>
    %select_n3A_1499 = arith.select %eq3A_1494, %broadcast_in_dim3A_1497, %broadcast_in_dim3A_1498 : vector<16xi1>, vector<16xi32>
    %add3A_1500 = arith.addi %add3A_1405, %select_n3A_1499 : vector<16xi32>
    %eq3A_1501 = arith.constant 6 : i32
    %eq3A_1502 = vector.broadcast %eq3A_1501 : i32 to vector<16xi32>
    %eq3A_1503 = arith.cmpi eq, %gather3A_1446, %eq3A_1502 : vector<16xi32>
    %jit3A_1504 = arith.constant 1 : i32
    %jit3A_1505 = arith.constant 0 : i32
    %broadcast_in_dim3A_1506 = vector.broadcast %jit3A_1504 : i32 to vector<16xi32>
    %broadcast_in_dim3A_1507 = vector.broadcast %jit3A_1505 : i32 to vector<16xi32>
    %select_n3A_1508 = arith.select %eq3A_1503, %broadcast_in_dim3A_1506, %broadcast_in_dim3A_1507 : vector<16xi1>, vector<16xi32>
    %add3A_1509 = arith.addi %add3A_1414, %select_n3A_1508 : vector<16xi32>
    %eq3A_1510 = arith.constant 7 : i32
    %eq3A_1511 = vector.broadcast %eq3A_1510 : i32 to vector<16xi32>
    %eq3A_1512 = arith.cmpi eq, %gather3A_1446, %eq3A_1511 : vector<16xi32>
    %jit3A_1513 = arith.constant 1 : i32
    %jit3A_1514 = arith.constant 0 : i32
    %broadcast_in_dim3A_1515 = vector.broadcast %jit3A_1513 : i32 to vector<16xi32>
    %broadcast_in_dim3A_1516 = vector.broadcast %jit3A_1514 : i32 to vector<16xi32>
    %select_n3A_1517 = arith.select %eq3A_1512, %broadcast_in_dim3A_1515, %broadcast_in_dim3A_1516 : vector<16xi1>, vector<16xi32>
    %add3A_1518 = arith.addi %add3A_1423, %select_n3A_1517 : vector<16xi32>
    %eq3A_1519 = arith.constant 8 : i32
    %eq3A_1520 = vector.broadcast %eq3A_1519 : i32 to vector<16xi32>
    %eq3A_1521 = arith.cmpi eq, %gather3A_1446, %eq3A_1520 : vector<16xi32>
    %jit3A_1522 = arith.constant 1 : i32
    %jit3A_1523 = arith.constant 0 : i32
    %broadcast_in_dim3A_1524 = vector.broadcast %jit3A_1522 : i32 to vector<16xi32>
    %broadcast_in_dim3A_1525 = vector.broadcast %jit3A_1523 : i32 to vector<16xi32>
    %select_n3A_1526 = arith.select %eq3A_1521, %broadcast_in_dim3A_1524, %broadcast_in_dim3A_1525 : vector<16xi1>, vector<16xi32>
    %add3A_1527 = arith.addi %add3A_1432, %select_n3A_1526 : vector<16xi32>
    %eq3A_1528 = arith.constant 9 : i32
    %eq3A_1529 = vector.broadcast %eq3A_1528 : i32 to vector<16xi32>
    %eq3A_1530 = arith.cmpi eq, %gather3A_1446, %eq3A_1529 : vector<16xi32>
    %jit3A_1531 = arith.constant 1 : i32
    %jit3A_1532 = arith.constant 0 : i32
    %broadcast_in_dim3A_1533 = vector.broadcast %jit3A_1531 : i32 to vector<16xi32>
    %broadcast_in_dim3A_1534 = vector.broadcast %jit3A_1532 : i32 to vector<16xi32>
    %select_n3A_1535 = arith.select %eq3A_1530, %broadcast_in_dim3A_1533, %broadcast_in_dim3A_1534 : vector<16xi1>, vector<16xi32>
    %add3A_1536 = arith.addi %add3A_1441, %select_n3A_1535 : vector<16xi32>
    %broadcast_in_dim3A_1537 = arith.constant 0 : i32
    %broadcast_in_dim3A_1538 = vector.broadcast %broadcast_in_dim3A_1537 : i32 to vector<16xi32>
    %gt3A = arith.cmpi sgt, %add3A_1464, %add3A_1455 : vector<16xi32>
    %select_n3A_1539 = arith.select %gt3A, %add3A_1464, %add3A_1455 : vector<16xi1>, vector<16xi32>
    %broadcast_in_dim3A_1540 = arith.constant 1 : i32
    %broadcast_in_dim3A_1541 = vector.broadcast %broadcast_in_dim3A_1540 : i32 to vector<16xi32>
    %select_n3A_1542 = arith.select %gt3A, %broadcast_in_dim3A_1541, %broadcast_in_dim3A_1538 : vector<16xi1>, vector<16xi32>
    %gt3A_1543 = arith.cmpi sgt, %add3A_1473, %select_n3A_1539 : vector<16xi32>
    %select_n3A_1544 = arith.select %gt3A_1543, %add3A_1473, %select_n3A_1539 : vector<16xi1>, vector<16xi32>
    %broadcast_in_dim3A_1545 = arith.constant 2 : i32
    %broadcast_in_dim3A_1546 = vector.broadcast %broadcast_in_dim3A_1545 : i32 to vector<16xi32>
    %select_n3A_1547 = arith.select %gt3A_1543, %broadcast_in_dim3A_1546, %select_n3A_1542 : vector<16xi1>, vector<16xi32>
    %gt3A_1548 = arith.cmpi sgt, %add3A_1482, %select_n3A_1544 : vector<16xi32>
    %select_n3A_1549 = arith.select %gt3A_1548, %add3A_1482, %select_n3A_1544 : vector<16xi1>, vector<16xi32>
    %broadcast_in_dim3A_1550 = arith.constant 3 : i32
    %broadcast_in_dim3A_1551 = vector.broadcast %broadcast_in_dim3A_1550 : i32 to vector<16xi32>
    %select_n3A_1552 = arith.select %gt3A_1548, %broadcast_in_dim3A_1551, %select_n3A_1547 : vector<16xi1>, vector<16xi32>
    %gt3A_1553 = arith.cmpi sgt, %add3A_1491, %select_n3A_1549 : vector<16xi32>
    %select_n3A_1554 = arith.select %gt3A_1553, %add3A_1491, %select_n3A_1549 : vector<16xi1>, vector<16xi32>
    %broadcast_in_dim3A_1555 = arith.constant 4 : i32
    %broadcast_in_dim3A_1556 = vector.broadcast %broadcast_in_dim3A_1555 : i32 to vector<16xi32>
    %select_n3A_1557 = arith.select %gt3A_1553, %broadcast_in_dim3A_1556, %select_n3A_1552 : vector<16xi1>, vector<16xi32>
    %gt3A_1558 = arith.cmpi sgt, %add3A_1500, %select_n3A_1554 : vector<16xi32>
    %select_n3A_1559 = arith.select %gt3A_1558, %add3A_1500, %select_n3A_1554 : vector<16xi1>, vector<16xi32>
    %broadcast_in_dim3A_1560 = arith.constant 5 : i32
    %broadcast_in_dim3A_1561 = vector.broadcast %broadcast_in_dim3A_1560 : i32 to vector<16xi32>
    %select_n3A_1562 = arith.select %gt3A_1558, %broadcast_in_dim3A_1561, %select_n3A_1557 : vector<16xi1>, vector<16xi32>
    %gt3A_1563 = arith.cmpi sgt, %add3A_1509, %select_n3A_1559 : vector<16xi32>
    %select_n3A_1564 = arith.select %gt3A_1563, %add3A_1509, %select_n3A_1559 : vector<16xi1>, vector<16xi32>
    %broadcast_in_dim3A_1565 = arith.constant 6 : i32
    %broadcast_in_dim3A_1566 = vector.broadcast %broadcast_in_dim3A_1565 : i32 to vector<16xi32>
    %select_n3A_1567 = arith.select %gt3A_1563, %broadcast_in_dim3A_1566, %select_n3A_1562 : vector<16xi1>, vector<16xi32>
    %gt3A_1568 = arith.cmpi sgt, %add3A_1518, %select_n3A_1564 : vector<16xi32>
    %select_n3A_1569 = arith.select %gt3A_1568, %add3A_1518, %select_n3A_1564 : vector<16xi1>, vector<16xi32>
    %broadcast_in_dim3A_1570 = arith.constant 7 : i32
    %broadcast_in_dim3A_1571 = vector.broadcast %broadcast_in_dim3A_1570 : i32 to vector<16xi32>
    %select_n3A_1572 = arith.select %gt3A_1568, %broadcast_in_dim3A_1571, %select_n3A_1567 : vector<16xi1>, vector<16xi32>
    %gt3A_1573 = arith.cmpi sgt, %add3A_1527, %select_n3A_1569 : vector<16xi32>
    %select_n3A_1574 = arith.select %gt3A_1573, %add3A_1527, %select_n3A_1569 : vector<16xi1>, vector<16xi32>
    %broadcast_in_dim3A_1575 = arith.constant 8 : i32
    %broadcast_in_dim3A_1576 = vector.broadcast %broadcast_in_dim3A_1575 : i32 to vector<16xi32>
    %select_n3A_1577 = arith.select %gt3A_1573, %broadcast_in_dim3A_1576, %select_n3A_1572 : vector<16xi1>, vector<16xi32>
    %gt3A_1578 = arith.cmpi sgt, %add3A_1536, %select_n3A_1574 : vector<16xi32>
    %select_n3A_1579 = arith.select %gt3A_1578, %add3A_1536, %select_n3A_1574 : vector<16xi1>, vector<16xi32>
    %broadcast_in_dim3A_1580 = arith.constant 9 : i32
    %broadcast_in_dim3A_1581 = vector.broadcast %broadcast_in_dim3A_1580 : i32 to vector<16xi32>
    %select_n3A_1582 = arith.select %gt3A_1578, %broadcast_in_dim3A_1581, %select_n3A_1577 : vector<16xi1>, vector<16xi32>
    %swap3A = arith.constant 0 : index
    %swap3A_1583 = tpu.vector_load %arg7[%swap3A] {strides = array<i32>} : memref<32xi32, #tpu.memory_space<vmem>>, vector<16xi32>,
    tpu.vector_store %arg7[%swap3A], %select_n3A_1582 {strides = array<i32>} : memref<32xi32, #tpu.memory_space<vmem>>, vector<16xi32>,
    %broadcast_in_dim3A_1584 = arith.constant 0 : i32
    %broadcast_in_dim3A_1585 = vector.broadcast %broadcast_in_dim3A_1584 : i32 to vector<16xi32>
    %broadcast_in_dim3A_1586 = arith.constant 0 : i32
    %broadcast_in_dim3A_1587 = vector.broadcast %broadcast_in_dim3A_1586 : i32 to vector<16xi32>
    %broadcast_in_dim3A_1588 = arith.constant 0 : i32
    %broadcast_in_dim3A_1589 = vector.broadcast %broadcast_in_dim3A_1588 : i32 to vector<16xi32>
    %broadcast_in_dim3A_1590 = arith.constant 0 : i32
    %broadcast_in_dim3A_1591 = vector.broadcast %broadcast_in_dim3A_1590 : i32 to vector<16xi32>
    %broadcast_in_dim3A_1592 = arith.constant 0 : i32
    %broadcast_in_dim3A_1593 = vector.broadcast %broadcast_in_dim3A_1592 : i32 to vector<16xi32>
    %broadcast_in_dim3A_1594 = arith.constant 0 : i32
    %broadcast_in_dim3A_1595 = vector.broadcast %broadcast_in_dim3A_1594 : i32 to vector<16xi32>
    %broadcast_in_dim3A_1596 = arith.constant 0 : i32
    %broadcast_in_dim3A_1597 = vector.broadcast %broadcast_in_dim3A_1596 : i32 to vector<16xi32>
    %broadcast_in_dim3A_1598 = arith.constant 0 : i32
    %broadcast_in_dim3A_1599 = vector.broadcast %broadcast_in_dim3A_1598 : i32 to vector<16xi32>
    %broadcast_in_dim3A_1600 = arith.constant 0 : i32
    %broadcast_in_dim3A_1601 = vector.broadcast %broadcast_in_dim3A_1600 : i32 to vector<16xi32>
    %broadcast_in_dim3A_1602 = arith.constant 0 : i32
    %broadcast_in_dim3A_1603 = vector.broadcast %broadcast_in_dim3A_1602 : i32 to vector<16xi32>
    %get3A_1604 = arith.constant 0 : i32
    %get3A_1605 = arith.index_cast %get3A_1604 : i32 to index
    %get3A_1606 = arith.constant 16 : index
    %get3A_1607 = tpu.vector_load %arg6[%get3A_1605, %get3A_1606] {strides = array<i32>} : memref<16x32xi32, #tpu.memory_space<vmem>>, vector<16xi32>,
    %gather3A_1608 = tpu.vector_load_idx %arg5[%get3A_1607] : memref<100000xi32, #tpu.memory_space<vmem>>[vector<16xi32>], vector<16xi32>,
    %eq3A_1609 = arith.constant 0 : i32
    %eq3A_1610 = vector.broadcast %eq3A_1609 : i32 to vector<16xi32>
    %eq3A_1611 = arith.cmpi eq, %gather3A_1608, %eq3A_1610 : vector<16xi32>
    %jit3A_1612 = arith.constant 1 : i32
    %jit3A_1613 = arith.constant 0 : i32
    %broadcast_in_dim3A_1614 = vector.broadcast %jit3A_1612 : i32 to vector<16xi32>
    %broadcast_in_dim3A_1615 = vector.broadcast %jit3A_1613 : i32 to vector<16xi32>
    %select_n3A_1616 = arith.select %eq3A_1611, %broadcast_in_dim3A_1614, %broadcast_in_dim3A_1615 : vector<16xi1>, vector<16xi32>
    %add3A_1617 = arith.addi %broadcast_in_dim3A_1585, %select_n3A_1616 : vector<16xi32>
    %eq3A_1618 = arith.constant 1 : i32
    %eq3A_1619 = vector.broadcast %eq3A_1618 : i32 to vector<16xi32>
    %eq3A_1620 = arith.cmpi eq, %gather3A_1608, %eq3A_1619 : vector<16xi32>
    %jit3A_1621 = arith.constant 1 : i32
    %jit3A_1622 = arith.constant 0 : i32
    %broadcast_in_dim3A_1623 = vector.broadcast %jit3A_1621 : i32 to vector<16xi32>
    %broadcast_in_dim3A_1624 = vector.broadcast %jit3A_1622 : i32 to vector<16xi32>
    %select_n3A_1625 = arith.select %eq3A_1620, %broadcast_in_dim3A_1623, %broadcast_in_dim3A_1624 : vector<16xi1>, vector<16xi32>
    %add3A_1626 = arith.addi %broadcast_in_dim3A_1587, %select_n3A_1625 : vector<16xi32>
    %eq3A_1627 = arith.constant 2 : i32
    %eq3A_1628 = vector.broadcast %eq3A_1627 : i32 to vector<16xi32>
    %eq3A_1629 = arith.cmpi eq, %gather3A_1608, %eq3A_1628 : vector<16xi32>
    %jit3A_1630 = arith.constant 1 : i32
    %jit3A_1631 = arith.constant 0 : i32
    %broadcast_in_dim3A_1632 = vector.broadcast %jit3A_1630 : i32 to vector<16xi32>
    %broadcast_in_dim3A_1633 = vector.broadcast %jit3A_1631 : i32 to vector<16xi32>
    %select_n3A_1634 = arith.select %eq3A_1629, %broadcast_in_dim3A_1632, %broadcast_in_dim3A_1633 : vector<16xi1>, vector<16xi32>
    %add3A_1635 = arith.addi %broadcast_in_dim3A_1589, %select_n3A_1634 : vector<16xi32>
    %eq3A_1636 = arith.constant 3 : i32
    %eq3A_1637 = vector.broadcast %eq3A_1636 : i32 to vector<16xi32>
    %eq3A_1638 = arith.cmpi eq, %gather3A_1608, %eq3A_1637 : vector<16xi32>
    %jit3A_1639 = arith.constant 1 : i32
    %jit3A_1640 = arith.constant 0 : i32
    %broadcast_in_dim3A_1641 = vector.broadcast %jit3A_1639 : i32 to vector<16xi32>
    %broadcast_in_dim3A_1642 = vector.broadcast %jit3A_1640 : i32 to vector<16xi32>
    %select_n3A_1643 = arith.select %eq3A_1638, %broadcast_in_dim3A_1641, %broadcast_in_dim3A_1642 : vector<16xi1>, vector<16xi32>
    %add3A_1644 = arith.addi %broadcast_in_dim3A_1591, %select_n3A_1643 : vector<16xi32>
    %eq3A_1645 = arith.constant 4 : i32
    %eq3A_1646 = vector.broadcast %eq3A_1645 : i32 to vector<16xi32>
    %eq3A_1647 = arith.cmpi eq, %gather3A_1608, %eq3A_1646 : vector<16xi32>
    %jit3A_1648 = arith.constant 1 : i32
    %jit3A_1649 = arith.constant 0 : i32
    %broadcast_in_dim3A_1650 = vector.broadcast %jit3A_1648 : i32 to vector<16xi32>
    %broadcast_in_dim3A_1651 = vector.broadcast %jit3A_1649 : i32 to vector<16xi32>
    %select_n3A_1652 = arith.select %eq3A_1647, %broadcast_in_dim3A_1650, %broadcast_in_dim3A_1651 : vector<16xi1>, vector<16xi32>
    %add3A_1653 = arith.addi %broadcast_in_dim3A_1593, %select_n3A_1652 : vector<16xi32>
    %eq3A_1654 = arith.constant 5 : i32
    %eq3A_1655 = vector.broadcast %eq3A_1654 : i32 to vector<16xi32>
    %eq3A_1656 = arith.cmpi eq, %gather3A_1608, %eq3A_1655 : vector<16xi32>
    %jit3A_1657 = arith.constant 1 : i32
    %jit3A_1658 = arith.constant 0 : i32
    %broadcast_in_dim3A_1659 = vector.broadcast %jit3A_1657 : i32 to vector<16xi32>
    %broadcast_in_dim3A_1660 = vector.broadcast %jit3A_1658 : i32 to vector<16xi32>
    %select_n3A_1661 = arith.select %eq3A_1656, %broadcast_in_dim3A_1659, %broadcast_in_dim3A_1660 : vector<16xi1>, vector<16xi32>
    %add3A_1662 = arith.addi %broadcast_in_dim3A_1595, %select_n3A_1661 : vector<16xi32>
    %eq3A_1663 = arith.constant 6 : i32
    %eq3A_1664 = vector.broadcast %eq3A_1663 : i32 to vector<16xi32>
    %eq3A_1665 = arith.cmpi eq, %gather3A_1608, %eq3A_1664 : vector<16xi32>
    %jit3A_1666 = arith.constant 1 : i32
    %jit3A_1667 = arith.constant 0 : i32
    %broadcast_in_dim3A_1668 = vector.broadcast %jit3A_1666 : i32 to vector<16xi32>
    %broadcast_in_dim3A_1669 = vector.broadcast %jit3A_1667 : i32 to vector<16xi32>
    %select_n3A_1670 = arith.select %eq3A_1665, %broadcast_in_dim3A_1668, %broadcast_in_dim3A_1669 : vector<16xi1>, vector<16xi32>
    %add3A_1671 = arith.addi %broadcast_in_dim3A_1597, %select_n3A_1670 : vector<16xi32>
    %eq3A_1672 = arith.constant 7 : i32
    %eq3A_1673 = vector.broadcast %eq3A_1672 : i32 to vector<16xi32>
    %eq3A_1674 = arith.cmpi eq, %gather3A_1608, %eq3A_1673 : vector<16xi32>
    %jit3A_1675 = arith.constant 1 : i32
    %jit3A_1676 = arith.constant 0 : i32
    %broadcast_in_dim3A_1677 = vector.broadcast %jit3A_1675 : i32 to vector<16xi32>
    %broadcast_in_dim3A_1678 = vector.broadcast %jit3A_1676 : i32 to vector<16xi32>
    %select_n3A_1679 = arith.select %eq3A_1674, %broadcast_in_dim3A_1677, %broadcast_in_dim3A_1678 : vector<16xi1>, vector<16xi32>
    %add3A_1680 = arith.addi %broadcast_in_dim3A_1599, %select_n3A_1679 : vector<16xi32>
    %eq3A_1681 = arith.constant 8 : i32
    %eq3A_1682 = vector.broadcast %eq3A_1681 : i32 to vector<16xi32>
    %eq3A_1683 = arith.cmpi eq, %gather3A_1608, %eq3A_1682 : vector<16xi32>
    %jit3A_1684 = arith.constant 1 : i32
    %jit3A_1685 = arith.constant 0 : i32
    %broadcast_in_dim3A_1686 = vector.broadcast %jit3A_1684 : i32 to vector<16xi32>
    %broadcast_in_dim3A_1687 = vector.broadcast %jit3A_1685 : i32 to vector<16xi32>
    %select_n3A_1688 = arith.select %eq3A_1683, %broadcast_in_dim3A_1686, %broadcast_in_dim3A_1687 : vector<16xi1>, vector<16xi32>
    %add3A_1689 = arith.addi %broadcast_in_dim3A_1601, %select_n3A_1688 : vector<16xi32>
    %eq3A_1690 = arith.constant 9 : i32
    %eq3A_1691 = vector.broadcast %eq3A_1690 : i32 to vector<16xi32>
    %eq3A_1692 = arith.cmpi eq, %gather3A_1608, %eq3A_1691 : vector<16xi32>
    %jit3A_1693 = arith.constant 1 : i32
    %jit3A_1694 = arith.constant 0 : i32
    %broadcast_in_dim3A_1695 = vector.broadcast %jit3A_1693 : i32 to vector<16xi32>
    %broadcast_in_dim3A_1696 = vector.broadcast %jit3A_1694 : i32 to vector<16xi32>
    %select_n3A_1697 = arith.select %eq3A_1692, %broadcast_in_dim3A_1695, %broadcast_in_dim3A_1696 : vector<16xi1>, vector<16xi32>
    %add3A_1698 = arith.addi %broadcast_in_dim3A_1603, %select_n3A_1697 : vector<16xi32>
    %get3A_1699 = arith.constant 1 : i32
    %get3A_1700 = arith.index_cast %get3A_1699 : i32 to index
    %get3A_1701 = arith.constant 16 : index
    %get3A_1702 = tpu.vector_load %arg6[%get3A_1700, %get3A_1701] {strides = array<i32>} : memref<16x32xi32, #tpu.memory_space<vmem>>, vector<16xi32>,
    %gather3A_1703 = tpu.vector_load_idx %arg5[%get3A_1702] : memref<100000xi32, #tpu.memory_space<vmem>>[vector<16xi32>], vector<16xi32>,
    %eq3A_1704 = arith.constant 0 : i32
    %eq3A_1705 = vector.broadcast %eq3A_1704 : i32 to vector<16xi32>
    %eq3A_1706 = arith.cmpi eq, %gather3A_1703, %eq3A_1705 : vector<16xi32>
    %jit3A_1707 = arith.constant 1 : i32
    %jit3A_1708 = arith.constant 0 : i32
    %broadcast_in_dim3A_1709 = vector.broadcast %jit3A_1707 : i32 to vector<16xi32>
    %broadcast_in_dim3A_1710 = vector.broadcast %jit3A_1708 : i32 to vector<16xi32>
    %select_n3A_1711 = arith.select %eq3A_1706, %broadcast_in_dim3A_1709, %broadcast_in_dim3A_1710 : vector<16xi1>, vector<16xi32>
    %add3A_1712 = arith.addi %add3A_1617, %select_n3A_1711 : vector<16xi32>
    %eq3A_1713 = arith.constant 1 : i32
    %eq3A_1714 = vector.broadcast %eq3A_1713 : i32 to vector<16xi32>
    %eq3A_1715 = arith.cmpi eq, %gather3A_1703, %eq3A_1714 : vector<16xi32>
    %jit3A_1716 = arith.constant 1 : i32
    %jit3A_1717 = arith.constant 0 : i32
    %broadcast_in_dim3A_1718 = vector.broadcast %jit3A_1716 : i32 to vector<16xi32>
    %broadcast_in_dim3A_1719 = vector.broadcast %jit3A_1717 : i32 to vector<16xi32>
    %select_n3A_1720 = arith.select %eq3A_1715, %broadcast_in_dim3A_1718, %broadcast_in_dim3A_1719 : vector<16xi1>, vector<16xi32>
    %add3A_1721 = arith.addi %add3A_1626, %select_n3A_1720 : vector<16xi32>
    %eq3A_1722 = arith.constant 2 : i32
    %eq3A_1723 = vector.broadcast %eq3A_1722 : i32 to vector<16xi32>
    %eq3A_1724 = arith.cmpi eq, %gather3A_1703, %eq3A_1723 : vector<16xi32>
    %jit3A_1725 = arith.constant 1 : i32
    %jit3A_1726 = arith.constant 0 : i32
    %broadcast_in_dim3A_1727 = vector.broadcast %jit3A_1725 : i32 to vector<16xi32>
    %broadcast_in_dim3A_1728 = vector.broadcast %jit3A_1726 : i32 to vector<16xi32>
    %select_n3A_1729 = arith.select %eq3A_1724, %broadcast_in_dim3A_1727, %broadcast_in_dim3A_1728 : vector<16xi1>, vector<16xi32>
    %add3A_1730 = arith.addi %add3A_1635, %select_n3A_1729 : vector<16xi32>
    %eq3A_1731 = arith.constant 3 : i32
    %eq3A_1732 = vector.broadcast %eq3A_1731 : i32 to vector<16xi32>
    %eq3A_1733 = arith.cmpi eq, %gather3A_1703, %eq3A_1732 : vector<16xi32>
    %jit3A_1734 = arith.constant 1 : i32
    %jit3A_1735 = arith.constant 0 : i32
    %broadcast_in_dim3A_1736 = vector.broadcast %jit3A_1734 : i32 to vector<16xi32>
    %broadcast_in_dim3A_1737 = vector.broadcast %jit3A_1735 : i32 to vector<16xi32>
    %select_n3A_1738 = arith.select %eq3A_1733, %broadcast_in_dim3A_1736, %broadcast_in_dim3A_1737 : vector<16xi1>, vector<16xi32>
    %add3A_1739 = arith.addi %add3A_1644, %select_n3A_1738 : vector<16xi32>
    %eq3A_1740 = arith.constant 4 : i32
    %eq3A_1741 = vector.broadcast %eq3A_1740 : i32 to vector<16xi32>
    %eq3A_1742 = arith.cmpi eq, %gather3A_1703, %eq3A_1741 : vector<16xi32>
    %jit3A_1743 = arith.constant 1 : i32
    %jit3A_1744 = arith.constant 0 : i32
    %broadcast_in_dim3A_1745 = vector.broadcast %jit3A_1743 : i32 to vector<16xi32>
    %broadcast_in_dim3A_1746 = vector.broadcast %jit3A_1744 : i32 to vector<16xi32>
    %select_n3A_1747 = arith.select %eq3A_1742, %broadcast_in_dim3A_1745, %broadcast_in_dim3A_1746 : vector<16xi1>, vector<16xi32>
    %add3A_1748 = arith.addi %add3A_1653, %select_n3A_1747 : vector<16xi32>
    %eq3A_1749 = arith.constant 5 : i32
    %eq3A_1750 = vector.broadcast %eq3A_1749 : i32 to vector<16xi32>
    %eq3A_1751 = arith.cmpi eq, %gather3A_1703, %eq3A_1750 : vector<16xi32>
    %jit3A_1752 = arith.constant 1 : i32
    %jit3A_1753 = arith.constant 0 : i32
    %broadcast_in_dim3A_1754 = vector.broadcast %jit3A_1752 : i32 to vector<16xi32>
    %broadcast_in_dim3A_1755 = vector.broadcast %jit3A_1753 : i32 to vector<16xi32>
    %select_n3A_1756 = arith.select %eq3A_1751, %broadcast_in_dim3A_1754, %broadcast_in_dim3A_1755 : vector<16xi1>, vector<16xi32>
    %add3A_1757 = arith.addi %add3A_1662, %select_n3A_1756 : vector<16xi32>
    %eq3A_1758 = arith.constant 6 : i32
    %eq3A_1759 = vector.broadcast %eq3A_1758 : i32 to vector<16xi32>
    %eq3A_1760 = arith.cmpi eq, %gather3A_1703, %eq3A_1759 : vector<16xi32>
    %jit3A_1761 = arith.constant 1 : i32
    %jit3A_1762 = arith.constant 0 : i32
    %broadcast_in_dim3A_1763 = vector.broadcast %jit3A_1761 : i32 to vector<16xi32>
    %broadcast_in_dim3A_1764 = vector.broadcast %jit3A_1762 : i32 to vector<16xi32>
    %select_n3A_1765 = arith.select %eq3A_1760, %broadcast_in_dim3A_1763, %broadcast_in_dim3A_1764 : vector<16xi1>, vector<16xi32>
    %add3A_1766 = arith.addi %add3A_1671, %select_n3A_1765 : vector<16xi32>
    %eq3A_1767 = arith.constant 7 : i32
    %eq3A_1768 = vector.broadcast %eq3A_1767 : i32 to vector<16xi32>
    %eq3A_1769 = arith.cmpi eq, %gather3A_1703, %eq3A_1768 : vector<16xi32>
    %jit3A_1770 = arith.constant 1 : i32
    %jit3A_1771 = arith.constant 0 : i32
    %broadcast_in_dim3A_1772 = vector.broadcast %jit3A_1770 : i32 to vector<16xi32>
    %broadcast_in_dim3A_1773 = vector.broadcast %jit3A_1771 : i32 to vector<16xi32>
    %select_n3A_1774 = arith.select %eq3A_1769, %broadcast_in_dim3A_1772, %broadcast_in_dim3A_1773 : vector<16xi1>, vector<16xi32>
    %add3A_1775 = arith.addi %add3A_1680, %select_n3A_1774 : vector<16xi32>
    %eq3A_1776 = arith.constant 8 : i32
    %eq3A_1777 = vector.broadcast %eq3A_1776 : i32 to vector<16xi32>
    %eq3A_1778 = arith.cmpi eq, %gather3A_1703, %eq3A_1777 : vector<16xi32>
    %jit3A_1779 = arith.constant 1 : i32
    %jit3A_1780 = arith.constant 0 : i32
    %broadcast_in_dim3A_1781 = vector.broadcast %jit3A_1779 : i32 to vector<16xi32>
    %broadcast_in_dim3A_1782 = vector.broadcast %jit3A_1780 : i32 to vector<16xi32>
    %select_n3A_1783 = arith.select %eq3A_1778, %broadcast_in_dim3A_1781, %broadcast_in_dim3A_1782 : vector<16xi1>, vector<16xi32>
    %add3A_1784 = arith.addi %add3A_1689, %select_n3A_1783 : vector<16xi32>
    %eq3A_1785 = arith.constant 9 : i32
    %eq3A_1786 = vector.broadcast %eq3A_1785 : i32 to vector<16xi32>
    %eq3A_1787 = arith.cmpi eq, %gather3A_1703, %eq3A_1786 : vector<16xi32>
    %jit3A_1788 = arith.constant 1 : i32
    %jit3A_1789 = arith.constant 0 : i32
    %broadcast_in_dim3A_1790 = vector.broadcast %jit3A_1788 : i32 to vector<16xi32>
    %broadcast_in_dim3A_1791 = vector.broadcast %jit3A_1789 : i32 to vector<16xi32>
    %select_n3A_1792 = arith.select %eq3A_1787, %broadcast_in_dim3A_1790, %broadcast_in_dim3A_1791 : vector<16xi1>, vector<16xi32>
    %add3A_1793 = arith.addi %add3A_1698, %select_n3A_1792 : vector<16xi32>
    %get3A_1794 = arith.constant 2 : i32
    %get3A_1795 = arith.index_cast %get3A_1794 : i32 to index
    %get3A_1796 = arith.constant 16 : index
    %get3A_1797 = tpu.vector_load %arg6[%get3A_1795, %get3A_1796] {strides = array<i32>} : memref<16x32xi32, #tpu.memory_space<vmem>>, vector<16xi32>,
    %gather3A_1798 = tpu.vector_load_idx %arg5[%get3A_1797] : memref<100000xi32, #tpu.memory_space<vmem>>[vector<16xi32>], vector<16xi32>,
    %eq3A_1799 = arith.constant 0 : i32
    %eq3A_1800 = vector.broadcast %eq3A_1799 : i32 to vector<16xi32>
    %eq3A_1801 = arith.cmpi eq, %gather3A_1798, %eq3A_1800 : vector<16xi32>
    %jit3A_1802 = arith.constant 1 : i32
    %jit3A_1803 = arith.constant 0 : i32
    %broadcast_in_dim3A_1804 = vector.broadcast %jit3A_1802 : i32 to vector<16xi32>
    %broadcast_in_dim3A_1805 = vector.broadcast %jit3A_1803 : i32 to vector<16xi32>
    %select_n3A_1806 = arith.select %eq3A_1801, %broadcast_in_dim3A_1804, %broadcast_in_dim3A_1805 : vector<16xi1>, vector<16xi32>
    %add3A_1807 = arith.addi %add3A_1712, %select_n3A_1806 : vector<16xi32>
    %eq3A_1808 = arith.constant 1 : i32
    %eq3A_1809 = vector.broadcast %eq3A_1808 : i32 to vector<16xi32>
    %eq3A_1810 = arith.cmpi eq, %gather3A_1798, %eq3A_1809 : vector<16xi32>
    %jit3A_1811 = arith.constant 1 : i32
    %jit3A_1812 = arith.constant 0 : i32
    %broadcast_in_dim3A_1813 = vector.broadcast %jit3A_1811 : i32 to vector<16xi32>
    %broadcast_in_dim3A_1814 = vector.broadcast %jit3A_1812 : i32 to vector<16xi32>
    %select_n3A_1815 = arith.select %eq3A_1810, %broadcast_in_dim3A_1813, %broadcast_in_dim3A_1814 : vector<16xi1>, vector<16xi32>
    %add3A_1816 = arith.addi %add3A_1721, %select_n3A_1815 : vector<16xi32>
    %eq3A_1817 = arith.constant 2 : i32
    %eq3A_1818 = vector.broadcast %eq3A_1817 : i32 to vector<16xi32>
    %eq3A_1819 = arith.cmpi eq, %gather3A_1798, %eq3A_1818 : vector<16xi32>
    %jit3A_1820 = arith.constant 1 : i32
    %jit3A_1821 = arith.constant 0 : i32
    %broadcast_in_dim3A_1822 = vector.broadcast %jit3A_1820 : i32 to vector<16xi32>
    %broadcast_in_dim3A_1823 = vector.broadcast %jit3A_1821 : i32 to vector<16xi32>
    %select_n3A_1824 = arith.select %eq3A_1819, %broadcast_in_dim3A_1822, %broadcast_in_dim3A_1823 : vector<16xi1>, vector<16xi32>
    %add3A_1825 = arith.addi %add3A_1730, %select_n3A_1824 : vector<16xi32>
    %eq3A_1826 = arith.constant 3 : i32
    %eq3A_1827 = vector.broadcast %eq3A_1826 : i32 to vector<16xi32>
    %eq3A_1828 = arith.cmpi eq, %gather3A_1798, %eq3A_1827 : vector<16xi32>
    %jit3A_1829 = arith.constant 1 : i32
    %jit3A_1830 = arith.constant 0 : i32
    %broadcast_in_dim3A_1831 = vector.broadcast %jit3A_1829 : i32 to vector<16xi32>
    %broadcast_in_dim3A_1832 = vector.broadcast %jit3A_1830 : i32 to vector<16xi32>
    %select_n3A_1833 = arith.select %eq3A_1828, %broadcast_in_dim3A_1831, %broadcast_in_dim3A_1832 : vector<16xi1>, vector<16xi32>
    %add3A_1834 = arith.addi %add3A_1739, %select_n3A_1833 : vector<16xi32>
    %eq3A_1835 = arith.constant 4 : i32
    %eq3A_1836 = vector.broadcast %eq3A_1835 : i32 to vector<16xi32>
    %eq3A_1837 = arith.cmpi eq, %gather3A_1798, %eq3A_1836 : vector<16xi32>
    %jit3A_1838 = arith.constant 1 : i32
    %jit3A_1839 = arith.constant 0 : i32
    %broadcast_in_dim3A_1840 = vector.broadcast %jit3A_1838 : i32 to vector<16xi32>
    %broadcast_in_dim3A_1841 = vector.broadcast %jit3A_1839 : i32 to vector<16xi32>
    %select_n3A_1842 = arith.select %eq3A_1837, %broadcast_in_dim3A_1840, %broadcast_in_dim3A_1841 : vector<16xi1>, vector<16xi32>
    %add3A_1843 = arith.addi %add3A_1748, %select_n3A_1842 : vector<16xi32>
    %eq3A_1844 = arith.constant 5 : i32
    %eq3A_1845 = vector.broadcast %eq3A_1844 : i32 to vector<16xi32>
    %eq3A_1846 = arith.cmpi eq, %gather3A_1798, %eq3A_1845 : vector<16xi32>
    %jit3A_1847 = arith.constant 1 : i32
    %jit3A_1848 = arith.constant 0 : i32
    %broadcast_in_dim3A_1849 = vector.broadcast %jit3A_1847 : i32 to vector<16xi32>
    %broadcast_in_dim3A_1850 = vector.broadcast %jit3A_1848 : i32 to vector<16xi32>
    %select_n3A_1851 = arith.select %eq3A_1846, %broadcast_in_dim3A_1849, %broadcast_in_dim3A_1850 : vector<16xi1>, vector<16xi32>
    %add3A_1852 = arith.addi %add3A_1757, %select_n3A_1851 : vector<16xi32>
    %eq3A_1853 = arith.constant 6 : i32
    %eq3A_1854 = vector.broadcast %eq3A_1853 : i32 to vector<16xi32>
    %eq3A_1855 = arith.cmpi eq, %gather3A_1798, %eq3A_1854 : vector<16xi32>
    %jit3A_1856 = arith.constant 1 : i32
    %jit3A_1857 = arith.constant 0 : i32
    %broadcast_in_dim3A_1858 = vector.broadcast %jit3A_1856 : i32 to vector<16xi32>
    %broadcast_in_dim3A_1859 = vector.broadcast %jit3A_1857 : i32 to vector<16xi32>
    %select_n3A_1860 = arith.select %eq3A_1855, %broadcast_in_dim3A_1858, %broadcast_in_dim3A_1859 : vector<16xi1>, vector<16xi32>
    %add3A_1861 = arith.addi %add3A_1766, %select_n3A_1860 : vector<16xi32>
    %eq3A_1862 = arith.constant 7 : i32
    %eq3A_1863 = vector.broadcast %eq3A_1862 : i32 to vector<16xi32>
    %eq3A_1864 = arith.cmpi eq, %gather3A_1798, %eq3A_1863 : vector<16xi32>
    %jit3A_1865 = arith.constant 1 : i32
    %jit3A_1866 = arith.constant 0 : i32
    %broadcast_in_dim3A_1867 = vector.broadcast %jit3A_1865 : i32 to vector<16xi32>
    %broadcast_in_dim3A_1868 = vector.broadcast %jit3A_1866 : i32 to vector<16xi32>
    %select_n3A_1869 = arith.select %eq3A_1864, %broadcast_in_dim3A_1867, %broadcast_in_dim3A_1868 : vector<16xi1>, vector<16xi32>
    %add3A_1870 = arith.addi %add3A_1775, %select_n3A_1869 : vector<16xi32>
    %eq3A_1871 = arith.constant 8 : i32
    %eq3A_1872 = vector.broadcast %eq3A_1871 : i32 to vector<16xi32>
    %eq3A_1873 = arith.cmpi eq, %gather3A_1798, %eq3A_1872 : vector<16xi32>
    %jit3A_1874 = arith.constant 1 : i32
    %jit3A_1875 = arith.constant 0 : i32
    %broadcast_in_dim3A_1876 = vector.broadcast %jit3A_1874 : i32 to vector<16xi32>
    %broadcast_in_dim3A_1877 = vector.broadcast %jit3A_1875 : i32 to vector<16xi32>
    %select_n3A_1878 = arith.select %eq3A_1873, %broadcast_in_dim3A_1876, %broadcast_in_dim3A_1877 : vector<16xi1>, vector<16xi32>
    %add3A_1879 = arith.addi %add3A_1784, %select_n3A_1878 : vector<16xi32>
    %eq3A_1880 = arith.constant 9 : i32
    %eq3A_1881 = vector.broadcast %eq3A_1880 : i32 to vector<16xi32>
    %eq3A_1882 = arith.cmpi eq, %gather3A_1798, %eq3A_1881 : vector<16xi32>
    %jit3A_1883 = arith.constant 1 : i32
    %jit3A_1884 = arith.constant 0 : i32
    %broadcast_in_dim3A_1885 = vector.broadcast %jit3A_1883 : i32 to vector<16xi32>
    %broadcast_in_dim3A_1886 = vector.broadcast %jit3A_1884 : i32 to vector<16xi32>
    %select_n3A_1887 = arith.select %eq3A_1882, %broadcast_in_dim3A_1885, %broadcast_in_dim3A_1886 : vector<16xi1>, vector<16xi32>
    %add3A_1888 = arith.addi %add3A_1793, %select_n3A_1887 : vector<16xi32>
    %get3A_1889 = arith.constant 3 : i32
    %get3A_1890 = arith.index_cast %get3A_1889 : i32 to index
    %get3A_1891 = arith.constant 16 : index
    %get3A_1892 = tpu.vector_load %arg6[%get3A_1890, %get3A_1891] {strides = array<i32>} : memref<16x32xi32, #tpu.memory_space<vmem>>, vector<16xi32>,
    %gather3A_1893 = tpu.vector_load_idx %arg5[%get3A_1892] : memref<100000xi32, #tpu.memory_space<vmem>>[vector<16xi32>], vector<16xi32>,
    %eq3A_1894 = arith.constant 0 : i32
    %eq3A_1895 = vector.broadcast %eq3A_1894 : i32 to vector<16xi32>
    %eq3A_1896 = arith.cmpi eq, %gather3A_1893, %eq3A_1895 : vector<16xi32>
    %jit3A_1897 = arith.constant 1 : i32
    %jit3A_1898 = arith.constant 0 : i32
    %broadcast_in_dim3A_1899 = vector.broadcast %jit3A_1897 : i32 to vector<16xi32>
    %broadcast_in_dim3A_1900 = vector.broadcast %jit3A_1898 : i32 to vector<16xi32>
    %select_n3A_1901 = arith.select %eq3A_1896, %broadcast_in_dim3A_1899, %broadcast_in_dim3A_1900 : vector<16xi1>, vector<16xi32>
    %add3A_1902 = arith.addi %add3A_1807, %select_n3A_1901 : vector<16xi32>
    %eq3A_1903 = arith.constant 1 : i32
    %eq3A_1904 = vector.broadcast %eq3A_1903 : i32 to vector<16xi32>
    %eq3A_1905 = arith.cmpi eq, %gather3A_1893, %eq3A_1904 : vector<16xi32>
    %jit3A_1906 = arith.constant 1 : i32
    %jit3A_1907 = arith.constant 0 : i32
    %broadcast_in_dim3A_1908 = vector.broadcast %jit3A_1906 : i32 to vector<16xi32>
    %broadcast_in_dim3A_1909 = vector.broadcast %jit3A_1907 : i32 to vector<16xi32>
    %select_n3A_1910 = arith.select %eq3A_1905, %broadcast_in_dim3A_1908, %broadcast_in_dim3A_1909 : vector<16xi1>, vector<16xi32>
    %add3A_1911 = arith.addi %add3A_1816, %select_n3A_1910 : vector<16xi32>
    %eq3A_1912 = arith.constant 2 : i32
    %eq3A_1913 = vector.broadcast %eq3A_1912 : i32 to vector<16xi32>
    %eq3A_1914 = arith.cmpi eq, %gather3A_1893, %eq3A_1913 : vector<16xi32>
    %jit3A_1915 = arith.constant 1 : i32
    %jit3A_1916 = arith.constant 0 : i32
    %broadcast_in_dim3A_1917 = vector.broadcast %jit3A_1915 : i32 to vector<16xi32>
    %broadcast_in_dim3A_1918 = vector.broadcast %jit3A_1916 : i32 to vector<16xi32>
    %select_n3A_1919 = arith.select %eq3A_1914, %broadcast_in_dim3A_1917, %broadcast_in_dim3A_1918 : vector<16xi1>, vector<16xi32>
    %add3A_1920 = arith.addi %add3A_1825, %select_n3A_1919 : vector<16xi32>
    %eq3A_1921 = arith.constant 3 : i32
    %eq3A_1922 = vector.broadcast %eq3A_1921 : i32 to vector<16xi32>
    %eq3A_1923 = arith.cmpi eq, %gather3A_1893, %eq3A_1922 : vector<16xi32>
    %jit3A_1924 = arith.constant 1 : i32
    %jit3A_1925 = arith.constant 0 : i32
    %broadcast_in_dim3A_1926 = vector.broadcast %jit3A_1924 : i32 to vector<16xi32>
    %broadcast_in_dim3A_1927 = vector.broadcast %jit3A_1925 : i32 to vector<16xi32>
    %select_n3A_1928 = arith.select %eq3A_1923, %broadcast_in_dim3A_1926, %broadcast_in_dim3A_1927 : vector<16xi1>, vector<16xi32>
    %add3A_1929 = arith.addi %add3A_1834, %select_n3A_1928 : vector<16xi32>
    %eq3A_1930 = arith.constant 4 : i32
    %eq3A_1931 = vector.broadcast %eq3A_1930 : i32 to vector<16xi32>
    %eq3A_1932 = arith.cmpi eq, %gather3A_1893, %eq3A_1931 : vector<16xi32>
    %jit3A_1933 = arith.constant 1 : i32
    %jit3A_1934 = arith.constant 0 : i32
    %broadcast_in_dim3A_1935 = vector.broadcast %jit3A_1933 : i32 to vector<16xi32>
    %broadcast_in_dim3A_1936 = vector.broadcast %jit3A_1934 : i32 to vector<16xi32>
    %select_n3A_1937 = arith.select %eq3A_1932, %broadcast_in_dim3A_1935, %broadcast_in_dim3A_1936 : vector<16xi1>, vector<16xi32>
    %add3A_1938 = arith.addi %add3A_1843, %select_n3A_1937 : vector<16xi32>
    %eq3A_1939 = arith.constant 5 : i32
    %eq3A_1940 = vector.broadcast %eq3A_1939 : i32 to vector<16xi32>
    %eq3A_1941 = arith.cmpi eq, %gather3A_1893, %eq3A_1940 : vector<16xi32>
    %jit3A_1942 = arith.constant 1 : i32
    %jit3A_1943 = arith.constant 0 : i32
    %broadcast_in_dim3A_1944 = vector.broadcast %jit3A_1942 : i32 to vector<16xi32>
    %broadcast_in_dim3A_1945 = vector.broadcast %jit3A_1943 : i32 to vector<16xi32>
    %select_n3A_1946 = arith.select %eq3A_1941, %broadcast_in_dim3A_1944, %broadcast_in_dim3A_1945 : vector<16xi1>, vector<16xi32>
    %add3A_1947 = arith.addi %add3A_1852, %select_n3A_1946 : vector<16xi32>
    %eq3A_1948 = arith.constant 6 : i32
    %eq3A_1949 = vector.broadcast %eq3A_1948 : i32 to vector<16xi32>
    %eq3A_1950 = arith.cmpi eq, %gather3A_1893, %eq3A_1949 : vector<16xi32>
    %jit3A_1951 = arith.constant 1 : i32
    %jit3A_1952 = arith.constant 0 : i32
    %broadcast_in_dim3A_1953 = vector.broadcast %jit3A_1951 : i32 to vector<16xi32>
    %broadcast_in_dim3A_1954 = vector.broadcast %jit3A_1952 : i32 to vector<16xi32>
    %select_n3A_1955 = arith.select %eq3A_1950, %broadcast_in_dim3A_1953, %broadcast_in_dim3A_1954 : vector<16xi1>, vector<16xi32>
    %add3A_1956 = arith.addi %add3A_1861, %select_n3A_1955 : vector<16xi32>
    %eq3A_1957 = arith.constant 7 : i32
    %eq3A_1958 = vector.broadcast %eq3A_1957 : i32 to vector<16xi32>
    %eq3A_1959 = arith.cmpi eq, %gather3A_1893, %eq3A_1958 : vector<16xi32>
    %jit3A_1960 = arith.constant 1 : i32
    %jit3A_1961 = arith.constant 0 : i32
    %broadcast_in_dim3A_1962 = vector.broadcast %jit3A_1960 : i32 to vector<16xi32>
    %broadcast_in_dim3A_1963 = vector.broadcast %jit3A_1961 : i32 to vector<16xi32>
    %select_n3A_1964 = arith.select %eq3A_1959, %broadcast_in_dim3A_1962, %broadcast_in_dim3A_1963 : vector<16xi1>, vector<16xi32>
    %add3A_1965 = arith.addi %add3A_1870, %select_n3A_1964 : vector<16xi32>
    %eq3A_1966 = arith.constant 8 : i32
    %eq3A_1967 = vector.broadcast %eq3A_1966 : i32 to vector<16xi32>
    %eq3A_1968 = arith.cmpi eq, %gather3A_1893, %eq3A_1967 : vector<16xi32>
    %jit3A_1969 = arith.constant 1 : i32
    %jit3A_1970 = arith.constant 0 : i32
    %broadcast_in_dim3A_1971 = vector.broadcast %jit3A_1969 : i32 to vector<16xi32>
    %broadcast_in_dim3A_1972 = vector.broadcast %jit3A_1970 : i32 to vector<16xi32>
    %select_n3A_1973 = arith.select %eq3A_1968, %broadcast_in_dim3A_1971, %broadcast_in_dim3A_1972 : vector<16xi1>, vector<16xi32>
    %add3A_1974 = arith.addi %add3A_1879, %select_n3A_1973 : vector<16xi32>
    %eq3A_1975 = arith.constant 9 : i32
    %eq3A_1976 = vector.broadcast %eq3A_1975 : i32 to vector<16xi32>
    %eq3A_1977 = arith.cmpi eq, %gather3A_1893, %eq3A_1976 : vector<16xi32>
    %jit3A_1978 = arith.constant 1 : i32
    %jit3A_1979 = arith.constant 0 : i32
    %broadcast_in_dim3A_1980 = vector.broadcast %jit3A_1978 : i32 to vector<16xi32>
    %broadcast_in_dim3A_1981 = vector.broadcast %jit3A_1979 : i32 to vector<16xi32>
    %select_n3A_1982 = arith.select %eq3A_1977, %broadcast_in_dim3A_1980, %broadcast_in_dim3A_1981 : vector<16xi1>, vector<16xi32>
    %add3A_1983 = arith.addi %add3A_1888, %select_n3A_1982 : vector<16xi32>
    %get3A_1984 = arith.constant 4 : i32
    %get3A_1985 = arith.index_cast %get3A_1984 : i32 to index
    %get3A_1986 = arith.constant 16 : index
    %get3A_1987 = tpu.vector_load %arg6[%get3A_1985, %get3A_1986] {strides = array<i32>} : memref<16x32xi32, #tpu.memory_space<vmem>>, vector<16xi32>,
    %gather3A_1988 = tpu.vector_load_idx %arg5[%get3A_1987] : memref<100000xi32, #tpu.memory_space<vmem>>[vector<16xi32>], vector<16xi32>,
    %eq3A_1989 = arith.constant 0 : i32
    %eq3A_1990 = vector.broadcast %eq3A_1989 : i32 to vector<16xi32>
    %eq3A_1991 = arith.cmpi eq, %gather3A_1988, %eq3A_1990 : vector<16xi32>
    %jit3A_1992 = arith.constant 1 : i32
    %jit3A_1993 = arith.constant 0 : i32
    %broadcast_in_dim3A_1994 = vector.broadcast %jit3A_1992 : i32 to vector<16xi32>
    %broadcast_in_dim3A_1995 = vector.broadcast %jit3A_1993 : i32 to vector<16xi32>
    %select_n3A_1996 = arith.select %eq3A_1991, %broadcast_in_dim3A_1994, %broadcast_in_dim3A_1995 : vector<16xi1>, vector<16xi32>
    %add3A_1997 = arith.addi %add3A_1902, %select_n3A_1996 : vector<16xi32>
    %eq3A_1998 = arith.constant 1 : i32
    %eq3A_1999 = vector.broadcast %eq3A_1998 : i32 to vector<16xi32>
    %eq3A_2000 = arith.cmpi eq, %gather3A_1988, %eq3A_1999 : vector<16xi32>
    %jit3A_2001 = arith.constant 1 : i32
    %jit3A_2002 = arith.constant 0 : i32
    %broadcast_in_dim3A_2003 = vector.broadcast %jit3A_2001 : i32 to vector<16xi32>
    %broadcast_in_dim3A_2004 = vector.broadcast %jit3A_2002 : i32 to vector<16xi32>
    %select_n3A_2005 = arith.select %eq3A_2000, %broadcast_in_dim3A_2003, %broadcast_in_dim3A_2004 : vector<16xi1>, vector<16xi32>
    %add3A_2006 = arith.addi %add3A_1911, %select_n3A_2005 : vector<16xi32>
    %eq3A_2007 = arith.constant 2 : i32
    %eq3A_2008 = vector.broadcast %eq3A_2007 : i32 to vector<16xi32>
    %eq3A_2009 = arith.cmpi eq, %gather3A_1988, %eq3A_2008 : vector<16xi32>
    %jit3A_2010 = arith.constant 1 : i32
    %jit3A_2011 = arith.constant 0 : i32
    %broadcast_in_dim3A_2012 = vector.broadcast %jit3A_2010 : i32 to vector<16xi32>
    %broadcast_in_dim3A_2013 = vector.broadcast %jit3A_2011 : i32 to vector<16xi32>
    %select_n3A_2014 = arith.select %eq3A_2009, %broadcast_in_dim3A_2012, %broadcast_in_dim3A_2013 : vector<16xi1>, vector<16xi32>
    %add3A_2015 = arith.addi %add3A_1920, %select_n3A_2014 : vector<16xi32>
    %eq3A_2016 = arith.constant 3 : i32
    %eq3A_2017 = vector.broadcast %eq3A_2016 : i32 to vector<16xi32>
    %eq3A_2018 = arith.cmpi eq, %gather3A_1988, %eq3A_2017 : vector<16xi32>
    %jit3A_2019 = arith.constant 1 : i32
    %jit3A_2020 = arith.constant 0 : i32
    %broadcast_in_dim3A_2021 = vector.broadcast %jit3A_2019 : i32 to vector<16xi32>
    %broadcast_in_dim3A_2022 = vector.broadcast %jit3A_2020 : i32 to vector<16xi32>
    %select_n3A_2023 = arith.select %eq3A_2018, %broadcast_in_dim3A_2021, %broadcast_in_dim3A_2022 : vector<16xi1>, vector<16xi32>
    %add3A_2024 = arith.addi %add3A_1929, %select_n3A_2023 : vector<16xi32>
    %eq3A_2025 = arith.constant 4 : i32
    %eq3A_2026 = vector.broadcast %eq3A_2025 : i32 to vector<16xi32>
    %eq3A_2027 = arith.cmpi eq, %gather3A_1988, %eq3A_2026 : vector<16xi32>
    %jit3A_2028 = arith.constant 1 : i32
    %jit3A_2029 = arith.constant 0 : i32
    %broadcast_in_dim3A_2030 = vector.broadcast %jit3A_2028 : i32 to vector<16xi32>
    %broadcast_in_dim3A_2031 = vector.broadcast %jit3A_2029 : i32 to vector<16xi32>
    %select_n3A_2032 = arith.select %eq3A_2027, %broadcast_in_dim3A_2030, %broadcast_in_dim3A_2031 : vector<16xi1>, vector<16xi32>
    %add3A_2033 = arith.addi %add3A_1938, %select_n3A_2032 : vector<16xi32>
    %eq3A_2034 = arith.constant 5 : i32
    %eq3A_2035 = vector.broadcast %eq3A_2034 : i32 to vector<16xi32>
    %eq3A_2036 = arith.cmpi eq, %gather3A_1988, %eq3A_2035 : vector<16xi32>
    %jit3A_2037 = arith.constant 1 : i32
    %jit3A_2038 = arith.constant 0 : i32
    %broadcast_in_dim3A_2039 = vector.broadcast %jit3A_2037 : i32 to vector<16xi32>
    %broadcast_in_dim3A_2040 = vector.broadcast %jit3A_2038 : i32 to vector<16xi32>
    %select_n3A_2041 = arith.select %eq3A_2036, %broadcast_in_dim3A_2039, %broadcast_in_dim3A_2040 : vector<16xi1>, vector<16xi32>
    %add3A_2042 = arith.addi %add3A_1947, %select_n3A_2041 : vector<16xi32>
    %eq3A_2043 = arith.constant 6 : i32
    %eq3A_2044 = vector.broadcast %eq3A_2043 : i32 to vector<16xi32>
    %eq3A_2045 = arith.cmpi eq, %gather3A_1988, %eq3A_2044 : vector<16xi32>
    %jit3A_2046 = arith.constant 1 : i32
    %jit3A_2047 = arith.constant 0 : i32
    %broadcast_in_dim3A_2048 = vector.broadcast %jit3A_2046 : i32 to vector<16xi32>
    %broadcast_in_dim3A_2049 = vector.broadcast %jit3A_2047 : i32 to vector<16xi32>
    %select_n3A_2050 = arith.select %eq3A_2045, %broadcast_in_dim3A_2048, %broadcast_in_dim3A_2049 : vector<16xi1>, vector<16xi32>
    %add3A_2051 = arith.addi %add3A_1956, %select_n3A_2050 : vector<16xi32>
    %eq3A_2052 = arith.constant 7 : i32
    %eq3A_2053 = vector.broadcast %eq3A_2052 : i32 to vector<16xi32>
    %eq3A_2054 = arith.cmpi eq, %gather3A_1988, %eq3A_2053 : vector<16xi32>
    %jit3A_2055 = arith.constant 1 : i32
    %jit3A_2056 = arith.constant 0 : i32
    %broadcast_in_dim3A_2057 = vector.broadcast %jit3A_2055 : i32 to vector<16xi32>
    %broadcast_in_dim3A_2058 = vector.broadcast %jit3A_2056 : i32 to vector<16xi32>
    %select_n3A_2059 = arith.select %eq3A_2054, %broadcast_in_dim3A_2057, %broadcast_in_dim3A_2058 : vector<16xi1>, vector<16xi32>
    %add3A_2060 = arith.addi %add3A_1965, %select_n3A_2059 : vector<16xi32>
    %eq3A_2061 = arith.constant 8 : i32
    %eq3A_2062 = vector.broadcast %eq3A_2061 : i32 to vector<16xi32>
    %eq3A_2063 = arith.cmpi eq, %gather3A_1988, %eq3A_2062 : vector<16xi32>
    %jit3A_2064 = arith.constant 1 : i32
    %jit3A_2065 = arith.constant 0 : i32
    %broadcast_in_dim3A_2066 = vector.broadcast %jit3A_2064 : i32 to vector<16xi32>
    %broadcast_in_dim3A_2067 = vector.broadcast %jit3A_2065 : i32 to vector<16xi32>
    %select_n3A_2068 = arith.select %eq3A_2063, %broadcast_in_dim3A_2066, %broadcast_in_dim3A_2067 : vector<16xi1>, vector<16xi32>
    %add3A_2069 = arith.addi %add3A_1974, %select_n3A_2068 : vector<16xi32>
    %eq3A_2070 = arith.constant 9 : i32
    %eq3A_2071 = vector.broadcast %eq3A_2070 : i32 to vector<16xi32>
    %eq3A_2072 = arith.cmpi eq, %gather3A_1988, %eq3A_2071 : vector<16xi32>
    %jit3A_2073 = arith.constant 1 : i32
    %jit3A_2074 = arith.constant 0 : i32
    %broadcast_in_dim3A_2075 = vector.broadcast %jit3A_2073 : i32 to vector<16xi32>
    %broadcast_in_dim3A_2076 = vector.broadcast %jit3A_2074 : i32 to vector<16xi32>
    %select_n3A_2077 = arith.select %eq3A_2072, %broadcast_in_dim3A_2075, %broadcast_in_dim3A_2076 : vector<16xi1>, vector<16xi32>
    %add3A_2078 = arith.addi %add3A_1983, %select_n3A_2077 : vector<16xi32>
    %get3A_2079 = arith.constant 5 : i32
    %get3A_2080 = arith.index_cast %get3A_2079 : i32 to index
    %get3A_2081 = arith.constant 16 : index
    %get3A_2082 = tpu.vector_load %arg6[%get3A_2080, %get3A_2081] {strides = array<i32>} : memref<16x32xi32, #tpu.memory_space<vmem>>, vector<16xi32>,
    %gather3A_2083 = tpu.vector_load_idx %arg5[%get3A_2082] : memref<100000xi32, #tpu.memory_space<vmem>>[vector<16xi32>], vector<16xi32>,
    %eq3A_2084 = arith.constant 0 : i32
    %eq3A_2085 = vector.broadcast %eq3A_2084 : i32 to vector<16xi32>
    %eq3A_2086 = arith.cmpi eq, %gather3A_2083, %eq3A_2085 : vector<16xi32>
    %jit3A_2087 = arith.constant 1 : i32
    %jit3A_2088 = arith.constant 0 : i32
    %broadcast_in_dim3A_2089 = vector.broadcast %jit3A_2087 : i32 to vector<16xi32>
    %broadcast_in_dim3A_2090 = vector.broadcast %jit3A_2088 : i32 to vector<16xi32>
    %select_n3A_2091 = arith.select %eq3A_2086, %broadcast_in_dim3A_2089, %broadcast_in_dim3A_2090 : vector<16xi1>, vector<16xi32>
    %add3A_2092 = arith.addi %add3A_1997, %select_n3A_2091 : vector<16xi32>
    %eq3A_2093 = arith.constant 1 : i32
    %eq3A_2094 = vector.broadcast %eq3A_2093 : i32 to vector<16xi32>
    %eq3A_2095 = arith.cmpi eq, %gather3A_2083, %eq3A_2094 : vector<16xi32>
    %jit3A_2096 = arith.constant 1 : i32
    %jit3A_2097 = arith.constant 0 : i32
    %broadcast_in_dim3A_2098 = vector.broadcast %jit3A_2096 : i32 to vector<16xi32>
    %broadcast_in_dim3A_2099 = vector.broadcast %jit3A_2097 : i32 to vector<16xi32>
    %select_n3A_2100 = arith.select %eq3A_2095, %broadcast_in_dim3A_2098, %broadcast_in_dim3A_2099 : vector<16xi1>, vector<16xi32>
    %add3A_2101 = arith.addi %add3A_2006, %select_n3A_2100 : vector<16xi32>
    %eq3A_2102 = arith.constant 2 : i32
    %eq3A_2103 = vector.broadcast %eq3A_2102 : i32 to vector<16xi32>
    %eq3A_2104 = arith.cmpi eq, %gather3A_2083, %eq3A_2103 : vector<16xi32>
    %jit3A_2105 = arith.constant 1 : i32
    %jit3A_2106 = arith.constant 0 : i32
    %broadcast_in_dim3A_2107 = vector.broadcast %jit3A_2105 : i32 to vector<16xi32>
    %broadcast_in_dim3A_2108 = vector.broadcast %jit3A_2106 : i32 to vector<16xi32>
    %select_n3A_2109 = arith.select %eq3A_2104, %broadcast_in_dim3A_2107, %broadcast_in_dim3A_2108 : vector<16xi1>, vector<16xi32>
    %add3A_2110 = arith.addi %add3A_2015, %select_n3A_2109 : vector<16xi32>
    %eq3A_2111 = arith.constant 3 : i32
    %eq3A_2112 = vector.broadcast %eq3A_2111 : i32 to vector<16xi32>
    %eq3A_2113 = arith.cmpi eq, %gather3A_2083, %eq3A_2112 : vector<16xi32>
    %jit3A_2114 = arith.constant 1 : i32
    %jit3A_2115 = arith.constant 0 : i32
    %broadcast_in_dim3A_2116 = vector.broadcast %jit3A_2114 : i32 to vector<16xi32>
    %broadcast_in_dim3A_2117 = vector.broadcast %jit3A_2115 : i32 to vector<16xi32>
    %select_n3A_2118 = arith.select %eq3A_2113, %broadcast_in_dim3A_2116, %broadcast_in_dim3A_2117 : vector<16xi1>, vector<16xi32>
    %add3A_2119 = arith.addi %add3A_2024, %select_n3A_2118 : vector<16xi32>
    %eq3A_2120 = arith.constant 4 : i32
    %eq3A_2121 = vector.broadcast %eq3A_2120 : i32 to vector<16xi32>
    %eq3A_2122 = arith.cmpi eq, %gather3A_2083, %eq3A_2121 : vector<16xi32>
    %jit3A_2123 = arith.constant 1 : i32
    %jit3A_2124 = arith.constant 0 : i32
    %broadcast_in_dim3A_2125 = vector.broadcast %jit3A_2123 : i32 to vector<16xi32>
    %broadcast_in_dim3A_2126 = vector.broadcast %jit3A_2124 : i32 to vector<16xi32>
    %select_n3A_2127 = arith.select %eq3A_2122, %broadcast_in_dim3A_2125, %broadcast_in_dim3A_2126 : vector<16xi1>, vector<16xi32>
    %add3A_2128 = arith.addi %add3A_2033, %select_n3A_2127 : vector<16xi32>
    %eq3A_2129 = arith.constant 5 : i32
    %eq3A_2130 = vector.broadcast %eq3A_2129 : i32 to vector<16xi32>
    %eq3A_2131 = arith.cmpi eq, %gather3A_2083, %eq3A_2130 : vector<16xi32>
    %jit3A_2132 = arith.constant 1 : i32
    %jit3A_2133 = arith.constant 0 : i32
    %broadcast_in_dim3A_2134 = vector.broadcast %jit3A_2132 : i32 to vector<16xi32>
    %broadcast_in_dim3A_2135 = vector.broadcast %jit3A_2133 : i32 to vector<16xi32>
    %select_n3A_2136 = arith.select %eq3A_2131, %broadcast_in_dim3A_2134, %broadcast_in_dim3A_2135 : vector<16xi1>, vector<16xi32>
    %add3A_2137 = arith.addi %add3A_2042, %select_n3A_2136 : vector<16xi32>
    %eq3A_2138 = arith.constant 6 : i32
    %eq3A_2139 = vector.broadcast %eq3A_2138 : i32 to vector<16xi32>
    %eq3A_2140 = arith.cmpi eq, %gather3A_2083, %eq3A_2139 : vector<16xi32>
    %jit3A_2141 = arith.constant 1 : i32
    %jit3A_2142 = arith.constant 0 : i32
    %broadcast_in_dim3A_2143 = vector.broadcast %jit3A_2141 : i32 to vector<16xi32>
    %broadcast_in_dim3A_2144 = vector.broadcast %jit3A_2142 : i32 to vector<16xi32>
    %select_n3A_2145 = arith.select %eq3A_2140, %broadcast_in_dim3A_2143, %broadcast_in_dim3A_2144 : vector<16xi1>, vector<16xi32>
    %add3A_2146 = arith.addi %add3A_2051, %select_n3A_2145 : vector<16xi32>
    %eq3A_2147 = arith.constant 7 : i32
    %eq3A_2148 = vector.broadcast %eq3A_2147 : i32 to vector<16xi32>
    %eq3A_2149 = arith.cmpi eq, %gather3A_2083, %eq3A_2148 : vector<16xi32>
    %jit3A_2150 = arith.constant 1 : i32
    %jit3A_2151 = arith.constant 0 : i32
    %broadcast_in_dim3A_2152 = vector.broadcast %jit3A_2150 : i32 to vector<16xi32>
    %broadcast_in_dim3A_2153 = vector.broadcast %jit3A_2151 : i32 to vector<16xi32>
    %select_n3A_2154 = arith.select %eq3A_2149, %broadcast_in_dim3A_2152, %broadcast_in_dim3A_2153 : vector<16xi1>, vector<16xi32>
    %add3A_2155 = arith.addi %add3A_2060, %select_n3A_2154 : vector<16xi32>
    %eq3A_2156 = arith.constant 8 : i32
    %eq3A_2157 = vector.broadcast %eq3A_2156 : i32 to vector<16xi32>
    %eq3A_2158 = arith.cmpi eq, %gather3A_2083, %eq3A_2157 : vector<16xi32>
    %jit3A_2159 = arith.constant 1 : i32
    %jit3A_2160 = arith.constant 0 : i32
    %broadcast_in_dim3A_2161 = vector.broadcast %jit3A_2159 : i32 to vector<16xi32>
    %broadcast_in_dim3A_2162 = vector.broadcast %jit3A_2160 : i32 to vector<16xi32>
    %select_n3A_2163 = arith.select %eq3A_2158, %broadcast_in_dim3A_2161, %broadcast_in_dim3A_2162 : vector<16xi1>, vector<16xi32>
    %add3A_2164 = arith.addi %add3A_2069, %select_n3A_2163 : vector<16xi32>
    %eq3A_2165 = arith.constant 9 : i32
    %eq3A_2166 = vector.broadcast %eq3A_2165 : i32 to vector<16xi32>
    %eq3A_2167 = arith.cmpi eq, %gather3A_2083, %eq3A_2166 : vector<16xi32>
    %jit3A_2168 = arith.constant 1 : i32
    %jit3A_2169 = arith.constant 0 : i32
    %broadcast_in_dim3A_2170 = vector.broadcast %jit3A_2168 : i32 to vector<16xi32>
    %broadcast_in_dim3A_2171 = vector.broadcast %jit3A_2169 : i32 to vector<16xi32>
    %select_n3A_2172 = arith.select %eq3A_2167, %broadcast_in_dim3A_2170, %broadcast_in_dim3A_2171 : vector<16xi1>, vector<16xi32>
    %add3A_2173 = arith.addi %add3A_2078, %select_n3A_2172 : vector<16xi32>
    %get3A_2174 = arith.constant 6 : i32
    %get3A_2175 = arith.index_cast %get3A_2174 : i32 to index
    %get3A_2176 = arith.constant 16 : index
    %get3A_2177 = tpu.vector_load %arg6[%get3A_2175, %get3A_2176] {strides = array<i32>} : memref<16x32xi32, #tpu.memory_space<vmem>>, vector<16xi32>,
    %gather3A_2178 = tpu.vector_load_idx %arg5[%get3A_2177] : memref<100000xi32, #tpu.memory_space<vmem>>[vector<16xi32>], vector<16xi32>,
    %eq3A_2179 = arith.constant 0 : i32
    %eq3A_2180 = vector.broadcast %eq3A_2179 : i32 to vector<16xi32>
    %eq3A_2181 = arith.cmpi eq, %gather3A_2178, %eq3A_2180 : vector<16xi32>
    %jit3A_2182 = arith.constant 1 : i32
    %jit3A_2183 = arith.constant 0 : i32
    %broadcast_in_dim3A_2184 = vector.broadcast %jit3A_2182 : i32 to vector<16xi32>
    %broadcast_in_dim3A_2185 = vector.broadcast %jit3A_2183 : i32 to vector<16xi32>
    %select_n3A_2186 = arith.select %eq3A_2181, %broadcast_in_dim3A_2184, %broadcast_in_dim3A_2185 : vector<16xi1>, vector<16xi32>
    %add3A_2187 = arith.addi %add3A_2092, %select_n3A_2186 : vector<16xi32>
    %eq3A_2188 = arith.constant 1 : i32
    %eq3A_2189 = vector.broadcast %eq3A_2188 : i32 to vector<16xi32>
    %eq3A_2190 = arith.cmpi eq, %gather3A_2178, %eq3A_2189 : vector<16xi32>
    %jit3A_2191 = arith.constant 1 : i32
    %jit3A_2192 = arith.constant 0 : i32
    %broadcast_in_dim3A_2193 = vector.broadcast %jit3A_2191 : i32 to vector<16xi32>
    %broadcast_in_dim3A_2194 = vector.broadcast %jit3A_2192 : i32 to vector<16xi32>
    %select_n3A_2195 = arith.select %eq3A_2190, %broadcast_in_dim3A_2193, %broadcast_in_dim3A_2194 : vector<16xi1>, vector<16xi32>
    %add3A_2196 = arith.addi %add3A_2101, %select_n3A_2195 : vector<16xi32>
    %eq3A_2197 = arith.constant 2 : i32
    %eq3A_2198 = vector.broadcast %eq3A_2197 : i32 to vector<16xi32>
    %eq3A_2199 = arith.cmpi eq, %gather3A_2178, %eq3A_2198 : vector<16xi32>
    %jit3A_2200 = arith.constant 1 : i32
    %jit3A_2201 = arith.constant 0 : i32
    %broadcast_in_dim3A_2202 = vector.broadcast %jit3A_2200 : i32 to vector<16xi32>
    %broadcast_in_dim3A_2203 = vector.broadcast %jit3A_2201 : i32 to vector<16xi32>
    %select_n3A_2204 = arith.select %eq3A_2199, %broadcast_in_dim3A_2202, %broadcast_in_dim3A_2203 : vector<16xi1>, vector<16xi32>
    %add3A_2205 = arith.addi %add3A_2110, %select_n3A_2204 : vector<16xi32>
    %eq3A_2206 = arith.constant 3 : i32
    %eq3A_2207 = vector.broadcast %eq3A_2206 : i32 to vector<16xi32>
    %eq3A_2208 = arith.cmpi eq, %gather3A_2178, %eq3A_2207 : vector<16xi32>
    %jit3A_2209 = arith.constant 1 : i32
    %jit3A_2210 = arith.constant 0 : i32
    %broadcast_in_dim3A_2211 = vector.broadcast %jit3A_2209 : i32 to vector<16xi32>
    %broadcast_in_dim3A_2212 = vector.broadcast %jit3A_2210 : i32 to vector<16xi32>
    %select_n3A_2213 = arith.select %eq3A_2208, %broadcast_in_dim3A_2211, %broadcast_in_dim3A_2212 : vector<16xi1>, vector<16xi32>
    %add3A_2214 = arith.addi %add3A_2119, %select_n3A_2213 : vector<16xi32>
    %eq3A_2215 = arith.constant 4 : i32
    %eq3A_2216 = vector.broadcast %eq3A_2215 : i32 to vector<16xi32>
    %eq3A_2217 = arith.cmpi eq, %gather3A_2178, %eq3A_2216 : vector<16xi32>
    %jit3A_2218 = arith.constant 1 : i32
    %jit3A_2219 = arith.constant 0 : i32
    %broadcast_in_dim3A_2220 = vector.broadcast %jit3A_2218 : i32 to vector<16xi32>
    %broadcast_in_dim3A_2221 = vector.broadcast %jit3A_2219 : i32 to vector<16xi32>
    %select_n3A_2222 = arith.select %eq3A_2217, %broadcast_in_dim3A_2220, %broadcast_in_dim3A_2221 : vector<16xi1>, vector<16xi32>
    %add3A_2223 = arith.addi %add3A_2128, %select_n3A_2222 : vector<16xi32>
    %eq3A_2224 = arith.constant 5 : i32
    %eq3A_2225 = vector.broadcast %eq3A_2224 : i32 to vector<16xi32>
    %eq3A_2226 = arith.cmpi eq, %gather3A_2178, %eq3A_2225 : vector<16xi32>
    %jit3A_2227 = arith.constant 1 : i32
    %jit3A_2228 = arith.constant 0 : i32
    %broadcast_in_dim3A_2229 = vector.broadcast %jit3A_2227 : i32 to vector<16xi32>
    %broadcast_in_dim3A_2230 = vector.broadcast %jit3A_2228 : i32 to vector<16xi32>
    %select_n3A_2231 = arith.select %eq3A_2226, %broadcast_in_dim3A_2229, %broadcast_in_dim3A_2230 : vector<16xi1>, vector<16xi32>
    %add3A_2232 = arith.addi %add3A_2137, %select_n3A_2231 : vector<16xi32>
    %eq3A_2233 = arith.constant 6 : i32
    %eq3A_2234 = vector.broadcast %eq3A_2233 : i32 to vector<16xi32>
    %eq3A_2235 = arith.cmpi eq, %gather3A_2178, %eq3A_2234 : vector<16xi32>
    %jit3A_2236 = arith.constant 1 : i32
    %jit3A_2237 = arith.constant 0 : i32
    %broadcast_in_dim3A_2238 = vector.broadcast %jit3A_2236 : i32 to vector<16xi32>
    %broadcast_in_dim3A_2239 = vector.broadcast %jit3A_2237 : i32 to vector<16xi32>
    %select_n3A_2240 = arith.select %eq3A_2235, %broadcast_in_dim3A_2238, %broadcast_in_dim3A_2239 : vector<16xi1>, vector<16xi32>
    %add3A_2241 = arith.addi %add3A_2146, %select_n3A_2240 : vector<16xi32>
    %eq3A_2242 = arith.constant 7 : i32
    %eq3A_2243 = vector.broadcast %eq3A_2242 : i32 to vector<16xi32>
    %eq3A_2244 = arith.cmpi eq, %gather3A_2178, %eq3A_2243 : vector<16xi32>
    %jit3A_2245 = arith.constant 1 : i32
    %jit3A_2246 = arith.constant 0 : i32
    %broadcast_in_dim3A_2247 = vector.broadcast %jit3A_2245 : i32 to vector<16xi32>
    %broadcast_in_dim3A_2248 = vector.broadcast %jit3A_2246 : i32 to vector<16xi32>
    %select_n3A_2249 = arith.select %eq3A_2244, %broadcast_in_dim3A_2247, %broadcast_in_dim3A_2248 : vector<16xi1>, vector<16xi32>
    %add3A_2250 = arith.addi %add3A_2155, %select_n3A_2249 : vector<16xi32>
    %eq3A_2251 = arith.constant 8 : i32
    %eq3A_2252 = vector.broadcast %eq3A_2251 : i32 to vector<16xi32>
    %eq3A_2253 = arith.cmpi eq, %gather3A_2178, %eq3A_2252 : vector<16xi32>
    %jit3A_2254 = arith.constant 1 : i32
    %jit3A_2255 = arith.constant 0 : i32
    %broadcast_in_dim3A_2256 = vector.broadcast %jit3A_2254 : i32 to vector<16xi32>
    %broadcast_in_dim3A_2257 = vector.broadcast %jit3A_2255 : i32 to vector<16xi32>
    %select_n3A_2258 = arith.select %eq3A_2253, %broadcast_in_dim3A_2256, %broadcast_in_dim3A_2257 : vector<16xi1>, vector<16xi32>
    %add3A_2259 = arith.addi %add3A_2164, %select_n3A_2258 : vector<16xi32>
    %eq3A_2260 = arith.constant 9 : i32
    %eq3A_2261 = vector.broadcast %eq3A_2260 : i32 to vector<16xi32>
    %eq3A_2262 = arith.cmpi eq, %gather3A_2178, %eq3A_2261 : vector<16xi32>
    %jit3A_2263 = arith.constant 1 : i32
    %jit3A_2264 = arith.constant 0 : i32
    %broadcast_in_dim3A_2265 = vector.broadcast %jit3A_2263 : i32 to vector<16xi32>
    %broadcast_in_dim3A_2266 = vector.broadcast %jit3A_2264 : i32 to vector<16xi32>
    %select_n3A_2267 = arith.select %eq3A_2262, %broadcast_in_dim3A_2265, %broadcast_in_dim3A_2266 : vector<16xi1>, vector<16xi32>
    %add3A_2268 = arith.addi %add3A_2173, %select_n3A_2267 : vector<16xi32>
    %get3A_2269 = arith.constant 7 : i32
    %get3A_2270 = arith.index_cast %get3A_2269 : i32 to index
    %get3A_2271 = arith.constant 16 : index
    %get3A_2272 = tpu.vector_load %arg6[%get3A_2270, %get3A_2271] {strides = array<i32>} : memref<16x32xi32, #tpu.memory_space<vmem>>, vector<16xi32>,
    %gather3A_2273 = tpu.vector_load_idx %arg5[%get3A_2272] : memref<100000xi32, #tpu.memory_space<vmem>>[vector<16xi32>], vector<16xi32>,
    %eq3A_2274 = arith.constant 0 : i32
    %eq3A_2275 = vector.broadcast %eq3A_2274 : i32 to vector<16xi32>
    %eq3A_2276 = arith.cmpi eq, %gather3A_2273, %eq3A_2275 : vector<16xi32>
    %jit3A_2277 = arith.constant 1 : i32
    %jit3A_2278 = arith.constant 0 : i32
    %broadcast_in_dim3A_2279 = vector.broadcast %jit3A_2277 : i32 to vector<16xi32>
    %broadcast_in_dim3A_2280 = vector.broadcast %jit3A_2278 : i32 to vector<16xi32>
    %select_n3A_2281 = arith.select %eq3A_2276, %broadcast_in_dim3A_2279, %broadcast_in_dim3A_2280 : vector<16xi1>, vector<16xi32>
    %add3A_2282 = arith.addi %add3A_2187, %select_n3A_2281 : vector<16xi32>
    %eq3A_2283 = arith.constant 1 : i32
    %eq3A_2284 = vector.broadcast %eq3A_2283 : i32 to vector<16xi32>
    %eq3A_2285 = arith.cmpi eq, %gather3A_2273, %eq3A_2284 : vector<16xi32>
    %jit3A_2286 = arith.constant 1 : i32
    %jit3A_2287 = arith.constant 0 : i32
    %broadcast_in_dim3A_2288 = vector.broadcast %jit3A_2286 : i32 to vector<16xi32>
    %broadcast_in_dim3A_2289 = vector.broadcast %jit3A_2287 : i32 to vector<16xi32>
    %select_n3A_2290 = arith.select %eq3A_2285, %broadcast_in_dim3A_2288, %broadcast_in_dim3A_2289 : vector<16xi1>, vector<16xi32>
    %add3A_2291 = arith.addi %add3A_2196, %select_n3A_2290 : vector<16xi32>
    %eq3A_2292 = arith.constant 2 : i32
    %eq3A_2293 = vector.broadcast %eq3A_2292 : i32 to vector<16xi32>
    %eq3A_2294 = arith.cmpi eq, %gather3A_2273, %eq3A_2293 : vector<16xi32>
    %jit3A_2295 = arith.constant 1 : i32
    %jit3A_2296 = arith.constant 0 : i32
    %broadcast_in_dim3A_2297 = vector.broadcast %jit3A_2295 : i32 to vector<16xi32>
    %broadcast_in_dim3A_2298 = vector.broadcast %jit3A_2296 : i32 to vector<16xi32>
    %select_n3A_2299 = arith.select %eq3A_2294, %broadcast_in_dim3A_2297, %broadcast_in_dim3A_2298 : vector<16xi1>, vector<16xi32>
    %add3A_2300 = arith.addi %add3A_2205, %select_n3A_2299 : vector<16xi32>
    %eq3A_2301 = arith.constant 3 : i32
    %eq3A_2302 = vector.broadcast %eq3A_2301 : i32 to vector<16xi32>
    %eq3A_2303 = arith.cmpi eq, %gather3A_2273, %eq3A_2302 : vector<16xi32>
    %jit3A_2304 = arith.constant 1 : i32
    %jit3A_2305 = arith.constant 0 : i32
    %broadcast_in_dim3A_2306 = vector.broadcast %jit3A_2304 : i32 to vector<16xi32>
    %broadcast_in_dim3A_2307 = vector.broadcast %jit3A_2305 : i32 to vector<16xi32>
    %select_n3A_2308 = arith.select %eq3A_2303, %broadcast_in_dim3A_2306, %broadcast_in_dim3A_2307 : vector<16xi1>, vector<16xi32>
    %add3A_2309 = arith.addi %add3A_2214, %select_n3A_2308 : vector<16xi32>
    %eq3A_2310 = arith.constant 4 : i32
    %eq3A_2311 = vector.broadcast %eq3A_2310 : i32 to vector<16xi32>
    %eq3A_2312 = arith.cmpi eq, %gather3A_2273, %eq3A_2311 : vector<16xi32>
    %jit3A_2313 = arith.constant 1 : i32
    %jit3A_2314 = arith.constant 0 : i32
    %broadcast_in_dim3A_2315 = vector.broadcast %jit3A_2313 : i32 to vector<16xi32>
    %broadcast_in_dim3A_2316 = vector.broadcast %jit3A_2314 : i32 to vector<16xi32>
    %select_n3A_2317 = arith.select %eq3A_2312, %broadcast_in_dim3A_2315, %broadcast_in_dim3A_2316 : vector<16xi1>, vector<16xi32>
    %add3A_2318 = arith.addi %add3A_2223, %select_n3A_2317 : vector<16xi32>
    %eq3A_2319 = arith.constant 5 : i32
    %eq3A_2320 = vector.broadcast %eq3A_2319 : i32 to vector<16xi32>
    %eq3A_2321 = arith.cmpi eq, %gather3A_2273, %eq3A_2320 : vector<16xi32>
    %jit3A_2322 = arith.constant 1 : i32
    %jit3A_2323 = arith.constant 0 : i32
    %broadcast_in_dim3A_2324 = vector.broadcast %jit3A_2322 : i32 to vector<16xi32>
    %broadcast_in_dim3A_2325 = vector.broadcast %jit3A_2323 : i32 to vector<16xi32>
    %select_n3A_2326 = arith.select %eq3A_2321, %broadcast_in_dim3A_2324, %broadcast_in_dim3A_2325 : vector<16xi1>, vector<16xi32>
    %add3A_2327 = arith.addi %add3A_2232, %select_n3A_2326 : vector<16xi32>
    %eq3A_2328 = arith.constant 6 : i32
    %eq3A_2329 = vector.broadcast %eq3A_2328 : i32 to vector<16xi32>
    %eq3A_2330 = arith.cmpi eq, %gather3A_2273, %eq3A_2329 : vector<16xi32>
    %jit3A_2331 = arith.constant 1 : i32
    %jit3A_2332 = arith.constant 0 : i32
    %broadcast_in_dim3A_2333 = vector.broadcast %jit3A_2331 : i32 to vector<16xi32>
    %broadcast_in_dim3A_2334 = vector.broadcast %jit3A_2332 : i32 to vector<16xi32>
    %select_n3A_2335 = arith.select %eq3A_2330, %broadcast_in_dim3A_2333, %broadcast_in_dim3A_2334 : vector<16xi1>, vector<16xi32>
    %add3A_2336 = arith.addi %add3A_2241, %select_n3A_2335 : vector<16xi32>
    %eq3A_2337 = arith.constant 7 : i32
    %eq3A_2338 = vector.broadcast %eq3A_2337 : i32 to vector<16xi32>
    %eq3A_2339 = arith.cmpi eq, %gather3A_2273, %eq3A_2338 : vector<16xi32>
    %jit3A_2340 = arith.constant 1 : i32
    %jit3A_2341 = arith.constant 0 : i32
    %broadcast_in_dim3A_2342 = vector.broadcast %jit3A_2340 : i32 to vector<16xi32>
    %broadcast_in_dim3A_2343 = vector.broadcast %jit3A_2341 : i32 to vector<16xi32>
    %select_n3A_2344 = arith.select %eq3A_2339, %broadcast_in_dim3A_2342, %broadcast_in_dim3A_2343 : vector<16xi1>, vector<16xi32>
    %add3A_2345 = arith.addi %add3A_2250, %select_n3A_2344 : vector<16xi32>
    %eq3A_2346 = arith.constant 8 : i32
    %eq3A_2347 = vector.broadcast %eq3A_2346 : i32 to vector<16xi32>
    %eq3A_2348 = arith.cmpi eq, %gather3A_2273, %eq3A_2347 : vector<16xi32>
    %jit3A_2349 = arith.constant 1 : i32
    %jit3A_2350 = arith.constant 0 : i32
    %broadcast_in_dim3A_2351 = vector.broadcast %jit3A_2349 : i32 to vector<16xi32>
    %broadcast_in_dim3A_2352 = vector.broadcast %jit3A_2350 : i32 to vector<16xi32>
    %select_n3A_2353 = arith.select %eq3A_2348, %broadcast_in_dim3A_2351, %broadcast_in_dim3A_2352 : vector<16xi1>, vector<16xi32>
    %add3A_2354 = arith.addi %add3A_2259, %select_n3A_2353 : vector<16xi32>
    %eq3A_2355 = arith.constant 9 : i32
    %eq3A_2356 = vector.broadcast %eq3A_2355 : i32 to vector<16xi32>
    %eq3A_2357 = arith.cmpi eq, %gather3A_2273, %eq3A_2356 : vector<16xi32>
    %jit3A_2358 = arith.constant 1 : i32
    %jit3A_2359 = arith.constant 0 : i32
    %broadcast_in_dim3A_2360 = vector.broadcast %jit3A_2358 : i32 to vector<16xi32>
    %broadcast_in_dim3A_2361 = vector.broadcast %jit3A_2359 : i32 to vector<16xi32>
    %select_n3A_2362 = arith.select %eq3A_2357, %broadcast_in_dim3A_2360, %broadcast_in_dim3A_2361 : vector<16xi1>, vector<16xi32>
    %add3A_2363 = arith.addi %add3A_2268, %select_n3A_2362 : vector<16xi32>
    %get3A_2364 = arith.constant 8 : i32
    %get3A_2365 = arith.index_cast %get3A_2364 : i32 to index
    %get3A_2366 = arith.constant 16 : index
    %get3A_2367 = tpu.vector_load %arg6[%get3A_2365, %get3A_2366] {strides = array<i32>} : memref<16x32xi32, #tpu.memory_space<vmem>>, vector<16xi32>,
    %gather3A_2368 = tpu.vector_load_idx %arg5[%get3A_2367] : memref<100000xi32, #tpu.memory_space<vmem>>[vector<16xi32>], vector<16xi32>,
    %eq3A_2369 = arith.constant 0 : i32
    %eq3A_2370 = vector.broadcast %eq3A_2369 : i32 to vector<16xi32>
    %eq3A_2371 = arith.cmpi eq, %gather3A_2368, %eq3A_2370 : vector<16xi32>
    %jit3A_2372 = arith.constant 1 : i32
    %jit3A_2373 = arith.constant 0 : i32
    %broadcast_in_dim3A_2374 = vector.broadcast %jit3A_2372 : i32 to vector<16xi32>
    %broadcast_in_dim3A_2375 = vector.broadcast %jit3A_2373 : i32 to vector<16xi32>
    %select_n3A_2376 = arith.select %eq3A_2371, %broadcast_in_dim3A_2374, %broadcast_in_dim3A_2375 : vector<16xi1>, vector<16xi32>
    %add3A_2377 = arith.addi %add3A_2282, %select_n3A_2376 : vector<16xi32>
    %eq3A_2378 = arith.constant 1 : i32
    %eq3A_2379 = vector.broadcast %eq3A_2378 : i32 to vector<16xi32>
    %eq3A_2380 = arith.cmpi eq, %gather3A_2368, %eq3A_2379 : vector<16xi32>
    %jit3A_2381 = arith.constant 1 : i32
    %jit3A_2382 = arith.constant 0 : i32
    %broadcast_in_dim3A_2383 = vector.broadcast %jit3A_2381 : i32 to vector<16xi32>
    %broadcast_in_dim3A_2384 = vector.broadcast %jit3A_2382 : i32 to vector<16xi32>
    %select_n3A_2385 = arith.select %eq3A_2380, %broadcast_in_dim3A_2383, %broadcast_in_dim3A_2384 : vector<16xi1>, vector<16xi32>
    %add3A_2386 = arith.addi %add3A_2291, %select_n3A_2385 : vector<16xi32>
    %eq3A_2387 = arith.constant 2 : i32
    %eq3A_2388 = vector.broadcast %eq3A_2387 : i32 to vector<16xi32>
    %eq3A_2389 = arith.cmpi eq, %gather3A_2368, %eq3A_2388 : vector<16xi32>
    %jit3A_2390 = arith.constant 1 : i32
    %jit3A_2391 = arith.constant 0 : i32
    %broadcast_in_dim3A_2392 = vector.broadcast %jit3A_2390 : i32 to vector<16xi32>
    %broadcast_in_dim3A_2393 = vector.broadcast %jit3A_2391 : i32 to vector<16xi32>
    %select_n3A_2394 = arith.select %eq3A_2389, %broadcast_in_dim3A_2392, %broadcast_in_dim3A_2393 : vector<16xi1>, vector<16xi32>
    %add3A_2395 = arith.addi %add3A_2300, %select_n3A_2394 : vector<16xi32>
    %eq3A_2396 = arith.constant 3 : i32
    %eq3A_2397 = vector.broadcast %eq3A_2396 : i32 to vector<16xi32>
    %eq3A_2398 = arith.cmpi eq, %gather3A_2368, %eq3A_2397 : vector<16xi32>
    %jit3A_2399 = arith.constant 1 : i32
    %jit3A_2400 = arith.constant 0 : i32
    %broadcast_in_dim3A_2401 = vector.broadcast %jit3A_2399 : i32 to vector<16xi32>
    %broadcast_in_dim3A_2402 = vector.broadcast %jit3A_2400 : i32 to vector<16xi32>
    %select_n3A_2403 = arith.select %eq3A_2398, %broadcast_in_dim3A_2401, %broadcast_in_dim3A_2402 : vector<16xi1>, vector<16xi32>
    %add3A_2404 = arith.addi %add3A_2309, %select_n3A_2403 : vector<16xi32>
    %eq3A_2405 = arith.constant 4 : i32
    %eq3A_2406 = vector.broadcast %eq3A_2405 : i32 to vector<16xi32>
    %eq3A_2407 = arith.cmpi eq, %gather3A_2368, %eq3A_2406 : vector<16xi32>
    %jit3A_2408 = arith.constant 1 : i32
    %jit3A_2409 = arith.constant 0 : i32
    %broadcast_in_dim3A_2410 = vector.broadcast %jit3A_2408 : i32 to vector<16xi32>
    %broadcast_in_dim3A_2411 = vector.broadcast %jit3A_2409 : i32 to vector<16xi32>
    %select_n3A_2412 = arith.select %eq3A_2407, %broadcast_in_dim3A_2410, %broadcast_in_dim3A_2411 : vector<16xi1>, vector<16xi32>
    %add3A_2413 = arith.addi %add3A_2318, %select_n3A_2412 : vector<16xi32>
    %eq3A_2414 = arith.constant 5 : i32
    %eq3A_2415 = vector.broadcast %eq3A_2414 : i32 to vector<16xi32>
    %eq3A_2416 = arith.cmpi eq, %gather3A_2368, %eq3A_2415 : vector<16xi32>
    %jit3A_2417 = arith.constant 1 : i32
    %jit3A_2418 = arith.constant 0 : i32
    %broadcast_in_dim3A_2419 = vector.broadcast %jit3A_2417 : i32 to vector<16xi32>
    %broadcast_in_dim3A_2420 = vector.broadcast %jit3A_2418 : i32 to vector<16xi32>
    %select_n3A_2421 = arith.select %eq3A_2416, %broadcast_in_dim3A_2419, %broadcast_in_dim3A_2420 : vector<16xi1>, vector<16xi32>
    %add3A_2422 = arith.addi %add3A_2327, %select_n3A_2421 : vector<16xi32>
    %eq3A_2423 = arith.constant 6 : i32
    %eq3A_2424 = vector.broadcast %eq3A_2423 : i32 to vector<16xi32>
    %eq3A_2425 = arith.cmpi eq, %gather3A_2368, %eq3A_2424 : vector<16xi32>
    %jit3A_2426 = arith.constant 1 : i32
    %jit3A_2427 = arith.constant 0 : i32
    %broadcast_in_dim3A_2428 = vector.broadcast %jit3A_2426 : i32 to vector<16xi32>
    %broadcast_in_dim3A_2429 = vector.broadcast %jit3A_2427 : i32 to vector<16xi32>
    %select_n3A_2430 = arith.select %eq3A_2425, %broadcast_in_dim3A_2428, %broadcast_in_dim3A_2429 : vector<16xi1>, vector<16xi32>
    %add3A_2431 = arith.addi %add3A_2336, %select_n3A_2430 : vector<16xi32>
    %eq3A_2432 = arith.constant 7 : i32
    %eq3A_2433 = vector.broadcast %eq3A_2432 : i32 to vector<16xi32>
    %eq3A_2434 = arith.cmpi eq, %gather3A_2368, %eq3A_2433 : vector<16xi32>
    %jit3A_2435 = arith.constant 1 : i32
    %jit3A_2436 = arith.constant 0 : i32
    %broadcast_in_dim3A_2437 = vector.broadcast %jit3A_2435 : i32 to vector<16xi32>
    %broadcast_in_dim3A_2438 = vector.broadcast %jit3A_2436 : i32 to vector<16xi32>
    %select_n3A_2439 = arith.select %eq3A_2434, %broadcast_in_dim3A_2437, %broadcast_in_dim3A_2438 : vector<16xi1>, vector<16xi32>
    %add3A_2440 = arith.addi %add3A_2345, %select_n3A_2439 : vector<16xi32>
    %eq3A_2441 = arith.constant 8 : i32
    %eq3A_2442 = vector.broadcast %eq3A_2441 : i32 to vector<16xi32>
    %eq3A_2443 = arith.cmpi eq, %gather3A_2368, %eq3A_2442 : vector<16xi32>
    %jit3A_2444 = arith.constant 1 : i32
    %jit3A_2445 = arith.constant 0 : i32
    %broadcast_in_dim3A_2446 = vector.broadcast %jit3A_2444 : i32 to vector<16xi32>
    %broadcast_in_dim3A_2447 = vector.broadcast %jit3A_2445 : i32 to vector<16xi32>
    %select_n3A_2448 = arith.select %eq3A_2443, %broadcast_in_dim3A_2446, %broadcast_in_dim3A_2447 : vector<16xi1>, vector<16xi32>
    %add3A_2449 = arith.addi %add3A_2354, %select_n3A_2448 : vector<16xi32>
    %eq3A_2450 = arith.constant 9 : i32
    %eq3A_2451 = vector.broadcast %eq3A_2450 : i32 to vector<16xi32>
    %eq3A_2452 = arith.cmpi eq, %gather3A_2368, %eq3A_2451 : vector<16xi32>
    %jit3A_2453 = arith.constant 1 : i32
    %jit3A_2454 = arith.constant 0 : i32
    %broadcast_in_dim3A_2455 = vector.broadcast %jit3A_2453 : i32 to vector<16xi32>
    %broadcast_in_dim3A_2456 = vector.broadcast %jit3A_2454 : i32 to vector<16xi32>
    %select_n3A_2457 = arith.select %eq3A_2452, %broadcast_in_dim3A_2455, %broadcast_in_dim3A_2456 : vector<16xi1>, vector<16xi32>
    %add3A_2458 = arith.addi %add3A_2363, %select_n3A_2457 : vector<16xi32>
    %get3A_2459 = arith.constant 9 : i32
    %get3A_2460 = arith.index_cast %get3A_2459 : i32 to index
    %get3A_2461 = arith.constant 16 : index
    %get3A_2462 = tpu.vector_load %arg6[%get3A_2460, %get3A_2461] {strides = array<i32>} : memref<16x32xi32, #tpu.memory_space<vmem>>, vector<16xi32>,
    %gather3A_2463 = tpu.vector_load_idx %arg5[%get3A_2462] : memref<100000xi32, #tpu.memory_space<vmem>>[vector<16xi32>], vector<16xi32>,
    %eq3A_2464 = arith.constant 0 : i32
    %eq3A_2465 = vector.broadcast %eq3A_2464 : i32 to vector<16xi32>
    %eq3A_2466 = arith.cmpi eq, %gather3A_2463, %eq3A_2465 : vector<16xi32>
    %jit3A_2467 = arith.constant 1 : i32
    %jit3A_2468 = arith.constant 0 : i32
    %broadcast_in_dim3A_2469 = vector.broadcast %jit3A_2467 : i32 to vector<16xi32>
    %broadcast_in_dim3A_2470 = vector.broadcast %jit3A_2468 : i32 to vector<16xi32>
    %select_n3A_2471 = arith.select %eq3A_2466, %broadcast_in_dim3A_2469, %broadcast_in_dim3A_2470 : vector<16xi1>, vector<16xi32>
    %add3A_2472 = arith.addi %add3A_2377, %select_n3A_2471 : vector<16xi32>
    %eq3A_2473 = arith.constant 1 : i32
    %eq3A_2474 = vector.broadcast %eq3A_2473 : i32 to vector<16xi32>
    %eq3A_2475 = arith.cmpi eq, %gather3A_2463, %eq3A_2474 : vector<16xi32>
    %jit3A_2476 = arith.constant 1 : i32
    %jit3A_2477 = arith.constant 0 : i32
    %broadcast_in_dim3A_2478 = vector.broadcast %jit3A_2476 : i32 to vector<16xi32>
    %broadcast_in_dim3A_2479 = vector.broadcast %jit3A_2477 : i32 to vector<16xi32>
    %select_n3A_2480 = arith.select %eq3A_2475, %broadcast_in_dim3A_2478, %broadcast_in_dim3A_2479 : vector<16xi1>, vector<16xi32>
    %add3A_2481 = arith.addi %add3A_2386, %select_n3A_2480 : vector<16xi32>
    %eq3A_2482 = arith.constant 2 : i32
    %eq3A_2483 = vector.broadcast %eq3A_2482 : i32 to vector<16xi32>
    %eq3A_2484 = arith.cmpi eq, %gather3A_2463, %eq3A_2483 : vector<16xi32>
    %jit3A_2485 = arith.constant 1 : i32
    %jit3A_2486 = arith.constant 0 : i32
    %broadcast_in_dim3A_2487 = vector.broadcast %jit3A_2485 : i32 to vector<16xi32>
    %broadcast_in_dim3A_2488 = vector.broadcast %jit3A_2486 : i32 to vector<16xi32>
    %select_n3A_2489 = arith.select %eq3A_2484, %broadcast_in_dim3A_2487, %broadcast_in_dim3A_2488 : vector<16xi1>, vector<16xi32>
    %add3A_2490 = arith.addi %add3A_2395, %select_n3A_2489 : vector<16xi32>
    %eq3A_2491 = arith.constant 3 : i32
    %eq3A_2492 = vector.broadcast %eq3A_2491 : i32 to vector<16xi32>
    %eq3A_2493 = arith.cmpi eq, %gather3A_2463, %eq3A_2492 : vector<16xi32>
    %jit3A_2494 = arith.constant 1 : i32
    %jit3A_2495 = arith.constant 0 : i32
    %broadcast_in_dim3A_2496 = vector.broadcast %jit3A_2494 : i32 to vector<16xi32>
    %broadcast_in_dim3A_2497 = vector.broadcast %jit3A_2495 : i32 to vector<16xi32>
    %select_n3A_2498 = arith.select %eq3A_2493, %broadcast_in_dim3A_2496, %broadcast_in_dim3A_2497 : vector<16xi1>, vector<16xi32>
    %add3A_2499 = arith.addi %add3A_2404, %select_n3A_2498 : vector<16xi32>
    %eq3A_2500 = arith.constant 4 : i32
    %eq3A_2501 = vector.broadcast %eq3A_2500 : i32 to vector<16xi32>
    %eq3A_2502 = arith.cmpi eq, %gather3A_2463, %eq3A_2501 : vector<16xi32>
    %jit3A_2503 = arith.constant 1 : i32
    %jit3A_2504 = arith.constant 0 : i32
    %broadcast_in_dim3A_2505 = vector.broadcast %jit3A_2503 : i32 to vector<16xi32>
    %broadcast_in_dim3A_2506 = vector.broadcast %jit3A_2504 : i32 to vector<16xi32>
    %select_n3A_2507 = arith.select %eq3A_2502, %broadcast_in_dim3A_2505, %broadcast_in_dim3A_2506 : vector<16xi1>, vector<16xi32>
    %add3A_2508 = arith.addi %add3A_2413, %select_n3A_2507 : vector<16xi32>
    %eq3A_2509 = arith.constant 5 : i32
    %eq3A_2510 = vector.broadcast %eq3A_2509 : i32 to vector<16xi32>
    %eq3A_2511 = arith.cmpi eq, %gather3A_2463, %eq3A_2510 : vector<16xi32>
    %jit3A_2512 = arith.constant 1 : i32
    %jit3A_2513 = arith.constant 0 : i32
    %broadcast_in_dim3A_2514 = vector.broadcast %jit3A_2512 : i32 to vector<16xi32>
    %broadcast_in_dim3A_2515 = vector.broadcast %jit3A_2513 : i32 to vector<16xi32>
    %select_n3A_2516 = arith.select %eq3A_2511, %broadcast_in_dim3A_2514, %broadcast_in_dim3A_2515 : vector<16xi1>, vector<16xi32>
    %add3A_2517 = arith.addi %add3A_2422, %select_n3A_2516 : vector<16xi32>
    %eq3A_2518 = arith.constant 6 : i32
    %eq3A_2519 = vector.broadcast %eq3A_2518 : i32 to vector<16xi32>
    %eq3A_2520 = arith.cmpi eq, %gather3A_2463, %eq3A_2519 : vector<16xi32>
    %jit3A_2521 = arith.constant 1 : i32
    %jit3A_2522 = arith.constant 0 : i32
    %broadcast_in_dim3A_2523 = vector.broadcast %jit3A_2521 : i32 to vector<16xi32>
    %broadcast_in_dim3A_2524 = vector.broadcast %jit3A_2522 : i32 to vector<16xi32>
    %select_n3A_2525 = arith.select %eq3A_2520, %broadcast_in_dim3A_2523, %broadcast_in_dim3A_2524 : vector<16xi1>, vector<16xi32>
    %add3A_2526 = arith.addi %add3A_2431, %select_n3A_2525 : vector<16xi32>
    %eq3A_2527 = arith.constant 7 : i32
    %eq3A_2528 = vector.broadcast %eq3A_2527 : i32 to vector<16xi32>
    %eq3A_2529 = arith.cmpi eq, %gather3A_2463, %eq3A_2528 : vector<16xi32>
    %jit3A_2530 = arith.constant 1 : i32
    %jit3A_2531 = arith.constant 0 : i32
    %broadcast_in_dim3A_2532 = vector.broadcast %jit3A_2530 : i32 to vector<16xi32>
    %broadcast_in_dim3A_2533 = vector.broadcast %jit3A_2531 : i32 to vector<16xi32>
    %select_n3A_2534 = arith.select %eq3A_2529, %broadcast_in_dim3A_2532, %broadcast_in_dim3A_2533 : vector<16xi1>, vector<16xi32>
    %add3A_2535 = arith.addi %add3A_2440, %select_n3A_2534 : vector<16xi32>
    %eq3A_2536 = arith.constant 8 : i32
    %eq3A_2537 = vector.broadcast %eq3A_2536 : i32 to vector<16xi32>
    %eq3A_2538 = arith.cmpi eq, %gather3A_2463, %eq3A_2537 : vector<16xi32>
    %jit3A_2539 = arith.constant 1 : i32
    %jit3A_2540 = arith.constant 0 : i32
    %broadcast_in_dim3A_2541 = vector.broadcast %jit3A_2539 : i32 to vector<16xi32>
    %broadcast_in_dim3A_2542 = vector.broadcast %jit3A_2540 : i32 to vector<16xi32>
    %select_n3A_2543 = arith.select %eq3A_2538, %broadcast_in_dim3A_2541, %broadcast_in_dim3A_2542 : vector<16xi1>, vector<16xi32>
    %add3A_2544 = arith.addi %add3A_2449, %select_n3A_2543 : vector<16xi32>
    %eq3A_2545 = arith.constant 9 : i32
    %eq3A_2546 = vector.broadcast %eq3A_2545 : i32 to vector<16xi32>
    %eq3A_2547 = arith.cmpi eq, %gather3A_2463, %eq3A_2546 : vector<16xi32>
    %jit3A_2548 = arith.constant 1 : i32
    %jit3A_2549 = arith.constant 0 : i32
    %broadcast_in_dim3A_2550 = vector.broadcast %jit3A_2548 : i32 to vector<16xi32>
    %broadcast_in_dim3A_2551 = vector.broadcast %jit3A_2549 : i32 to vector<16xi32>
    %select_n3A_2552 = arith.select %eq3A_2547, %broadcast_in_dim3A_2550, %broadcast_in_dim3A_2551 : vector<16xi1>, vector<16xi32>
    %add3A_2553 = arith.addi %add3A_2458, %select_n3A_2552 : vector<16xi32>
    %get3A_2554 = arith.constant 10 : i32
    %get3A_2555 = arith.index_cast %get3A_2554 : i32 to index
    %get3A_2556 = arith.constant 16 : index
    %get3A_2557 = tpu.vector_load %arg6[%get3A_2555, %get3A_2556] {strides = array<i32>} : memref<16x32xi32, #tpu.memory_space<vmem>>, vector<16xi32>,
    %gather3A_2558 = tpu.vector_load_idx %arg5[%get3A_2557] : memref<100000xi32, #tpu.memory_space<vmem>>[vector<16xi32>], vector<16xi32>,
    %eq3A_2559 = arith.constant 0 : i32
    %eq3A_2560 = vector.broadcast %eq3A_2559 : i32 to vector<16xi32>
    %eq3A_2561 = arith.cmpi eq, %gather3A_2558, %eq3A_2560 : vector<16xi32>
    %jit3A_2562 = arith.constant 1 : i32
    %jit3A_2563 = arith.constant 0 : i32
    %broadcast_in_dim3A_2564 = vector.broadcast %jit3A_2562 : i32 to vector<16xi32>
    %broadcast_in_dim3A_2565 = vector.broadcast %jit3A_2563 : i32 to vector<16xi32>
    %select_n3A_2566 = arith.select %eq3A_2561, %broadcast_in_dim3A_2564, %broadcast_in_dim3A_2565 : vector<16xi1>, vector<16xi32>
    %add3A_2567 = arith.addi %add3A_2472, %select_n3A_2566 : vector<16xi32>
    %eq3A_2568 = arith.constant 1 : i32
    %eq3A_2569 = vector.broadcast %eq3A_2568 : i32 to vector<16xi32>
    %eq3A_2570 = arith.cmpi eq, %gather3A_2558, %eq3A_2569 : vector<16xi32>
    %jit3A_2571 = arith.constant 1 : i32
    %jit3A_2572 = arith.constant 0 : i32
    %broadcast_in_dim3A_2573 = vector.broadcast %jit3A_2571 : i32 to vector<16xi32>
    %broadcast_in_dim3A_2574 = vector.broadcast %jit3A_2572 : i32 to vector<16xi32>
    %select_n3A_2575 = arith.select %eq3A_2570, %broadcast_in_dim3A_2573, %broadcast_in_dim3A_2574 : vector<16xi1>, vector<16xi32>
    %add3A_2576 = arith.addi %add3A_2481, %select_n3A_2575 : vector<16xi32>
    %eq3A_2577 = arith.constant 2 : i32
    %eq3A_2578 = vector.broadcast %eq3A_2577 : i32 to vector<16xi32>
    %eq3A_2579 = arith.cmpi eq, %gather3A_2558, %eq3A_2578 : vector<16xi32>
    %jit3A_2580 = arith.constant 1 : i32
    %jit3A_2581 = arith.constant 0 : i32
    %broadcast_in_dim3A_2582 = vector.broadcast %jit3A_2580 : i32 to vector<16xi32>
    %broadcast_in_dim3A_2583 = vector.broadcast %jit3A_2581 : i32 to vector<16xi32>
    %select_n3A_2584 = arith.select %eq3A_2579, %broadcast_in_dim3A_2582, %broadcast_in_dim3A_2583 : vector<16xi1>, vector<16xi32>
    %add3A_2585 = arith.addi %add3A_2490, %select_n3A_2584 : vector<16xi32>
    %eq3A_2586 = arith.constant 3 : i32
    %eq3A_2587 = vector.broadcast %eq3A_2586 : i32 to vector<16xi32>
    %eq3A_2588 = arith.cmpi eq, %gather3A_2558, %eq3A_2587 : vector<16xi32>
    %jit3A_2589 = arith.constant 1 : i32
    %jit3A_2590 = arith.constant 0 : i32
    %broadcast_in_dim3A_2591 = vector.broadcast %jit3A_2589 : i32 to vector<16xi32>
    %broadcast_in_dim3A_2592 = vector.broadcast %jit3A_2590 : i32 to vector<16xi32>
    %select_n3A_2593 = arith.select %eq3A_2588, %broadcast_in_dim3A_2591, %broadcast_in_dim3A_2592 : vector<16xi1>, vector<16xi32>
    %add3A_2594 = arith.addi %add3A_2499, %select_n3A_2593 : vector<16xi32>
    %eq3A_2595 = arith.constant 4 : i32
    %eq3A_2596 = vector.broadcast %eq3A_2595 : i32 to vector<16xi32>
    %eq3A_2597 = arith.cmpi eq, %gather3A_2558, %eq3A_2596 : vector<16xi32>
    %jit3A_2598 = arith.constant 1 : i32
    %jit3A_2599 = arith.constant 0 : i32
    %broadcast_in_dim3A_2600 = vector.broadcast %jit3A_2598 : i32 to vector<16xi32>
    %broadcast_in_dim3A_2601 = vector.broadcast %jit3A_2599 : i32 to vector<16xi32>
    %select_n3A_2602 = arith.select %eq3A_2597, %broadcast_in_dim3A_2600, %broadcast_in_dim3A_2601 : vector<16xi1>, vector<16xi32>
    %add3A_2603 = arith.addi %add3A_2508, %select_n3A_2602 : vector<16xi32>
    %eq3A_2604 = arith.constant 5 : i32
    %eq3A_2605 = vector.broadcast %eq3A_2604 : i32 to vector<16xi32>
    %eq3A_2606 = arith.cmpi eq, %gather3A_2558, %eq3A_2605 : vector<16xi32>
    %jit3A_2607 = arith.constant 1 : i32
    %jit3A_2608 = arith.constant 0 : i32
    %broadcast_in_dim3A_2609 = vector.broadcast %jit3A_2607 : i32 to vector<16xi32>
    %broadcast_in_dim3A_2610 = vector.broadcast %jit3A_2608 : i32 to vector<16xi32>
    %select_n3A_2611 = arith.select %eq3A_2606, %broadcast_in_dim3A_2609, %broadcast_in_dim3A_2610 : vector<16xi1>, vector<16xi32>
    %add3A_2612 = arith.addi %add3A_2517, %select_n3A_2611 : vector<16xi32>
    %eq3A_2613 = arith.constant 6 : i32
    %eq3A_2614 = vector.broadcast %eq3A_2613 : i32 to vector<16xi32>
    %eq3A_2615 = arith.cmpi eq, %gather3A_2558, %eq3A_2614 : vector<16xi32>
    %jit3A_2616 = arith.constant 1 : i32
    %jit3A_2617 = arith.constant 0 : i32
    %broadcast_in_dim3A_2618 = vector.broadcast %jit3A_2616 : i32 to vector<16xi32>
    %broadcast_in_dim3A_2619 = vector.broadcast %jit3A_2617 : i32 to vector<16xi32>
    %select_n3A_2620 = arith.select %eq3A_2615, %broadcast_in_dim3A_2618, %broadcast_in_dim3A_2619 : vector<16xi1>, vector<16xi32>
    %add3A_2621 = arith.addi %add3A_2526, %select_n3A_2620 : vector<16xi32>
    %eq3A_2622 = arith.constant 7 : i32
    %eq3A_2623 = vector.broadcast %eq3A_2622 : i32 to vector<16xi32>
    %eq3A_2624 = arith.cmpi eq, %gather3A_2558, %eq3A_2623 : vector<16xi32>
    %jit3A_2625 = arith.constant 1 : i32
    %jit3A_2626 = arith.constant 0 : i32
    %broadcast_in_dim3A_2627 = vector.broadcast %jit3A_2625 : i32 to vector<16xi32>
    %broadcast_in_dim3A_2628 = vector.broadcast %jit3A_2626 : i32 to vector<16xi32>
    %select_n3A_2629 = arith.select %eq3A_2624, %broadcast_in_dim3A_2627, %broadcast_in_dim3A_2628 : vector<16xi1>, vector<16xi32>
    %add3A_2630 = arith.addi %add3A_2535, %select_n3A_2629 : vector<16xi32>
    %eq3A_2631 = arith.constant 8 : i32
    %eq3A_2632 = vector.broadcast %eq3A_2631 : i32 to vector<16xi32>
    %eq3A_2633 = arith.cmpi eq, %gather3A_2558, %eq3A_2632 : vector<16xi32>
    %jit3A_2634 = arith.constant 1 : i32
    %jit3A_2635 = arith.constant 0 : i32
    %broadcast_in_dim3A_2636 = vector.broadcast %jit3A_2634 : i32 to vector<16xi32>
    %broadcast_in_dim3A_2637 = vector.broadcast %jit3A_2635 : i32 to vector<16xi32>
    %select_n3A_2638 = arith.select %eq3A_2633, %broadcast_in_dim3A_2636, %broadcast_in_dim3A_2637 : vector<16xi1>, vector<16xi32>
    %add3A_2639 = arith.addi %add3A_2544, %select_n3A_2638 : vector<16xi32>
    %eq3A_2640 = arith.constant 9 : i32
    %eq3A_2641 = vector.broadcast %eq3A_2640 : i32 to vector<16xi32>
    %eq3A_2642 = arith.cmpi eq, %gather3A_2558, %eq3A_2641 : vector<16xi32>
    %jit3A_2643 = arith.constant 1 : i32
    %jit3A_2644 = arith.constant 0 : i32
    %broadcast_in_dim3A_2645 = vector.broadcast %jit3A_2643 : i32 to vector<16xi32>
    %broadcast_in_dim3A_2646 = vector.broadcast %jit3A_2644 : i32 to vector<16xi32>
    %select_n3A_2647 = arith.select %eq3A_2642, %broadcast_in_dim3A_2645, %broadcast_in_dim3A_2646 : vector<16xi1>, vector<16xi32>
    %add3A_2648 = arith.addi %add3A_2553, %select_n3A_2647 : vector<16xi32>
    %get3A_2649 = arith.constant 11 : i32
    %get3A_2650 = arith.index_cast %get3A_2649 : i32 to index
    %get3A_2651 = arith.constant 16 : index
    %get3A_2652 = tpu.vector_load %arg6[%get3A_2650, %get3A_2651] {strides = array<i32>} : memref<16x32xi32, #tpu.memory_space<vmem>>, vector<16xi32>,
    %gather3A_2653 = tpu.vector_load_idx %arg5[%get3A_2652] : memref<100000xi32, #tpu.memory_space<vmem>>[vector<16xi32>], vector<16xi32>,
    %eq3A_2654 = arith.constant 0 : i32
    %eq3A_2655 = vector.broadcast %eq3A_2654 : i32 to vector<16xi32>
    %eq3A_2656 = arith.cmpi eq, %gather3A_2653, %eq3A_2655 : vector<16xi32>
    %jit3A_2657 = arith.constant 1 : i32
    %jit3A_2658 = arith.constant 0 : i32
    %broadcast_in_dim3A_2659 = vector.broadcast %jit3A_2657 : i32 to vector<16xi32>
    %broadcast_in_dim3A_2660 = vector.broadcast %jit3A_2658 : i32 to vector<16xi32>
    %select_n3A_2661 = arith.select %eq3A_2656, %broadcast_in_dim3A_2659, %broadcast_in_dim3A_2660 : vector<16xi1>, vector<16xi32>
    %add3A_2662 = arith.addi %add3A_2567, %select_n3A_2661 : vector<16xi32>
    %eq3A_2663 = arith.constant 1 : i32
    %eq3A_2664 = vector.broadcast %eq3A_2663 : i32 to vector<16xi32>
    %eq3A_2665 = arith.cmpi eq, %gather3A_2653, %eq3A_2664 : vector<16xi32>
    %jit3A_2666 = arith.constant 1 : i32
    %jit3A_2667 = arith.constant 0 : i32
    %broadcast_in_dim3A_2668 = vector.broadcast %jit3A_2666 : i32 to vector<16xi32>
    %broadcast_in_dim3A_2669 = vector.broadcast %jit3A_2667 : i32 to vector<16xi32>
    %select_n3A_2670 = arith.select %eq3A_2665, %broadcast_in_dim3A_2668, %broadcast_in_dim3A_2669 : vector<16xi1>, vector<16xi32>
    %add3A_2671 = arith.addi %add3A_2576, %select_n3A_2670 : vector<16xi32>
    %eq3A_2672 = arith.constant 2 : i32
    %eq3A_2673 = vector.broadcast %eq3A_2672 : i32 to vector<16xi32>
    %eq3A_2674 = arith.cmpi eq, %gather3A_2653, %eq3A_2673 : vector<16xi32>
    %jit3A_2675 = arith.constant 1 : i32
    %jit3A_2676 = arith.constant 0 : i32
    %broadcast_in_dim3A_2677 = vector.broadcast %jit3A_2675 : i32 to vector<16xi32>
    %broadcast_in_dim3A_2678 = vector.broadcast %jit3A_2676 : i32 to vector<16xi32>
    %select_n3A_2679 = arith.select %eq3A_2674, %broadcast_in_dim3A_2677, %broadcast_in_dim3A_2678 : vector<16xi1>, vector<16xi32>
    %add3A_2680 = arith.addi %add3A_2585, %select_n3A_2679 : vector<16xi32>
    %eq3A_2681 = arith.constant 3 : i32
    %eq3A_2682 = vector.broadcast %eq3A_2681 : i32 to vector<16xi32>
    %eq3A_2683 = arith.cmpi eq, %gather3A_2653, %eq3A_2682 : vector<16xi32>
    %jit3A_2684 = arith.constant 1 : i32
    %jit3A_2685 = arith.constant 0 : i32
    %broadcast_in_dim3A_2686 = vector.broadcast %jit3A_2684 : i32 to vector<16xi32>
    %broadcast_in_dim3A_2687 = vector.broadcast %jit3A_2685 : i32 to vector<16xi32>
    %select_n3A_2688 = arith.select %eq3A_2683, %broadcast_in_dim3A_2686, %broadcast_in_dim3A_2687 : vector<16xi1>, vector<16xi32>
    %add3A_2689 = arith.addi %add3A_2594, %select_n3A_2688 : vector<16xi32>
    %eq3A_2690 = arith.constant 4 : i32
    %eq3A_2691 = vector.broadcast %eq3A_2690 : i32 to vector<16xi32>
    %eq3A_2692 = arith.cmpi eq, %gather3A_2653, %eq3A_2691 : vector<16xi32>
    %jit3A_2693 = arith.constant 1 : i32
    %jit3A_2694 = arith.constant 0 : i32
    %broadcast_in_dim3A_2695 = vector.broadcast %jit3A_2693 : i32 to vector<16xi32>
    %broadcast_in_dim3A_2696 = vector.broadcast %jit3A_2694 : i32 to vector<16xi32>
    %select_n3A_2697 = arith.select %eq3A_2692, %broadcast_in_dim3A_2695, %broadcast_in_dim3A_2696 : vector<16xi1>, vector<16xi32>
    %add3A_2698 = arith.addi %add3A_2603, %select_n3A_2697 : vector<16xi32>
    %eq3A_2699 = arith.constant 5 : i32
    %eq3A_2700 = vector.broadcast %eq3A_2699 : i32 to vector<16xi32>
    %eq3A_2701 = arith.cmpi eq, %gather3A_2653, %eq3A_2700 : vector<16xi32>
    %jit3A_2702 = arith.constant 1 : i32
    %jit3A_2703 = arith.constant 0 : i32
    %broadcast_in_dim3A_2704 = vector.broadcast %jit3A_2702 : i32 to vector<16xi32>
    %broadcast_in_dim3A_2705 = vector.broadcast %jit3A_2703 : i32 to vector<16xi32>
    %select_n3A_2706 = arith.select %eq3A_2701, %broadcast_in_dim3A_2704, %broadcast_in_dim3A_2705 : vector<16xi1>, vector<16xi32>
    %add3A_2707 = arith.addi %add3A_2612, %select_n3A_2706 : vector<16xi32>
    %eq3A_2708 = arith.constant 6 : i32
    %eq3A_2709 = vector.broadcast %eq3A_2708 : i32 to vector<16xi32>
    %eq3A_2710 = arith.cmpi eq, %gather3A_2653, %eq3A_2709 : vector<16xi32>
    %jit3A_2711 = arith.constant 1 : i32
    %jit3A_2712 = arith.constant 0 : i32
    %broadcast_in_dim3A_2713 = vector.broadcast %jit3A_2711 : i32 to vector<16xi32>
    %broadcast_in_dim3A_2714 = vector.broadcast %jit3A_2712 : i32 to vector<16xi32>
    %select_n3A_2715 = arith.select %eq3A_2710, %broadcast_in_dim3A_2713, %broadcast_in_dim3A_2714 : vector<16xi1>, vector<16xi32>
    %add3A_2716 = arith.addi %add3A_2621, %select_n3A_2715 : vector<16xi32>
    %eq3A_2717 = arith.constant 7 : i32
    %eq3A_2718 = vector.broadcast %eq3A_2717 : i32 to vector<16xi32>
    %eq3A_2719 = arith.cmpi eq, %gather3A_2653, %eq3A_2718 : vector<16xi32>
    %jit3A_2720 = arith.constant 1 : i32
    %jit3A_2721 = arith.constant 0 : i32
    %broadcast_in_dim3A_2722 = vector.broadcast %jit3A_2720 : i32 to vector<16xi32>
    %broadcast_in_dim3A_2723 = vector.broadcast %jit3A_2721 : i32 to vector<16xi32>
    %select_n3A_2724 = arith.select %eq3A_2719, %broadcast_in_dim3A_2722, %broadcast_in_dim3A_2723 : vector<16xi1>, vector<16xi32>
    %add3A_2725 = arith.addi %add3A_2630, %select_n3A_2724 : vector<16xi32>
    %eq3A_2726 = arith.constant 8 : i32
    %eq3A_2727 = vector.broadcast %eq3A_2726 : i32 to vector<16xi32>
    %eq3A_2728 = arith.cmpi eq, %gather3A_2653, %eq3A_2727 : vector<16xi32>
    %jit3A_2729 = arith.constant 1 : i32
    %jit3A_2730 = arith.constant 0 : i32
    %broadcast_in_dim3A_2731 = vector.broadcast %jit3A_2729 : i32 to vector<16xi32>
    %broadcast_in_dim3A_2732 = vector.broadcast %jit3A_2730 : i32 to vector<16xi32>
    %select_n3A_2733 = arith.select %eq3A_2728, %broadcast_in_dim3A_2731, %broadcast_in_dim3A_2732 : vector<16xi1>, vector<16xi32>
    %add3A_2734 = arith.addi %add3A_2639, %select_n3A_2733 : vector<16xi32>
    %eq3A_2735 = arith.constant 9 : i32
    %eq3A_2736 = vector.broadcast %eq3A_2735 : i32 to vector<16xi32>
    %eq3A_2737 = arith.cmpi eq, %gather3A_2653, %eq3A_2736 : vector<16xi32>
    %jit3A_2738 = arith.constant 1 : i32
    %jit3A_2739 = arith.constant 0 : i32
    %broadcast_in_dim3A_2740 = vector.broadcast %jit3A_2738 : i32 to vector<16xi32>
    %broadcast_in_dim3A_2741 = vector.broadcast %jit3A_2739 : i32 to vector<16xi32>
    %select_n3A_2742 = arith.select %eq3A_2737, %broadcast_in_dim3A_2740, %broadcast_in_dim3A_2741 : vector<16xi1>, vector<16xi32>
    %add3A_2743 = arith.addi %add3A_2648, %select_n3A_2742 : vector<16xi32>
    %get3A_2744 = arith.constant 12 : i32
    %get3A_2745 = arith.index_cast %get3A_2744 : i32 to index
    %get3A_2746 = arith.constant 16 : index
    %get3A_2747 = tpu.vector_load %arg6[%get3A_2745, %get3A_2746] {strides = array<i32>} : memref<16x32xi32, #tpu.memory_space<vmem>>, vector<16xi32>,
    %gather3A_2748 = tpu.vector_load_idx %arg5[%get3A_2747] : memref<100000xi32, #tpu.memory_space<vmem>>[vector<16xi32>], vector<16xi32>,
    %eq3A_2749 = arith.constant 0 : i32
    %eq3A_2750 = vector.broadcast %eq3A_2749 : i32 to vector<16xi32>
    %eq3A_2751 = arith.cmpi eq, %gather3A_2748, %eq3A_2750 : vector<16xi32>
    %jit3A_2752 = arith.constant 1 : i32
    %jit3A_2753 = arith.constant 0 : i32
    %broadcast_in_dim3A_2754 = vector.broadcast %jit3A_2752 : i32 to vector<16xi32>
    %broadcast_in_dim3A_2755 = vector.broadcast %jit3A_2753 : i32 to vector<16xi32>
    %select_n3A_2756 = arith.select %eq3A_2751, %broadcast_in_dim3A_2754, %broadcast_in_dim3A_2755 : vector<16xi1>, vector<16xi32>
    %add3A_2757 = arith.addi %add3A_2662, %select_n3A_2756 : vector<16xi32>
    %eq3A_2758 = arith.constant 1 : i32
    %eq3A_2759 = vector.broadcast %eq3A_2758 : i32 to vector<16xi32>
    %eq3A_2760 = arith.cmpi eq, %gather3A_2748, %eq3A_2759 : vector<16xi32>
    %jit3A_2761 = arith.constant 1 : i32
    %jit3A_2762 = arith.constant 0 : i32
    %broadcast_in_dim3A_2763 = vector.broadcast %jit3A_2761 : i32 to vector<16xi32>
    %broadcast_in_dim3A_2764 = vector.broadcast %jit3A_2762 : i32 to vector<16xi32>
    %select_n3A_2765 = arith.select %eq3A_2760, %broadcast_in_dim3A_2763, %broadcast_in_dim3A_2764 : vector<16xi1>, vector<16xi32>
    %add3A_2766 = arith.addi %add3A_2671, %select_n3A_2765 : vector<16xi32>
    %eq3A_2767 = arith.constant 2 : i32
    %eq3A_2768 = vector.broadcast %eq3A_2767 : i32 to vector<16xi32>
    %eq3A_2769 = arith.cmpi eq, %gather3A_2748, %eq3A_2768 : vector<16xi32>
    %jit3A_2770 = arith.constant 1 : i32
    %jit3A_2771 = arith.constant 0 : i32
    %broadcast_in_dim3A_2772 = vector.broadcast %jit3A_2770 : i32 to vector<16xi32>
    %broadcast_in_dim3A_2773 = vector.broadcast %jit3A_2771 : i32 to vector<16xi32>
    %select_n3A_2774 = arith.select %eq3A_2769, %broadcast_in_dim3A_2772, %broadcast_in_dim3A_2773 : vector<16xi1>, vector<16xi32>
    %add3A_2775 = arith.addi %add3A_2680, %select_n3A_2774 : vector<16xi32>
    %eq3A_2776 = arith.constant 3 : i32
    %eq3A_2777 = vector.broadcast %eq3A_2776 : i32 to vector<16xi32>
    %eq3A_2778 = arith.cmpi eq, %gather3A_2748, %eq3A_2777 : vector<16xi32>
    %jit3A_2779 = arith.constant 1 : i32
    %jit3A_2780 = arith.constant 0 : i32
    %broadcast_in_dim3A_2781 = vector.broadcast %jit3A_2779 : i32 to vector<16xi32>
    %broadcast_in_dim3A_2782 = vector.broadcast %jit3A_2780 : i32 to vector<16xi32>
    %select_n3A_2783 = arith.select %eq3A_2778, %broadcast_in_dim3A_2781, %broadcast_in_dim3A_2782 : vector<16xi1>, vector<16xi32>
    %add3A_2784 = arith.addi %add3A_2689, %select_n3A_2783 : vector<16xi32>
    %eq3A_2785 = arith.constant 4 : i32
    %eq3A_2786 = vector.broadcast %eq3A_2785 : i32 to vector<16xi32>
    %eq3A_2787 = arith.cmpi eq, %gather3A_2748, %eq3A_2786 : vector<16xi32>
    %jit3A_2788 = arith.constant 1 : i32
    %jit3A_2789 = arith.constant 0 : i32
    %broadcast_in_dim3A_2790 = vector.broadcast %jit3A_2788 : i32 to vector<16xi32>
    %broadcast_in_dim3A_2791 = vector.broadcast %jit3A_2789 : i32 to vector<16xi32>
    %select_n3A_2792 = arith.select %eq3A_2787, %broadcast_in_dim3A_2790, %broadcast_in_dim3A_2791 : vector<16xi1>, vector<16xi32>
    %add3A_2793 = arith.addi %add3A_2698, %select_n3A_2792 : vector<16xi32>
    %eq3A_2794 = arith.constant 5 : i32
    %eq3A_2795 = vector.broadcast %eq3A_2794 : i32 to vector<16xi32>
    %eq3A_2796 = arith.cmpi eq, %gather3A_2748, %eq3A_2795 : vector<16xi32>
    %jit3A_2797 = arith.constant 1 : i32
    %jit3A_2798 = arith.constant 0 : i32
    %broadcast_in_dim3A_2799 = vector.broadcast %jit3A_2797 : i32 to vector<16xi32>
    %broadcast_in_dim3A_2800 = vector.broadcast %jit3A_2798 : i32 to vector<16xi32>
    %select_n3A_2801 = arith.select %eq3A_2796, %broadcast_in_dim3A_2799, %broadcast_in_dim3A_2800 : vector<16xi1>, vector<16xi32>
    %add3A_2802 = arith.addi %add3A_2707, %select_n3A_2801 : vector<16xi32>
    %eq3A_2803 = arith.constant 6 : i32
    %eq3A_2804 = vector.broadcast %eq3A_2803 : i32 to vector<16xi32>
    %eq3A_2805 = arith.cmpi eq, %gather3A_2748, %eq3A_2804 : vector<16xi32>
    %jit3A_2806 = arith.constant 1 : i32
    %jit3A_2807 = arith.constant 0 : i32
    %broadcast_in_dim3A_2808 = vector.broadcast %jit3A_2806 : i32 to vector<16xi32>
    %broadcast_in_dim3A_2809 = vector.broadcast %jit3A_2807 : i32 to vector<16xi32>
    %select_n3A_2810 = arith.select %eq3A_2805, %broadcast_in_dim3A_2808, %broadcast_in_dim3A_2809 : vector<16xi1>, vector<16xi32>
    %add3A_2811 = arith.addi %add3A_2716, %select_n3A_2810 : vector<16xi32>
    %eq3A_2812 = arith.constant 7 : i32
    %eq3A_2813 = vector.broadcast %eq3A_2812 : i32 to vector<16xi32>
    %eq3A_2814 = arith.cmpi eq, %gather3A_2748, %eq3A_2813 : vector<16xi32>
    %jit3A_2815 = arith.constant 1 : i32
    %jit3A_2816 = arith.constant 0 : i32
    %broadcast_in_dim3A_2817 = vector.broadcast %jit3A_2815 : i32 to vector<16xi32>
    %broadcast_in_dim3A_2818 = vector.broadcast %jit3A_2816 : i32 to vector<16xi32>
    %select_n3A_2819 = arith.select %eq3A_2814, %broadcast_in_dim3A_2817, %broadcast_in_dim3A_2818 : vector<16xi1>, vector<16xi32>
    %add3A_2820 = arith.addi %add3A_2725, %select_n3A_2819 : vector<16xi32>
    %eq3A_2821 = arith.constant 8 : i32
    %eq3A_2822 = vector.broadcast %eq3A_2821 : i32 to vector<16xi32>
    %eq3A_2823 = arith.cmpi eq, %gather3A_2748, %eq3A_2822 : vector<16xi32>
    %jit3A_2824 = arith.constant 1 : i32
    %jit3A_2825 = arith.constant 0 : i32
    %broadcast_in_dim3A_2826 = vector.broadcast %jit3A_2824 : i32 to vector<16xi32>
    %broadcast_in_dim3A_2827 = vector.broadcast %jit3A_2825 : i32 to vector<16xi32>
    %select_n3A_2828 = arith.select %eq3A_2823, %broadcast_in_dim3A_2826, %broadcast_in_dim3A_2827 : vector<16xi1>, vector<16xi32>
    %add3A_2829 = arith.addi %add3A_2734, %select_n3A_2828 : vector<16xi32>
    %eq3A_2830 = arith.constant 9 : i32
    %eq3A_2831 = vector.broadcast %eq3A_2830 : i32 to vector<16xi32>
    %eq3A_2832 = arith.cmpi eq, %gather3A_2748, %eq3A_2831 : vector<16xi32>
    %jit3A_2833 = arith.constant 1 : i32
    %jit3A_2834 = arith.constant 0 : i32
    %broadcast_in_dim3A_2835 = vector.broadcast %jit3A_2833 : i32 to vector<16xi32>
    %broadcast_in_dim3A_2836 = vector.broadcast %jit3A_2834 : i32 to vector<16xi32>
    %select_n3A_2837 = arith.select %eq3A_2832, %broadcast_in_dim3A_2835, %broadcast_in_dim3A_2836 : vector<16xi1>, vector<16xi32>
    %add3A_2838 = arith.addi %add3A_2743, %select_n3A_2837 : vector<16xi32>
    %get3A_2839 = arith.constant 13 : i32
    %get3A_2840 = arith.index_cast %get3A_2839 : i32 to index
    %get3A_2841 = arith.constant 16 : index
    %get3A_2842 = tpu.vector_load %arg6[%get3A_2840, %get3A_2841] {strides = array<i32>} : memref<16x32xi32, #tpu.memory_space<vmem>>, vector<16xi32>,
    %gather3A_2843 = tpu.vector_load_idx %arg5[%get3A_2842] : memref<100000xi32, #tpu.memory_space<vmem>>[vector<16xi32>], vector<16xi32>,
    %eq3A_2844 = arith.constant 0 : i32
    %eq3A_2845 = vector.broadcast %eq3A_2844 : i32 to vector<16xi32>
    %eq3A_2846 = arith.cmpi eq, %gather3A_2843, %eq3A_2845 : vector<16xi32>
    %jit3A_2847 = arith.constant 1 : i32
    %jit3A_2848 = arith.constant 0 : i32
    %broadcast_in_dim3A_2849 = vector.broadcast %jit3A_2847 : i32 to vector<16xi32>
    %broadcast_in_dim3A_2850 = vector.broadcast %jit3A_2848 : i32 to vector<16xi32>
    %select_n3A_2851 = arith.select %eq3A_2846, %broadcast_in_dim3A_2849, %broadcast_in_dim3A_2850 : vector<16xi1>, vector<16xi32>
    %add3A_2852 = arith.addi %add3A_2757, %select_n3A_2851 : vector<16xi32>
    %eq3A_2853 = arith.constant 1 : i32
    %eq3A_2854 = vector.broadcast %eq3A_2853 : i32 to vector<16xi32>
    %eq3A_2855 = arith.cmpi eq, %gather3A_2843, %eq3A_2854 : vector<16xi32>
    %jit3A_2856 = arith.constant 1 : i32
    %jit3A_2857 = arith.constant 0 : i32
    %broadcast_in_dim3A_2858 = vector.broadcast %jit3A_2856 : i32 to vector<16xi32>
    %broadcast_in_dim3A_2859 = vector.broadcast %jit3A_2857 : i32 to vector<16xi32>
    %select_n3A_2860 = arith.select %eq3A_2855, %broadcast_in_dim3A_2858, %broadcast_in_dim3A_2859 : vector<16xi1>, vector<16xi32>
    %add3A_2861 = arith.addi %add3A_2766, %select_n3A_2860 : vector<16xi32>
    %eq3A_2862 = arith.constant 2 : i32
    %eq3A_2863 = vector.broadcast %eq3A_2862 : i32 to vector<16xi32>
    %eq3A_2864 = arith.cmpi eq, %gather3A_2843, %eq3A_2863 : vector<16xi32>
    %jit3A_2865 = arith.constant 1 : i32
    %jit3A_2866 = arith.constant 0 : i32
    %broadcast_in_dim3A_2867 = vector.broadcast %jit3A_2865 : i32 to vector<16xi32>
    %broadcast_in_dim3A_2868 = vector.broadcast %jit3A_2866 : i32 to vector<16xi32>
    %select_n3A_2869 = arith.select %eq3A_2864, %broadcast_in_dim3A_2867, %broadcast_in_dim3A_2868 : vector<16xi1>, vector<16xi32>
    %add3A_2870 = arith.addi %add3A_2775, %select_n3A_2869 : vector<16xi32>
    %eq3A_2871 = arith.constant 3 : i32
    %eq3A_2872 = vector.broadcast %eq3A_2871 : i32 to vector<16xi32>
    %eq3A_2873 = arith.cmpi eq, %gather3A_2843, %eq3A_2872 : vector<16xi32>
    %jit3A_2874 = arith.constant 1 : i32
    %jit3A_2875 = arith.constant 0 : i32
    %broadcast_in_dim3A_2876 = vector.broadcast %jit3A_2874 : i32 to vector<16xi32>
    %broadcast_in_dim3A_2877 = vector.broadcast %jit3A_2875 : i32 to vector<16xi32>
    %select_n3A_2878 = arith.select %eq3A_2873, %broadcast_in_dim3A_2876, %broadcast_in_dim3A_2877 : vector<16xi1>, vector<16xi32>
    %add3A_2879 = arith.addi %add3A_2784, %select_n3A_2878 : vector<16xi32>
    %eq3A_2880 = arith.constant 4 : i32
    %eq3A_2881 = vector.broadcast %eq3A_2880 : i32 to vector<16xi32>
    %eq3A_2882 = arith.cmpi eq, %gather3A_2843, %eq3A_2881 : vector<16xi32>
    %jit3A_2883 = arith.constant 1 : i32
    %jit3A_2884 = arith.constant 0 : i32
    %broadcast_in_dim3A_2885 = vector.broadcast %jit3A_2883 : i32 to vector<16xi32>
    %broadcast_in_dim3A_2886 = vector.broadcast %jit3A_2884 : i32 to vector<16xi32>
    %select_n3A_2887 = arith.select %eq3A_2882, %broadcast_in_dim3A_2885, %broadcast_in_dim3A_2886 : vector<16xi1>, vector<16xi32>
    %add3A_2888 = arith.addi %add3A_2793, %select_n3A_2887 : vector<16xi32>
    %eq3A_2889 = arith.constant 5 : i32
    %eq3A_2890 = vector.broadcast %eq3A_2889 : i32 to vector<16xi32>
    %eq3A_2891 = arith.cmpi eq, %gather3A_2843, %eq3A_2890 : vector<16xi32>
    %jit3A_2892 = arith.constant 1 : i32
    %jit3A_2893 = arith.constant 0 : i32
    %broadcast_in_dim3A_2894 = vector.broadcast %jit3A_2892 : i32 to vector<16xi32>
    %broadcast_in_dim3A_2895 = vector.broadcast %jit3A_2893 : i32 to vector<16xi32>
    %select_n3A_2896 = arith.select %eq3A_2891, %broadcast_in_dim3A_2894, %broadcast_in_dim3A_2895 : vector<16xi1>, vector<16xi32>
    %add3A_2897 = arith.addi %add3A_2802, %select_n3A_2896 : vector<16xi32>
    %eq3A_2898 = arith.constant 6 : i32
    %eq3A_2899 = vector.broadcast %eq3A_2898 : i32 to vector<16xi32>
    %eq3A_2900 = arith.cmpi eq, %gather3A_2843, %eq3A_2899 : vector<16xi32>
    %jit3A_2901 = arith.constant 1 : i32
    %jit3A_2902 = arith.constant 0 : i32
    %broadcast_in_dim3A_2903 = vector.broadcast %jit3A_2901 : i32 to vector<16xi32>
    %broadcast_in_dim3A_2904 = vector.broadcast %jit3A_2902 : i32 to vector<16xi32>
    %select_n3A_2905 = arith.select %eq3A_2900, %broadcast_in_dim3A_2903, %broadcast_in_dim3A_2904 : vector<16xi1>, vector<16xi32>
    %add3A_2906 = arith.addi %add3A_2811, %select_n3A_2905 : vector<16xi32>
    %eq3A_2907 = arith.constant 7 : i32
    %eq3A_2908 = vector.broadcast %eq3A_2907 : i32 to vector<16xi32>
    %eq3A_2909 = arith.cmpi eq, %gather3A_2843, %eq3A_2908 : vector<16xi32>
    %jit3A_2910 = arith.constant 1 : i32
    %jit3A_2911 = arith.constant 0 : i32
    %broadcast_in_dim3A_2912 = vector.broadcast %jit3A_2910 : i32 to vector<16xi32>
    %broadcast_in_dim3A_2913 = vector.broadcast %jit3A_2911 : i32 to vector<16xi32>
    %select_n3A_2914 = arith.select %eq3A_2909, %broadcast_in_dim3A_2912, %broadcast_in_dim3A_2913 : vector<16xi1>, vector<16xi32>
    %add3A_2915 = arith.addi %add3A_2820, %select_n3A_2914 : vector<16xi32>
    %eq3A_2916 = arith.constant 8 : i32
    %eq3A_2917 = vector.broadcast %eq3A_2916 : i32 to vector<16xi32>
    %eq3A_2918 = arith.cmpi eq, %gather3A_2843, %eq3A_2917 : vector<16xi32>
    %jit3A_2919 = arith.constant 1 : i32
    %jit3A_2920 = arith.constant 0 : i32
    %broadcast_in_dim3A_2921 = vector.broadcast %jit3A_2919 : i32 to vector<16xi32>
    %broadcast_in_dim3A_2922 = vector.broadcast %jit3A_2920 : i32 to vector<16xi32>
    %select_n3A_2923 = arith.select %eq3A_2918, %broadcast_in_dim3A_2921, %broadcast_in_dim3A_2922 : vector<16xi1>, vector<16xi32>
    %add3A_2924 = arith.addi %add3A_2829, %select_n3A_2923 : vector<16xi32>
    %eq3A_2925 = arith.constant 9 : i32
    %eq3A_2926 = vector.broadcast %eq3A_2925 : i32 to vector<16xi32>
    %eq3A_2927 = arith.cmpi eq, %gather3A_2843, %eq3A_2926 : vector<16xi32>
    %jit3A_2928 = arith.constant 1 : i32
    %jit3A_2929 = arith.constant 0 : i32
    %broadcast_in_dim3A_2930 = vector.broadcast %jit3A_2928 : i32 to vector<16xi32>
    %broadcast_in_dim3A_2931 = vector.broadcast %jit3A_2929 : i32 to vector<16xi32>
    %select_n3A_2932 = arith.select %eq3A_2927, %broadcast_in_dim3A_2930, %broadcast_in_dim3A_2931 : vector<16xi1>, vector<16xi32>
    %add3A_2933 = arith.addi %add3A_2838, %select_n3A_2932 : vector<16xi32>
    %get3A_2934 = arith.constant 14 : i32
    %get3A_2935 = arith.index_cast %get3A_2934 : i32 to index
    %get3A_2936 = arith.constant 16 : index
    %get3A_2937 = tpu.vector_load %arg6[%get3A_2935, %get3A_2936] {strides = array<i32>} : memref<16x32xi32, #tpu.memory_space<vmem>>, vector<16xi32>,
    %gather3A_2938 = tpu.vector_load_idx %arg5[%get3A_2937] : memref<100000xi32, #tpu.memory_space<vmem>>[vector<16xi32>], vector<16xi32>,
    %eq3A_2939 = arith.constant 0 : i32
    %eq3A_2940 = vector.broadcast %eq3A_2939 : i32 to vector<16xi32>
    %eq3A_2941 = arith.cmpi eq, %gather3A_2938, %eq3A_2940 : vector<16xi32>
    %jit3A_2942 = arith.constant 1 : i32
    %jit3A_2943 = arith.constant 0 : i32
    %broadcast_in_dim3A_2944 = vector.broadcast %jit3A_2942 : i32 to vector<16xi32>
    %broadcast_in_dim3A_2945 = vector.broadcast %jit3A_2943 : i32 to vector<16xi32>
    %select_n3A_2946 = arith.select %eq3A_2941, %broadcast_in_dim3A_2944, %broadcast_in_dim3A_2945 : vector<16xi1>, vector<16xi32>
    %add3A_2947 = arith.addi %add3A_2852, %select_n3A_2946 : vector<16xi32>
    %eq3A_2948 = arith.constant 1 : i32
    %eq3A_2949 = vector.broadcast %eq3A_2948 : i32 to vector<16xi32>
    %eq3A_2950 = arith.cmpi eq, %gather3A_2938, %eq3A_2949 : vector<16xi32>
    %jit3A_2951 = arith.constant 1 : i32
    %jit3A_2952 = arith.constant 0 : i32
    %broadcast_in_dim3A_2953 = vector.broadcast %jit3A_2951 : i32 to vector<16xi32>
    %broadcast_in_dim3A_2954 = vector.broadcast %jit3A_2952 : i32 to vector<16xi32>
    %select_n3A_2955 = arith.select %eq3A_2950, %broadcast_in_dim3A_2953, %broadcast_in_dim3A_2954 : vector<16xi1>, vector<16xi32>
    %add3A_2956 = arith.addi %add3A_2861, %select_n3A_2955 : vector<16xi32>
    %eq3A_2957 = arith.constant 2 : i32
    %eq3A_2958 = vector.broadcast %eq3A_2957 : i32 to vector<16xi32>
    %eq3A_2959 = arith.cmpi eq, %gather3A_2938, %eq3A_2958 : vector<16xi32>
    %jit3A_2960 = arith.constant 1 : i32
    %jit3A_2961 = arith.constant 0 : i32
    %broadcast_in_dim3A_2962 = vector.broadcast %jit3A_2960 : i32 to vector<16xi32>
    %broadcast_in_dim3A_2963 = vector.broadcast %jit3A_2961 : i32 to vector<16xi32>
    %select_n3A_2964 = arith.select %eq3A_2959, %broadcast_in_dim3A_2962, %broadcast_in_dim3A_2963 : vector<16xi1>, vector<16xi32>
    %add3A_2965 = arith.addi %add3A_2870, %select_n3A_2964 : vector<16xi32>
    %eq3A_2966 = arith.constant 3 : i32
    %eq3A_2967 = vector.broadcast %eq3A_2966 : i32 to vector<16xi32>
    %eq3A_2968 = arith.cmpi eq, %gather3A_2938, %eq3A_2967 : vector<16xi32>
    %jit3A_2969 = arith.constant 1 : i32
    %jit3A_2970 = arith.constant 0 : i32
    %broadcast_in_dim3A_2971 = vector.broadcast %jit3A_2969 : i32 to vector<16xi32>
    %broadcast_in_dim3A_2972 = vector.broadcast %jit3A_2970 : i32 to vector<16xi32>
    %select_n3A_2973 = arith.select %eq3A_2968, %broadcast_in_dim3A_2971, %broadcast_in_dim3A_2972 : vector<16xi1>, vector<16xi32>
    %add3A_2974 = arith.addi %add3A_2879, %select_n3A_2973 : vector<16xi32>
    %eq3A_2975 = arith.constant 4 : i32
    %eq3A_2976 = vector.broadcast %eq3A_2975 : i32 to vector<16xi32>
    %eq3A_2977 = arith.cmpi eq, %gather3A_2938, %eq3A_2976 : vector<16xi32>
    %jit3A_2978 = arith.constant 1 : i32
    %jit3A_2979 = arith.constant 0 : i32
    %broadcast_in_dim3A_2980 = vector.broadcast %jit3A_2978 : i32 to vector<16xi32>
    %broadcast_in_dim3A_2981 = vector.broadcast %jit3A_2979 : i32 to vector<16xi32>
    %select_n3A_2982 = arith.select %eq3A_2977, %broadcast_in_dim3A_2980, %broadcast_in_dim3A_2981 : vector<16xi1>, vector<16xi32>
    %add3A_2983 = arith.addi %add3A_2888, %select_n3A_2982 : vector<16xi32>
    %eq3A_2984 = arith.constant 5 : i32
    %eq3A_2985 = vector.broadcast %eq3A_2984 : i32 to vector<16xi32>
    %eq3A_2986 = arith.cmpi eq, %gather3A_2938, %eq3A_2985 : vector<16xi32>
    %jit3A_2987 = arith.constant 1 : i32
    %jit3A_2988 = arith.constant 0 : i32
    %broadcast_in_dim3A_2989 = vector.broadcast %jit3A_2987 : i32 to vector<16xi32>
    %broadcast_in_dim3A_2990 = vector.broadcast %jit3A_2988 : i32 to vector<16xi32>
    %select_n3A_2991 = arith.select %eq3A_2986, %broadcast_in_dim3A_2989, %broadcast_in_dim3A_2990 : vector<16xi1>, vector<16xi32>
    %add3A_2992 = arith.addi %add3A_2897, %select_n3A_2991 : vector<16xi32>
    %eq3A_2993 = arith.constant 6 : i32
    %eq3A_2994 = vector.broadcast %eq3A_2993 : i32 to vector<16xi32>
    %eq3A_2995 = arith.cmpi eq, %gather3A_2938, %eq3A_2994 : vector<16xi32>
    %jit3A_2996 = arith.constant 1 : i32
    %jit3A_2997 = arith.constant 0 : i32
    %broadcast_in_dim3A_2998 = vector.broadcast %jit3A_2996 : i32 to vector<16xi32>
    %broadcast_in_dim3A_2999 = vector.broadcast %jit3A_2997 : i32 to vector<16xi32>
    %select_n3A_3000 = arith.select %eq3A_2995, %broadcast_in_dim3A_2998, %broadcast_in_dim3A_2999 : vector<16xi1>, vector<16xi32>
    %add3A_3001 = arith.addi %add3A_2906, %select_n3A_3000 : vector<16xi32>
    %eq3A_3002 = arith.constant 7 : i32
    %eq3A_3003 = vector.broadcast %eq3A_3002 : i32 to vector<16xi32>
    %eq3A_3004 = arith.cmpi eq, %gather3A_2938, %eq3A_3003 : vector<16xi32>
    %jit3A_3005 = arith.constant 1 : i32
    %jit3A_3006 = arith.constant 0 : i32
    %broadcast_in_dim3A_3007 = vector.broadcast %jit3A_3005 : i32 to vector<16xi32>
    %broadcast_in_dim3A_3008 = vector.broadcast %jit3A_3006 : i32 to vector<16xi32>
    %select_n3A_3009 = arith.select %eq3A_3004, %broadcast_in_dim3A_3007, %broadcast_in_dim3A_3008 : vector<16xi1>, vector<16xi32>
    %add3A_3010 = arith.addi %add3A_2915, %select_n3A_3009 : vector<16xi32>
    %eq3A_3011 = arith.constant 8 : i32
    %eq3A_3012 = vector.broadcast %eq3A_3011 : i32 to vector<16xi32>
    %eq3A_3013 = arith.cmpi eq, %gather3A_2938, %eq3A_3012 : vector<16xi32>
    %jit3A_3014 = arith.constant 1 : i32
    %jit3A_3015 = arith.constant 0 : i32
    %broadcast_in_dim3A_3016 = vector.broadcast %jit3A_3014 : i32 to vector<16xi32>
    %broadcast_in_dim3A_3017 = vector.broadcast %jit3A_3015 : i32 to vector<16xi32>
    %select_n3A_3018 = arith.select %eq3A_3013, %broadcast_in_dim3A_3016, %broadcast_in_dim3A_3017 : vector<16xi1>, vector<16xi32>
    %add3A_3019 = arith.addi %add3A_2924, %select_n3A_3018 : vector<16xi32>
    %eq3A_3020 = arith.constant 9 : i32
    %eq3A_3021 = vector.broadcast %eq3A_3020 : i32 to vector<16xi32>
    %eq3A_3022 = arith.cmpi eq, %gather3A_2938, %eq3A_3021 : vector<16xi32>
    %jit3A_3023 = arith.constant 1 : i32
    %jit3A_3024 = arith.constant 0 : i32
    %broadcast_in_dim3A_3025 = vector.broadcast %jit3A_3023 : i32 to vector<16xi32>
    %broadcast_in_dim3A_3026 = vector.broadcast %jit3A_3024 : i32 to vector<16xi32>
    %select_n3A_3027 = arith.select %eq3A_3022, %broadcast_in_dim3A_3025, %broadcast_in_dim3A_3026 : vector<16xi1>, vector<16xi32>
    %add3A_3028 = arith.addi %add3A_2933, %select_n3A_3027 : vector<16xi32>
    %get3A_3029 = arith.constant 15 : i32
    %get3A_3030 = arith.index_cast %get3A_3029 : i32 to index
    %get3A_3031 = arith.constant 16 : index
    %get3A_3032 = tpu.vector_load %arg6[%get3A_3030, %get3A_3031] {strides = array<i32>} : memref<16x32xi32, #tpu.memory_space<vmem>>, vector<16xi32>,
    %gather3A_3033 = tpu.vector_load_idx %arg5[%get3A_3032] : memref<100000xi32, #tpu.memory_space<vmem>>[vector<16xi32>], vector<16xi32>,
    %eq3A_3034 = arith.constant 0 : i32
    %eq3A_3035 = vector.broadcast %eq3A_3034 : i32 to vector<16xi32>
    %eq3A_3036 = arith.cmpi eq, %gather3A_3033, %eq3A_3035 : vector<16xi32>
    %jit3A_3037 = arith.constant 1 : i32
    %jit3A_3038 = arith.constant 0 : i32
    %broadcast_in_dim3A_3039 = vector.broadcast %jit3A_3037 : i32 to vector<16xi32>
    %broadcast_in_dim3A_3040 = vector.broadcast %jit3A_3038 : i32 to vector<16xi32>
    %select_n3A_3041 = arith.select %eq3A_3036, %broadcast_in_dim3A_3039, %broadcast_in_dim3A_3040 : vector<16xi1>, vector<16xi32>
    %add3A_3042 = arith.addi %add3A_2947, %select_n3A_3041 : vector<16xi32>
    %eq3A_3043 = arith.constant 1 : i32
    %eq3A_3044 = vector.broadcast %eq3A_3043 : i32 to vector<16xi32>
    %eq3A_3045 = arith.cmpi eq, %gather3A_3033, %eq3A_3044 : vector<16xi32>
    %jit3A_3046 = arith.constant 1 : i32
    %jit3A_3047 = arith.constant 0 : i32
    %broadcast_in_dim3A_3048 = vector.broadcast %jit3A_3046 : i32 to vector<16xi32>
    %broadcast_in_dim3A_3049 = vector.broadcast %jit3A_3047 : i32 to vector<16xi32>
    %select_n3A_3050 = arith.select %eq3A_3045, %broadcast_in_dim3A_3048, %broadcast_in_dim3A_3049 : vector<16xi1>, vector<16xi32>
    %add3A_3051 = arith.addi %add3A_2956, %select_n3A_3050 : vector<16xi32>
    %eq3A_3052 = arith.constant 2 : i32
    %eq3A_3053 = vector.broadcast %eq3A_3052 : i32 to vector<16xi32>
    %eq3A_3054 = arith.cmpi eq, %gather3A_3033, %eq3A_3053 : vector<16xi32>
    %jit3A_3055 = arith.constant 1 : i32
    %jit3A_3056 = arith.constant 0 : i32
    %broadcast_in_dim3A_3057 = vector.broadcast %jit3A_3055 : i32 to vector<16xi32>
    %broadcast_in_dim3A_3058 = vector.broadcast %jit3A_3056 : i32 to vector<16xi32>
    %select_n3A_3059 = arith.select %eq3A_3054, %broadcast_in_dim3A_3057, %broadcast_in_dim3A_3058 : vector<16xi1>, vector<16xi32>
    %add3A_3060 = arith.addi %add3A_2965, %select_n3A_3059 : vector<16xi32>
    %eq3A_3061 = arith.constant 3 : i32
    %eq3A_3062 = vector.broadcast %eq3A_3061 : i32 to vector<16xi32>
    %eq3A_3063 = arith.cmpi eq, %gather3A_3033, %eq3A_3062 : vector<16xi32>
    %jit3A_3064 = arith.constant 1 : i32
    %jit3A_3065 = arith.constant 0 : i32
    %broadcast_in_dim3A_3066 = vector.broadcast %jit3A_3064 : i32 to vector<16xi32>
    %broadcast_in_dim3A_3067 = vector.broadcast %jit3A_3065 : i32 to vector<16xi32>
    %select_n3A_3068 = arith.select %eq3A_3063, %broadcast_in_dim3A_3066, %broadcast_in_dim3A_3067 : vector<16xi1>, vector<16xi32>
    %add3A_3069 = arith.addi %add3A_2974, %select_n3A_3068 : vector<16xi32>
    %eq3A_3070 = arith.constant 4 : i32
    %eq3A_3071 = vector.broadcast %eq3A_3070 : i32 to vector<16xi32>
    %eq3A_3072 = arith.cmpi eq, %gather3A_3033, %eq3A_3071 : vector<16xi32>
    %jit3A_3073 = arith.constant 1 : i32
    %jit3A_3074 = arith.constant 0 : i32
    %broadcast_in_dim3A_3075 = vector.broadcast %jit3A_3073 : i32 to vector<16xi32>
    %broadcast_in_dim3A_3076 = vector.broadcast %jit3A_3074 : i32 to vector<16xi32>
    %select_n3A_3077 = arith.select %eq3A_3072, %broadcast_in_dim3A_3075, %broadcast_in_dim3A_3076 : vector<16xi1>, vector<16xi32>
    %add3A_3078 = arith.addi %add3A_2983, %select_n3A_3077 : vector<16xi32>
    %eq3A_3079 = arith.constant 5 : i32
    %eq3A_3080 = vector.broadcast %eq3A_3079 : i32 to vector<16xi32>
    %eq3A_3081 = arith.cmpi eq, %gather3A_3033, %eq3A_3080 : vector<16xi32>
    %jit3A_3082 = arith.constant 1 : i32
    %jit3A_3083 = arith.constant 0 : i32
    %broadcast_in_dim3A_3084 = vector.broadcast %jit3A_3082 : i32 to vector<16xi32>
    %broadcast_in_dim3A_3085 = vector.broadcast %jit3A_3083 : i32 to vector<16xi32>
    %select_n3A_3086 = arith.select %eq3A_3081, %broadcast_in_dim3A_3084, %broadcast_in_dim3A_3085 : vector<16xi1>, vector<16xi32>
    %add3A_3087 = arith.addi %add3A_2992, %select_n3A_3086 : vector<16xi32>
    %eq3A_3088 = arith.constant 6 : i32
    %eq3A_3089 = vector.broadcast %eq3A_3088 : i32 to vector<16xi32>
    %eq3A_3090 = arith.cmpi eq, %gather3A_3033, %eq3A_3089 : vector<16xi32>
    %jit3A_3091 = arith.constant 1 : i32
    %jit3A_3092 = arith.constant 0 : i32
    %broadcast_in_dim3A_3093 = vector.broadcast %jit3A_3091 : i32 to vector<16xi32>
    %broadcast_in_dim3A_3094 = vector.broadcast %jit3A_3092 : i32 to vector<16xi32>
    %select_n3A_3095 = arith.select %eq3A_3090, %broadcast_in_dim3A_3093, %broadcast_in_dim3A_3094 : vector<16xi1>, vector<16xi32>
    %add3A_3096 = arith.addi %add3A_3001, %select_n3A_3095 : vector<16xi32>
    %eq3A_3097 = arith.constant 7 : i32
    %eq3A_3098 = vector.broadcast %eq3A_3097 : i32 to vector<16xi32>
    %eq3A_3099 = arith.cmpi eq, %gather3A_3033, %eq3A_3098 : vector<16xi32>
    %jit3A_3100 = arith.constant 1 : i32
    %jit3A_3101 = arith.constant 0 : i32
    %broadcast_in_dim3A_3102 = vector.broadcast %jit3A_3100 : i32 to vector<16xi32>
    %broadcast_in_dim3A_3103 = vector.broadcast %jit3A_3101 : i32 to vector<16xi32>
    %select_n3A_3104 = arith.select %eq3A_3099, %broadcast_in_dim3A_3102, %broadcast_in_dim3A_3103 : vector<16xi1>, vector<16xi32>
    %add3A_3105 = arith.addi %add3A_3010, %select_n3A_3104 : vector<16xi32>
    %eq3A_3106 = arith.constant 8 : i32
    %eq3A_3107 = vector.broadcast %eq3A_3106 : i32 to vector<16xi32>
    %eq3A_3108 = arith.cmpi eq, %gather3A_3033, %eq3A_3107 : vector<16xi32>
    %jit3A_3109 = arith.constant 1 : i32
    %jit3A_3110 = arith.constant 0 : i32
    %broadcast_in_dim3A_3111 = vector.broadcast %jit3A_3109 : i32 to vector<16xi32>
    %broadcast_in_dim3A_3112 = vector.broadcast %jit3A_3110 : i32 to vector<16xi32>
    %select_n3A_3113 = arith.select %eq3A_3108, %broadcast_in_dim3A_3111, %broadcast_in_dim3A_3112 : vector<16xi1>, vector<16xi32>
    %add3A_3114 = arith.addi %add3A_3019, %select_n3A_3113 : vector<16xi32>
    %eq3A_3115 = arith.constant 9 : i32
    %eq3A_3116 = vector.broadcast %eq3A_3115 : i32 to vector<16xi32>
    %eq3A_3117 = arith.cmpi eq, %gather3A_3033, %eq3A_3116 : vector<16xi32>
    %jit3A_3118 = arith.constant 1 : i32
    %jit3A_3119 = arith.constant 0 : i32
    %broadcast_in_dim3A_3120 = vector.broadcast %jit3A_3118 : i32 to vector<16xi32>
    %broadcast_in_dim3A_3121 = vector.broadcast %jit3A_3119 : i32 to vector<16xi32>
    %select_n3A_3122 = arith.select %eq3A_3117, %broadcast_in_dim3A_3120, %broadcast_in_dim3A_3121 : vector<16xi1>, vector<16xi32>
    %add3A_3123 = arith.addi %add3A_3028, %select_n3A_3122 : vector<16xi32>
    %broadcast_in_dim3A_3124 = arith.constant 0 : i32
    %broadcast_in_dim3A_3125 = vector.broadcast %broadcast_in_dim3A_3124 : i32 to vector<16xi32>
    %gt3A_3126 = arith.cmpi sgt, %add3A_3051, %add3A_3042 : vector<16xi32>
    %select_n3A_3127 = arith.select %gt3A_3126, %add3A_3051, %add3A_3042 : vector<16xi1>, vector<16xi32>
    %broadcast_in_dim3A_3128 = arith.constant 1 : i32
    %broadcast_in_dim3A_3129 = vector.broadcast %broadcast_in_dim3A_3128 : i32 to vector<16xi32>
    %select_n3A_3130 = arith.select %gt3A_3126, %broadcast_in_dim3A_3129, %broadcast_in_dim3A_3125 : vector<16xi1>, vector<16xi32>
    %gt3A_3131 = arith.cmpi sgt, %add3A_3060, %select_n3A_3127 : vector<16xi32>
    %select_n3A_3132 = arith.select %gt3A_3131, %add3A_3060, %select_n3A_3127 : vector<16xi1>, vector<16xi32>
    %broadcast_in_dim3A_3133 = arith.constant 2 : i32
    %broadcast_in_dim3A_3134 = vector.broadcast %broadcast_in_dim3A_3133 : i32 to vector<16xi32>
    %select_n3A_3135 = arith.select %gt3A_3131, %broadcast_in_dim3A_3134, %select_n3A_3130 : vector<16xi1>, vector<16xi32>
    %gt3A_3136 = arith.cmpi sgt, %add3A_3069, %select_n3A_3132 : vector<16xi32>
    %select_n3A_3137 = arith.select %gt3A_3136, %add3A_3069, %select_n3A_3132 : vector<16xi1>, vector<16xi32>
    %broadcast_in_dim3A_3138 = arith.constant 3 : i32
    %broadcast_in_dim3A_3139 = vector.broadcast %broadcast_in_dim3A_3138 : i32 to vector<16xi32>
    %select_n3A_3140 = arith.select %gt3A_3136, %broadcast_in_dim3A_3139, %select_n3A_3135 : vector<16xi1>, vector<16xi32>
    %gt3A_3141 = arith.cmpi sgt, %add3A_3078, %select_n3A_3137 : vector<16xi32>
    %select_n3A_3142 = arith.select %gt3A_3141, %add3A_3078, %select_n3A_3137 : vector<16xi1>, vector<16xi32>
    %broadcast_in_dim3A_3143 = arith.constant 4 : i32
    %broadcast_in_dim3A_3144 = vector.broadcast %broadcast_in_dim3A_3143 : i32 to vector<16xi32>
    %select_n3A_3145 = arith.select %gt3A_3141, %broadcast_in_dim3A_3144, %select_n3A_3140 : vector<16xi1>, vector<16xi32>
    %gt3A_3146 = arith.cmpi sgt, %add3A_3087, %select_n3A_3142 : vector<16xi32>
    %select_n3A_3147 = arith.select %gt3A_3146, %add3A_3087, %select_n3A_3142 : vector<16xi1>, vector<16xi32>
    %broadcast_in_dim3A_3148 = arith.constant 5 : i32
    %broadcast_in_dim3A_3149 = vector.broadcast %broadcast_in_dim3A_3148 : i32 to vector<16xi32>
    %select_n3A_3150 = arith.select %gt3A_3146, %broadcast_in_dim3A_3149, %select_n3A_3145 : vector<16xi1>, vector<16xi32>
    %gt3A_3151 = arith.cmpi sgt, %add3A_3096, %select_n3A_3147 : vector<16xi32>
    %select_n3A_3152 = arith.select %gt3A_3151, %add3A_3096, %select_n3A_3147 : vector<16xi1>, vector<16xi32>
    %broadcast_in_dim3A_3153 = arith.constant 6 : i32
    %broadcast_in_dim3A_3154 = vector.broadcast %broadcast_in_dim3A_3153 : i32 to vector<16xi32>
    %select_n3A_3155 = arith.select %gt3A_3151, %broadcast_in_dim3A_3154, %select_n3A_3150 : vector<16xi1>, vector<16xi32>
    %gt3A_3156 = arith.cmpi sgt, %add3A_3105, %select_n3A_3152 : vector<16xi32>
    %select_n3A_3157 = arith.select %gt3A_3156, %add3A_3105, %select_n3A_3152 : vector<16xi1>, vector<16xi32>
    %broadcast_in_dim3A_3158 = arith.constant 7 : i32
    %broadcast_in_dim3A_3159 = vector.broadcast %broadcast_in_dim3A_3158 : i32 to vector<16xi32>
    %select_n3A_3160 = arith.select %gt3A_3156, %broadcast_in_dim3A_3159, %select_n3A_3155 : vector<16xi1>, vector<16xi32>
    %gt3A_3161 = arith.cmpi sgt, %add3A_3114, %select_n3A_3157 : vector<16xi32>
    %select_n3A_3162 = arith.select %gt3A_3161, %add3A_3114, %select_n3A_3157 : vector<16xi1>, vector<16xi32>
    %broadcast_in_dim3A_3163 = arith.constant 8 : i32
    %broadcast_in_dim3A_3164 = vector.broadcast %broadcast_in_dim3A_3163 : i32 to vector<16xi32>
    %select_n3A_3165 = arith.select %gt3A_3161, %broadcast_in_dim3A_3164, %select_n3A_3160 : vector<16xi1>, vector<16xi32>
    %gt3A_3166 = arith.cmpi sgt, %add3A_3123, %select_n3A_3162 : vector<16xi32>
    %select_n3A_3167 = arith.select %gt3A_3166, %add3A_3123, %select_n3A_3162 : vector<16xi1>, vector<16xi32>
    %broadcast_in_dim3A_3168 = arith.constant 9 : i32
    %broadcast_in_dim3A_3169 = vector.broadcast %broadcast_in_dim3A_3168 : i32 to vector<16xi32>
    %select_n3A_3170 = arith.select %gt3A_3166, %broadcast_in_dim3A_3169, %select_n3A_3165 : vector<16xi1>, vector<16xi32>
    %swap3A_3171 = arith.constant 16 : index
    %swap3A_3172 = tpu.vector_load %arg7[%swap3A_3171] {strides = array<i32>} : memref<32xi32, #tpu.memory_space<vmem>>, vector<16xi32>,
    tpu.vector_store %arg7[%swap3A_3171], %select_n3A_3170 {strides = array<i32>} : memref<32xi32, #tpu.memory_space<vmem>>, vector<16xi32>,
    "tpu.region"() ({
      %run_scoped3A = tpu.sem_alloc : memref<!tpu.dma_semaphore, #tpu.memory_space<semaphore_mem>>
      %dma_start3A = tpu.memref_slice %arg4[%mul3A_2] : memref<1024xi32, #tpu.memory_space<hbm>> -> memref<32xi32, #tpu.memory_space<hbm>>
      %dma_start3A_3173 = tpu.memref_slice %arg4[%mul3A_2] : memref<1024xi32, #tpu.memory_space<hbm>> -> memref<32xi32, #tpu.memory_space<hbm>>
      tpu.enqueue_dma source(%arg7 : memref<32xi32, #tpu.memory_space<vmem>>) target(%dma_start3A_3173 : memref<32xi32, #tpu.memory_space<hbm>>) target_semaphore(%run_scoped3A : memref<!tpu.dma_semaphore, #tpu.memory_space<semaphore_mem>>)
      %dma_wait3A = tpu.memref_slice %arg4[%mul3A_2] : memref<1024xi32, #tpu.memory_space<hbm>> -> memref<32xi32, #tpu.memory_space<hbm>>
      %dma_wait3A_3174 = tpu.memref_slice %arg4[%mul3A_2] : memref<1024xi32, #tpu.memory_space<hbm>> -> memref<32xi32, #tpu.memory_space<hbm>>
      tpu.wait_dma2 semaphore(%run_scoped3A : memref<!tpu.dma_semaphore, #tpu.memory_space<semaphore_mem>>) src(%arg7 : memref<32xi32, #tpu.memory_space<vmem>>) dst(%dma_wait3A_3174 : memref<32xi32, #tpu.memory_space<hbm>>)
      tpu.yield
    }) : () -> ()
    return
  }
}

module attributes {stable_mosaic.version = 14 : i64} {
  func.func @_lambda_(%arg0: i32, %arg1: memref<1024x25xf32, #tpu.memory_space<vmem>>, %arg2: memref<25x16xf32, #tpu.memory_space<vmem>>, %arg3: memref<1x16xf32, #tpu.memory_space<vmem>>, %arg4: memref<16x8xf32, #tpu.memory_space<vmem>>, %arg5: memref<1x8xf32, #tpu.memory_space<vmem>>, %arg6: memref<8x101376xf32, #tpu.memory_space<vmem>>, %arg7: memref<1024x16xf32, #tpu.memory_space<vmem>>, %arg8: memref<1024x16xi32, #tpu.memory_space<vmem>>, %arg9: memref<1024x1536xf32, #tpu.memory_space<vmem>>, %arg10: memref<1024x16xf32, #tpu.memory_space<vmem>>, %arg11: memref<1024x16xi32, #tpu.memory_space<vmem>>) attributes {dimension_semantics = [#tpu.dimension_semantics<arbitrary>], iteration_bounds = array<i64: 1>, scalar_prefetch = 0 : i64, scratch_operands = 3 : i64, tpu.core_type = #tpu.core_type<tc>, window_params = [{transform_indices = @transform_0, window_bounds = array<i64: 1024, 25>}, {pipeline_mode = #tpu.pipeline_mode<synchronous>, transform_indices = @transform_1, window_bounds = array<i64: 25, 16>}, {pipeline_mode = #tpu.pipeline_mode<synchronous>, transform_indices = @transform_2, window_bounds = array<i64: 1, 16>}, {pipeline_mode = #tpu.pipeline_mode<synchronous>, transform_indices = @transform_3, window_bounds = array<i64: 16, 8>}, {pipeline_mode = #tpu.pipeline_mode<synchronous>, transform_indices = @transform_4, window_bounds = array<i64: 1, 8>}, {pipeline_mode = #tpu.pipeline_mode<synchronous>, transform_indices = @transform_5, window_bounds = array<i64: 8, 101376>}, {transform_indices = @transform_6, window_bounds = array<i64: 1024, 16>}, {transform_indices = @transform_7, window_bounds = array<i64: 1024, 16>}]} {
    %get3A = arith.constant 0 : index
    %get3A_0 = arith.constant 0 : index
    %get3A_1 = vector.load %arg1[%get3A, %get3A_0] : memref<1024x25xf32, #tpu.memory_space<vmem>>, vector<1024x25xf32>
    %get3A_2 = arith.constant 0 : index
    %get3A_3 = arith.constant 0 : index
    %get3A_4 = vector.load %arg2[%get3A_2, %get3A_3] : memref<25x16xf32, #tpu.memory_space<vmem>>, vector<25x16xf32>
    %dot_general3A = arith.constant dense<0.000000e+00> : vector<1024x16xf32>
    %dot_general3A_5 = tpu.matmul %get3A_1, %get3A_4, %dot_general3A {dimension_numbers = #tpu.dot_dimension_numbers<[1], [0], [0], [1], [0, 0, 1, 1], [], []>, transpose_lhs_hint = false} : vector<1024x25xf32>, vector<25x16xf32>, vector<1024x16xf32> -> vector<1024x16xf32>
    %get3A_6 = arith.constant 0 : index
    %get3A_7 = arith.constant 0 : index
    %get3A_8 = vector.load %arg3[%get3A_6, %get3A_7] : memref<1x16xf32, #tpu.memory_space<vmem>>, vector<1x16xf32>
    %add3A = vector.broadcast %get3A_8 : vector<1x16xf32> to vector<1024x16xf32>
    %add3A_9 = arith.addf %dot_general3A_5, %add3A : vector<1024x16xf32>
    %max3A = arith.constant 0.000000e+00 : f32
    %max3A_10 = vector.broadcast %max3A : f32 to vector<1024x16xf32>
    %max3A_11 = arith.maximumf %add3A_9, %max3A_10 : vector<1024x16xf32>
    %get3A_12 = arith.constant 0 : index
    %get3A_13 = arith.constant 0 : index
    %get3A_14 = vector.load %arg4[%get3A_12, %get3A_13] : memref<16x8xf32, #tpu.memory_space<vmem>>, vector<16x8xf32>
    %dot_general3A_15 = arith.constant dense<0.000000e+00> : vector<1024x8xf32>
    %dot_general3A_16 = tpu.matmul %max3A_11, %get3A_14, %dot_general3A_15 {dimension_numbers = #tpu.dot_dimension_numbers<[1], [0], [0], [1], [0, 0, 1, 1], [], []>, transpose_lhs_hint = false} : vector<1024x16xf32>, vector<16x8xf32>, vector<1024x8xf32> -> vector<1024x8xf32>
    %get3A_17 = arith.constant 0 : index
    %get3A_18 = arith.constant 0 : index
    %get3A_19 = vector.load %arg5[%get3A_17, %get3A_18] : memref<1x8xf32, #tpu.memory_space<vmem>>, vector<1x8xf32>
    %add3A_20 = vector.broadcast %get3A_19 : vector<1x8xf32> to vector<1024x8xf32>
    %add3A_21 = arith.addf %dot_general3A_16, %add3A_20 : vector<1024x8xf32>
    %logistic3A = arith.negf %add3A_21 : vector<1024x8xf32>
    %logistic3A_22 = math.exp %logistic3A : vector<1024x8xf32>
    %logistic3A_23 = arith.constant 1.000000e+00 : f32
    %logistic3A_24 = vector.broadcast %logistic3A_23 : f32 to vector<1024x8xf32>
    %logistic3A_25 = arith.addf %logistic3A_24, %logistic3A_22 : vector<1024x8xf32>
    %logistic3A_26 = arith.divf %logistic3A_24, %logistic3A_25 : vector<1024x8xf32>
    %mul3A = arith.mulf %logistic3A_26, %logistic3A_26 : vector<1024x8xf32>
    %reduce_sum3A = arith.constant dense<0.000000e+00> : vector<1024xf32>
    %reduce_sum3A_27 = vector.multi_reduction <add>, %mul3A, %reduce_sum3A [1] : vector<1024x8xf32> to vector<1024xf32>
    %broadcast_in_dim3A = vector.shape_cast %reduce_sum3A_27 : vector<1024xf32> to vector<1024x1xf32>
    %broadcast_in_dim3A_28 = arith.constant 0x7F800000 : f32
    %broadcast_in_dim3A_29 = vector.broadcast %broadcast_in_dim3A_28 : f32 to vector<1024x16xf32>
    %swap3A = arith.constant 0 : index
    %swap3A_30 = arith.constant 0 : index
    %swap3A_31 = vector.load %arg10[%swap3A, %swap3A_30] : memref<1024x16xf32, #tpu.memory_space<vmem>>, vector<1024x16xf32>
    tpu.vector_store %arg10[%swap3A, %swap3A_30], %broadcast_in_dim3A_29 {strides = array<i32>} : memref<1024x16xf32, #tpu.memory_space<vmem>>, vector<1024x16xf32>,
    %broadcast_in_dim3A_32 = arith.constant 1073741824 : i32
    %broadcast_in_dim3A_33 = vector.broadcast %broadcast_in_dim3A_32 : i32 to vector<1024x16xi32>
    %swap3A_34 = arith.constant 0 : index
    %swap3A_35 = arith.constant 0 : index
    %swap3A_36 = vector.load %arg11[%swap3A_34, %swap3A_35] : memref<1024x16xi32, #tpu.memory_space<vmem>>, vector<1024x16xi32>
    tpu.vector_store %arg11[%swap3A_34, %swap3A_35], %broadcast_in_dim3A_33 {strides = array<i32>} : memref<1024x16xi32, #tpu.memory_space<vmem>>, vector<1024x16xi32>,
    %iota3A = tpu.iota {dimensions = array<i32: 1>} : vector<1024x16xi32>
    %iota3A_37 = tpu.iota {dimensions = array<i32: 1>} : vector<1024x1536xi32>
    %convert_element_type3A = arith.sitofp %iota3A_37 : vector<1024x1536xi32> to vector<1024x1536xf32>
    %broadcast_in_dim3A_38 = arith.constant 0x7F800000 : f32
    %broadcast_in_dim3A_39 = vector.broadcast %broadcast_in_dim3A_38 : f32 to vector<1024x1xf32>
    %scan3A = arith.constant 0 : i32
    %scan3A_40 = arith.constant 66 : i32
    %scan3A_41 = arith.addi %scan3A, %scan3A_40 : i32
    %scan3A_42 = arith.constant 1 : i32
    %scan3A_43 = scf.for %scan3A_455 = %scan3A to %scan3A_41 step %scan3A_42 iter_args(%scan3A_456 = %broadcast_in_dim3A_39) -> (vector<1024x1xf32>)  : i32 {
      %mul3A_457 = arith.constant 1536 : i32
      %mul3A_458 = arith.muli %scan3A_455, %mul3A_457 : i32
      %get3A_459 = arith.constant 0 : index
      %get3A_460 = arith.index_cast %mul3A_458 : i32 to index
      %get3A_461 = vector.load %arg6[%get3A_459, %get3A_460] : memref<8x101376xf32, #tpu.memory_space<vmem>>, vector<8x1536xf32>
      %mul3A_462 = arith.mulf %get3A_461, %get3A_461 : vector<8x1536xf32>
      %reduce_sum3A_463 = arith.constant dense<0.000000e+00> : vector<1536xf32>
      %reduce_sum3A_464 = vector.multi_reduction <add>, %mul3A_462, %reduce_sum3A_463 [0] : vector<8x1536xf32> to vector<1536xf32>
      %broadcast_in_dim3A_465 = vector.shape_cast %reduce_sum3A_464 : vector<1536xf32> to vector<1x1536xf32>
      %mul3A_466 = arith.constant 2.500000e-01 : f32
      %mul3A_467 = vector.broadcast %mul3A_466 : f32 to vector<1x1536xf32>
      %mul3A_468 = arith.mulf %mul3A_467, %broadcast_in_dim3A_465 : vector<1x1536xf32>
      %dot_general3A_469 = arith.constant dense<0.000000e+00> : vector<1024x1536xf32>
      %dot_general3A_470 = tpu.matmul %logistic3A_26, %get3A_461, %dot_general3A_469 {dimension_numbers = #tpu.dot_dimension_numbers<[1], [0], [0], [1], [0, 0, 1, 1], [], []>, transpose_lhs_hint = false} : vector<1024x8xf32>, vector<8x1536xf32>, vector<1024x1536xf32> -> vector<1024x1536xf32>
      %add3A_471 = vector.broadcast %broadcast_in_dim3A : vector<1024x1xf32> to vector<1024x1536xf32>
      %add3A_472 = vector.broadcast %mul3A_468 : vector<1x1536xf32> to vector<1024x1536xf32>
      %add3A_473 = arith.addf %add3A_471, %add3A_472 : vector<1024x1536xf32>
      %add3A_474 = arith.addf %add3A_473, %dot_general3A_470 : vector<1024x1536xf32>
      %swap3A_475 = arith.constant 0 : index
      %swap3A_476 = arith.constant 0 : index
      %swap3A_477 = vector.load %arg9[%swap3A_475, %swap3A_476] : memref<1024x1536xf32, #tpu.memory_space<vmem>>, vector<1024x1536xf32>
      tpu.vector_store %arg9[%swap3A_475, %swap3A_476], %add3A_474 {strides = array<i32>} : memref<1024x1536xf32, #tpu.memory_space<vmem>>, vector<1024x1536xf32>,
      %reduce_min3A_478 = arith.constant dense<0x7F800000> : vector<1024xf32>
      %reduce_min3A_479 = vector.multi_reduction <minimumf>, %add3A_474, %reduce_min3A_478 [1] : vector<1024x1536xf32> to vector<1024xf32>
      %broadcast_in_dim3A_480 = vector.shape_cast %reduce_min3A_479 : vector<1024xf32> to vector<1024x1xf32>
      %lt3A = arith.cmpf olt, %broadcast_in_dim3A_480, %scan3A_456 : vector<1024x1xf32>
      %reduce_or3A = arith.constant 1.000000e+00 : f32
      %reduce_or3A_481 = arith.constant 0.000000e+00 : f32
      %reduce_or3A_482 = vector.broadcast %reduce_or3A : f32 to vector<1024x1xf32>
      %reduce_or3A_483 = vector.broadcast %reduce_or3A_481 : f32 to vector<1024x1xf32>
      %reduce_or3A_484 = arith.select %lt3A, %reduce_or3A_482, %reduce_or3A_483 : vector<1024x1xi1>, vector<1024x1xf32>
      %reduce_or3A_485 = vector.shape_cast %reduce_or3A_484 : vector<1024x1xf32> to vector<1x1024x1xf32>
      %reduce_or3A_486 = arith.constant dense<0xFF800000> : vector<1xf32>
      %reduce_or3A_487 = vector.multi_reduction <maximumf>, %reduce_or3A_485, %reduce_or3A_486 [1, 2] : vector<1x1024x1xf32> to vector<1xf32>
      %reduce_or3A_488 = vector.shape_cast %reduce_or3A_487 : vector<1xf32> to vector<1x1x1xf32>
      %reduce_or3A_489 = vector.extract %reduce_or3A_488[0, 0, 0] : f32 from vector<1x1x1xf32>
      %reduce_or3A_490 = arith.constant 0.000000e+00 : f32
      %reduce_or3A_491 = arith.cmpf ogt, %reduce_or3A_489, %reduce_or3A_490 : f32
      %while3A:3 = scf.while (%while3A_492 = %reduce_or3A_491, %while3A_493 = %broadcast_in_dim3A_480, %while3A_494 = %scan3A_456) : (i1, vector<1024x1xf32>, vector<1024x1xf32>) -> (i1, vector<1024x1xf32>, vector<1024x1xf32>) {
        scf.condition(%while3A_492) %while3A_492, %while3A_493, %while3A_494 : i1, vector<1024x1xf32>, vector<1024x1xf32>
      } do {
      ^bb0(%while3A_492: i1, %while3A_493: vector<1024x1xf32>, %while3A_494: vector<1024x1xf32>):
        %get3A_495 = arith.constant 0 : index
        %get3A_496 = arith.constant 0 : index
        %get3A_497 = vector.load %arg9[%get3A_495, %get3A_496] : memref<1024x1536xf32, #tpu.memory_space<vmem>>, vector<1024x1536xf32>
        %lt3A_498 = arith.cmpf olt, %while3A_493, %while3A_494 : vector<1024x1xf32>
        %eq3A_499 = vector.broadcast %while3A_493 : vector<1024x1xf32> to vector<1024x1536xf32>
        %eq3A_500 = arith.cmpf oeq, %get3A_497, %eq3A_499 : vector<1024x1536xf32>
        %jit3A_501 = arith.constant 1.536000e+03 : f32
        %broadcast_in_dim3A_502 = vector.broadcast %jit3A_501 : f32 to vector<1024x1536xf32>
        %select_n3A_503 = arith.select %eq3A_500, %convert_element_type3A, %broadcast_in_dim3A_502 : vector<1024x1536xi1>, vector<1024x1536xf32>
        %reduce_min3A_504 = arith.constant dense<0x7F800000> : vector<1024xf32>
        %reduce_min3A_505 = vector.multi_reduction <minimumf>, %select_n3A_503, %reduce_min3A_504 [1] : vector<1024x1536xf32> to vector<1024xf32>
        %broadcast_in_dim3A_506 = vector.shape_cast %reduce_min3A_505 : vector<1024xf32> to vector<1024x1xf32>
        %jit3A_507 = arith.constant -1.000000e+00 : f32
        %broadcast_in_dim3A_508 = vector.broadcast %jit3A_507 : f32 to vector<1024x1xf32>
        %select_n3A_509 = arith.select %lt3A_498, %broadcast_in_dim3A_506, %broadcast_in_dim3A_508 : vector<1024x1xi1>, vector<1024x1xf32>
        %mul3A_510 = arith.constant 1536 : i32
        %mul3A_511 = arith.muli %scan3A_455, %mul3A_510 : i32
        %convert_element_type3A_512 = arith.fptosi %broadcast_in_dim3A_506 : vector<1024x1xf32> to vector<1024x1xi32>
        %add3A_513 = vector.broadcast %mul3A_511 : i32 to vector<1024x1xi32>
        %add3A_514 = arith.addi %add3A_513, %convert_element_type3A_512 : vector<1024x1xi32>
        %eq3A_515 = vector.broadcast %select_n3A_509 : vector<1024x1xf32> to vector<1024x1536xf32>
        %eq3A_516 = arith.cmpf oeq, %select_n3A_503, %eq3A_515 : vector<1024x1536xf32>
        %jit3A_517 = arith.constant 0x7F800000 : f32
        %broadcast_in_dim3A_518 = vector.broadcast %jit3A_517 : f32 to vector<1024x1536xf32>
        %select_n3A_519 = arith.select %eq3A_516, %broadcast_in_dim3A_518, %get3A_497 : vector<1024x1536xi1>, vector<1024x1536xf32>
        %swap3A_520 = arith.constant 0 : index
        %swap3A_521 = arith.constant 0 : index
        %swap3A_522 = vector.load %arg9[%swap3A_520, %swap3A_521] : memref<1024x1536xf32, #tpu.memory_space<vmem>>, vector<1024x1536xf32>
        tpu.vector_store %arg9[%swap3A_520, %swap3A_521], %select_n3A_519 {strides = array<i32>} : memref<1024x1536xf32, #tpu.memory_space<vmem>>, vector<1024x1536xf32>,
        %get3A_523 = arith.constant 0 : index
        %get3A_524 = arith.constant 0 : index
        %get3A_525 = vector.load %arg10[%get3A_523, %get3A_524] : memref<1024x16xf32, #tpu.memory_space<vmem>>, vector<1024x16xf32>
        %get3A_526 = arith.constant 0 : index
        %get3A_527 = arith.constant 0 : index
        %get3A_528 = vector.load %arg11[%get3A_526, %get3A_527] : memref<1024x16xi32, #tpu.memory_space<vmem>>, vector<1024x16xi32>
        %eq3A_529 = vector.broadcast %while3A_494 : vector<1024x1xf32> to vector<1024x16xf32>
        %eq3A_530 = arith.cmpf oeq, %get3A_525, %eq3A_529 : vector<1024x16xf32>
        %jit3A_531 = arith.constant -1 : i32
        %broadcast_in_dim3A_532 = vector.broadcast %jit3A_531 : i32 to vector<1024x16xi32>
        %select_n3A_533 = arith.select %eq3A_530, %get3A_528, %broadcast_in_dim3A_532 : vector<1024x16xi1>, vector<1024x16xi32>
        %reduce_max3A = arith.constant dense<-2147483648> : vector<1024xi32>
        %reduce_max3A_534 = vector.multi_reduction <maxsi>, %select_n3A_533, %reduce_max3A [1] : vector<1024x16xi32> to vector<1024xi32>
        %broadcast_in_dim3A_535 = vector.shape_cast %reduce_max3A_534 : vector<1024xi32> to vector<1024x1xi32>
        %eq3A_536 = vector.broadcast %broadcast_in_dim3A_535 : vector<1024x1xi32> to vector<1024x16xi32>
        %eq3A_537 = arith.cmpi eq, %get3A_528, %eq3A_536 : vector<1024x16xi32>
        %and3A_538 = arith.andi %eq3A_530, %eq3A_537 : vector<1024x16xi1>
        %jit3A_539 = arith.constant -1 : i32
        %broadcast_in_dim3A_540 = vector.broadcast %jit3A_539 : i32 to vector<1024x16xi32>
        %select_n3A_541 = arith.select %and3A_538, %iota3A, %broadcast_in_dim3A_540 : vector<1024x16xi1>, vector<1024x16xi32>
        %reduce_max3A_542 = arith.constant dense<-2147483648> : vector<1024xi32>
        %reduce_max3A_543 = vector.multi_reduction <maxsi>, %select_n3A_541, %reduce_max3A_542 [1] : vector<1024x16xi32> to vector<1024xi32>
        %broadcast_in_dim3A_544 = vector.shape_cast %reduce_max3A_543 : vector<1024xi32> to vector<1024x1xi32>
        %eq3A_545 = vector.broadcast %broadcast_in_dim3A_544 : vector<1024x1xi32> to vector<1024x16xi32>
        %eq3A_546 = arith.cmpi eq, %iota3A, %eq3A_545 : vector<1024x16xi32>
        %and3A_547 = vector.broadcast %lt3A_498 : vector<1024x1xi1> to vector<1024x16xi1>
        %and3A_548 = arith.andi %eq3A_546, %and3A_547 : vector<1024x16xi1>
        %broadcast_in_dim3A_549 = vector.shape_cast %while3A_493 : vector<1024x1xf32> to vector<1024x1xf32>
        %broadcast_in_dim3A_550 = vector.broadcast %broadcast_in_dim3A_549 : vector<1024x1xf32> to vector<1024x16xf32>
        %select_n3A_551 = arith.select %and3A_548, %broadcast_in_dim3A_550, %get3A_525 : vector<1024x16xi1>, vector<1024x16xf32>
        %broadcast_in_dim3A_552 = vector.shape_cast %add3A_514 : vector<1024x1xi32> to vector<1024x1xi32>
        %broadcast_in_dim3A_553 = vector.broadcast %broadcast_in_dim3A_552 : vector<1024x1xi32> to vector<1024x16xi32>
        %select_n3A_554 = arith.select %and3A_548, %broadcast_in_dim3A_553, %get3A_528 : vector<1024x16xi1>, vector<1024x16xi32>
        %swap3A_555 = arith.constant 0 : index
        %swap3A_556 = arith.constant 0 : index
        %swap3A_557 = vector.load %arg10[%swap3A_555, %swap3A_556] : memref<1024x16xf32, #tpu.memory_space<vmem>>, vector<1024x16xf32>
        tpu.vector_store %arg10[%swap3A_555, %swap3A_556], %select_n3A_551 {strides = array<i32>} : memref<1024x16xf32, #tpu.memory_space<vmem>>, vector<1024x16xf32>,
        %swap3A_558 = arith.constant 0 : index
        %swap3A_559 = arith.constant 0 : index
        %swap3A_560 = vector.load %arg11[%swap3A_558, %swap3A_559] : memref<1024x16xi32, #tpu.memory_space<vmem>>, vector<1024x16xi32>
        tpu.vector_store %arg11[%swap3A_558, %swap3A_559], %select_n3A_554 {strides = array<i32>} : memref<1024x16xi32, #tpu.memory_space<vmem>>, vector<1024x16xi32>,
        %reduce_max3A_561 = arith.constant dense<0xFF800000> : vector<1024xf32>
        %reduce_max3A_562 = vector.multi_reduction <maximumf>, %select_n3A_551, %reduce_max3A_561 [1] : vector<1024x16xf32> to vector<1024xf32>
        %broadcast_in_dim3A_563 = vector.shape_cast %reduce_max3A_562 : vector<1024xf32> to vector<1024x1xf32>
        %reduce_min3A_564 = arith.constant dense<0x7F800000> : vector<1024xf32>
        %reduce_min3A_565 = vector.multi_reduction <minimumf>, %select_n3A_519, %reduce_min3A_564 [1] : vector<1024x1536xf32> to vector<1024xf32>
        %broadcast_in_dim3A_566 = vector.shape_cast %reduce_min3A_565 : vector<1024xf32> to vector<1024x1xf32>
        %lt3A_567 = arith.cmpf olt, %broadcast_in_dim3A_566, %broadcast_in_dim3A_563 : vector<1024x1xf32>
        %reduce_or3A_568 = arith.constant 1.000000e+00 : f32
        %reduce_or3A_569 = arith.constant 0.000000e+00 : f32
        %reduce_or3A_570 = vector.broadcast %reduce_or3A_568 : f32 to vector<1024x1xf32>
        %reduce_or3A_571 = vector.broadcast %reduce_or3A_569 : f32 to vector<1024x1xf32>
        %reduce_or3A_572 = arith.select %lt3A_567, %reduce_or3A_570, %reduce_or3A_571 : vector<1024x1xi1>, vector<1024x1xf32>
        %reduce_or3A_573 = vector.shape_cast %reduce_or3A_572 : vector<1024x1xf32> to vector<1x1024x1xf32>
        %reduce_or3A_574 = arith.constant dense<0xFF800000> : vector<1xf32>
        %reduce_or3A_575 = vector.multi_reduction <maximumf>, %reduce_or3A_573, %reduce_or3A_574 [1, 2] : vector<1x1024x1xf32> to vector<1xf32>
        %reduce_or3A_576 = vector.shape_cast %reduce_or3A_575 : vector<1xf32> to vector<1x1x1xf32>
        %reduce_or3A_577 = vector.extract %reduce_or3A_576[0, 0, 0] : f32 from vector<1x1x1xf32>
        %reduce_or3A_578 = arith.constant 0.000000e+00 : f32
        %reduce_or3A_579 = arith.cmpf ogt, %reduce_or3A_577, %reduce_or3A_578 : f32
        scf.yield %reduce_or3A_579, %broadcast_in_dim3A_566, %broadcast_in_dim3A_563 : i1, vector<1024x1xf32>, vector<1024x1xf32>
      }
      scf.yield %while3A#2 : vector<1024x1xf32>
    }
    %scan3A_44 = arith.constant 66 : i32
    %get3A_45 = arith.constant 0 : index
    %get3A_46 = arith.constant 0 : index
    %get3A_47 = vector.load %arg10[%get3A_45, %get3A_46] : memref<1024x16xf32, #tpu.memory_space<vmem>>, vector<1024x16xf32>
    %get3A_48 = arith.constant 0 : index
    %get3A_49 = arith.constant 0 : index
    %get3A_50 = vector.load %arg11[%get3A_48, %get3A_49] : memref<1024x16xi32, #tpu.memory_space<vmem>>, vector<1024x16xi32>
    %broadcast_in_dim3A_51 = arith.constant 0.000000e+00 : f32
    %broadcast_in_dim3A_52 = vector.broadcast %broadcast_in_dim3A_51 : f32 to vector<1024x16xf32>
    %reduce_min3A = arith.constant dense<0x7F800000> : vector<1024xf32>
    %reduce_min3A_53 = vector.multi_reduction <minimumf>, %get3A_47, %reduce_min3A [1] : vector<1024x16xf32> to vector<1024xf32>
    %broadcast_in_dim3A_54 = vector.shape_cast %reduce_min3A_53 : vector<1024xf32> to vector<1024x1xf32>
    %eq3A = vector.broadcast %broadcast_in_dim3A_54 : vector<1024x1xf32> to vector<1024x16xf32>
    %eq3A_55 = arith.cmpf oeq, %get3A_47, %eq3A : vector<1024x16xf32>
    %jit3A = arith.constant 1073741824 : i32
    %broadcast_in_dim3A_56 = vector.broadcast %jit3A : i32 to vector<1024x16xi32>
    %select_n3A = arith.select %eq3A_55, %get3A_50, %broadcast_in_dim3A_56 : vector<1024x16xi1>, vector<1024x16xi32>
    %reduce_min3A_57 = arith.constant dense<2147483647> : vector<1024xi32>
    %reduce_min3A_58 = vector.multi_reduction <minsi>, %select_n3A, %reduce_min3A_57 [1] : vector<1024x16xi32> to vector<1024xi32>
    %broadcast_in_dim3A_59 = vector.shape_cast %reduce_min3A_58 : vector<1024xi32> to vector<1024x1xi32>
    %eq3A_60 = vector.broadcast %broadcast_in_dim3A_59 : vector<1024x1xi32> to vector<1024x16xi32>
    %eq3A_61 = arith.cmpi eq, %get3A_50, %eq3A_60 : vector<1024x16xi32>
    %and3A = arith.andi %eq3A_55, %eq3A_61 : vector<1024x16xi1>
    %eq3A_62 = arith.constant 0 : i32
    %eq3A_63 = vector.broadcast %eq3A_62 : i32 to vector<1024x16xi32>
    %eq3A_64 = arith.cmpi eq, %iota3A, %eq3A_63 : vector<1024x16xi32>
    %neg3A = arith.constant 0.000000e+00 : f32
    %neg3A_65 = vector.broadcast %neg3A : f32 to vector<1024x1xf32>
    %neg3A_66 = arith.subf %neg3A_65, %broadcast_in_dim3A_54 : vector<1024x1xf32>
    %broadcast_in_dim3A_67 = vector.shape_cast %neg3A_66 : vector<1024x1xf32> to vector<1024x1xf32>
    %broadcast_in_dim3A_68 = vector.broadcast %broadcast_in_dim3A_67 : vector<1024x1xf32> to vector<1024x16xf32>
    %select_n3A_69 = arith.select %eq3A_64, %broadcast_in_dim3A_68, %broadcast_in_dim3A_52 : vector<1024x16xi1>, vector<1024x16xf32>
    %jit3A_70 = arith.constant 0x7F800000 : f32
    %broadcast_in_dim3A_71 = vector.broadcast %jit3A_70 : f32 to vector<1024x16xf32>
    %select_n3A_72 = arith.select %and3A, %broadcast_in_dim3A_71, %get3A_47 : vector<1024x16xi1>, vector<1024x16xf32>
    %reduce_min3A_73 = arith.constant dense<0x7F800000> : vector<1024xf32>
    %reduce_min3A_74 = vector.multi_reduction <minimumf>, %select_n3A_72, %reduce_min3A_73 [1] : vector<1024x16xf32> to vector<1024xf32>
    %broadcast_in_dim3A_75 = vector.shape_cast %reduce_min3A_74 : vector<1024xf32> to vector<1024x1xf32>
    %eq3A_76 = vector.broadcast %broadcast_in_dim3A_75 : vector<1024x1xf32> to vector<1024x16xf32>
    %eq3A_77 = arith.cmpf oeq, %select_n3A_72, %eq3A_76 : vector<1024x16xf32>
    %jit3A_78 = arith.constant 1073741824 : i32
    %broadcast_in_dim3A_79 = vector.broadcast %jit3A_78 : i32 to vector<1024x16xi32>
    %select_n3A_80 = arith.select %eq3A_77, %get3A_50, %broadcast_in_dim3A_79 : vector<1024x16xi1>, vector<1024x16xi32>
    %reduce_min3A_81 = arith.constant dense<2147483647> : vector<1024xi32>
    %reduce_min3A_82 = vector.multi_reduction <minsi>, %select_n3A_80, %reduce_min3A_81 [1] : vector<1024x16xi32> to vector<1024xi32>
    %broadcast_in_dim3A_83 = vector.shape_cast %reduce_min3A_82 : vector<1024xi32> to vector<1024x1xi32>
    %eq3A_84 = vector.broadcast %broadcast_in_dim3A_83 : vector<1024x1xi32> to vector<1024x16xi32>
    %eq3A_85 = arith.cmpi eq, %get3A_50, %eq3A_84 : vector<1024x16xi32>
    %and3A_86 = arith.andi %eq3A_77, %eq3A_85 : vector<1024x16xi1>
    %eq3A_87 = arith.constant 1 : i32
    %eq3A_88 = vector.broadcast %eq3A_87 : i32 to vector<1024x16xi32>
    %eq3A_89 = arith.cmpi eq, %iota3A, %eq3A_88 : vector<1024x16xi32>
    %neg3A_90 = arith.constant 0.000000e+00 : f32
    %neg3A_91 = vector.broadcast %neg3A_90 : f32 to vector<1024x1xf32>
    %neg3A_92 = arith.subf %neg3A_91, %broadcast_in_dim3A_75 : vector<1024x1xf32>
    %broadcast_in_dim3A_93 = vector.shape_cast %neg3A_92 : vector<1024x1xf32> to vector<1024x1xf32>
    %broadcast_in_dim3A_94 = vector.broadcast %broadcast_in_dim3A_93 : vector<1024x1xf32> to vector<1024x16xf32>
    %select_n3A_95 = arith.select %eq3A_89, %broadcast_in_dim3A_94, %select_n3A_69 : vector<1024x16xi1>, vector<1024x16xf32>
    %jit3A_96 = arith.constant 0x7F800000 : f32
    %broadcast_in_dim3A_97 = vector.broadcast %jit3A_96 : f32 to vector<1024x16xf32>
    %select_n3A_98 = arith.select %and3A_86, %broadcast_in_dim3A_97, %select_n3A_72 : vector<1024x16xi1>, vector<1024x16xf32>
    %reduce_min3A_99 = arith.constant dense<0x7F800000> : vector<1024xf32>
    %reduce_min3A_100 = vector.multi_reduction <minimumf>, %select_n3A_98, %reduce_min3A_99 [1] : vector<1024x16xf32> to vector<1024xf32>
    %broadcast_in_dim3A_101 = vector.shape_cast %reduce_min3A_100 : vector<1024xf32> to vector<1024x1xf32>
    %eq3A_102 = vector.broadcast %broadcast_in_dim3A_101 : vector<1024x1xf32> to vector<1024x16xf32>
    %eq3A_103 = arith.cmpf oeq, %select_n3A_98, %eq3A_102 : vector<1024x16xf32>
    %jit3A_104 = arith.constant 1073741824 : i32
    %broadcast_in_dim3A_105 = vector.broadcast %jit3A_104 : i32 to vector<1024x16xi32>
    %select_n3A_106 = arith.select %eq3A_103, %get3A_50, %broadcast_in_dim3A_105 : vector<1024x16xi1>, vector<1024x16xi32>
    %reduce_min3A_107 = arith.constant dense<2147483647> : vector<1024xi32>
    %reduce_min3A_108 = vector.multi_reduction <minsi>, %select_n3A_106, %reduce_min3A_107 [1] : vector<1024x16xi32> to vector<1024xi32>
    %broadcast_in_dim3A_109 = vector.shape_cast %reduce_min3A_108 : vector<1024xi32> to vector<1024x1xi32>
    %eq3A_110 = vector.broadcast %broadcast_in_dim3A_109 : vector<1024x1xi32> to vector<1024x16xi32>
    %eq3A_111 = arith.cmpi eq, %get3A_50, %eq3A_110 : vector<1024x16xi32>
    %and3A_112 = arith.andi %eq3A_103, %eq3A_111 : vector<1024x16xi1>
    %eq3A_113 = arith.constant 2 : i32
    %eq3A_114 = vector.broadcast %eq3A_113 : i32 to vector<1024x16xi32>
    %eq3A_115 = arith.cmpi eq, %iota3A, %eq3A_114 : vector<1024x16xi32>
    %neg3A_116 = arith.constant 0.000000e+00 : f32
    %neg3A_117 = vector.broadcast %neg3A_116 : f32 to vector<1024x1xf32>
    %neg3A_118 = arith.subf %neg3A_117, %broadcast_in_dim3A_101 : vector<1024x1xf32>
    %broadcast_in_dim3A_119 = vector.shape_cast %neg3A_118 : vector<1024x1xf32> to vector<1024x1xf32>
    %broadcast_in_dim3A_120 = vector.broadcast %broadcast_in_dim3A_119 : vector<1024x1xf32> to vector<1024x16xf32>
    %select_n3A_121 = arith.select %eq3A_115, %broadcast_in_dim3A_120, %select_n3A_95 : vector<1024x16xi1>, vector<1024x16xf32>
    %jit3A_122 = arith.constant 0x7F800000 : f32
    %broadcast_in_dim3A_123 = vector.broadcast %jit3A_122 : f32 to vector<1024x16xf32>
    %select_n3A_124 = arith.select %and3A_112, %broadcast_in_dim3A_123, %select_n3A_98 : vector<1024x16xi1>, vector<1024x16xf32>
    %reduce_min3A_125 = arith.constant dense<0x7F800000> : vector<1024xf32>
    %reduce_min3A_126 = vector.multi_reduction <minimumf>, %select_n3A_124, %reduce_min3A_125 [1] : vector<1024x16xf32> to vector<1024xf32>
    %broadcast_in_dim3A_127 = vector.shape_cast %reduce_min3A_126 : vector<1024xf32> to vector<1024x1xf32>
    %eq3A_128 = vector.broadcast %broadcast_in_dim3A_127 : vector<1024x1xf32> to vector<1024x16xf32>
    %eq3A_129 = arith.cmpf oeq, %select_n3A_124, %eq3A_128 : vector<1024x16xf32>
    %jit3A_130 = arith.constant 1073741824 : i32
    %broadcast_in_dim3A_131 = vector.broadcast %jit3A_130 : i32 to vector<1024x16xi32>
    %select_n3A_132 = arith.select %eq3A_129, %get3A_50, %broadcast_in_dim3A_131 : vector<1024x16xi1>, vector<1024x16xi32>
    %reduce_min3A_133 = arith.constant dense<2147483647> : vector<1024xi32>
    %reduce_min3A_134 = vector.multi_reduction <minsi>, %select_n3A_132, %reduce_min3A_133 [1] : vector<1024x16xi32> to vector<1024xi32>
    %broadcast_in_dim3A_135 = vector.shape_cast %reduce_min3A_134 : vector<1024xi32> to vector<1024x1xi32>
    %eq3A_136 = vector.broadcast %broadcast_in_dim3A_135 : vector<1024x1xi32> to vector<1024x16xi32>
    %eq3A_137 = arith.cmpi eq, %get3A_50, %eq3A_136 : vector<1024x16xi32>
    %and3A_138 = arith.andi %eq3A_129, %eq3A_137 : vector<1024x16xi1>
    %eq3A_139 = arith.constant 3 : i32
    %eq3A_140 = vector.broadcast %eq3A_139 : i32 to vector<1024x16xi32>
    %eq3A_141 = arith.cmpi eq, %iota3A, %eq3A_140 : vector<1024x16xi32>
    %neg3A_142 = arith.constant 0.000000e+00 : f32
    %neg3A_143 = vector.broadcast %neg3A_142 : f32 to vector<1024x1xf32>
    %neg3A_144 = arith.subf %neg3A_143, %broadcast_in_dim3A_127 : vector<1024x1xf32>
    %broadcast_in_dim3A_145 = vector.shape_cast %neg3A_144 : vector<1024x1xf32> to vector<1024x1xf32>
    %broadcast_in_dim3A_146 = vector.broadcast %broadcast_in_dim3A_145 : vector<1024x1xf32> to vector<1024x16xf32>
    %select_n3A_147 = arith.select %eq3A_141, %broadcast_in_dim3A_146, %select_n3A_121 : vector<1024x16xi1>, vector<1024x16xf32>
    %jit3A_148 = arith.constant 0x7F800000 : f32
    %broadcast_in_dim3A_149 = vector.broadcast %jit3A_148 : f32 to vector<1024x16xf32>
    %select_n3A_150 = arith.select %and3A_138, %broadcast_in_dim3A_149, %select_n3A_124 : vector<1024x16xi1>, vector<1024x16xf32>
    %reduce_min3A_151 = arith.constant dense<0x7F800000> : vector<1024xf32>
    %reduce_min3A_152 = vector.multi_reduction <minimumf>, %select_n3A_150, %reduce_min3A_151 [1] : vector<1024x16xf32> to vector<1024xf32>
    %broadcast_in_dim3A_153 = vector.shape_cast %reduce_min3A_152 : vector<1024xf32> to vector<1024x1xf32>
    %eq3A_154 = vector.broadcast %broadcast_in_dim3A_153 : vector<1024x1xf32> to vector<1024x16xf32>
    %eq3A_155 = arith.cmpf oeq, %select_n3A_150, %eq3A_154 : vector<1024x16xf32>
    %jit3A_156 = arith.constant 1073741824 : i32
    %broadcast_in_dim3A_157 = vector.broadcast %jit3A_156 : i32 to vector<1024x16xi32>
    %select_n3A_158 = arith.select %eq3A_155, %get3A_50, %broadcast_in_dim3A_157 : vector<1024x16xi1>, vector<1024x16xi32>
    %reduce_min3A_159 = arith.constant dense<2147483647> : vector<1024xi32>
    %reduce_min3A_160 = vector.multi_reduction <minsi>, %select_n3A_158, %reduce_min3A_159 [1] : vector<1024x16xi32> to vector<1024xi32>
    %broadcast_in_dim3A_161 = vector.shape_cast %reduce_min3A_160 : vector<1024xi32> to vector<1024x1xi32>
    %eq3A_162 = vector.broadcast %broadcast_in_dim3A_161 : vector<1024x1xi32> to vector<1024x16xi32>
    %eq3A_163 = arith.cmpi eq, %get3A_50, %eq3A_162 : vector<1024x16xi32>
    %and3A_164 = arith.andi %eq3A_155, %eq3A_163 : vector<1024x16xi1>
    %eq3A_165 = arith.constant 4 : i32
    %eq3A_166 = vector.broadcast %eq3A_165 : i32 to vector<1024x16xi32>
    %eq3A_167 = arith.cmpi eq, %iota3A, %eq3A_166 : vector<1024x16xi32>
    %neg3A_168 = arith.constant 0.000000e+00 : f32
    %neg3A_169 = vector.broadcast %neg3A_168 : f32 to vector<1024x1xf32>
    %neg3A_170 = arith.subf %neg3A_169, %broadcast_in_dim3A_153 : vector<1024x1xf32>
    %broadcast_in_dim3A_171 = vector.shape_cast %neg3A_170 : vector<1024x1xf32> to vector<1024x1xf32>
    %broadcast_in_dim3A_172 = vector.broadcast %broadcast_in_dim3A_171 : vector<1024x1xf32> to vector<1024x16xf32>
    %select_n3A_173 = arith.select %eq3A_167, %broadcast_in_dim3A_172, %select_n3A_147 : vector<1024x16xi1>, vector<1024x16xf32>
    %jit3A_174 = arith.constant 0x7F800000 : f32
    %broadcast_in_dim3A_175 = vector.broadcast %jit3A_174 : f32 to vector<1024x16xf32>
    %select_n3A_176 = arith.select %and3A_164, %broadcast_in_dim3A_175, %select_n3A_150 : vector<1024x16xi1>, vector<1024x16xf32>
    %reduce_min3A_177 = arith.constant dense<0x7F800000> : vector<1024xf32>
    %reduce_min3A_178 = vector.multi_reduction <minimumf>, %select_n3A_176, %reduce_min3A_177 [1] : vector<1024x16xf32> to vector<1024xf32>
    %broadcast_in_dim3A_179 = vector.shape_cast %reduce_min3A_178 : vector<1024xf32> to vector<1024x1xf32>
    %eq3A_180 = vector.broadcast %broadcast_in_dim3A_179 : vector<1024x1xf32> to vector<1024x16xf32>
    %eq3A_181 = arith.cmpf oeq, %select_n3A_176, %eq3A_180 : vector<1024x16xf32>
    %jit3A_182 = arith.constant 1073741824 : i32
    %broadcast_in_dim3A_183 = vector.broadcast %jit3A_182 : i32 to vector<1024x16xi32>
    %select_n3A_184 = arith.select %eq3A_181, %get3A_50, %broadcast_in_dim3A_183 : vector<1024x16xi1>, vector<1024x16xi32>
    %reduce_min3A_185 = arith.constant dense<2147483647> : vector<1024xi32>
    %reduce_min3A_186 = vector.multi_reduction <minsi>, %select_n3A_184, %reduce_min3A_185 [1] : vector<1024x16xi32> to vector<1024xi32>
    %broadcast_in_dim3A_187 = vector.shape_cast %reduce_min3A_186 : vector<1024xi32> to vector<1024x1xi32>
    %eq3A_188 = vector.broadcast %broadcast_in_dim3A_187 : vector<1024x1xi32> to vector<1024x16xi32>
    %eq3A_189 = arith.cmpi eq, %get3A_50, %eq3A_188 : vector<1024x16xi32>
    %and3A_190 = arith.andi %eq3A_181, %eq3A_189 : vector<1024x16xi1>
    %eq3A_191 = arith.constant 5 : i32
    %eq3A_192 = vector.broadcast %eq3A_191 : i32 to vector<1024x16xi32>
    %eq3A_193 = arith.cmpi eq, %iota3A, %eq3A_192 : vector<1024x16xi32>
    %neg3A_194 = arith.constant 0.000000e+00 : f32
    %neg3A_195 = vector.broadcast %neg3A_194 : f32 to vector<1024x1xf32>
    %neg3A_196 = arith.subf %neg3A_195, %broadcast_in_dim3A_179 : vector<1024x1xf32>
    %broadcast_in_dim3A_197 = vector.shape_cast %neg3A_196 : vector<1024x1xf32> to vector<1024x1xf32>
    %broadcast_in_dim3A_198 = vector.broadcast %broadcast_in_dim3A_197 : vector<1024x1xf32> to vector<1024x16xf32>
    %select_n3A_199 = arith.select %eq3A_193, %broadcast_in_dim3A_198, %select_n3A_173 : vector<1024x16xi1>, vector<1024x16xf32>
    %jit3A_200 = arith.constant 0x7F800000 : f32
    %broadcast_in_dim3A_201 = vector.broadcast %jit3A_200 : f32 to vector<1024x16xf32>
    %select_n3A_202 = arith.select %and3A_190, %broadcast_in_dim3A_201, %select_n3A_176 : vector<1024x16xi1>, vector<1024x16xf32>
    %reduce_min3A_203 = arith.constant dense<0x7F800000> : vector<1024xf32>
    %reduce_min3A_204 = vector.multi_reduction <minimumf>, %select_n3A_202, %reduce_min3A_203 [1] : vector<1024x16xf32> to vector<1024xf32>
    %broadcast_in_dim3A_205 = vector.shape_cast %reduce_min3A_204 : vector<1024xf32> to vector<1024x1xf32>
    %eq3A_206 = vector.broadcast %broadcast_in_dim3A_205 : vector<1024x1xf32> to vector<1024x16xf32>
    %eq3A_207 = arith.cmpf oeq, %select_n3A_202, %eq3A_206 : vector<1024x16xf32>
    %jit3A_208 = arith.constant 1073741824 : i32
    %broadcast_in_dim3A_209 = vector.broadcast %jit3A_208 : i32 to vector<1024x16xi32>
    %select_n3A_210 = arith.select %eq3A_207, %get3A_50, %broadcast_in_dim3A_209 : vector<1024x16xi1>, vector<1024x16xi32>
    %reduce_min3A_211 = arith.constant dense<2147483647> : vector<1024xi32>
    %reduce_min3A_212 = vector.multi_reduction <minsi>, %select_n3A_210, %reduce_min3A_211 [1] : vector<1024x16xi32> to vector<1024xi32>
    %broadcast_in_dim3A_213 = vector.shape_cast %reduce_min3A_212 : vector<1024xi32> to vector<1024x1xi32>
    %eq3A_214 = vector.broadcast %broadcast_in_dim3A_213 : vector<1024x1xi32> to vector<1024x16xi32>
    %eq3A_215 = arith.cmpi eq, %get3A_50, %eq3A_214 : vector<1024x16xi32>
    %and3A_216 = arith.andi %eq3A_207, %eq3A_215 : vector<1024x16xi1>
    %eq3A_217 = arith.constant 6 : i32
    %eq3A_218 = vector.broadcast %eq3A_217 : i32 to vector<1024x16xi32>
    %eq3A_219 = arith.cmpi eq, %iota3A, %eq3A_218 : vector<1024x16xi32>
    %neg3A_220 = arith.constant 0.000000e+00 : f32
    %neg3A_221 = vector.broadcast %neg3A_220 : f32 to vector<1024x1xf32>
    %neg3A_222 = arith.subf %neg3A_221, %broadcast_in_dim3A_205 : vector<1024x1xf32>
    %broadcast_in_dim3A_223 = vector.shape_cast %neg3A_222 : vector<1024x1xf32> to vector<1024x1xf32>
    %broadcast_in_dim3A_224 = vector.broadcast %broadcast_in_dim3A_223 : vector<1024x1xf32> to vector<1024x16xf32>
    %select_n3A_225 = arith.select %eq3A_219, %broadcast_in_dim3A_224, %select_n3A_199 : vector<1024x16xi1>, vector<1024x16xf32>
    %jit3A_226 = arith.constant 0x7F800000 : f32
    %broadcast_in_dim3A_227 = vector.broadcast %jit3A_226 : f32 to vector<1024x16xf32>
    %select_n3A_228 = arith.select %and3A_216, %broadcast_in_dim3A_227, %select_n3A_202 : vector<1024x16xi1>, vector<1024x16xf32>
    %reduce_min3A_229 = arith.constant dense<0x7F800000> : vector<1024xf32>
    %reduce_min3A_230 = vector.multi_reduction <minimumf>, %select_n3A_228, %reduce_min3A_229 [1] : vector<1024x16xf32> to vector<1024xf32>
    %broadcast_in_dim3A_231 = vector.shape_cast %reduce_min3A_230 : vector<1024xf32> to vector<1024x1xf32>
    %eq3A_232 = vector.broadcast %broadcast_in_dim3A_231 : vector<1024x1xf32> to vector<1024x16xf32>
    %eq3A_233 = arith.cmpf oeq, %select_n3A_228, %eq3A_232 : vector<1024x16xf32>
    %jit3A_234 = arith.constant 1073741824 : i32
    %broadcast_in_dim3A_235 = vector.broadcast %jit3A_234 : i32 to vector<1024x16xi32>
    %select_n3A_236 = arith.select %eq3A_233, %get3A_50, %broadcast_in_dim3A_235 : vector<1024x16xi1>, vector<1024x16xi32>
    %reduce_min3A_237 = arith.constant dense<2147483647> : vector<1024xi32>
    %reduce_min3A_238 = vector.multi_reduction <minsi>, %select_n3A_236, %reduce_min3A_237 [1] : vector<1024x16xi32> to vector<1024xi32>
    %broadcast_in_dim3A_239 = vector.shape_cast %reduce_min3A_238 : vector<1024xi32> to vector<1024x1xi32>
    %eq3A_240 = vector.broadcast %broadcast_in_dim3A_239 : vector<1024x1xi32> to vector<1024x16xi32>
    %eq3A_241 = arith.cmpi eq, %get3A_50, %eq3A_240 : vector<1024x16xi32>
    %and3A_242 = arith.andi %eq3A_233, %eq3A_241 : vector<1024x16xi1>
    %eq3A_243 = arith.constant 7 : i32
    %eq3A_244 = vector.broadcast %eq3A_243 : i32 to vector<1024x16xi32>
    %eq3A_245 = arith.cmpi eq, %iota3A, %eq3A_244 : vector<1024x16xi32>
    %neg3A_246 = arith.constant 0.000000e+00 : f32
    %neg3A_247 = vector.broadcast %neg3A_246 : f32 to vector<1024x1xf32>
    %neg3A_248 = arith.subf %neg3A_247, %broadcast_in_dim3A_231 : vector<1024x1xf32>
    %broadcast_in_dim3A_249 = vector.shape_cast %neg3A_248 : vector<1024x1xf32> to vector<1024x1xf32>
    %broadcast_in_dim3A_250 = vector.broadcast %broadcast_in_dim3A_249 : vector<1024x1xf32> to vector<1024x16xf32>
    %select_n3A_251 = arith.select %eq3A_245, %broadcast_in_dim3A_250, %select_n3A_225 : vector<1024x16xi1>, vector<1024x16xf32>
    %jit3A_252 = arith.constant 0x7F800000 : f32
    %broadcast_in_dim3A_253 = vector.broadcast %jit3A_252 : f32 to vector<1024x16xf32>
    %select_n3A_254 = arith.select %and3A_242, %broadcast_in_dim3A_253, %select_n3A_228 : vector<1024x16xi1>, vector<1024x16xf32>
    %reduce_min3A_255 = arith.constant dense<0x7F800000> : vector<1024xf32>
    %reduce_min3A_256 = vector.multi_reduction <minimumf>, %select_n3A_254, %reduce_min3A_255 [1] : vector<1024x16xf32> to vector<1024xf32>
    %broadcast_in_dim3A_257 = vector.shape_cast %reduce_min3A_256 : vector<1024xf32> to vector<1024x1xf32>
    %eq3A_258 = vector.broadcast %broadcast_in_dim3A_257 : vector<1024x1xf32> to vector<1024x16xf32>
    %eq3A_259 = arith.cmpf oeq, %select_n3A_254, %eq3A_258 : vector<1024x16xf32>
    %jit3A_260 = arith.constant 1073741824 : i32
    %broadcast_in_dim3A_261 = vector.broadcast %jit3A_260 : i32 to vector<1024x16xi32>
    %select_n3A_262 = arith.select %eq3A_259, %get3A_50, %broadcast_in_dim3A_261 : vector<1024x16xi1>, vector<1024x16xi32>
    %reduce_min3A_263 = arith.constant dense<2147483647> : vector<1024xi32>
    %reduce_min3A_264 = vector.multi_reduction <minsi>, %select_n3A_262, %reduce_min3A_263 [1] : vector<1024x16xi32> to vector<1024xi32>
    %broadcast_in_dim3A_265 = vector.shape_cast %reduce_min3A_264 : vector<1024xi32> to vector<1024x1xi32>
    %eq3A_266 = vector.broadcast %broadcast_in_dim3A_265 : vector<1024x1xi32> to vector<1024x16xi32>
    %eq3A_267 = arith.cmpi eq, %get3A_50, %eq3A_266 : vector<1024x16xi32>
    %and3A_268 = arith.andi %eq3A_259, %eq3A_267 : vector<1024x16xi1>
    %eq3A_269 = arith.constant 8 : i32
    %eq3A_270 = vector.broadcast %eq3A_269 : i32 to vector<1024x16xi32>
    %eq3A_271 = arith.cmpi eq, %iota3A, %eq3A_270 : vector<1024x16xi32>
    %neg3A_272 = arith.constant 0.000000e+00 : f32
    %neg3A_273 = vector.broadcast %neg3A_272 : f32 to vector<1024x1xf32>
    %neg3A_274 = arith.subf %neg3A_273, %broadcast_in_dim3A_257 : vector<1024x1xf32>
    %broadcast_in_dim3A_275 = vector.shape_cast %neg3A_274 : vector<1024x1xf32> to vector<1024x1xf32>
    %broadcast_in_dim3A_276 = vector.broadcast %broadcast_in_dim3A_275 : vector<1024x1xf32> to vector<1024x16xf32>
    %select_n3A_277 = arith.select %eq3A_271, %broadcast_in_dim3A_276, %select_n3A_251 : vector<1024x16xi1>, vector<1024x16xf32>
    %jit3A_278 = arith.constant 0x7F800000 : f32
    %broadcast_in_dim3A_279 = vector.broadcast %jit3A_278 : f32 to vector<1024x16xf32>
    %select_n3A_280 = arith.select %and3A_268, %broadcast_in_dim3A_279, %select_n3A_254 : vector<1024x16xi1>, vector<1024x16xf32>
    %reduce_min3A_281 = arith.constant dense<0x7F800000> : vector<1024xf32>
    %reduce_min3A_282 = vector.multi_reduction <minimumf>, %select_n3A_280, %reduce_min3A_281 [1] : vector<1024x16xf32> to vector<1024xf32>
    %broadcast_in_dim3A_283 = vector.shape_cast %reduce_min3A_282 : vector<1024xf32> to vector<1024x1xf32>
    %eq3A_284 = vector.broadcast %broadcast_in_dim3A_283 : vector<1024x1xf32> to vector<1024x16xf32>
    %eq3A_285 = arith.cmpf oeq, %select_n3A_280, %eq3A_284 : vector<1024x16xf32>
    %jit3A_286 = arith.constant 1073741824 : i32
    %broadcast_in_dim3A_287 = vector.broadcast %jit3A_286 : i32 to vector<1024x16xi32>
    %select_n3A_288 = arith.select %eq3A_285, %get3A_50, %broadcast_in_dim3A_287 : vector<1024x16xi1>, vector<1024x16xi32>
    %reduce_min3A_289 = arith.constant dense<2147483647> : vector<1024xi32>
    %reduce_min3A_290 = vector.multi_reduction <minsi>, %select_n3A_288, %reduce_min3A_289 [1] : vector<1024x16xi32> to vector<1024xi32>
    %broadcast_in_dim3A_291 = vector.shape_cast %reduce_min3A_290 : vector<1024xi32> to vector<1024x1xi32>
    %eq3A_292 = vector.broadcast %broadcast_in_dim3A_291 : vector<1024x1xi32> to vector<1024x16xi32>
    %eq3A_293 = arith.cmpi eq, %get3A_50, %eq3A_292 : vector<1024x16xi32>
    %and3A_294 = arith.andi %eq3A_285, %eq3A_293 : vector<1024x16xi1>
    %eq3A_295 = arith.constant 9 : i32
    %eq3A_296 = vector.broadcast %eq3A_295 : i32 to vector<1024x16xi32>
    %eq3A_297 = arith.cmpi eq, %iota3A, %eq3A_296 : vector<1024x16xi32>
    %neg3A_298 = arith.constant 0.000000e+00 : f32
    %neg3A_299 = vector.broadcast %neg3A_298 : f32 to vector<1024x1xf32>
    %neg3A_300 = arith.subf %neg3A_299, %broadcast_in_dim3A_283 : vector<1024x1xf32>
    %broadcast_in_dim3A_301 = vector.shape_cast %neg3A_300 : vector<1024x1xf32> to vector<1024x1xf32>
    %broadcast_in_dim3A_302 = vector.broadcast %broadcast_in_dim3A_301 : vector<1024x1xf32> to vector<1024x16xf32>
    %select_n3A_303 = arith.select %eq3A_297, %broadcast_in_dim3A_302, %select_n3A_277 : vector<1024x16xi1>, vector<1024x16xf32>
    %jit3A_304 = arith.constant 0x7F800000 : f32
    %broadcast_in_dim3A_305 = vector.broadcast %jit3A_304 : f32 to vector<1024x16xf32>
    %select_n3A_306 = arith.select %and3A_294, %broadcast_in_dim3A_305, %select_n3A_280 : vector<1024x16xi1>, vector<1024x16xf32>
    %reduce_min3A_307 = arith.constant dense<0x7F800000> : vector<1024xf32>
    %reduce_min3A_308 = vector.multi_reduction <minimumf>, %select_n3A_306, %reduce_min3A_307 [1] : vector<1024x16xf32> to vector<1024xf32>
    %broadcast_in_dim3A_309 = vector.shape_cast %reduce_min3A_308 : vector<1024xf32> to vector<1024x1xf32>
    %eq3A_310 = vector.broadcast %broadcast_in_dim3A_309 : vector<1024x1xf32> to vector<1024x16xf32>
    %eq3A_311 = arith.cmpf oeq, %select_n3A_306, %eq3A_310 : vector<1024x16xf32>
    %jit3A_312 = arith.constant 1073741824 : i32
    %broadcast_in_dim3A_313 = vector.broadcast %jit3A_312 : i32 to vector<1024x16xi32>
    %select_n3A_314 = arith.select %eq3A_311, %get3A_50, %broadcast_in_dim3A_313 : vector<1024x16xi1>, vector<1024x16xi32>
    %reduce_min3A_315 = arith.constant dense<2147483647> : vector<1024xi32>
    %reduce_min3A_316 = vector.multi_reduction <minsi>, %select_n3A_314, %reduce_min3A_315 [1] : vector<1024x16xi32> to vector<1024xi32>
    %broadcast_in_dim3A_317 = vector.shape_cast %reduce_min3A_316 : vector<1024xi32> to vector<1024x1xi32>
    %eq3A_318 = vector.broadcast %broadcast_in_dim3A_317 : vector<1024x1xi32> to vector<1024x16xi32>
    %eq3A_319 = arith.cmpi eq, %get3A_50, %eq3A_318 : vector<1024x16xi32>
    %and3A_320 = arith.andi %eq3A_311, %eq3A_319 : vector<1024x16xi1>
    %eq3A_321 = arith.constant 10 : i32
    %eq3A_322 = vector.broadcast %eq3A_321 : i32 to vector<1024x16xi32>
    %eq3A_323 = arith.cmpi eq, %iota3A, %eq3A_322 : vector<1024x16xi32>
    %neg3A_324 = arith.constant 0.000000e+00 : f32
    %neg3A_325 = vector.broadcast %neg3A_324 : f32 to vector<1024x1xf32>
    %neg3A_326 = arith.subf %neg3A_325, %broadcast_in_dim3A_309 : vector<1024x1xf32>
    %broadcast_in_dim3A_327 = vector.shape_cast %neg3A_326 : vector<1024x1xf32> to vector<1024x1xf32>
    %broadcast_in_dim3A_328 = vector.broadcast %broadcast_in_dim3A_327 : vector<1024x1xf32> to vector<1024x16xf32>
    %select_n3A_329 = arith.select %eq3A_323, %broadcast_in_dim3A_328, %select_n3A_303 : vector<1024x16xi1>, vector<1024x16xf32>
    %jit3A_330 = arith.constant 0x7F800000 : f32
    %broadcast_in_dim3A_331 = vector.broadcast %jit3A_330 : f32 to vector<1024x16xf32>
    %select_n3A_332 = arith.select %and3A_320, %broadcast_in_dim3A_331, %select_n3A_306 : vector<1024x16xi1>, vector<1024x16xf32>
    %reduce_min3A_333 = arith.constant dense<0x7F800000> : vector<1024xf32>
    %reduce_min3A_334 = vector.multi_reduction <minimumf>, %select_n3A_332, %reduce_min3A_333 [1] : vector<1024x16xf32> to vector<1024xf32>
    %broadcast_in_dim3A_335 = vector.shape_cast %reduce_min3A_334 : vector<1024xf32> to vector<1024x1xf32>
    %eq3A_336 = vector.broadcast %broadcast_in_dim3A_335 : vector<1024x1xf32> to vector<1024x16xf32>
    %eq3A_337 = arith.cmpf oeq, %select_n3A_332, %eq3A_336 : vector<1024x16xf32>
    %jit3A_338 = arith.constant 1073741824 : i32
    %broadcast_in_dim3A_339 = vector.broadcast %jit3A_338 : i32 to vector<1024x16xi32>
    %select_n3A_340 = arith.select %eq3A_337, %get3A_50, %broadcast_in_dim3A_339 : vector<1024x16xi1>, vector<1024x16xi32>
    %reduce_min3A_341 = arith.constant dense<2147483647> : vector<1024xi32>
    %reduce_min3A_342 = vector.multi_reduction <minsi>, %select_n3A_340, %reduce_min3A_341 [1] : vector<1024x16xi32> to vector<1024xi32>
    %broadcast_in_dim3A_343 = vector.shape_cast %reduce_min3A_342 : vector<1024xi32> to vector<1024x1xi32>
    %eq3A_344 = vector.broadcast %broadcast_in_dim3A_343 : vector<1024x1xi32> to vector<1024x16xi32>
    %eq3A_345 = arith.cmpi eq, %get3A_50, %eq3A_344 : vector<1024x16xi32>
    %and3A_346 = arith.andi %eq3A_337, %eq3A_345 : vector<1024x16xi1>
    %eq3A_347 = arith.constant 11 : i32
    %eq3A_348 = vector.broadcast %eq3A_347 : i32 to vector<1024x16xi32>
    %eq3A_349 = arith.cmpi eq, %iota3A, %eq3A_348 : vector<1024x16xi32>
    %neg3A_350 = arith.constant 0.000000e+00 : f32
    %neg3A_351 = vector.broadcast %neg3A_350 : f32 to vector<1024x1xf32>
    %neg3A_352 = arith.subf %neg3A_351, %broadcast_in_dim3A_335 : vector<1024x1xf32>
    %broadcast_in_dim3A_353 = vector.shape_cast %neg3A_352 : vector<1024x1xf32> to vector<1024x1xf32>
    %broadcast_in_dim3A_354 = vector.broadcast %broadcast_in_dim3A_353 : vector<1024x1xf32> to vector<1024x16xf32>
    %select_n3A_355 = arith.select %eq3A_349, %broadcast_in_dim3A_354, %select_n3A_329 : vector<1024x16xi1>, vector<1024x16xf32>
    %jit3A_356 = arith.constant 0x7F800000 : f32
    %broadcast_in_dim3A_357 = vector.broadcast %jit3A_356 : f32 to vector<1024x16xf32>
    %select_n3A_358 = arith.select %and3A_346, %broadcast_in_dim3A_357, %select_n3A_332 : vector<1024x16xi1>, vector<1024x16xf32>
    %reduce_min3A_359 = arith.constant dense<0x7F800000> : vector<1024xf32>
    %reduce_min3A_360 = vector.multi_reduction <minimumf>, %select_n3A_358, %reduce_min3A_359 [1] : vector<1024x16xf32> to vector<1024xf32>
    %broadcast_in_dim3A_361 = vector.shape_cast %reduce_min3A_360 : vector<1024xf32> to vector<1024x1xf32>
    %eq3A_362 = vector.broadcast %broadcast_in_dim3A_361 : vector<1024x1xf32> to vector<1024x16xf32>
    %eq3A_363 = arith.cmpf oeq, %select_n3A_358, %eq3A_362 : vector<1024x16xf32>
    %jit3A_364 = arith.constant 1073741824 : i32
    %broadcast_in_dim3A_365 = vector.broadcast %jit3A_364 : i32 to vector<1024x16xi32>
    %select_n3A_366 = arith.select %eq3A_363, %get3A_50, %broadcast_in_dim3A_365 : vector<1024x16xi1>, vector<1024x16xi32>
    %reduce_min3A_367 = arith.constant dense<2147483647> : vector<1024xi32>
    %reduce_min3A_368 = vector.multi_reduction <minsi>, %select_n3A_366, %reduce_min3A_367 [1] : vector<1024x16xi32> to vector<1024xi32>
    %broadcast_in_dim3A_369 = vector.shape_cast %reduce_min3A_368 : vector<1024xi32> to vector<1024x1xi32>
    %eq3A_370 = vector.broadcast %broadcast_in_dim3A_369 : vector<1024x1xi32> to vector<1024x16xi32>
    %eq3A_371 = arith.cmpi eq, %get3A_50, %eq3A_370 : vector<1024x16xi32>
    %and3A_372 = arith.andi %eq3A_363, %eq3A_371 : vector<1024x16xi1>
    %eq3A_373 = arith.constant 12 : i32
    %eq3A_374 = vector.broadcast %eq3A_373 : i32 to vector<1024x16xi32>
    %eq3A_375 = arith.cmpi eq, %iota3A, %eq3A_374 : vector<1024x16xi32>
    %neg3A_376 = arith.constant 0.000000e+00 : f32
    %neg3A_377 = vector.broadcast %neg3A_376 : f32 to vector<1024x1xf32>
    %neg3A_378 = arith.subf %neg3A_377, %broadcast_in_dim3A_361 : vector<1024x1xf32>
    %broadcast_in_dim3A_379 = vector.shape_cast %neg3A_378 : vector<1024x1xf32> to vector<1024x1xf32>
    %broadcast_in_dim3A_380 = vector.broadcast %broadcast_in_dim3A_379 : vector<1024x1xf32> to vector<1024x16xf32>
    %select_n3A_381 = arith.select %eq3A_375, %broadcast_in_dim3A_380, %select_n3A_355 : vector<1024x16xi1>, vector<1024x16xf32>
    %jit3A_382 = arith.constant 0x7F800000 : f32
    %broadcast_in_dim3A_383 = vector.broadcast %jit3A_382 : f32 to vector<1024x16xf32>
    %select_n3A_384 = arith.select %and3A_372, %broadcast_in_dim3A_383, %select_n3A_358 : vector<1024x16xi1>, vector<1024x16xf32>
    %reduce_min3A_385 = arith.constant dense<0x7F800000> : vector<1024xf32>
    %reduce_min3A_386 = vector.multi_reduction <minimumf>, %select_n3A_384, %reduce_min3A_385 [1] : vector<1024x16xf32> to vector<1024xf32>
    %broadcast_in_dim3A_387 = vector.shape_cast %reduce_min3A_386 : vector<1024xf32> to vector<1024x1xf32>
    %eq3A_388 = vector.broadcast %broadcast_in_dim3A_387 : vector<1024x1xf32> to vector<1024x16xf32>
    %eq3A_389 = arith.cmpf oeq, %select_n3A_384, %eq3A_388 : vector<1024x16xf32>
    %jit3A_390 = arith.constant 1073741824 : i32
    %broadcast_in_dim3A_391 = vector.broadcast %jit3A_390 : i32 to vector<1024x16xi32>
    %select_n3A_392 = arith.select %eq3A_389, %get3A_50, %broadcast_in_dim3A_391 : vector<1024x16xi1>, vector<1024x16xi32>
    %reduce_min3A_393 = arith.constant dense<2147483647> : vector<1024xi32>
    %reduce_min3A_394 = vector.multi_reduction <minsi>, %select_n3A_392, %reduce_min3A_393 [1] : vector<1024x16xi32> to vector<1024xi32>
    %broadcast_in_dim3A_395 = vector.shape_cast %reduce_min3A_394 : vector<1024xi32> to vector<1024x1xi32>
    %eq3A_396 = vector.broadcast %broadcast_in_dim3A_395 : vector<1024x1xi32> to vector<1024x16xi32>
    %eq3A_397 = arith.cmpi eq, %get3A_50, %eq3A_396 : vector<1024x16xi32>
    %and3A_398 = arith.andi %eq3A_389, %eq3A_397 : vector<1024x16xi1>
    %eq3A_399 = arith.constant 13 : i32
    %eq3A_400 = vector.broadcast %eq3A_399 : i32 to vector<1024x16xi32>
    %eq3A_401 = arith.cmpi eq, %iota3A, %eq3A_400 : vector<1024x16xi32>
    %neg3A_402 = arith.constant 0.000000e+00 : f32
    %neg3A_403 = vector.broadcast %neg3A_402 : f32 to vector<1024x1xf32>
    %neg3A_404 = arith.subf %neg3A_403, %broadcast_in_dim3A_387 : vector<1024x1xf32>
    %broadcast_in_dim3A_405 = vector.shape_cast %neg3A_404 : vector<1024x1xf32> to vector<1024x1xf32>
    %broadcast_in_dim3A_406 = vector.broadcast %broadcast_in_dim3A_405 : vector<1024x1xf32> to vector<1024x16xf32>
    %select_n3A_407 = arith.select %eq3A_401, %broadcast_in_dim3A_406, %select_n3A_381 : vector<1024x16xi1>, vector<1024x16xf32>
    %jit3A_408 = arith.constant 0x7F800000 : f32
    %broadcast_in_dim3A_409 = vector.broadcast %jit3A_408 : f32 to vector<1024x16xf32>
    %select_n3A_410 = arith.select %and3A_398, %broadcast_in_dim3A_409, %select_n3A_384 : vector<1024x16xi1>, vector<1024x16xf32>
    %reduce_min3A_411 = arith.constant dense<0x7F800000> : vector<1024xf32>
    %reduce_min3A_412 = vector.multi_reduction <minimumf>, %select_n3A_410, %reduce_min3A_411 [1] : vector<1024x16xf32> to vector<1024xf32>
    %broadcast_in_dim3A_413 = vector.shape_cast %reduce_min3A_412 : vector<1024xf32> to vector<1024x1xf32>
    %eq3A_414 = vector.broadcast %broadcast_in_dim3A_413 : vector<1024x1xf32> to vector<1024x16xf32>
    %eq3A_415 = arith.cmpf oeq, %select_n3A_410, %eq3A_414 : vector<1024x16xf32>
    %jit3A_416 = arith.constant 1073741824 : i32
    %broadcast_in_dim3A_417 = vector.broadcast %jit3A_416 : i32 to vector<1024x16xi32>
    %select_n3A_418 = arith.select %eq3A_415, %get3A_50, %broadcast_in_dim3A_417 : vector<1024x16xi1>, vector<1024x16xi32>
    %reduce_min3A_419 = arith.constant dense<2147483647> : vector<1024xi32>
    %reduce_min3A_420 = vector.multi_reduction <minsi>, %select_n3A_418, %reduce_min3A_419 [1] : vector<1024x16xi32> to vector<1024xi32>
    %broadcast_in_dim3A_421 = vector.shape_cast %reduce_min3A_420 : vector<1024xi32> to vector<1024x1xi32>
    %eq3A_422 = vector.broadcast %broadcast_in_dim3A_421 : vector<1024x1xi32> to vector<1024x16xi32>
    %eq3A_423 = arith.cmpi eq, %get3A_50, %eq3A_422 : vector<1024x16xi32>
    %and3A_424 = arith.andi %eq3A_415, %eq3A_423 : vector<1024x16xi1>
    %eq3A_425 = arith.constant 14 : i32
    %eq3A_426 = vector.broadcast %eq3A_425 : i32 to vector<1024x16xi32>
    %eq3A_427 = arith.cmpi eq, %iota3A, %eq3A_426 : vector<1024x16xi32>
    %neg3A_428 = arith.constant 0.000000e+00 : f32
    %neg3A_429 = vector.broadcast %neg3A_428 : f32 to vector<1024x1xf32>
    %neg3A_430 = arith.subf %neg3A_429, %broadcast_in_dim3A_413 : vector<1024x1xf32>
    %broadcast_in_dim3A_431 = vector.shape_cast %neg3A_430 : vector<1024x1xf32> to vector<1024x1xf32>
    %broadcast_in_dim3A_432 = vector.broadcast %broadcast_in_dim3A_431 : vector<1024x1xf32> to vector<1024x16xf32>
    %select_n3A_433 = arith.select %eq3A_427, %broadcast_in_dim3A_432, %select_n3A_407 : vector<1024x16xi1>, vector<1024x16xf32>
    %jit3A_434 = arith.constant 0x7F800000 : f32
    %broadcast_in_dim3A_435 = vector.broadcast %jit3A_434 : f32 to vector<1024x16xf32>
    %select_n3A_436 = arith.select %and3A_424, %broadcast_in_dim3A_435, %select_n3A_410 : vector<1024x16xi1>, vector<1024x16xf32>
    %reduce_min3A_437 = arith.constant dense<0x7F800000> : vector<1024xf32>
    %reduce_min3A_438 = vector.multi_reduction <minimumf>, %select_n3A_436, %reduce_min3A_437 [1] : vector<1024x16xf32> to vector<1024xf32>
    %broadcast_in_dim3A_439 = vector.shape_cast %reduce_min3A_438 : vector<1024xf32> to vector<1024x1xf32>
    %eq3A_440 = arith.constant 15 : i32
    %eq3A_441 = vector.broadcast %eq3A_440 : i32 to vector<1024x16xi32>
    %eq3A_442 = arith.cmpi eq, %iota3A, %eq3A_441 : vector<1024x16xi32>
    %neg3A_443 = arith.constant 0.000000e+00 : f32
    %neg3A_444 = vector.broadcast %neg3A_443 : f32 to vector<1024x1xf32>
    %neg3A_445 = arith.subf %neg3A_444, %broadcast_in_dim3A_439 : vector<1024x1xf32>
    %broadcast_in_dim3A_446 = vector.shape_cast %neg3A_445 : vector<1024x1xf32> to vector<1024x1xf32>
    %broadcast_in_dim3A_447 = vector.broadcast %broadcast_in_dim3A_446 : vector<1024x1xf32> to vector<1024x16xf32>
    %select_n3A_448 = arith.select %eq3A_442, %broadcast_in_dim3A_447, %select_n3A_433 : vector<1024x16xi1>, vector<1024x16xf32>
    %swap3A_449 = arith.constant 0 : index
    %swap3A_450 = arith.constant 0 : index
    %swap3A_451 = vector.load %arg7[%swap3A_449, %swap3A_450] : memref<1024x16xf32, #tpu.memory_space<vmem>>, vector<1024x16xf32>
    tpu.vector_store %arg7[%swap3A_449, %swap3A_450], %select_n3A_448 {strides = array<i32>} : memref<1024x16xf32, #tpu.memory_space<vmem>>, vector<1024x16xf32>,
    %swap3A_452 = arith.constant 0 : index
    %swap3A_453 = arith.constant 0 : index
    %swap3A_454 = vector.load %arg8[%swap3A_452, %swap3A_453] : memref<1024x16xi32, #tpu.memory_space<vmem>>, vector<1024x16xi32>
    tpu.vector_store %arg8[%swap3A_452, %swap3A_453], %get3A_50 {strides = array<i32>} : memref<1024x16xi32, #tpu.memory_space<vmem>>, vector<1024x16xi32>,
    return
  }
  func.func @transform_0(%arg0: i32) -> (i32, i32) {
    %c0_i32 = arith.constant 0 : i32
    %c0_i32_0 = arith.constant 0 : i32
    return %arg0, %c0_i32 : i32, i32
  }
  func.func @transform_1(%arg0: i32) -> (i32, i32) {
    %c0_i32 = arith.constant 0 : i32
    %c0_i32_0 = arith.constant 0 : i32
    %c0_i32_1 = arith.constant 0 : i32
    return %c0_i32, %c0_i32_0 : i32, i32
  }
  func.func @transform_2(%arg0: i32) -> (i32, i32) {
    %c0_i32 = arith.constant 0 : i32
    %c0_i32_0 = arith.constant 0 : i32
    %c0_i32_1 = arith.constant 0 : i32
    return %c0_i32, %c0_i32_0 : i32, i32
  }
  func.func @transform_3(%arg0: i32) -> (i32, i32) {
    %c0_i32 = arith.constant 0 : i32
    %c0_i32_0 = arith.constant 0 : i32
    %c0_i32_1 = arith.constant 0 : i32
    return %c0_i32, %c0_i32_0 : i32, i32
  }
  func.func @transform_4(%arg0: i32) -> (i32, i32) {
    %c0_i32 = arith.constant 0 : i32
    %c0_i32_0 = arith.constant 0 : i32
    %c0_i32_1 = arith.constant 0 : i32
    return %c0_i32, %c0_i32_0 : i32, i32
  }
  func.func @transform_5(%arg0: i32) -> (i32, i32) {
    %c0_i32 = arith.constant 0 : i32
    %c0_i32_0 = arith.constant 0 : i32
    %c0_i32_1 = arith.constant 0 : i32
    return %c0_i32, %c0_i32_0 : i32, i32
  }
  func.func @transform_6(%arg0: i32) -> (i32, i32) {
    %c0_i32 = arith.constant 0 : i32
    %c0_i32_0 = arith.constant 0 : i32
    return %arg0, %c0_i32 : i32, i32
  }
  func.func @transform_7(%arg0: i32) -> (i32, i32) {
    %c0_i32 = arith.constant 0 : i32
    %c0_i32_0 = arith.constant 0 : i32
    return %arg0, %c0_i32 : i32, i32
  }
}

</mosaic_0001>

<sc_bundles>
// kernel: kernel.4.cloned.1.call-start
scs
__scs_entry_jumppad:
0x0: {  	(pc) =	sbr.rel $0x88, $3  }
0x1: {  	(tag) =	ssettag $0x0;
	lr =	simm.s32 $0x1  }
0x2: {  	[smem:$0x3F9A] =	sst lr;
	_ =	strace $0xD0000000  }
0x3: {  	_ = 	snop  }
0x4: {  	_ = 	snop  }
0x5: {  	_ = 	snop  }
0x6: {  	_ = 	snop  }
0x7: {  	_ = 	snop  }
__scs_overlays_trampoline_lowered:
0x8: {  	[smem:$0x3FA9] =	sst s0  }
0x9: {  	[smem:$0x3FAA] =	sst s1  }
0xa: {  	[smem:$0x3FAB] =	sst s2  }
0xb: {  	[smem:$0x3FAC] =	sst s3  }
0xc: {  	[smem:$0x3FAD] =	sst s4  }
0xd: {  	[smem:$0x3FAE] =	sst s5  }
0xe: {  	[smem:$0x3FAF] =	sst s6  }
0xf: {  	[smem:$0x3FB0] =	sst s7  }
0x10: {  	[smem:$0x3FB1] =	sst s8  }
0x11: {  	[smem:$0x3FB2] =	sst s9;
	s0 =	simm.s32 @!p0 $0x0  }
0x12: {  	s1 =	sld [smem:$0x3F98];
	s0 =	simm.s32 @p0 $0x1  }
0x13: {  	[smem:$0x3FB3] =	sst s0;
	s0 =	simm.s32 @!p1 $0x0  }
0x14: {  	s2 =	sld [smem:$0x3F97];
	s0 =	simm.s32 @p1 $0x1  }
0x15: {  	[smem:$0x3FB4] =	sst s0;
	s0 =	simm.s32 @!p2 $0x0  }
0x16: {  	s3 =	sld [smem:$0x3FDB];
	s0 =	simm.s32 @p2 $0x1  }
0x17: {  	s4 =	simm.s32 $0x1BF5;
	[smem:$0x3FB6] =	sst s0  }
0x18: {  	s0 =	sld [smem:$0x3F99];
	_ =	swait.ge [sflag:s4], $0x0  }
0x19: {  	s7 =	sld [smem:$0x3F9A]  }
0x1a: {  	s8 =	sadd.s32 $0xFFFFE003, lr  }
0x1b: {  	s9 =	sadd.s32 $0xFFFFFEF7, lr;
	s5 =	simm.s32 $0xFFFFFFFF;
	p2 =	slt.u32 s8, $0xFFFFF086  }
0x1c: {  	p1 =	slt.u32 s9, $0xF7A;
	s5 =	simm.s32 @!p2 $0x0  }
0x1d: {  	s5 =	simm.s32 @p1 $0x1;
	p0 =	seq.s32 s7, s2  }
0x1e: {  	s7 =	smul.u32 @!p0 $0xF7A, s2;
	p2 =	seq.s32 @!p0 s5, $0x0  }
0x1f: {  	s9 =	smul.u32 $0xF7A, s1;
	s8 =	simm.s32 @!p0 $0x1BF5;
	p2 =	por !p2, p0  }
0x20: {  	[sflag:s8] =	ssyncset.s32 @!p0 $0xFFFFF086;
	s6 =	sadd.s32 @!p0 s3, s7;
	s7 =	simm.s32 @!p0 $0x108  }
0x21: {  	s3 =	sadd.s32 s3, s9;
	s6 =	sadd.s32 @!p0 $0x88, s6;
	s7 =	simm.s32 @p2 $0x1082  }
0x22: {  	[simem:s7], [sflag:s8] =	dma.local @!p0 [hbm:s6], $0xF7A  }
0x23: {  	s9 =	sor.u32 $0xD0000000, s2;
	s6 =	simm.s32 $0x108;
	_ =	swait.ge @!p0 [sflag:s8], $0x0  }
0x24: {  	s3 =	sadd.s32 $0x88, s3;
	s6 =	simm.s32 @!p1 $0x1082;
	[sflag:s4] =	ssyncset.s32 $0xFFFFF086  }
0x25: {  	[simem:s6], [sflag:s4] =	dma.local [hbm:s3], $0xF7A  }
0x26: {  	[smem:$0x3F9A] =	sst s1;
	(tag) =	ssettag s2;
	_ =	strace s9  }
0x27: {  	s1 =	sld [smem:$0x3FAA]  }
0x28: {  	s2 =	sld [smem:$0x3FAB]  }
0x29: {  	s4 =	sld [smem:$0x3FAD]  }
0x2a: {  	p0 =	seq.s32 s5, $0x0;
	s5 =	sld [smem:$0x3FAE]  }
0x2b: {  	s6 =	sld [smem:$0x3FAF]  }
0x2c: {  	s7 =	sld [smem:$0x3FB0]  }
0x2d: {  	s3 =	simm.s32 $0x108;
	s8 =	sld [smem:$0x3FB1]  }
0x2e: {  	s3 =	simm.s32 @!p0 $0x1082;
	s9 =	sld [smem:$0x3FB2]  }
0x2f: {  	lr =	sadd.s32 s0, s3;
	s0 =	sld [smem:$0x3FA9]  }
0x30: {  	s3 =	sld [smem:$0x3FAC]  }
0x31: {  	[smem:$0x3FB5] =	sst s10  }
0x32: {  	s10 =	sld [smem:$0x3FB3];
	_ =	sdelay $0x3  }
0x33: {  	p0 =	seq.s32 s10, $0x1;
	s10 =	sld [smem:$0x3FB5];
	_ =	sdelay $0x3  }
0x34: {  	[smem:$0x3FB5] =	sst s10  }
0x35: {  	s10 =	sld [smem:$0x3FB4];
	_ =	sdelay $0x3  }
0x36: {  	p1 =	seq.s32 s10, $0x1;
	s10 =	sld [smem:$0x3FB5];
	_ =	sdelay $0x3  }
0x37: {  	[smem:$0x3FB5] =	sst s10  }
0x38: {  	s10 =	sld [smem:$0x3FB6]  }
0x39: {  	_ = 	snop;
	(pc) =	sbr.ind lr, $3  }
0x3a: {  	_ = 	snop  }
0x3b: {  	_ = 	snop  }
0x3c: {  	p2 =	seq.s32 s10, $0x1;
	s10 =	sld [smem:$0x3FB5]  }
0x3d: {  	_ =	shalt  }
0x3e: {  	_ =	shalt  }
0x3f: {  	_ =	shalt  }
0x40: {  	_ =	shalt  }
0x41: {  	_ =	shalt  }
0x42: {  	_ =	shalt  }
0x43: {  	_ =	shalt  }
0x44: {  	_ =	shalt  }
0x45: {  	_ =	shalt  }
0x46: {  	_ =	shalt  }
0x47: {  	_ =	shalt  }
0x48: {  	_ =	shalt  }
0x49: {  	_ =	shalt  }
0x4a: {  	_ =	shalt  }
0x4b: {  	_ =	shalt  }
0x4c: {  	_ =	shalt  }
0x4d: {  	_ =	shalt  }
0x4e: {  	_ =	shalt  }
0x4f: {  	_ =	shalt  }
0x50: {  	_ =	shalt  }
0x51: {  	_ =	shalt  }
0x52: {  	_ =	shalt  }
0x53: {  	_ =	shalt  }
0x54: {  	_ =	shalt  }
0x55: {  	_ =	shalt  }
0x56: {  	_ =	shalt  }
0x57: {  	_ =	shalt  }
0x58: {  	_ =	shalt  }
0x59: {  	_ =	shalt  }
0x5a: {  	_ =	shalt  }
0x5b: {  	_ =	shalt  }
0x5c: {  	_ =	shalt  }
0x5d: {  	_ =	shalt  }
0x5e: {  	_ =	shalt  }
0x5f: {  	_ =	shalt  }
0x60: {  	_ =	shalt  }
0x61: {  	_ =	shalt  }
0x62: {  	_ =	shalt  }
0x63: {  	_ =	shalt  }
0x64: {  	_ =	shalt  }
0x65: {  	_ =	shalt  }
0x66: {  	_ =	shalt  }
0x67: {  	_ =	shalt  }
0x68: {  	_ =	shalt  }
0x69: {  	_ =	shalt  }
0x6a: {  	_ =	shalt  }
0x6b: {  	_ =	shalt  }
0x6c: {  	_ =	shalt  }
0x6d: {  	_ =	shalt  }
0x6e: {  	_ =	shalt  }
0x6f: {  	_ =	shalt  }
0x70: {  	_ =	shalt  }
0x71: {  	_ =	shalt  }
0x72: {  	_ =	shalt  }
0x73: {  	_ =	shalt  }
0x74: {  	_ =	shalt  }
0x75: {  	_ =	shalt  }
0x76: {  	_ =	shalt  }
0x77: {  	_ =	shalt  }
0x78: {  	_ =	shalt  }
0x79: {  	_ =	shalt  }
0x7a: {  	_ =	shalt  }
0x7b: {  	_ =	shalt  }
0x7c: {  	_ =	shalt  }
0x7d: {  	_ =	shalt  }
0x7e: {  	_ =	shalt  }
0x7f: {  	_ =	shalt  }
0x80: {  	_ =	shalt  }
0x81: {  	_ =	shalt  }
0x82: {  	_ =	shalt  }
0x83: {  	_ =	shalt  }
0x84: {  	_ =	shalt  }
0x85: {  	_ =	shalt  }
0x86: {  	_ =	shalt  }
0x87: {  	_ =	shalt  }
.Lfunc_end0:
.L_simem_size_0:
called_computation_lowered:
.L_overlay_start_0:
0x88: {  	s2 =	sld [smem:$0x3FD9]  }
0x89: {  	s3 =	sld [smem:$0x3FFE];
	_ =	sdelay $0x1  }
0x8a: {  	s1 =	srdreg.scid  }
0x8b: {  	s0 =	sand.u32 $0x1, s1  }
0x8c: {  	s14 =	sshll.u32 s0, $0xA;
	s2 =	sadd.s32 s3, s2  }
0x8d: {  	s2 =	sadd.s32 s2, s14  }
0x8e: {  	[smem:$0x3FC1] =	sst s2  }
0x8f: {  	_ = 	snop  }
0x90: {  	s2 =	sld [smem:$0x3FD0];
	_ =	sdelay $0x2  }
0x91: {  	s4 =	simm.s32 $0xA;
	s5 =	simm.s32 $0x10;
	s15 =	sld [smem:$0x3FC3]  }
0x92: {  	[smem:s5], [sflag:s4] =	dma.local [hbm:s2], $0x1  }
0x93: {  	_ =	swait.eq [sflag:s4], $0x1  }
0x94: {  	[sflag:s4] =	ssyncset.done $0x0  }
0x95: {  	[sflag:s4] =	ssyncadd.s32 $0xFFFFFFFF  }
0x96: {  	s16 =	sld [smem:$0x11];
	(tm) =	ssettm $0x1  }
0x97: {  	s17 =	sld [smem:$0x3FFB];
	_ =	sdelay $0x3  }
0x98: {  	_ =	strace s17  }
0x99: {  	s4 =	sld [smem:$0x3FFC];
	_ =	sdelay $0x3  }
0x9a: {  	_ =	strace s4  }
0x9b: {  	s4 =	sld [smem:$0x3FFD];
	_ =	sdelay $0x3  }
0x9c: {  	_ =	strace s4  }
0x9d: {  	_ =	strace $0x8FFFFFFF  }
0x9e: {  	s18 =	sld [smem:$0x3FDB];
	_ =	sdelay $0x1  }
0x9f: {  	s19 =	simm.s32 $_scs_section_size  }
0xa0: {  	s6 =	simm.s32 $_size__tile_overlayer_lowered;
	s7 =	simm.s32 $_tile_overlayer_lowered  }
0xa1: {  	s22 =	simm.s32 $0x1BFF;
	s21 =	sshll.u32 s7, $0x1;
	s4 =	sadd.s32 s19, s18  }
0xa2: {  	s8 =	simm.s32 $0x0;
	s20 =	sshll.u32 s6, $0x1;
	s6 =	sadd.s32 s21, s4  }
0xa3: {  	[timem:s8], [sflag:s22] =	dma.local [hbm:s6], s20  }
0xa4: {  	_ =	swait.ge [sflag:s22], s20  }
0xa5: {  	s5 =	ssub.s32 $0x0, s20;
	[sflag:s22] =	ssyncset.done $0x0  }
0xa6: {  	[sflag:s22] =	ssyncadd.s32 s5;
	_ =	sdelay $0x1  }
0xa7: {  	s23 =	simm.s32 $0x1B8B  }
0xa8: {  	_ =	swait.ge [sflag:s23], $0x1  }
0xa9: {  	[sflag:s23] =	ssyncset.done $0x0  }
0xaa: {  	s25 =	simm.s32 $0x1B8E;
	s24 =	sld [smem:$0x3FFE];
	[sflag:s23] =	ssyncadd.s32 $0xFFFFFFFF  }
0xab: {  	s26 =	simm.s32 $execute0_lowered;
	[smem:$0x3FD2] =	sst s25  }
0xac: {  	s6 =	sshll.u32 s26, $0x1;
	_ =	strace $0x80000046;
	[dreg:$0x1] =	wrdreg $0xFFFFFFFF  }
0xad: {  	s28 =	simm.s32 $_size_execute0_lowered;
	s4 =	sadd.s32 s4, s6;
	[dreg:$0x0] =	wrdreg $0x0  }
0xae: {  	s6 =	sshll.u32 s28, $0x1;
	[dreg:$0x2] =	wrdreg s4  }
0xaf: {  	[dreg:$0x3] =	wrdreg s6  }
0xb0: {  	[dreg:$0x4] =	wrdreg $0xC0  }
0xb1: {  	_ =	task [dreg:s8], $0x5FFFF  }
0xb2: {  	[dreg:$0x1] =	wrdreg $0xFFFFFFFF  }
0xb3: {  	[dreg:$0x0] =	wrdreg $0x60  }
0xb4: {  	[dreg:$0x2] =	wrdreg s24  }
0xb5: {  	[dreg:$0x3] =	wrdreg s15  }
0xb6: {  	[dreg:$0x4] =	wrdreg s16  }
0xb7: {  	[dreg:$0x5] =	wrdreg $0x9  }
0xb8: {  	_ =	task.clear_ibuf [dreg:s8], $0x6FFFF;
	_ =	strace $0x90000046  }
0xb9: {  	s29 =	simm.s32 $0x9;
	_ =	strace $0x80000048  }
0xba: {  	_ =	swait.ge [sflag:s29], $0x1  }
0xbb: {  	[sflag:s29] =	ssyncadd.s32 $0xFFFFFFFF  }
0xbc: {  	_ =	strace $0x90000048  }
0xbd: {  	_ =	sfence  }
0xbe: {  	s30 =	sld [smem:$0x0];
	_ =	sdelay $0x2  }
0xbf: {  	s31 =	sshll.u32 s1, $0xD;
	s1 =	sshrl.u32 s1, $0x2  }
0xc0: {  	s3 =	sand.u32 $0x4000, s31;
	s1 =	sadd.s32 s1, s30  }
0xc1: {  	s0 =	sor.u32 s3, s0;
	s1 =	sshll.u32 s1, $0x11  }
0xc2: {  	s0 =	sor.u32 s1, s0  }
0xc3: {  	s0 =	sadd.s32 $0x8F2B, s0  }
0xc4: {  	[sflag:s0] =	ssyncadd.remote.s32 $0x1  }
0xc5: {  	_ =	sfence.sel $0xFFFF  }
0xc6: {  	[dreg:$0x0] =	wrdreg $0xFFFFFFFF;
	(pc) =	sbr.abs _section_cstart, $3  }
0xc7: {  	[dreg:$0x1] =	wrdreg $0xFFFFFFFF  }
0xc8: {  	_ =	task.clear_ibuf [dreg:s8], $0x2FFFF;
	_ =	strace $0x9FFFFFFF  }
0xc9: {  	(tm) =	ssettm $0x7FFFFFFF  }
tec
execute0_lowered:
.L_overlay_start_1:
0x0: {  	(tag) =	ssettag $0x1  }
0x1: {  	s4 =	rddreg [dreg:$0x0]  }
0x2: {  	s2 =	rddreg [dreg:$0x1]  }
0x3: {  	s5 =	rddreg [dreg:$0x2]  }
0x4: {  	s0 =	rddreg [dreg:$0x3]  }
0x5: {  	s6 =	srdreg.scid;
	s1 =	stileid.u32  }
0x6: {  	s3 =	simm.s32 $0x0;
	s6 =	sand.u32 $0x1, s6;
	s7 =	sshll.u32 s1, $0x1  }
0x7: {  	[smem:$0x7FF] =	sst s3;
	s7 =	sor.u32 s6, s7;
	s6 =	ssub.s32 $0x2, s6  }
0x8: {  	_ =	strace $0x80000047;
	s8 =	sshll.u32 s7, $0x8;
	s9 =	sshrl.u32 s6, $0x1  }
0x9: {  	s7 =	sshll.u32 s7, $0x2;
	s4 =	sadd.s32 s8, s4;
	s6 =	ssub.s32 s6, s9  }
0xa: {  	s5 =	sadd.s32 s5, s7;
	s7 =	simm.s32 $0x1;
	s8 =	simm.s32 $0x18700  }
0xb: {  	v0 =	vimm.s32 $0x0;
	s9 =	simm.s32 $0x18F00;
	s4 =	sadd.s32 $0xE00, s4;
	s6 =	smax.u32 s6, $0x1  }
.LBB2_1:
0xc: {  	[tilespmem:s3], [sflag:$0x1] =	stream.linear.gather [hbm4b:s2+s3], $0x18700, $0x38;
	[tilespmem:$0x18F80] =	vst v63  }
0xd: {  	_ =	swait.ge [sflag:s7], $0x18700  }
0xe: {  	[sflag:s7] =	ssyncset.done $0x0  }
0xf: {  	[sflag:s7] =	ssyncadd.s32 $0xFFFE7900  }
0x10: {  	[tilespmem:s8], [sflag:$0x1] =	stream.linear.gather [hbm4b:s4+s3], $0x800, $0x38;
	[tilespmem:$0x18F80] =	vst v63  }
0x11: {  	_ =	swait.ge [sflag:s7], $0x800  }
0x12: {  	[sflag:s7] =	ssyncset.done $0x0  }
0x13: {  	[sflag:s7] =	ssyncadd.s32 $0xFFFFF800  }
0x14: {  	v1 =	vld [tilespmem:$0x18700];
	_ =	sdelay $0x3  }
0x15: {  	v2 =	vld [tilespmem:$0x18780];
	_ =	sdelay $0x3  }
0x16: {  	v1 =	vld.idx.msk [tilespmem:v1+s3+$0x0], $0xffff;
	_ =	sdelay $0x2  }
0x17: {  	v7 =	vld [tilespmem:$0x18800]  }
0x18: {  	v2 =	vld.idx.msk [tilespmem:v2+s3+$0x0], $0xffff  }
0x19: {  	vm0 =	veq.s32 v1, $0x0  }
0x1a: {  	vm4 =	veq.s32 v1, $0x1;
	vm1 =	veq.s32 v1, $0x2;
	vm5 =	veq.s32 v1, $0x3  }
0x1b: {  	vm6 =	veq.s32 v1, $0x4;
	vm7 =	veq.s32 v1, $0x5;
	vm8 =	veq.s32 v1, $0x6  }
0x1c: {  	vm9 =	veq.s32 v1, $0x7;
	vm10 =	veq.s32 v1, $0x8;
	vm11 =	veq.s32 v1, $0x9  }
0x1d: {  	vm12 =	veq.s32 v2, $0x0;
	vm13 =	veq.s32 v2, $0x1;
	vm14 =	veq.s32 v2, $0x2  }
0x1e: {  	vm15 =	veq.s32 v2, $0x3;
	v3 =	vsel vm0, $0x1, v0;
	v4 =	vsel vm4, $0x1, v0  }
0x1f: {  	v5 =	vsel vm1, $0x1, v0;
	v6 =	vsel vm5, $0x1, v0;
	v8 =	vsel vm6, $0x1, v0  }
0x20: {  	v7 =	vld.idx.msk [tilespmem:v7+s3+$0x0], $0xffff;
	v9 =	vsel vm7, $0x1, v0;
	v10 =	vsel vm8, $0x1, v0;
	v11 =	vsel vm9, $0x1, v0  }
0x21: {  	v12 =	vsel vm10, $0x1, v0;
	v1 =	vsel vm11, $0x1, v0;
	v13 =	vsel vm12, $0x1, v0  }
0x22: {  	v14 =	vsel vm13, $0x1, v0;
	v58 =	vsel vm14, $0x1, v0;
	vm4 =	veq.s32 v2, $0x4  }
0x23: {  	v59 =	vsel vm15, $0x1, v0;
	vm5 =	veq.s32 v2, $0x5;
	vm6 =	veq.s32 v2, $0x6  }
0x24: {  	vm7 =	veq.s32 v2, $0x7;
	vm8 =	veq.s32 v2, $0x8;
	vm9 =	veq.s32 v2, $0x9  }
0x25: {  	vm10 =	veq.s32 v7, $0x0;
	vm11 =	veq.s32 v7, $0x1;
	vm12 =	veq.s32 v7, $0x2  }
0x26: {  	vm13 =	veq.s32 v7, $0x3;
	vm14 =	veq.s32 v7, $0x4;
	vm15 =	veq.s32 v7, $0x5  }
0x27: {  	v62 =	vld [tilespmem:$0x18880];
	v3 =	vadd.s32 v3, v13;
	v4 =	vadd.s32 v4, v14;
	v5 =	vadd.s32 v5, v58  }
0x28: {  	v60 =	vsel vm4, $0x1, v0;
	v6 =	vadd.s32 v6, v59;
	v61 =	vsel vm5, $0x1, v0  }
0x29: {  	v63 =	vsel vm6, $0x1, v0;
	v15 =	vsel vm7, $0x1, v0;
	v16 =	vsel vm8, $0x1, v0  }
0x2a: {  	v26 =	vld [tilespmem:$0x18900];
	v2 =	vsel vm9, $0x1, v0;
	v17 =	vsel vm10, $0x1, v0;
	v18 =	vsel vm12, $0x1, v0  }
0x2b: {  	v19 =	vsel vm13, $0x1, v0;
	v21 =	vsel vm14, $0x1, v0;
	vm4 =	veq.s32 v7, $0x6  }
0x2c: {  	v22 =	vsel vm15, $0x1, v0;
	vm5 =	veq.s32 v7, $0x7;
	vm6 =	veq.s32 v7, $0x8  }
0x2d: {  	vm7 =	veq.s32 v7, $0x9;
	v8 =	vadd.s32 v8, v60;
	v9 =	vadd.s32 v9, v61  }
0x2e: {  	v10 =	vadd.s32 v10, v63;
	v11 =	vadd.s32 v11, v15;
	v12 =	vadd.s32 v12, v16  }
0x2f: {  	v13 =	vld.idx.msk [tilespmem:v62+s3+$0x0], $0xffff;
	v1 =	vadd.s32 v1, v2;
	v2 =	vadd.s32 v17, v3;
	v3 =	vsel vm11, $0x1, v0  }
0x30: {  	v20 =	vadd.s32 v19, v6;
	v23 =	vsel vm4, $0x1, v0;
	v25 =	vsel vm5, $0x1, v0  }
0x31: {  	v27 =	vsel vm6, $0x1, v0;
	v28 =	vsel vm7, $0x1, v0;
	v3 =	vadd.s32 v3, v4  }
0x32: {  	v14 =	vld.idx.msk [tilespmem:v26+s3+$0x0], $0xffff;
	v4 =	vadd.s32 v18, v5;
	v6 =	vadd.s32 v21, v8;
	v8 =	vadd.s32 v22, v9  }
0x33: {  	v24 =	vadd.s32 v23, v10;
	v10 =	vadd.s32 v25, v11;
	v7 =	vadd.s32 v27, v12  }
0x34: {  	v1 =	vadd.s32 v28, v1;
	vm8 =	veq.s32 v13, $0x0;
	vm9 =	veq.s32 v13, $0x1  }
0x35: {  	vm10 =	veq.s32 v13, $0x2;
	vm11 =	veq.s32 v13, $0x3;
	vm12 =	veq.s32 v13, $0x4  }
0x36: {  	vm13 =	veq.s32 v13, $0x5;
	vm14 =	veq.s32 v13, $0x6;
	vm15 =	veq.s32 v13, $0x7  }
0x37: {  	v36 =	vld [tilespmem:$0x18980];
	vm4 =	veq.s32 v13, $0x8;
	vm5 =	veq.s32 v13, $0x9;
	vm6 =	veq.s32 v14, $0x0  }
0x38: {  	vm7 =	veq.s32 v14, $0x1;
	v29 =	vsel vm8, $0x1, v0;
	v30 =	vsel vm9, $0x1, v0  }
0x39: {  	v31 =	vsel vm10, $0x1, v0;
	v32 =	vsel vm11, $0x1, v0;
	v33 =	vsel vm12, $0x1, v0  }
0x3a: {  	v34 =	vsel vm13, $0x1, v0;
	v35 =	vsel vm14, $0x1, v0;
	v37 =	vsel vm15, $0x1, v0  }
0x3b: {  	v46 =	vld [tilespmem:$0x18A00];
	v38 =	vsel vm4, $0x1, v0;
	v39 =	vsel vm5, $0x1, v0;
	v40 =	vsel vm6, $0x1, v0  }
0x3c: {  	v41 =	vsel vm7, $0x1, v0;
	vm8 =	veq.s32 v14, $0x2;
	vm9 =	veq.s32 v14, $0x3  }
0x3d: {  	vm10 =	veq.s32 v14, $0x4;
	vm11 =	veq.s32 v14, $0x5;
	vm12 =	veq.s32 v14, $0x6  }
0x3e: {  	vm13 =	veq.s32 v14, $0x7;
	vm14 =	veq.s32 v14, $0x8;
	vm15 =	veq.s32 v14, $0x9  }
0x3f: {  	v12 =	vld.idx.msk [tilespmem:v36+s3+$0x0], $0xffff;
	v2 =	vadd.s32 v29, v2;
	v3 =	vadd.s32 v30, v3;
	v4 =	vadd.s32 v31, v4  }
0x40: {  	v5 =	vadd.s32 v32, v20;
	v6 =	vadd.s32 v33, v6;
	v8 =	vadd.s32 v34, v8  }
0x41: {  	v9 =	vadd.s32 v35, v24;
	v10 =	vadd.s32 v37, v10;
	v7 =	vadd.s32 v38, v7  }
0x42: {  	v1 =	vadd.s32 v39, v1;
	v42 =	vsel vm8, $0x1, v0;
	v43 =	vsel vm9, $0x1, v0  }
0x43: {  	v11 =	vld.idx.msk [tilespmem:v46+s3+$0x0], $0xffff;
	v44 =	vsel vm10, $0x1, v0;
	v45 =	vsel vm11, $0x1, v0;
	v47 =	vsel vm12, $0x1, v0  }
0x44: {  	v48 =	vsel vm13, $0x1, v0;
	v49 =	vsel vm14, $0x1, v0;
	vm4 =	veq.s32 v12, $0x0  }
0x45: {  	v50 =	vsel vm15, $0x1, v0;
	vm5 =	veq.s32 v12, $0x1;
	vm6 =	veq.s32 v12, $0x2  }
0x46: {  	vm7 =	veq.s32 v12, $0x3;
	vm8 =	veq.s32 v12, $0x4;
	vm9 =	veq.s32 v12, $0x5  }
0x47: {  	vm10 =	veq.s32 v12, $0x6;
	vm11 =	veq.s32 v12, $0x7;
	vm12 =	veq.s32 v12, $0x8  }
0x48: {  	vm13 =	veq.s32 v12, $0x9;
	vm14 =	veq.s32 v11, $0x0;
	vm15 =	veq.s32 v11, $0x1  }
0x49: {  	v2 =	vadd.s32 v40, v2;
	v3 =	vadd.s32 v41, v3;
	v4 =	vadd.s32 v42, v4  }
0x4a: {  	v5 =	vadd.s32 v43, v5;
	v6 =	vadd.s32 v44, v6;
	v8 =	vadd.s32 v45, v8  }
0x4b: {  	v9 =	vadd.s32 v47, v9;
	v10 =	vadd.s32 v48, v10;
	v7 =	vadd.s32 v49, v7  }
0x4c: {  	v51 =	vsel vm4, $0x1, v0;
	v1 =	vadd.s32 v50, v1;
	v52 =	vsel vm5, $0x1, v0  }
0x4d: {  	v53 =	vsel vm6, $0x1, v0;
	v54 =	vsel vm7, $0x1, v0;
	v55 =	vsel vm8, $0x1, v0  }
0x4e: {  	v56 =	vsel vm9, $0x1, v0;
	v57 =	vsel vm10, $0x1, v0;
	v58 =	vsel vm11, $0x1, v0  }
0x4f: {  	v59 =	vld [tilespmem:$0x18A80];
	v60 =	vsel vm12, $0x1, v0;
	v61 =	vsel vm13, $0x1, v0;
	v62 =	vsel vm14, $0x1, v0  }
0x50: {  	vm4 =	veq.s32 v11, $0x2;
	v63 =	vsel vm15, $0x1, v0;
	vm5 =	veq.s32 v11, $0x3  }
0x51: {  	vm6 =	veq.s32 v11, $0x4;
	vm7 =	veq.s32 v11, $0x5;
	vm8 =	veq.s32 v11, $0x6  }
0x52: {  	vm9 =	veq.s32 v11, $0x7;
	vm10 =	veq.s32 v11, $0x8;
	vm11 =	veq.s32 v11, $0x9  }
0x53: {  	v2 =	vadd.s32 v51, v2;
	v3 =	vadd.s32 v52, v3;
	v4 =	vadd.s32 v53, v4  }
0x54: {  	v5 =	vadd.s32 v54, v5;
	v6 =	vadd.s32 v55, v6;
	v8 =	vadd.s32 v56, v8  }
0x55: {  	v9 =	vadd.s32 v57, v9;
	v10 =	vadd.s32 v58, v10;
	v7 =	vadd.s32 v60, v7  }
0x56: {  	v1 =	vadd.s32 v61, v1;
	v16 =	vsel vm4, $0x1, v0;
	v17 =	vsel vm5, $0x1, v0  }
0x57: {  	v14 =	vld.idx.msk [tilespmem:v59+s3+$0x0], $0xffff;
	v18 =	vsel vm6, $0x1, v0;
	v19 =	vsel vm7, $0x1, v0;
	v20 =	vsel vm8, $0x1, v0  }
0x58: {  	v22 =	vsel vm9, $0x1, v0;
	v23 =	vsel vm10, $0x1, v0;
	v11 =	vsel vm11, $0x1, v0  }
0x59: {  	v21 =	vld [tilespmem:$0x18B00];
	v2 =	vadd.s32 v62, v2;
	v3 =	vadd.s32 v63, v3;
	v4 =	vadd.s32 v16, v4  }
0x5a: {  	v5 =	vadd.s32 v17, v5;
	v6 =	vadd.s32 v18, v6;
	v8 =	vadd.s32 v19, v8  }
0x5b: {  	v9 =	vadd.s32 v20, v9;
	v10 =	vadd.s32 v22, v10;
	v7 =	vadd.s32 v23, v7  }
0x5c: {  	v1 =	vadd.s32 v11, v1;
	vm12 =	veq.s32 v14, $0x0;
	vm13 =	veq.s32 v14, $0x1  }
0x5d: {  	vm14 =	veq.s32 v14, $0x2;
	vm15 =	veq.s32 v14, $0x3;
	vm4 =	veq.s32 v14, $0x4  }
0x5e: {  	vm5 =	veq.s32 v14, $0x5;
	vm6 =	veq.s32 v14, $0x6;
	vm7 =	veq.s32 v14, $0x7  }
0x5f: {  	vm8 =	veq.s32 v14, $0x8;
	vm9 =	veq.s32 v14, $0x9;
	v24 =	vsel vm12, $0x1, v0  }
0x60: {  	v25 =	vsel vm13, $0x1, v0;
	v26 =	vsel vm14, $0x1, v0;
	v27 =	vsel vm15, $0x1, v0  }
0x61: {  	v13 =	vld.idx.msk [tilespmem:v21+s3+$0x0], $0xffff;
	v28 =	vsel vm4, $0x1, v0;
	v29 =	vsel vm5, $0x1, v0;
	v31 =	vsel vm6, $0x1, v0  }
0x62: {  	v32 =	vsel vm7, $0x1, v0;
	v33 =	vsel vm8, $0x1, v0;
	v34 =	vsel vm9, $0x1, v0  }
0x63: {  	v30 =	vld [tilespmem:$0x18B80];
	v2 =	vadd.s32 v24, v2;
	v3 =	vadd.s32 v25, v3;
	v4 =	vadd.s32 v26, v4  }
0x64: {  	v5 =	vadd.s32 v27, v5;
	v6 =	vadd.s32 v28, v6;
	v8 =	vadd.s32 v29, v8  }
0x65: {  	v9 =	vadd.s32 v31, v9;
	v10 =	vadd.s32 v32, v10;
	v7 =	vadd.s32 v33, v7  }
0x66: {  	vm10 =	veq.s32 v13, $0x0;
	vm11 =	veq.s32 v13, $0x1;
	v1 =	vadd.s32 v34, v1  }
0x67: {  	vm12 =	veq.s32 v13, $0x2;
	vm13 =	veq.s32 v13, $0x3;
	vm14 =	veq.s32 v13, $0x4  }
0x68: {  	vm15 =	veq.s32 v13, $0x5;
	vm4 =	veq.s32 v13, $0x6;
	vm5 =	veq.s32 v13, $0x7  }
0x69: {  	vm6 =	veq.s32 v13, $0x8;
	vm7 =	veq.s32 v13, $0x9;
	v35 =	vsel vm10, $0x1, v0  }
0x6a: {  	v43 =	vld [tilespmem:$0x18C00];
	v36 =	vsel vm11, $0x1, v0;
	v37 =	vsel vm12, $0x1, v0;
	v38 =	vsel vm13, $0x1, v0  }
0x6b: {  	v11 =	vld.idx.msk [tilespmem:v30+s3+$0x0], $0xffff;
	v39 =	vsel vm14, $0x1, v0;
	v40 =	vsel vm15, $0x1, v0;
	v41 =	vsel vm4, $0x1, v0  }
0x6c: {  	v42 =	vsel vm5, $0x1, v0;
	v44 =	vsel vm6, $0x1, v0;
	v13 =	vsel vm7, $0x1, v0  }
0x6d: {  	v2 =	vadd.s32 v35, v2;
	v3 =	vadd.s32 v36, v3;
	v4 =	vadd.s32 v37, v4  }
0x6e: {  	v5 =	vadd.s32 v38, v5;
	v6 =	vadd.s32 v39, v6;
	v8 =	vadd.s32 v40, v8  }
0x6f: {  	v9 =	vadd.s32 v41, v9;
	v10 =	vadd.s32 v42, v10;
	v7 =	vadd.s32 v44, v7  }
0x70: {  	v1 =	vadd.s32 v13, v1;
	vm8 =	veq.s32 v11, $0x0;
	vm9 =	veq.s32 v11, $0x1  }
0x71: {  	vm10 =	veq.s32 v11, $0x2;
	vm11 =	veq.s32 v11, $0x3;
	vm12 =	veq.s32 v11, $0x4  }
0x72: {  	v14 =	vld.idx.msk [tilespmem:v43+s3+$0x0], $0xffff;
	vm13 =	veq.s32 v11, $0x5;
	vm14 =	veq.s32 v11, $0x6;
	vm15 =	veq.s32 v11, $0x7  }
0x73: {  	v52 =	vld [tilespmem:$0x18C80];
	vm4 =	veq.s32 v11, $0x8;
	vm5 =	veq.s32 v11, $0x9;
	v45 =	vsel vm8, $0x1, v0  }
0x74: {  	v46 =	vsel vm9, $0x1, v0;
	v47 =	vsel vm10, $0x1, v0;
	v48 =	vsel vm11, $0x1, v0  }
0x75: {  	v49 =	vsel vm12, $0x1, v0;
	v50 =	vsel vm13, $0x1, v0;
	v51 =	vsel vm14, $0x1, v0  }
0x76: {  	v53 =	vsel vm15, $0x1, v0;
	v54 =	vsel vm4, $0x1, v0;
	v11 =	vsel vm5, $0x1, v0  }
0x77: {  	vm6 =	veq.s32 v14, $0x0;
	vm7 =	veq.s32 v14, $0x1;
	vm8 =	veq.s32 v14, $0x2  }
0x78: {  	vm9 =	veq.s32 v14, $0x3;
	vm10 =	veq.s32 v14, $0x4;
	vm11 =	veq.s32 v14, $0x5  }
0x79: {  	vm12 =	veq.s32 v14, $0x6;
	vm13 =	veq.s32 v14, $0x7;
	vm14 =	veq.s32 v14, $0x8  }
0x7a: {  	vm15 =	veq.s32 v14, $0x9;
	v2 =	vadd.s32 v45, v2;
	v3 =	vadd.s32 v46, v3  }
0x7b: {  	v13 =	vld.idx.msk [tilespmem:v52+s3+$0x0], $0xffff;
	v4 =	vadd.s32 v47, v4;
	v5 =	vadd.s32 v48, v5;
	v6 =	vadd.s32 v49, v6  }
0x7c: {  	v8 =	vadd.s32 v50, v8;
	v9 =	vadd.s32 v51, v9;
	v10 =	vadd.s32 v53, v10  }
0x7d: {  	v7 =	vadd.s32 v54, v7;
	v1 =	vadd.s32 v11, v1;
	v55 =	vsel vm6, $0x1, v0  }
0x7e: {  	v56 =	vsel vm7, $0x1, v0;
	v57 =	vsel vm8, $0x1, v0;
	v58 =	vsel vm9, $0x1, v0  }
0x7f: {  	v59 =	vsel vm10, $0x1, v0;
	v60 =	vsel vm11, $0x1, v0;
	v62 =	vsel vm12, $0x1, v0  }
0x80: {  	v63 =	vsel vm13, $0x1, v0;
	v17 =	vsel vm14, $0x1, v0;
	vm4 =	veq.s32 v13, $0x0  }
0x81: {  	v61 =	vld [tilespmem:$0x18D00];
	v18 =	vsel vm15, $0x1, v0;
	vm5 =	veq.s32 v13, $0x1;
	vm6 =	veq.s32 v13, $0x2  }
0x82: {  	vm7 =	veq.s32 v13, $0x3;
	vm8 =	veq.s32 v13, $0x4;
	vm9 =	veq.s32 v13, $0x5  }
0x83: {  	vm10 =	veq.s32 v13, $0x6;
	vm11 =	veq.s32 v13, $0x7;
	vm12 =	veq.s32 v13, $0x8  }
0x84: {  	vm13 =	veq.s32 v13, $0x9;
	v2 =	vadd.s32 v55, v2;
	v3 =	vadd.s32 v56, v3  }
0x85: {  	v4 =	vadd.s32 v57, v4;
	v5 =	vadd.s32 v58, v5;
	v6 =	vadd.s32 v59, v6  }
0x86: {  	v8 =	vadd.s32 v60, v8;
	v9 =	vadd.s32 v62, v9;
	v10 =	vadd.s32 v63, v10  }
0x87: {  	v7 =	vadd.s32 v17, v7;
	v19 =	vsel vm4, $0x1, v0;
	v1 =	vadd.s32 v18, v1  }
0x88: {  	v27 =	vld [tilespmem:$0x18D80];
	v20 =	vsel vm5, $0x1, v0;
	v21 =	vsel vm6, $0x1, v0;
	v22 =	vsel vm7, $0x1, v0  }
0x89: {  	v11 =	vld.idx.msk [tilespmem:v61+s3+$0x0], $0xffff;
	v23 =	vsel vm8, $0x1, v0;
	v24 =	vsel vm9, $0x1, v0;
	v25 =	vsel vm10, $0x1, v0  }
0x8a: {  	v26 =	vsel vm11, $0x1, v0;
	v28 =	vsel vm12, $0x1, v0;
	v13 =	vsel vm13, $0x1, v0  }
0x8b: {  	v2 =	vadd.s32 v19, v2;
	v3 =	vadd.s32 v20, v3;
	v4 =	vadd.s32 v21, v4  }
0x8c: {  	v5 =	vadd.s32 v22, v5;
	v6 =	vadd.s32 v23, v6;
	v8 =	vadd.s32 v24, v8  }
0x8d: {  	v9 =	vadd.s32 v25, v9;
	v10 =	vadd.s32 v26, v10;
	v7 =	vadd.s32 v28, v7  }
0x8e: {  	v1 =	vadd.s32 v13, v1;
	vm14 =	veq.s32 v11, $0x0;
	vm15 =	veq.s32 v11, $0x1  }
0x8f: {  	vm4 =	veq.s32 v11, $0x2;
	vm5 =	veq.s32 v11, $0x3;
	vm6 =	veq.s32 v11, $0x4  }
0x90: {  	v14 =	vld.idx.msk [tilespmem:v27+s3+$0x0], $0xffff;
	vm7 =	veq.s32 v11, $0x5;
	vm8 =	veq.s32 v11, $0x6;
	vm9 =	veq.s32 v11, $0x7  }
0x91: {  	vm10 =	veq.s32 v11, $0x8;
	vm11 =	veq.s32 v11, $0x9;
	v29 =	vsel vm14, $0x1, v0  }
0x92: {  	v30 =	vsel vm15, $0x1, v0;
	v31 =	vsel vm4, $0x1, v0;
	v32 =	vsel vm5, $0x1, v0  }
0x93: {  	v33 =	vsel vm6, $0x1, v0;
	v34 =	vsel vm7, $0x1, v0;
	v35 =	vsel vm8, $0x1, v0  }
0x94: {  	v37 =	vsel vm9, $0x1, v0;
	v38 =	vsel vm10, $0x1, v0;
	v11 =	vsel vm11, $0x1, v0  }
0x95: {  	v36 =	vld [tilespmem:$0x18E00];
	vm12 =	veq.s32 v14, $0x0;
	vm13 =	veq.s32 v14, $0x1;
	vm14 =	veq.s32 v14, $0x2  }
0x96: {  	vm15 =	veq.s32 v14, $0x3;
	vm4 =	veq.s32 v14, $0x4;
	vm5 =	veq.s32 v14, $0x5  }
0x97: {  	vm6 =	veq.s32 v14, $0x6;
	vm7 =	veq.s32 v14, $0x7;
	vm8 =	veq.s32 v14, $0x8  }
0x98: {  	vm9 =	veq.s32 v14, $0x9;
	v2 =	vadd.s32 v29, v2;
	v3 =	vadd.s32 v30, v3  }
0x99: {  	v4 =	vadd.s32 v31, v4;
	v5 =	vadd.s32 v32, v5;
	v6 =	vadd.s32 v33, v6  }
0x9a: {  	v8 =	vadd.s32 v34, v8;
	v9 =	vadd.s32 v35, v9;
	v10 =	vadd.s32 v37, v10  }
0x9b: {  	v7 =	vadd.s32 v38, v7;
	v1 =	vadd.s32 v11, v1;
	v39 =	vsel vm12, $0x1, v0  }
0x9c: {  	v40 =	vsel vm13, $0x1, v0;
	v41 =	vsel vm14, $0x1, v0;
	v42 =	vsel vm15, $0x1, v0  }
0x9d: {  	v13 =	vld.idx.msk [tilespmem:v36+s3+$0x0], $0xffff;
	v43 =	vsel vm4, $0x1, v0;
	v44 =	vsel vm5, $0x1, v0;
	v46 =	vsel vm6, $0x1, v0  }
0x9e: {  	v47 =	vsel vm7, $0x1, v0;
	v48 =	vsel vm8, $0x1, v0;
	v49 =	vsel vm9, $0x1, v0  }
0x9f: {  	v45 =	vld [tilespmem:$0x18E80];
	v2 =	vadd.s32 v39, v2;
	v3 =	vadd.s32 v40, v3;
	v4 =	vadd.s32 v41, v4  }
0xa0: {  	v5 =	vadd.s32 v42, v5;
	v6 =	vadd.s32 v43, v6;
	v8 =	vadd.s32 v44, v8  }
0xa1: {  	v9 =	vadd.s32 v46, v9;
	v10 =	vadd.s32 v47, v10;
	v7 =	vadd.s32 v48, v7  }
0xa2: {  	vm10 =	veq.s32 v13, $0x0;
	vm11 =	veq.s32 v13, $0x1;
	v1 =	vadd.s32 v49, v1  }
0xa3: {  	vm12 =	veq.s32 v13, $0x2;
	vm13 =	veq.s32 v13, $0x3;
	vm14 =	veq.s32 v13, $0x4  }
0xa4: {  	vm15 =	veq.s32 v13, $0x5;
	vm4 =	veq.s32 v13, $0x6;
	vm5 =	veq.s32 v13, $0x7  }
0xa5: {  	vm6 =	veq.s32 v13, $0x8;
	vm7 =	veq.s32 v13, $0x9;
	v50 =	vsel vm10, $0x1, v0  }
0xa6: {  	v51 =	vsel vm11, $0x1, v0;
	v52 =	vsel vm12, $0x1, v0;
	v53 =	vsel vm13, $0x1, v0  }
0xa7: {  	v11 =	vld.idx.msk [tilespmem:v45+s3+$0x0], $0xffff;
	v54 =	vsel vm14, $0x1, v0;
	v55 =	vsel vm15, $0x1, v0;
	v56 =	vsel vm4, $0x1, v0  }
0xa8: {  	v57 =	vsel vm5, $0x1, v0;
	v58 =	vsel vm6, $0x1, v0;
	v13 =	vsel vm7, $0x1, v0  }
0xa9: {  	v2 =	vadd.s32 v50, v2;
	v3 =	vadd.s32 v51, v3;
	v4 =	vadd.s32 v52, v4  }
0xaa: {  	v5 =	vadd.s32 v53, v5;
	v6 =	vadd.s32 v54, v6;
	v8 =	vadd.s32 v55, v8  }
0xab: {  	v9 =	vadd.s32 v56, v9;
	v10 =	vadd.s32 v57, v10;
	v7 =	vadd.s32 v58, v7  }
0xac: {  	v1 =	vadd.s32 v13, v1;
	vm8 =	veq.s32 v11, $0x0;
	vm9 =	veq.s32 v11, $0x1  }
0xad: {  	vm10 =	veq.s32 v11, $0x2;
	vm11 =	veq.s32 v11, $0x3;
	vm12 =	veq.s32 v11, $0x4  }
0xae: {  	vm13 =	veq.s32 v11, $0x5;
	vm14 =	veq.s32 v11, $0x6;
	vm15 =	veq.s32 v11, $0x7  }
0xaf: {  	vm4 =	veq.s32 v11, $0x8;
	vm5 =	veq.s32 v11, $0x9;
	v59 =	vsel vm8, $0x1, v0  }
0xb0: {  	v60 =	vsel vm9, $0x1, v0;
	v61 =	vsel vm10, $0x1, v0;
	v62 =	vsel vm11, $0x1, v0  }
0xb1: {  	v63 =	vsel vm12, $0x1, v0;
	v16 =	vsel vm13, $0x1, v0;
	v17 =	vsel vm14, $0x1, v0  }
0xb2: {  	v18 =	vsel vm15, $0x1, v0;
	v19 =	vsel vm4, $0x1, v0;
	v11 =	vsel vm5, $0x1, v0  }
0xb3: {  	v2 =	vadd.s32 v59, v2;
	v3 =	vadd.s32 v60, v3;
	v4 =	vadd.s32 v61, v4  }
0xb4: {  	v5 =	vadd.s32 v62, v5;
	v6 =	vadd.s32 v63, v6;
	v8 =	vadd.s32 v16, v8  }
0xb5: {  	v9 =	vadd.s32 v17, v9;
	v10 =	vadd.s32 v18, v10;
	v7 =	vadd.s32 v19, v7  }
0xb6: {  	v1 =	vadd.s32 v11, v1;
	vm6 =	vgt.u32 v3, v2;
	v2 =	vmax.u32 v3, v2  }
0xb7: {  	v3 =	vsel vm6, $0x1, v0;
	vm7 =	vgt.u32 v4, v2;
	v2 =	vmax.u32 v4, v2  }
0xb8: {  	v3 =	vsel vm7, $0x2, v3;
	vm8 =	vgt.u32 v5, v2;
	v2 =	vmax.u32 v5, v2  }
0xb9: {  	v20 =	vld [tilespmem:$0x18710];
	v3 =	vsel vm8, $0x3, v3;
	vm9 =	vgt.u32 v6, v2;
	v2 =	vmax.u32 v6, v2  }
0xba: {  	v3 =	vsel vm9, $0x4, v3;
	vm10 =	vgt.u32 v8, v2;
	v2 =	vmax.u32 v8, v2  }
0xbb: {  	v3 =	vsel vm10, $0x5, v3;
	vm11 =	vgt.u32 v9, v2;
	v2 =	vmax.u32 v9, v2  }
0xbc: {  	v3 =	vsel vm11, $0x6, v3;
	vm12 =	vgt.u32 v10, v2;
	v2 =	vmax.u32 v10, v2  }
0xbd: {  	v3 =	vsel vm12, $0x7, v3;
	vm13 =	vgt.u32 v7, v2;
	v2 =	vmax.u32 v7, v2  }
0xbe: {  	v3 =	vsel vm13, $0x8, v3;
	vm14 =	vgt.u32 v1, v2  }
0xbf: {  	v24 =	vld [tilespmem:$0x18810];
	v1 =	vsel vm14, $0x9, v3  }
0xc0: {  	v37 =	vld [tilespmem:$0x18890];
	[tilespmem:$0x18F00] =	vst v1  }
0xc1: {  	v2 =	vld.idx.msk [tilespmem:v20+s3+$0x0], $0xffff  }
0xc2: {  	v49 =	vld [tilespmem:$0x18910]  }
0xc3: {  	v1 =	vld [tilespmem:$0x18790];
	_ =	sdelay $0x2  }
0xc4: {  	vm15 =	veq.s32 v2, $0x0  }
0xc5: {  	v7 =	vld.idx.msk [tilespmem:v24+s3+$0x0], $0xffff;
	vm4 =	veq.s32 v2, $0x1;
	vm5 =	veq.s32 v2, $0x2;
	vm6 =	veq.s32 v2, $0x3  }
0xc6: {  	vm7 =	veq.s32 v2, $0x4;
	vm8 =	veq.s32 v2, $0x5;
	vm9 =	veq.s32 v2, $0x6  }
0xc7: {  	v46 =	vld.idx.msk [tilespmem:v37+s3+$0x0], $0xffff;
	vm10 =	veq.s32 v2, $0x7;
	vm11 =	veq.s32 v2, $0x8;
	vm12 =	veq.s32 v2, $0x9  }
0xc8: {  	v58 =	vld.idx.msk [tilespmem:v49+s3+$0x0], $0xffff;
	v3 =	vsel vm15, $0x1, v0;
	v21 =	vsel vm4, $0x1, v0;
	v22 =	vsel vm5, $0x1, v0  }
0xc9: {  	v23 =	vsel vm6, $0x1, v0;
	v25 =	vsel vm7, $0x1, v0;
	v26 =	vsel vm8, $0x1, v0;
	v1 =	vld.idx.msk [tilespmem:v1+s3+$0x0], $0xffff  }
0xca: {  	v27 =	vsel vm9, $0x1, v0;
	v29 =	vsel vm11, $0x1, v0;
	vm11 =	veq.s32 v7, $0x0  }
0xcb: {  	v2 =	vsel vm12, $0x1, v0;
	vm12 =	veq.s32 v7, $0x1;
	v41 =	vsel vm11, $0x1, v0  }
0xcc: {  	v42 =	vsel vm12, $0x1, v0;
	vm11 =	veq.s32 v46, $0x2;
	vm12 =	veq.s32 v46, $0x3  }
0xcd: {  	v28 =	vsel vm10, $0x1, v0;
	v55 =	vsel vm11, $0x1, v0;
	v56 =	vsel vm12, $0x1, v0  }
0xce: {  	vm11 =	veq.s32 v58, $0x4;
	vm12 =	veq.s32 v58, $0x5;
	vm13 =	veq.s32 v1, $0x0  }
0xcf: {  	vm14 =	veq.s32 v1, $0x1;
	vm15 =	veq.s32 v1, $0x2;
	vm4 =	veq.s32 v1, $0x3  }
0xd0: {  	vm5 =	veq.s32 v1, $0x4;
	vm6 =	veq.s32 v1, $0x5;
	vm7 =	veq.s32 v1, $0x6  }
0xd1: {  	vm8 =	veq.s32 v1, $0x7;
	vm9 =	veq.s32 v1, $0x8;
	vm10 =	veq.s32 v1, $0x9  }
0xd2: {  	v30 =	vsel vm13, $0x1, v0;
	v31 =	vsel vm14, $0x1, v0;
	v32 =	vsel vm15, $0x1, v0  }
0xd3: {  	v33 =	vsel vm4, $0x1, v0;
	v34 =	vsel vm5, $0x1, v0;
	v35 =	vsel vm6, $0x1, v0  }
0xd4: {  	v36 =	vsel vm7, $0x1, v0;
	v38 =	vsel vm8, $0x1, v0;
	v39 =	vsel vm9, $0x1, v0  }
0xd5: {  	v40 =	vsel vm10, $0x1, v0;
	vm13 =	veq.s32 v7, $0x2;
	vm14 =	veq.s32 v7, $0x3  }
0xd6: {  	vm15 =	veq.s32 v7, $0x4;
	vm4 =	veq.s32 v7, $0x5;
	vm5 =	veq.s32 v7, $0x6  }
0xd7: {  	vm6 =	veq.s32 v7, $0x7;
	vm7 =	veq.s32 v7, $0x8;
	vm8 =	veq.s32 v7, $0x9  }
0xd8: {  	vm9 =	veq.s32 v46, $0x0;
	vm10 =	veq.s32 v46, $0x1;
	v3 =	vadd.s32 v3, v30  }
0xd9: {  	v4 =	vadd.s32 v21, v31;
	v5 =	vadd.s32 v22, v32;
	v6 =	vadd.s32 v23, v33  }
0xda: {  	v8 =	vadd.s32 v25, v34;
	v9 =	vadd.s32 v26, v35;
	v10 =	vadd.s32 v27, v36  }
0xdb: {  	v1 =	vadd.s32 v28, v38;
	v12 =	vadd.s32 v29, v39;
	v2 =	vadd.s32 v2, v40  }
0xdc: {  	v43 =	vsel vm13, $0x1, v0;
	v44 =	vsel vm14, $0x1, v0;
	v45 =	vsel vm15, $0x1, v0  }
0xdd: {  	v47 =	vsel vm4, $0x1, v0;
	v48 =	vsel vm5, $0x1, v0;
	v50 =	vsel vm6, $0x1, v0  }
0xde: {  	v51 =	vsel vm7, $0x1, v0;
	v7 =	vsel vm8, $0x1, v0;
	v53 =	vsel vm9, $0x1, v0  }
0xdf: {  	v54 =	vsel vm10, $0x1, v0;
	vm13 =	veq.s32 v46, $0x4;
	vm14 =	veq.s32 v46, $0x5  }
0xe0: {  	vm15 =	veq.s32 v46, $0x6;
	vm4 =	veq.s32 v46, $0x7;
	vm5 =	veq.s32 v46, $0x8  }
0xe1: {  	vm6 =	veq.s32 v46, $0x9;
	vm7 =	veq.s32 v58, $0x0;
	vm8 =	veq.s32 v58, $0x1  }
0xe2: {  	vm9 =	veq.s32 v58, $0x2;
	vm10 =	veq.s32 v58, $0x3;
	v21 =	vsel vm11, $0x1, v0  }
0xe3: {  	v23 =	vsel vm12, $0x1, v0;
	v3 =	vadd.s32 v41, v3;
	v4 =	vadd.s32 v42, v4  }
0xe4: {  	v5 =	vadd.s32 v43, v5;
	v6 =	vadd.s32 v44, v6;
	v8 =	vadd.s32 v45, v8  }
0xe5: {  	v9 =	vadd.s32 v47, v9;
	v10 =	vadd.s32 v48, v10;
	v1 =	vadd.s32 v50, v1  }
0xe6: {  	v61 =	vld [tilespmem:$0x18990];
	v52 =	vadd.s32 v51, v12;
	v2 =	vadd.s32 v7, v2;
	v57 =	vsel vm13, $0x1, v0  }
0xe7: {  	v59 =	vsel vm14, $0x1, v0;
	v60 =	vsel vm15, $0x1, v0;
	v62 =	vsel vm4, $0x1, v0  }
0xe8: {  	v63 =	vsel vm5, $0x1, v0;
	v16 =	vsel vm6, $0x1, v0;
	v17 =	vsel vm7, $0x1, v0  }
0xe9: {  	v18 =	vsel vm8, $0x1, v0;
	v19 =	vsel vm9, $0x1, v0;
	v20 =	vsel vm10, $0x1, v0  }
0xea: {  	vm13 =	veq.s32 v58, $0x6;
	vm14 =	veq.s32 v58, $0x7;
	vm15 =	veq.s32 v58, $0x8  }
0xeb: {  	vm4 =	veq.s32 v58, $0x9;
	v3 =	vadd.s32 v53, v3;
	v4 =	vadd.s32 v54, v4  }
0xec: {  	v5 =	vadd.s32 v55, v5;
	v6 =	vadd.s32 v56, v6;
	v8 =	vadd.s32 v57, v8  }
0xed: {  	v37 =	vld [tilespmem:$0x18A90];
	v7 =	vadd.s32 v59, v9;
	v10 =	vadd.s32 v60, v10;
	v1 =	vadd.s32 v62, v1  }
0xee: {  	v22 =	vld.idx.msk [tilespmem:v61+s3+$0x0], $0xffff;
	v11 =	vadd.s32 v63, v52;
	v2 =	vadd.s32 v16, v2;
	v24 =	vsel vm13, $0x1, v0  }
0xef: {  	v26 =	vsel vm14, $0x1, v0;
	v27 =	vsel vm15, $0x1, v0;
	v28 =	vsel vm4, $0x1, v0  }
0xf0: {  	v3 =	vadd.s32 v17, v3;
	v4 =	vadd.s32 v18, v4;
	v5 =	vadd.s32 v19, v5  }
0xf1: {  	v49 =	vld [tilespmem:$0x18B10];
	v6 =	vadd.s32 v20, v6;
	v8 =	vadd.s32 v21, v8;
	v7 =	vadd.s32 v23, v7  }
0xf2: {  	v10 =	vadd.s32 v24, v10;
	v1 =	vadd.s32 v26, v1;
	v11 =	vadd.s32 v27, v11  }
0xf3: {  	v25 =	vld [tilespmem:$0x18A10];
	v2 =	vadd.s32 v28, v2;
	vm5 =	veq.s32 v22, $0x0;
	vm6 =	veq.s32 v22, $0x1  }
0xf4: {  	vm7 =	veq.s32 v22, $0x2;
	vm8 =	veq.s32 v22, $0x3;
	vm9 =	veq.s32 v22, $0x4  }
0xf5: {  	v46 =	vld.idx.msk [tilespmem:v37+s3+$0x0], $0xffff;
	vm10 =	veq.s32 v22, $0x5;
	vm11 =	veq.s32 v22, $0x6;
	vm12 =	veq.s32 v22, $0x7  }
0xf6: {  	v61 =	vld [tilespmem:$0x18B90];
	vm13 =	veq.s32 v22, $0x8;
	vm14 =	veq.s32 v22, $0x9;
	v29 =	vsel vm5, $0x1, v0  }
0xf7: {  	v30 =	vsel vm6, $0x1, v0;
	v31 =	vsel vm7, $0x1, v0;
	v32 =	vsel vm8, $0x1, v0  }
0xf8: {  	v33 =	vsel vm9, $0x1, v0;
	v35 =	vsel vm10, $0x1, v0;
	v36 =	vsel vm11, $0x1, v0  }
0xf9: {  	v58 =	vld.idx.msk [tilespmem:v49+s3+$0x0], $0xffff;
	v38 =	vsel vm12, $0x1, v0;
	v39 =	vsel vm13, $0x1, v0;
	v40 =	vsel vm14, $0x1, v0  }
0xfa: {  	vm13 =	veq.s32 v46, $0x0;
	vm14 =	veq.s32 v46, $0x1;
	v3 =	vadd.s32 v29, v3  }
0xfb: {  	v4 =	vadd.s32 v30, v4;
	v5 =	vadd.s32 v31, v5;
	v6 =	vadd.s32 v32, v6;
	v34 =	vld.idx.msk [tilespmem:v25+s3+$0x0], $0xffff  }
0xfc: {  	v8 =	vadd.s32 v33, v8;
	v7 =	vadd.s32 v35, v7;
	v10 =	vadd.s32 v36, v10  }
0xfd: {  	v1 =	vadd.s32 v38, v1;
	v11 =	vadd.s32 v39, v11;
	v53 =	vsel vm13, $0x1, v0  }
0xfe: {  	v54 =	vsel vm14, $0x1, v0;
	vm13 =	veq.s32 v58, $0x2;
	vm14 =	veq.s32 v58, $0x3;
	v22 =	vld.idx.msk [tilespmem:v61+s3+$0x0], $0xffff  }
0xff: {  	v2 =	vadd.s32 v40, v2;
	v19 =	vsel vm13, $0x1, v0;
	v20 =	vsel vm14, $0x1, v0  }
0x100: {  	vm15 =	veq.s32 v34, $0x0;
	vm4 =	veq.s32 v34, $0x1;
	vm5 =	veq.s32 v34, $0x2  }
0x101: {  	vm6 =	veq.s32 v34, $0x3;
	vm7 =	veq.s32 v34, $0x4;
	vm8 =	veq.s32 v34, $0x5  }
0x102: {  	vm9 =	veq.s32 v34, $0x6;
	vm10 =	veq.s32 v34, $0x7;
	vm11 =	veq.s32 v34, $0x8  }
0x103: {  	vm12 =	veq.s32 v34, $0x9;
	vm13 =	veq.s32 v22, $0x4;
	vm14 =	veq.s32 v22, $0x5  }
0x104: {  	v41 =	vsel vm15, $0x1, v0;
	v42 =	vsel vm4, $0x1, v0;
	v43 =	vsel vm5, $0x1, v0  }
0x105: {  	v44 =	vsel vm6, $0x1, v0;
	v45 =	vsel vm7, $0x1, v0;
	v47 =	vsel vm8, $0x1, v0  }
0x106: {  	v48 =	vsel vm9, $0x1, v0;
	v50 =	vsel vm10, $0x1, v0;
	v51 =	vsel vm11, $0x1, v0  }
0x107: {  	v52 =	vsel vm12, $0x1, v0;
	vm15 =	veq.s32 v46, $0x2;
	vm4 =	veq.s32 v46, $0x3  }
0x108: {  	vm5 =	veq.s32 v46, $0x4;
	vm6 =	veq.s32 v46, $0x5;
	vm7 =	veq.s32 v46, $0x6  }
0x109: {  	vm8 =	veq.s32 v46, $0x7;
	vm9 =	veq.s32 v46, $0x8;
	vm10 =	veq.s32 v46, $0x9  }
0x10a: {  	vm11 =	veq.s32 v58, $0x0;
	vm12 =	veq.s32 v58, $0x1;
	v33 =	vsel vm13, $0x1, v0  }
0x10b: {  	v35 =	vsel vm14, $0x1, v0;
	v3 =	vadd.s32 v41, v3;
	v4 =	vadd.s32 v42, v4  }
0x10c: {  	v5 =	vadd.s32 v43, v5;
	v6 =	vadd.s32 v44, v6;
	v8 =	vadd.s32 v45, v8  }
0x10d: {  	v7 =	vadd.s32 v47, v7;
	v10 =	vadd.s32 v48, v10;
	v1 =	vadd.s32 v50, v1  }
0x10e: {  	v11 =	vadd.s32 v51, v11;
	v2 =	vadd.s32 v52, v2;
	v55 =	vsel vm15, $0x1, v0  }
0x10f: {  	v56 =	vsel vm4, $0x1, v0;
	v57 =	vsel vm5, $0x1, v0;
	v59 =	vsel vm6, $0x1, v0  }
0x110: {  	v60 =	vsel vm7, $0x1, v0;
	v62 =	vsel vm8, $0x1, v0;
	v63 =	vsel vm9, $0x1, v0  }
0x111: {  	v16 =	vsel vm10, $0x1, v0;
	v17 =	vsel vm11, $0x1, v0;
	v18 =	vsel vm12, $0x1, v0  }
0x112: {  	vm15 =	veq.s32 v58, $0x4;
	vm4 =	veq.s32 v58, $0x5;
	vm5 =	veq.s32 v58, $0x6  }
0x113: {  	vm6 =	veq.s32 v58, $0x7;
	vm7 =	veq.s32 v58, $0x8;
	vm8 =	veq.s32 v58, $0x9  }
0x114: {  	vm9 =	veq.s32 v22, $0x0;
	vm10 =	veq.s32 v22, $0x1;
	vm11 =	veq.s32 v22, $0x2  }
0x115: {  	vm12 =	veq.s32 v22, $0x3;
	v3 =	vadd.s32 v53, v3;
	v4 =	vadd.s32 v54, v4  }
0x116: {  	v5 =	vadd.s32 v55, v5;
	v6 =	vadd.s32 v56, v6;
	v8 =	vadd.s32 v57, v8  }
0x117: {  	v7 =	vadd.s32 v59, v7;
	v10 =	vadd.s32 v60, v10;
	v1 =	vadd.s32 v62, v1  }
0x118: {  	v37 =	vld [tilespmem:$0x18C90];
	v11 =	vadd.s32 v63, v11;
	v2 =	vadd.s32 v16, v2;
	v21 =	vsel vm15, $0x1, v0  }
0x119: {  	v49 =	vld [tilespmem:$0x18D10];
	v23 =	vsel vm4, $0x1, v0;
	v24 =	vsel vm5, $0x1, v0;
	v26 =	vsel vm6, $0x1, v0  }
0x11a: {  	v25 =	vld [tilespmem:$0x18C10];
	v27 =	vsel vm7, $0x1, v0;
	v28 =	vsel vm8, $0x1, v0;
	v29 =	vsel vm9, $0x1, v0  }
0x11b: {  	v30 =	vsel vm10, $0x1, v0;
	v31 =	vsel vm11, $0x1, v0;
	v32 =	vsel vm12, $0x1, v0  }
0x11c: {  	vm15 =	veq.s32 v22, $0x6;
	vm4 =	veq.s32 v22, $0x7;
	vm5 =	veq.s32 v22, $0x8  }
0x11d: {  	vm6 =	veq.s32 v22, $0x9;
	v3 =	vadd.s32 v17, v3;
	v4 =	vadd.s32 v18, v4  }
0x11e: {  	v61 =	vld [tilespmem:$0x18D90];
	v5 =	vadd.s32 v19, v5;
	v6 =	vadd.s32 v20, v6;
	v8 =	vadd.s32 v21, v8  }
0x11f: {  	v7 =	vadd.s32 v23, v7;
	v10 =	vadd.s32 v24, v10;
	v1 =	vadd.s32 v26, v1  }
0x120: {  	v46 =	vld.idx.msk [tilespmem:v37+s3+$0x0], $0xffff;
	v11 =	vadd.s32 v27, v11;
	v2 =	vadd.s32 v28, v2;
	v36 =	vsel vm15, $0x1, v0  }
0x121: {  	v58 =	vld.idx.msk [tilespmem:v49+s3+$0x0], $0xffff;
	v38 =	vsel vm4, $0x1, v0;
	v39 =	vsel vm5, $0x1, v0;
	v40 =	vsel vm6, $0x1, v0  }
0x122: {  	v34 =	vld.idx.msk [tilespmem:v25+s3+$0x0], $0xffff;
	v3 =	vadd.s32 v29, v3;
	v4 =	vadd.s32 v30, v4;
	v5 =	vadd.s32 v31, v5  }
0x123: {  	v6 =	vadd.s32 v32, v6;
	v8 =	vadd.s32 v33, v8;
	v7 =	vadd.s32 v35, v7  }
0x124: {  	v10 =	vadd.s32 v36, v10;
	v1 =	vadd.s32 v38, v1;
	v11 =	vadd.s32 v39, v11  }
0x125: {  	v2 =	vadd.s32 v40, v2;
	vm5 =	veq.s32 v46, $0x0;
	vm6 =	veq.s32 v46, $0x1  }
0x126: {  	v22 =	vld.idx.msk [tilespmem:v61+s3+$0x0], $0xffff;
	v53 =	vsel vm5, $0x1, v0;
	v54 =	vsel vm6, $0x1, v0;
	vm5 =	veq.s32 v58, $0x2  }
0x127: {  	vm6 =	veq.s32 v58, $0x3;
	vm7 =	veq.s32 v34, $0x0;
	vm8 =	veq.s32 v34, $0x1  }
0x128: {  	vm9 =	veq.s32 v34, $0x2;
	vm10 =	veq.s32 v34, $0x3;
	vm11 =	veq.s32 v34, $0x4  }
0x129: {  	vm12 =	veq.s32 v34, $0x5;
	vm13 =	veq.s32 v34, $0x6;
	vm14 =	veq.s32 v34, $0x7  }
0x12a: {  	vm15 =	veq.s32 v34, $0x8;
	vm4 =	veq.s32 v34, $0x9;
	v19 =	vsel vm5, $0x1, v0  }
0x12b: {  	v20 =	vsel vm6, $0x1, v0;
	vm5 =	veq.s32 v22, $0x4;
	vm6 =	veq.s32 v22, $0x5  }
0x12c: {  	v41 =	vsel vm7, $0x1, v0;
	v42 =	vsel vm8, $0x1, v0;
	v43 =	vsel vm9, $0x1, v0  }
0x12d: {  	v44 =	vsel vm10, $0x1, v0;
	v45 =	vsel vm11, $0x1, v0;
	v47 =	vsel vm12, $0x1, v0  }
0x12e: {  	v48 =	vsel vm13, $0x1, v0;
	v50 =	vsel vm14, $0x1, v0;
	v51 =	vsel vm15, $0x1, v0  }
0x12f: {  	v52 =	vsel vm4, $0x1, v0;
	vm7 =	veq.s32 v46, $0x2;
	vm8 =	veq.s32 v46, $0x3  }
0x130: {  	vm9 =	veq.s32 v46, $0x4;
	vm10 =	veq.s32 v46, $0x5;
	vm11 =	veq.s32 v46, $0x6  }
0x131: {  	vm12 =	veq.s32 v46, $0x7;
	vm13 =	veq.s32 v46, $0x8;
	vm14 =	veq.s32 v46, $0x9  }
0x132: {  	vm15 =	veq.s32 v58, $0x0;
	vm4 =	veq.s32 v58, $0x1;
	v33 =	vsel vm5, $0x1, v0  }
0x133: {  	v35 =	vsel vm6, $0x1, v0;
	v3 =	vadd.s32 v41, v3;
	v4 =	vadd.s32 v42, v4  }
0x134: {  	v5 =	vadd.s32 v43, v5;
	v6 =	vadd.s32 v44, v6;
	v8 =	vadd.s32 v45, v8  }
0x135: {  	v7 =	vadd.s32 v47, v7;
	v10 =	vadd.s32 v48, v10;
	v1 =	vadd.s32 v50, v1  }
0x136: {  	v11 =	vadd.s32 v51, v11;
	v2 =	vadd.s32 v52, v2;
	v55 =	vsel vm7, $0x1, v0  }
0x137: {  	v56 =	vsel vm8, $0x1, v0;
	v57 =	vsel vm9, $0x1, v0;
	v59 =	vsel vm10, $0x1, v0  }
0x138: {  	v60 =	vsel vm11, $0x1, v0;
	v62 =	vsel vm12, $0x1, v0;
	v63 =	vsel vm13, $0x1, v0  }
0x139: {  	v16 =	vsel vm14, $0x1, v0;
	v17 =	vsel vm15, $0x1, v0;
	v18 =	vsel vm4, $0x1, v0  }
0x13a: {  	vm7 =	veq.s32 v58, $0x4;
	vm8 =	veq.s32 v58, $0x5;
	vm9 =	veq.s32 v58, $0x6  }
0x13b: {  	vm10 =	veq.s32 v58, $0x7;
	vm11 =	veq.s32 v58, $0x8;
	vm12 =	veq.s32 v58, $0x9  }
0x13c: {  	vm13 =	veq.s32 v22, $0x0;
	vm14 =	veq.s32 v22, $0x1;
	vm15 =	veq.s32 v22, $0x2  }
0x13d: {  	vm4 =	veq.s32 v22, $0x3;
	v3 =	vadd.s32 v53, v3;
	v4 =	vadd.s32 v54, v4  }
0x13e: {  	v5 =	vadd.s32 v55, v5;
	v6 =	vadd.s32 v56, v6;
	v8 =	vadd.s32 v57, v8  }
0x13f: {  	v7 =	vadd.s32 v59, v7;
	v10 =	vadd.s32 v60, v10;
	v1 =	vadd.s32 v62, v1  }
0x140: {  	v37 =	vld [tilespmem:$0x18E90];
	v11 =	vadd.s32 v63, v11;
	v2 =	vadd.s32 v16, v2;
	v21 =	vsel vm7, $0x1, v0  }
0x141: {  	v25 =	vld [tilespmem:$0x18E10];
	v23 =	vsel vm8, $0x1, v0;
	v24 =	vsel vm9, $0x1, v0;
	v26 =	vsel vm10, $0x1, v0  }
0x142: {  	v27 =	vsel vm11, $0x1, v0;
	v28 =	vsel vm12, $0x1, v0;
	v29 =	vsel vm13, $0x1, v0  }
0x143: {  	v30 =	vsel vm14, $0x1, v0;
	v31 =	vsel vm15, $0x1, v0;
	v32 =	vsel vm4, $0x1, v0  }
0x144: {  	vm7 =	veq.s32 v22, $0x6;
	vm8 =	veq.s32 v22, $0x7;
	vm9 =	veq.s32 v22, $0x8  }
0x145: {  	vm10 =	veq.s32 v22, $0x9;
	v3 =	vadd.s32 v17, v3;
	v4 =	vadd.s32 v18, v4  }
0x146: {  	v5 =	vadd.s32 v19, v5;
	v6 =	vadd.s32 v20, v6;
	v8 =	vadd.s32 v21, v8  }
0x147: {  	v7 =	vadd.s32 v23, v7;
	v10 =	vadd.s32 v24, v10;
	v1 =	vadd.s32 v26, v1  }
0x148: {  	v46 =	vld.idx.msk [tilespmem:v37+s3+$0x0], $0xffff;
	v11 =	vadd.s32 v27, v11;
	v2 =	vadd.s32 v28, v2;
	v36 =	vsel vm7, $0x1, v0  }
0x149: {  	v34 =	vld.idx.msk [tilespmem:v25+s3+$0x0], $0xffff;
	v38 =	vsel vm8, $0x1, v0;
	v39 =	vsel vm9, $0x1, v0;
	v40 =	vsel vm10, $0x1, v0  }
0x14a: {  	v3 =	vadd.s32 v29, v3;
	v4 =	vadd.s32 v30, v4;
	v5 =	vadd.s32 v31, v5  }
0x14b: {  	v6 =	vadd.s32 v32, v6;
	v8 =	vadd.s32 v33, v8;
	v7 =	vadd.s32 v35, v7  }
0x14c: {  	v10 =	vadd.s32 v36, v10;
	v1 =	vadd.s32 v38, v1;
	v11 =	vadd.s32 v39, v11  }
0x14d: {  	v2 =	vadd.s32 v40, v2;
	vm9 =	veq.s32 v46, $0x0;
	vm10 =	veq.s32 v46, $0x1  }
0x14e: {  	v52 =	vsel vm9, $0x1, v0;
	v53 =	vsel vm10, $0x1, v0;
	vm11 =	veq.s32 v34, $0x0  }
0x14f: {  	vm12 =	veq.s32 v34, $0x1;
	vm13 =	veq.s32 v34, $0x2;
	vm14 =	veq.s32 v34, $0x3  }
0x150: {  	vm15 =	veq.s32 v34, $0x4;
	vm4 =	veq.s32 v34, $0x5;
	vm5 =	veq.s32 v34, $0x6  }
0x151: {  	vm6 =	veq.s32 v34, $0x7;
	vm7 =	veq.s32 v34, $0x8;
	vm8 =	veq.s32 v34, $0x9  }
0x152: {  	v41 =	vsel vm11, $0x1, v0;
	v42 =	vsel vm12, $0x1, v0;
	v43 =	vsel vm13, $0x1, v0  }
0x153: {  	v44 =	vsel vm14, $0x1, v0;
	v45 =	vsel vm15, $0x1, v0;
	v47 =	vsel vm4, $0x1, v0  }
0x154: {  	v48 =	vsel vm5, $0x1, v0;
	v49 =	vsel vm6, $0x1, v0;
	v50 =	vsel vm7, $0x1, v0  }
0x155: {  	v51 =	vsel vm8, $0x1, v0;
	vm11 =	veq.s32 v46, $0x2;
	vm12 =	veq.s32 v46, $0x3  }
0x156: {  	vm13 =	veq.s32 v46, $0x4;
	vm14 =	veq.s32 v46, $0x5;
	vm15 =	veq.s32 v46, $0x6  }
0x157: {  	vm4 =	veq.s32 v46, $0x7;
	vm5 =	veq.s32 v46, $0x8;
	vm6 =	veq.s32 v46, $0x9  }
0x158: {  	v3 =	vadd.s32 v41, v3;
	v4 =	vadd.s32 v42, v4;
	v5 =	vadd.s32 v43, v5  }
0x159: {  	v6 =	vadd.s32 v44, v6;
	v8 =	vadd.s32 v45, v8;
	v7 =	vadd.s32 v47, v7  }
0x15a: {  	v10 =	vadd.s32 v48, v10;
	v1 =	vadd.s32 v49, v1;
	v11 =	vadd.s32 v50, v11  }
0x15b: {  	v2 =	vadd.s32 v51, v2;
	v54 =	vsel vm11, $0x1, v0;
	v55 =	vsel vm12, $0x1, v0  }
0x15c: {  	v56 =	vsel vm13, $0x1, v0;
	v57 =	vsel vm14, $0x1, v0;
	v58 =	vsel vm15, $0x1, v0  }
0x15d: {  	v59 =	vsel vm4, $0x1, v0;
	v60 =	vsel vm5, $0x1, v0;
	v62 =	vsel vm6, $0x1, v0  }
0x15e: {  	v3 =	vadd.s32 v52, v3;
	v4 =	vadd.s32 v53, v4;
	v5 =	vadd.s32 v54, v5  }
0x15f: {  	v6 =	vadd.s32 v55, v6;
	v8 =	vadd.s32 v56, v8;
	v7 =	vadd.s32 v57, v7  }
0x160: {  	v10 =	vadd.s32 v58, v10;
	v1 =	vadd.s32 v59, v1;
	v61 =	vadd.s32 v60, v11  }
0x161: {  	v2 =	vadd.s32 v62, v2;
	vm7 =	vgt.u32 v4, v3;
	v3 =	vmax.u32 v4, v3  }
0x162: {  	v63 =	vsel vm7, $0x1, v0;
	vm8 =	vgt.u32 v5, v3;
	v3 =	vmax.u32 v5, v3  }
0x163: {  	v4 =	vsel vm8, $0x2, v63;
	vm9 =	vgt.u32 v6, v3;
	v3 =	vmax.u32 v6, v3  }
0x164: {  	v4 =	vsel vm9, $0x3, v4;
	vm10 =	vgt.u32 v8, v3;
	v3 =	vmax.u32 v8, v3  }
0x165: {  	v4 =	vsel vm10, $0x4, v4;
	vm11 =	vgt.u32 v7, v3;
	v3 =	vmax.u32 v7, v3  }
0x166: {  	v4 =	vsel vm11, $0x5, v4;
	vm12 =	vgt.u32 v10, v3;
	v3 =	vmax.u32 v10, v3  }
0x167: {  	v4 =	vsel vm12, $0x6, v4;
	vm13 =	vgt.u32 v1, v3;
	v1 =	vmax.u32 v1, v3  }
0x168: {  	v3 =	vsel vm13, $0x7, v4;
	vm14 =	vgt.u32 v61, v1;
	v1 =	vmax.u32 v61, v1  }
0x169: {  	v3 =	vsel vm14, $0x8, v3;
	vm15 =	vgt.u32 v2, v1  }
0x16a: {  	p0 =	sne.s32 s6, $0x1;
	v1 =	vsel vm15, $0x9, v3  }
.Ltmp0:
0x16b: {  	[tilespmem:$0x18F10] =	vst v1;
	(pc) =	sbr.rel @p0 .LBB2_1-.Ltmp0, $4  }
0x16c: {  	[hbm4b:s5+s3] =	stream.linear.scatter [tilespmem:s9], [sflag:$0x1], $0x20, $0x38;
	[tilespmem:$0x18F80] =	vst v63  }
0x16d: {  	_ =	swait.ge [sflag:s7], $0x20  }
0x16e: {  	[sflag:s7] =	ssyncset.done $0x0  }
0x16f: {  	s6 =	sadd.s32 $0xFFFFFFFF, s6;
	[sflag:s7] =	ssyncadd.s32 $0xFFFFFFE0  }
0x170: {  	_ =	sfence.sel $0x180000  }
0x171: {  	[bflag:$0x0] =	sbarrier.arrive $0xFFFF  }
0x172: {  	p0 =	sne.s32 s1, $0x0;
	_ =	strace $0x90000047  }
0x173: {  	s0 =	sadd.s32 @!p0 $0x100000, s0;
	[bflag:$0x2] =	sbarrier.arrive $0xFFFF  }
0x174: {  	[sflag:s0] =	ssyncadd.tile.s32 @!p0 $0x1;
	_ =	shalt  }
.Lfunc_end2:
_tile_overlayer_lowered:
.L_overlay_start_2:
0x175: {  	(tag) =	ssettag $0x2  }
0x176: {  	s0 =	rddreg [dreg:$0x0];
	s2 =	stileid.u32  }
0x177: {  	s1 =	rddreg [dreg:$0x1];
	p0 =	sne.s32 s2, $0x0  }
0x178: {  	s3 =	rddreg [dreg:$0x2];
	[bflag:$0x3] =	sbarrier.arrive $0xFFFF;
	s2 =	simm.s32 @!p0 $0x1C01  }
0x179: {  	[timem:s3], [sflag:s2] =	dma.local @!p0 [hbm:s0], s1  }
0x17a: {  	s0 =	simm.s32 @!p0 $0x1  }
0x17b: {  	_ =	swait.ge @!p0 [sflag:s0], s1  }
0x17c: {  	s1 =	ssub.s32 @!p0 $0x0, s1;
	[sflag:s0] =	ssyncset.done @!p0 $0x0  }
0x17d: {  	[sflag:s0] =	ssyncadd.s32 @!p0 s1  }
0x17e: {  	[bflag:$0x3] =	sbarrier.arrive $0xFFFF  }
0x17f: {  	_ =	shalt  }

</sc_bundles>
